<compile_context>
chip_gen: v7x
topology: tpu7x:2x2x1
jax: 0.10.2.dev20260603
libtpu: 0.0.44.dev20260713+nightly
codegen_flags: <defaults>
</compile_context>

<pallas_src>
import functools

import jax
import jax.numpy as jnp
from jax import lax
from jax.experimental import pallas as pl
from jax.experimental.pallas import tpu as pltpu
from jax.experimental.pallas import tpu_sc as plsc

_N = 4096
_E = 128
_K = 26
_NORM = 9.0
_NR = 25.0

_NW = 32
_TPW = _N // _NW
_TCH = 4
_RCH = _TCH * _K
_NCH = _TPW // _TCH
_RPW = _TPW * _K
_RPAD = 112
_STR = 17
_NFLAT = _N * _K


def _sc_body(w_hbm, inp_hbm, idx_hbm, b_hbm, nz_hbm,
             dot_out, b_out, n_out,
             in_v, idx_v, rows0, rows1, acc_v,
             out0, out1, bv0, bv1, nv0, nv1,
             sem0, sem1, semb0, semb1, semn0, semn1, semw0, semw1):
    nc = 2
    wid = lax.axis_index("s") * nc + lax.axis_index("c")
    tok0 = wid * _TPW

    rows_b = (rows0, rows1)
    out_b = (out0, out1)
    bv_b = (bv0, bv1)
    nv_b = (nv0, nv1)
    semr = (sem0, sem1)
    semb = (semb0, semb1)
    semn = (semn0, semn1)
    semw = (semw0, semw1)

    pltpu.sync_copy(idx_hbm.at[pl.ds(wid * _NCH, _NCH)], idx_v)
    pltpu.sync_copy(inp_hbm.at[pl.ds(tok0, _TPW)], in_v)

    def rows_copy(cc, buf):
        return pltpu.make_async_copy(
            w_hbm.at[idx_v.at[cc]], rows_b[buf], semr[buf])

    def bn_copies(cc, buf):
        return (
            pltpu.make_async_copy(b_hbm.at[idx_v.at[cc]], bv_b[buf],
                                  semb[buf]),
            pltpu.make_async_copy(nz_hbm.at[idx_v.at[cc]], nv_b[buf],
                                  semn[buf]),
        )

    def out_copies(cc, buf):
        base = wid * _RPW + cc * _RCH
        return (
            pltpu.make_async_copy(out_b[buf].at[pl.ds(0, _RCH)],
                                  dot_out.at[pl.ds(base, _RCH)], semw[buf]),
            pltpu.make_async_copy(bv_b[buf], b_out.at[pl.ds(base, _RCH)],
                                  semw[buf]),
            pltpu.make_async_copy(nv_b[buf], n_out.at[pl.ds(base, _RCH)],
                                  semw[buf]),
        )

    rows_copy(0, 0).start()

    def chunk(i, buf):
        cc = 2 * i + buf

        @pl.when(cc >= 2)
        def _():
            for cp in out_copies(cc - 2, buf):
                cp.wait()
        for cp in bn_copies(cc, buf):
            cp.start()

        nxt = cc + 1
        if buf == 0:
            rows_copy(nxt, 1).start()
        else:
            @pl.when(nxt < _NCH)
            def _():
                rows_copy(nxt, 0).start()

        rows_copy(cc, buf).wait()
        rows_v = rows_b[buf]

        def tok(t, carry):
            tg = cc * _TCH + t
            xs = [in_v[tg, pl.ds(16 * j, 16)] for j in range(8)]
            for k in range(_K):
                r = t * _K + k
                acc = xs[0] * rows_v[r, pl.ds(0, 16)]
                for j in range(1, 8):
                    acc = acc + xs[j] * rows_v[r, pl.ds(16 * j, 16)]
                acc_v[pl.ds(r * _STR, 16)] = acc
            return carry

        lax.fori_loop(0, _TCH, tok, 0, unroll=False)

        lanes = lax.iota(jnp.int32, 16)

        def grp(g, carry):
            rid = (g * 16 + lanes) * _STR
            s = plsc.load_gather(acc_v, [rid])
            for j in range(1, 16):
                s = s + plsc.load_gather(acc_v, [rid + j])
            out_b[buf][pl.ds(g * 16, 16)] = s
            return carry

        lax.fori_loop(0, _RPAD // 16, grp, 0, unroll=False)

        for cp in bn_copies(cc, buf):
            cp.wait()
        for cp in out_copies(cc, buf):
            cp.start()

    def loop_body(i, carry):
        chunk(i, 0)
        chunk(i, 1)
        return carry

    lax.fori_loop(0, _NCH // 2, loop_body, 0, unroll=False)

    for buf in (0, 1):
        for cp in out_copies(_NCH - 2 + buf, buf):
            cp.wait()


_sc_gather_dot = functools.partial(
    pl.kernel,
    out_type=[jax.ShapeDtypeStruct((_NFLAT,), jnp.float32)] * 3,
    mesh=plsc.VectorSubcoreMesh(core_axis_name="c", subcore_axis_name="s"),
    compiler_params=pltpu.CompilerParams(needs_layout_passes=False),
    scratch_types=[
        pltpu.VMEM((_TPW, _E), jnp.float32),
        pltpu.VMEM((_NCH, _RCH), jnp.int32),
        pltpu.VMEM((_RCH, _E), jnp.float32),
        pltpu.VMEM((_RCH, _E), jnp.float32),
        pltpu.VMEM((_RPAD * _STR,), jnp.float32),
        pltpu.VMEM((_RPAD,), jnp.float32),
        pltpu.VMEM((_RPAD,), jnp.float32),
        pltpu.VMEM((_RCH,), jnp.float32),
        pltpu.VMEM((_RCH,), jnp.float32),
        pltpu.VMEM((_RCH,), jnp.float32),
        pltpu.VMEM((_RCH,), jnp.float32),
        pltpu.SemaphoreType.DMA,
        pltpu.SemaphoreType.DMA,
        pltpu.SemaphoreType.DMA,
        pltpu.SemaphoreType.DMA,
        pltpu.SemaphoreType.DMA,
        pltpu.SemaphoreType.DMA,
        pltpu.SemaphoreType.DMA,
        pltpu.SemaphoreType.DMA,
    ],
)(_sc_body)


def _tc_loss_body(d_ref, bv_ref, nv_ref, o_ref):
    out = d_ref[...] + bv_ref[...]
    probs = jnp.exp(out - _NORM)
    c = _NR * nv_ref[...]
    rows = lax.broadcasted_iota(jnp.int32, d_ref.shape, 0)
    cols = lax.broadcasted_iota(jnp.int32, d_ref.shape, 1)
    k = (rows * d_ref.shape[1] + cols) % _K
    num = jnp.where(k == 0, probs, c)
    terms = jnp.log(num / (probs + c))
    o_ref[0, 0] = -jnp.sum(terms) / _N


def kernel(input, target, noise_samples, W, b, noise):
    idx = jnp.concatenate(
        [target[:, None].astype(jnp.int32),
         noise_samples.astype(jnp.int32)], axis=1)
    idx2d = idx.reshape(_NW * _NCH, _RCH)

    dot_flat, b_flat, n_flat = _sc_gather_dot(
        W, input, idx2d, b, noise)

    shp = (_NFLAT // _E, _E)
    loss = pl.pallas_call(
        _tc_loss_body,
        out_shape=jax.ShapeDtypeStruct((1, 1), jnp.float32),
        out_specs=pl.BlockSpec(memory_space=pltpu.SMEM),
    )(dot_flat.reshape(shp), b_flat.reshape(shp), n_flat.reshape(shp))
    return loss[0, 0]

# --- scband reference (transcript-rebuilt; emitter-appended) ---
"""Pipeline reference for scband-nceloss-3925600109314 (READ-ONLY COPY).

The authoritative reference and input builder live on the scoring server;
editing this copy changes nothing except your own understanding.
"""

import jax, jax.numpy as jnp
import numpy as np

NTOKENS = 100000
NHIDDEN = 128
N = 4096
NOISE_RATIO = 25
NORM_TERM = 9.0


def setup_inputs(seed: int = 0) -> dict:
    key = jax.random.key(seed)
    k1, k2, k3, k4 = jax.random.split(key, 4)
    inp = jax.random.normal(k1, (N, NHIDDEN), dtype=jnp.float32)
    target = jax.random.randint(k2, (N,), 0, NTOKENS).astype(jnp.int64) if jax.config.jax_enable_x64 else jax.random.randint(k2, (N,), 0, NTOKENS)
    # AliasMethod.draw(noise_ratio) samples from the (uniform) noise distribution;
    # materialized here deterministically. Shape (N, NOISE_RATIO) after repeat.
    noise_samples = jax.random.randint(k3, (N, NOISE_RATIO), 0, NTOKENS)
    # IndexLinear.reset_parameters: weight uniform(-0.1, 0.1), bias zeros
    W = jax.random.uniform(k4, (NTOKENS, NHIDDEN), dtype=jnp.float32, minval=-0.1, maxval=0.1)
    b = jnp.zeros((NTOKENS,), dtype=jnp.float32)
    noise = jnp.ones((NTOKENS,), dtype=jnp.float32) / NTOKENS
    return {"input": inp, "target": target, "noise_samples": noise_samples, "W": W, "b": b, "noise": noise}


def reference(input, target, noise_samples, W, b, noise):
    # indices = cat([target, noise_samples], dim=1) -> (N, 1+Nr)
    indices = jnp.concatenate([target[:, None], noise_samples], axis=1)
    # IndexLinear: gather rows of decoder weight/bias, then baddbmm
    w_sel = jnp.take(W, indices, axis=0)            # (N, 1+Nr, E)
    b_sel = jnp.take(b, indices, axis=0)            # (N, 1+Nr)
    out = jnp.einsum('ne,nke->nk', input, w_sel) + b_sel  # (N, 1+Nr)
    probs = jnp.exp(out - NORM_TERM)
    data_prob = probs[:, 0]
    noise_in_data_probs = probs[:, 1:]
    noise_probs = jnp.take(noise, noise_samples, axis=0)   # (N, Nr)
    p_target_noise = jnp.take(noise, target, axis=0)       # (N,)
    rnn_loss = jnp.log(data_prob / (data_prob + NOISE_RATIO * p_target_noise))
    noise_loss = jnp.sum(
        jnp.log(NOISE_RATIO * noise_probs / (noise_in_data_probs + NOISE_RATIO * noise_probs)),
        axis=1,
    )
    loss = -1.0 * jnp.sum(rnn_loss + noise_loss)
    # size_average=True
    loss = loss / target.shape[0]
    return loss

if __name__ == "__main__":
    import jax
    _d = setup_inputs()
    print(jax.jit(kernel)(*tuple(_d.values())))

</pallas_src>

<mosaic_0001>
#map = affine_map<(d0, d1) -> (0, 0)>
#map1 = affine_map<(d0, d1) -> (0)>
module attributes {stable_mosaic.version = 14 : i64} {
  func.func @_sc_body(%arg0: i32, %arg1: i32, %arg2: memref<100000x128xf32, #tpu.memory_space<hbm>>, %arg3: memref<4096x128xf32, #tpu.memory_space<hbm>>, %arg4: memref<1024x104xi32, #tpu.memory_space<hbm>>, %arg5: memref<100000xf32, #tpu.memory_space<hbm>>, %arg6: memref<100000xf32, #tpu.memory_space<hbm>>, %arg7: memref<106496xf32, #tpu.memory_space<hbm>>, %arg8: memref<106496xf32, #tpu.memory_space<hbm>>, %arg9: memref<106496xf32, #tpu.memory_space<hbm>>, %arg10: memref<128x128xf32, #tpu.memory_space<vmem>>, %arg11: memref<32x104xi32, #tpu.memory_space<vmem>>, %arg12: memref<104x128xf32, #tpu.memory_space<vmem>>, %arg13: memref<104x128xf32, #tpu.memory_space<vmem>>, %arg14: memref<1904xf32, #tpu.memory_space<vmem>>, %arg15: memref<112xf32, #tpu.memory_space<vmem>>, %arg16: memref<112xf32, #tpu.memory_space<vmem>>, %arg17: memref<104xf32, #tpu.memory_space<vmem>>, %arg18: memref<104xf32, #tpu.memory_space<vmem>>, %arg19: memref<104xf32, #tpu.memory_space<vmem>>, %arg20: memref<104xf32, #tpu.memory_space<vmem>>, %arg21: memref<!tpu.dma_semaphore, #tpu.memory_space<semaphore_mem>>, %arg22: memref<!tpu.dma_semaphore, #tpu.memory_space<semaphore_mem>>, %arg23: memref<!tpu.dma_semaphore, #tpu.memory_space<semaphore_mem>>, %arg24: memref<!tpu.dma_semaphore, #tpu.memory_space<semaphore_mem>>, %arg25: memref<!tpu.dma_semaphore, #tpu.memory_space<semaphore_mem>>, %arg26: memref<!tpu.dma_semaphore, #tpu.memory_space<semaphore_mem>>, %arg27: memref<!tpu.dma_semaphore, #tpu.memory_space<semaphore_mem>>, %arg28: memref<!tpu.dma_semaphore, #tpu.memory_space<semaphore_mem>>) attributes {dimension_semantics = [#tpu.dimension_semantics<core_parallel>, #tpu.dimension_semantics<subcore_parallel>], iteration_bounds = array<i64: 2, 16>, scalar_prefetch = 0 : i64, scratch_operands = 19 : i64, tpu.core_type = #tpu.core_type<sc_vector_subcore>, window_params = [{transform_indices = #map}, {transform_indices = #map}, {transform_indices = #map}, {transform_indices = #map1}, {transform_indices = #map1}, {transform_indices = #map1}, {transform_indices = #map1}, {transform_indices = #map1}]} {
    %mul3A = arith.constant 2 : i32
    %mul3A_0 = arith.muli %arg1, %mul3A : i32
    %add3A = arith.addi %mul3A_0, %arg0 : i32
    %mul3A_1 = arith.constant 128 : i32
    %mul3A_2 = arith.muli %add3A, %mul3A_1 : i32
    %mul3A_3 = arith.constant 32 : i32
    %mul3A_4 = arith.muli %add3A, %mul3A_3 : i32
    "tpu.region"() ({
      %run_scoped3A = tpu.sem_alloc : memref<!tpu.dma_semaphore, #tpu.memory_space<semaphore_mem>>
      %dma_start3A_43 = arith.constant 0 : i32
      %dma_start3A_44 = tpu.memref_slice %arg4[%mul3A_4, %dma_start3A_43] : memref<1024x104xi32, #tpu.memory_space<hbm>> -> memref<32x104xi32, #tpu.memory_space<hbm>>
      %dma_start3A_45 = arith.constant 0 : i32
      %dma_start3A_46 = tpu.memref_slice %arg4[%mul3A_4, %dma_start3A_45] : memref<1024x104xi32, #tpu.memory_space<hbm>> -> memref<32x104xi32, #tpu.memory_space<hbm>>
      tpu.enqueue_dma source(%dma_start3A_46 : memref<32x104xi32, #tpu.memory_space<hbm>>) target(%arg11 : memref<32x104xi32, #tpu.memory_space<vmem>>) target_semaphore(%run_scoped3A : memref<!tpu.dma_semaphore, #tpu.memory_space<semaphore_mem>>)
      %dma_wait3A_47 = arith.constant 0 : i32
      %dma_wait3A_48 = tpu.memref_slice %arg4[%mul3A_4, %dma_wait3A_47] : memref<1024x104xi32, #tpu.memory_space<hbm>> -> memref<32x104xi32, #tpu.memory_space<hbm>>
      %dma_wait3A_49 = arith.constant 0 : i32
      %dma_wait3A_50 = tpu.memref_slice %arg4[%mul3A_4, %dma_wait3A_49] : memref<1024x104xi32, #tpu.memory_space<hbm>> -> memref<32x104xi32, #tpu.memory_space<hbm>>
      tpu.wait_dma2 semaphore(%run_scoped3A : memref<!tpu.dma_semaphore, #tpu.memory_space<semaphore_mem>>) src(%dma_wait3A_50 : memref<32x104xi32, #tpu.memory_space<hbm>>) dst(%arg11 : memref<32x104xi32, #tpu.memory_space<vmem>>)
      tpu.yield
    }) : () -> ()
    "tpu.region"() ({
      %run_scoped3A = tpu.sem_alloc : memref<!tpu.dma_semaphore, #tpu.memory_space<semaphore_mem>>
      %dma_start3A_43 = arith.constant 0 : i32
      %dma_start3A_44 = tpu.memref_slice %arg3[%mul3A_2, %dma_start3A_43] : memref<4096x128xf32, #tpu.memory_space<hbm>> -> memref<128x128xf32, #tpu.memory_space<hbm>>
      %dma_start3A_45 = arith.constant 0 : i32
      %dma_start3A_46 = tpu.memref_slice %arg3[%mul3A_2, %dma_start3A_45] : memref<4096x128xf32, #tpu.memory_space<hbm>> -> memref<128x128xf32, #tpu.memory_space<hbm>>
      tpu.enqueue_dma source(%dma_start3A_46 : memref<128x128xf32, #tpu.memory_space<hbm>>) target(%arg10 : memref<128x128xf32, #tpu.memory_space<vmem>>) target_semaphore(%run_scoped3A : memref<!tpu.dma_semaphore, #tpu.memory_space<semaphore_mem>>)
      %dma_wait3A_47 = arith.constant 0 : i32
      %dma_wait3A_48 = tpu.memref_slice %arg3[%mul3A_2, %dma_wait3A_47] : memref<4096x128xf32, #tpu.memory_space<hbm>> -> memref<128x128xf32, #tpu.memory_space<hbm>>
      %dma_wait3A_49 = arith.constant 0 : i32
      %dma_wait3A_50 = tpu.memref_slice %arg3[%mul3A_2, %dma_wait3A_49] : memref<4096x128xf32, #tpu.memory_space<hbm>> -> memref<128x128xf32, #tpu.memory_space<hbm>>
      tpu.wait_dma2 semaphore(%run_scoped3A : memref<!tpu.dma_semaphore, #tpu.memory_space<semaphore_mem>>) src(%dma_wait3A_50 : memref<128x128xf32, #tpu.memory_space<hbm>>) dst(%arg10 : memref<128x128xf32, #tpu.memory_space<vmem>>)
      tpu.yield
    }) : () -> ()
    %dma_start3A = arith.constant 0 : i32
    %dma_start3A_5 = arith.constant 0 : i32
    %dma_start3A_6 = tpu.memref_slice %arg11[%dma_start3A, %dma_start3A_5] : memref<32x104xi32, #tpu.memory_space<vmem>> -> memref<1x104xi32, #tpu.memory_space<vmem>>
    %dma_start3A_7 = tpu.memref_squeeze %dma_start3A_6 : memref<1x104xi32, #tpu.memory_space<vmem>> -> memref<104xi32, #tpu.memory_space<vmem>>
    %dma_start3A_8 = arith.constant 0 : i32
    %dma_start3A_9 = arith.constant 0 : i32
    %dma_start3A_10 = tpu.memref_slice %arg2[%dma_start3A_8, %dma_start3A_9] : memref<100000x128xf32, #tpu.memory_space<hbm>> -> memref<100000x128xf32, #tpu.memory_space<hbm>>
    tpu.enqueue_indirect_dma source(%dma_start3A_10 : memref<100000x128xf32, #tpu.memory_space<hbm>>) target(%arg12 : memref<104x128xf32, #tpu.memory_space<vmem>>) offsets(%dma_start3A_7 : memref<104xi32, #tpu.memory_space<vmem>>) semaphore(%arg21 : memref<!tpu.dma_semaphore, #tpu.memory_space<semaphore_mem>>)
    %scan3A = arith.constant 0 : i32
    %scan3A_11 = arith.constant 0 : i32
    %scan3A_12 = arith.constant 16 : i32
    %scan3A_13 = arith.addi %scan3A_11, %scan3A_12 : i32
    %scan3A_14 = arith.constant 1 : i32
    scf.for %scan3A_43 = %scan3A_11 to %scan3A_13 step %scan3A_14  : i32 {
      %mul3A_44 = arith.constant 2 : i32
      %mul3A_45 = arith.muli %mul3A_44, %scan3A_43 : i32
      %add3A_46 = arith.constant 0 : i32
      %add3A_47 = arith.addi %mul3A_45, %add3A_46 : i32
      %ge3A = arith.constant 2 : i32
      %ge3A_48 = arith.cmpi sge, %add3A_47, %ge3A : i32
      %convert_element_type3A = arith.extui %ge3A_48 : i1 to i32
      %cond3A = arith.constant 0 : i32
      %cond3A_49 = arith.cmpi ne, %convert_element_type3A, %cond3A : i32
      scf.if %cond3A_49 {
        %sub3A = arith.constant 2 : i32
        %sub3A_180 = arith.subi %add3A_47, %sub3A : i32
        %mul3A_181 = arith.constant 3328 : i32
        %mul3A_182 = arith.muli %add3A, %mul3A_181 : i32
        %mul3A_183 = arith.constant 104 : i32
        %mul3A_184 = arith.muli %sub3A_180, %mul3A_183 : i32
        %add3A_185 = arith.addi %mul3A_182, %mul3A_184 : i32
        %dma_wait3A_186 = arith.constant 0 : i32
        %dma_wait3A_187 = tpu.memref_slice %arg15[%dma_wait3A_186] : memref<112xf32, #tpu.memory_space<vmem>> -> memref<104xf32, #tpu.memory_space<vmem>>
        %dma_wait3A_188 = tpu.memref_slice %arg7[%add3A_185] : memref<106496xf32, #tpu.memory_space<hbm>> -> memref<104xf32, #tpu.memory_space<hbm>>
        %dma_wait3A_189 = tpu.memref_slice %arg7[%add3A_185] : memref<106496xf32, #tpu.memory_space<hbm>> -> memref<104xf32, #tpu.memory_space<hbm>>
        %dma_wait3A_190 = arith.constant 0 : i32
        %dma_wait3A_191 = tpu.memref_slice %arg15[%dma_wait3A_190] : memref<112xf32, #tpu.memory_space<vmem>> -> memref<104xf32, #tpu.memory_space<vmem>>
        tpu.wait_dma2 semaphore(%arg27 : memref<!tpu.dma_semaphore, #tpu.memory_space<semaphore_mem>>) src(%dma_wait3A_191 : memref<104xf32, #tpu.memory_space<vmem>>) dst(%dma_wait3A_189 : memref<104xf32, #tpu.memory_space<hbm>>)
        %dma_wait3A_192 = tpu.memref_slice %arg8[%add3A_185] : memref<106496xf32, #tpu.memory_space<hbm>> -> memref<104xf32, #tpu.memory_space<hbm>>
        %dma_wait3A_193 = tpu.memref_slice %arg8[%add3A_185] : memref<106496xf32, #tpu.memory_space<hbm>> -> memref<104xf32, #tpu.memory_space<hbm>>
        tpu.wait_dma2 semaphore(%arg27 : memref<!tpu.dma_semaphore, #tpu.memory_space<semaphore_mem>>) src(%arg17 : memref<104xf32, #tpu.memory_space<vmem>>) dst(%dma_wait3A_193 : memref<104xf32, #tpu.memory_space<hbm>>)
        %dma_wait3A_194 = tpu.memref_slice %arg9[%add3A_185] : memref<106496xf32, #tpu.memory_space<hbm>> -> memref<104xf32, #tpu.memory_space<hbm>>
        %dma_wait3A_195 = tpu.memref_slice %arg9[%add3A_185] : memref<106496xf32, #tpu.memory_space<hbm>> -> memref<104xf32, #tpu.memory_space<hbm>>
        tpu.wait_dma2 semaphore(%arg27 : memref<!tpu.dma_semaphore, #tpu.memory_space<semaphore_mem>>) src(%arg19 : memref<104xf32, #tpu.memory_space<vmem>>) dst(%dma_wait3A_195 : memref<104xf32, #tpu.memory_space<hbm>>)
      } else {
      }
      %dma_start3A_50 = arith.constant 0 : i32
      %dma_start3A_51 = tpu.memref_slice %arg11[%add3A_47, %dma_start3A_50] : memref<32x104xi32, #tpu.memory_space<vmem>> -> memref<1x104xi32, #tpu.memory_space<vmem>>
      %dma_start3A_52 = tpu.memref_squeeze %dma_start3A_51 : memref<1x104xi32, #tpu.memory_space<vmem>> -> memref<104xi32, #tpu.memory_space<vmem>>
      %dma_start3A_53 = arith.constant 0 : i32
      %dma_start3A_54 = tpu.memref_slice %arg5[%dma_start3A_53] : memref<100000xf32, #tpu.memory_space<hbm>> -> memref<100000xf32, #tpu.memory_space<hbm>>
      tpu.enqueue_indirect_dma source(%dma_start3A_54 : memref<100000xf32, #tpu.memory_space<hbm>>) target(%arg17 : memref<104xf32, #tpu.memory_space<vmem>>) offsets(%dma_start3A_52 : memref<104xi32, #tpu.memory_space<vmem>>) semaphore(%arg23 : memref<!tpu.dma_semaphore, #tpu.memory_space<semaphore_mem>>)
      %dma_start3A_55 = arith.constant 0 : i32
      %dma_start3A_56 = tpu.memref_slice %arg11[%add3A_47, %dma_start3A_55] : memref<32x104xi32, #tpu.memory_space<vmem>> -> memref<1x104xi32, #tpu.memory_space<vmem>>
      %dma_start3A_57 = tpu.memref_squeeze %dma_start3A_56 : memref<1x104xi32, #tpu.memory_space<vmem>> -> memref<104xi32, #tpu.memory_space<vmem>>
      %dma_start3A_58 = arith.constant 0 : i32
      %dma_start3A_59 = tpu.memref_slice %arg6[%dma_start3A_58] : memref<100000xf32, #tpu.memory_space<hbm>> -> memref<100000xf32, #tpu.memory_space<hbm>>
      tpu.enqueue_indirect_dma source(%dma_start3A_59 : memref<100000xf32, #tpu.memory_space<hbm>>) target(%arg19 : memref<104xf32, #tpu.memory_space<vmem>>) offsets(%dma_start3A_57 : memref<104xi32, #tpu.memory_space<vmem>>) semaphore(%arg25 : memref<!tpu.dma_semaphore, #tpu.memory_space<semaphore_mem>>)
      %add3A_60 = arith.constant 1 : i32
      %add3A_61 = arith.addi %add3A_47, %add3A_60 : i32
      %dma_start3A_62 = arith.constant 0 : i32
      %dma_start3A_63 = tpu.memref_slice %arg11[%add3A_61, %dma_start3A_62] : memref<32x104xi32, #tpu.memory_space<vmem>> -> memref<1x104xi32, #tpu.memory_space<vmem>>
      %dma_start3A_64 = tpu.memref_squeeze %dma_start3A_63 : memref<1x104xi32, #tpu.memory_space<vmem>> -> memref<104xi32, #tpu.memory_space<vmem>>
      %dma_start3A_65 = arith.constant 0 : i32
      %dma_start3A_66 = arith.constant 0 : i32
      %dma_start3A_67 = tpu.memref_slice %arg2[%dma_start3A_65, %dma_start3A_66] : memref<100000x128xf32, #tpu.memory_space<hbm>> -> memref<100000x128xf32, #tpu.memory_space<hbm>>
      tpu.enqueue_indirect_dma source(%dma_start3A_67 : memref<100000x128xf32, #tpu.memory_space<hbm>>) target(%arg13 : memref<104x128xf32, #tpu.memory_space<vmem>>) offsets(%dma_start3A_64 : memref<104xi32, #tpu.memory_space<vmem>>) semaphore(%arg22 : memref<!tpu.dma_semaphore, #tpu.memory_space<semaphore_mem>>)
      %dma_wait3A_68 = arith.constant 0 : i32
      %dma_wait3A_69 = tpu.memref_slice %arg11[%add3A_47, %dma_wait3A_68] : memref<32x104xi32, #tpu.memory_space<vmem>> -> memref<1x104xi32, #tpu.memory_space<vmem>>
      %dma_wait3A_70 = tpu.memref_squeeze %dma_wait3A_69 : memref<1x104xi32, #tpu.memory_space<vmem>> -> memref<104xi32, #tpu.memory_space<vmem>>
      %dma_wait3A_71 = arith.constant 0 : i32
      %dma_wait3A_72 = arith.constant 0 : i32
      %dma_wait3A_73 = tpu.memref_slice %arg2[%dma_wait3A_71, %dma_wait3A_72] : memref<100000x128xf32, #tpu.memory_space<hbm>> -> memref<100000x128xf32, #tpu.memory_space<hbm>>
      tpu.wait_indirect_dma semaphore(%arg21 : memref<!tpu.dma_semaphore, #tpu.memory_space<semaphore_mem>>) src(%dma_wait3A_73 : memref<100000x128xf32, #tpu.memory_space<hbm>>) dst(%arg12 : memref<104x128xf32, #tpu.memory_space<vmem>>)
      %scan3A_74 = arith.constant 0 : i32
      %scan3A_75 = arith.constant 0 : i32
      %scan3A_76 = arith.constant 4 : i32
      %scan3A_77 = arith.addi %scan3A_75, %scan3A_76 : i32
      %scan3A_78 = arith.constant 1 : i32
      scf.for %scan3A_180 = %scan3A_75 to %scan3A_77 step %scan3A_78  : i32 {
        %mul3A_181 = arith.constant 4 : i32
        %mul3A_182 = arith.muli %add3A_47, %mul3A_181 : i32
        %add3A_183 = arith.addi %mul3A_182, %scan3A_180 : i32
        %get3A = arith.index_cast %add3A_183 : i32 to index
        %get3A_184 = arith.constant 0 : index
        %get3A_185 = tpu.vector_load %arg10[%get3A, %get3A_184] {strides = array<i32>} : memref<128x128xf32, #tpu.memory_space<vmem>>, vector<16xf32>,
        %get3A_186 = arith.index_cast %add3A_183 : i32 to index
        %get3A_187 = arith.constant 16 : index
        %get3A_188 = tpu.vector_load %arg10[%get3A_186, %get3A_187] {strides = array<i32>} : memref<128x128xf32, #tpu.memory_space<vmem>>, vector<16xf32>,
        %get3A_189 = arith.index_cast %add3A_183 : i32 to index
        %get3A_190 = arith.constant 32 : index
        %get3A_191 = tpu.vector_load %arg10[%get3A_189, %get3A_190] {strides = array<i32>} : memref<128x128xf32, #tpu.memory_space<vmem>>, vector<16xf32>,
        %get3A_192 = arith.index_cast %add3A_183 : i32 to index
        %get3A_193 = arith.constant 48 : index
        %get3A_194 = tpu.vector_load %arg10[%get3A_192, %get3A_193] {strides = array<i32>} : memref<128x128xf32, #tpu.memory_space<vmem>>, vector<16xf32>,
        %get3A_195 = arith.index_cast %add3A_183 : i32 to index
        %get3A_196 = arith.constant 64 : index
        %get3A_197 = tpu.vector_load %arg10[%get3A_195, %get3A_196] {strides = array<i32>} : memref<128x128xf32, #tpu.memory_space<vmem>>, vector<16xf32>,
        %get3A_198 = arith.index_cast %add3A_183 : i32 to index
        %get3A_199 = arith.constant 80 : index
        %get3A_200 = tpu.vector_load %arg10[%get3A_198, %get3A_199] {strides = array<i32>} : memref<128x128xf32, #tpu.memory_space<vmem>>, vector<16xf32>,
        %get3A_201 = arith.index_cast %add3A_183 : i32 to index
        %get3A_202 = arith.constant 96 : index
        %get3A_203 = tpu.vector_load %arg10[%get3A_201, %get3A_202] {strides = array<i32>} : memref<128x128xf32, #tpu.memory_space<vmem>>, vector<16xf32>,
        %get3A_204 = arith.index_cast %add3A_183 : i32 to index
        %get3A_205 = arith.constant 112 : index
        %get3A_206 = tpu.vector_load %arg10[%get3A_204, %get3A_205] {strides = array<i32>} : memref<128x128xf32, #tpu.memory_space<vmem>>, vector<16xf32>,
        %mul3A_207 = arith.constant 26 : i32
        %mul3A_208 = arith.muli %scan3A_180, %mul3A_207 : i32
        %add3A_209 = arith.constant 0 : i32
        %add3A_210 = arith.addi %mul3A_208, %add3A_209 : i32
        %get3A_211 = arith.index_cast %add3A_210 : i32 to index
        %get3A_212 = arith.constant 0 : index
        %get3A_213 = tpu.vector_load %arg12[%get3A_211, %get3A_212] {strides = array<i32>} : memref<104x128xf32, #tpu.memory_space<vmem>>, vector<16xf32>,
        %mul3A_214 = arith.mulf %get3A_185, %get3A_213 : vector<16xf32>
        %get3A_215 = arith.index_cast %add3A_210 : i32 to index
        %get3A_216 = arith.constant 16 : index
        %get3A_217 = tpu.vector_load %arg12[%get3A_215, %get3A_216] {strides = array<i32>} : memref<104x128xf32, #tpu.memory_space<vmem>>, vector<16xf32>,
        %mul3A_218 = arith.mulf %get3A_188, %get3A_217 : vector<16xf32>
        %add3A_219 = arith.addf %mul3A_214, %mul3A_218 : vector<16xf32>
        %get3A_220 = arith.index_cast %add3A_210 : i32 to index
        %get3A_221 = arith.constant 32 : index
        %get3A_222 = tpu.vector_load %arg12[%get3A_220, %get3A_221] {strides = array<i32>} : memref<104x128xf32, #tpu.memory_space<vmem>>, vector<16xf32>,
        %mul3A_223 = arith.mulf %get3A_191, %get3A_222 : vector<16xf32>
        %add3A_224 = arith.addf %add3A_219, %mul3A_223 : vector<16xf32>
        %get3A_225 = arith.index_cast %add3A_210 : i32 to index
        %get3A_226 = arith.constant 48 : index
        %get3A_227 = tpu.vector_load %arg12[%get3A_225, %get3A_226] {strides = array<i32>} : memref<104x128xf32, #tpu.memory_space<vmem>>, vector<16xf32>,
        %mul3A_228 = arith.mulf %get3A_194, %get3A_227 : vector<16xf32>
        %add3A_229 = arith.addf %add3A_224, %mul3A_228 : vector<16xf32>
        %get3A_230 = arith.index_cast %add3A_210 : i32 to index
        %get3A_231 = arith.constant 64 : index
        %get3A_232 = tpu.vector_load %arg12[%get3A_230, %get3A_231] {strides = array<i32>} : memref<104x128xf32, #tpu.memory_space<vmem>>, vector<16xf32>,
        %mul3A_233 = arith.mulf %get3A_197, %get3A_232 : vector<16xf32>
        %add3A_234 = arith.addf %add3A_229, %mul3A_233 : vector<16xf32>
        %get3A_235 = arith.index_cast %add3A_210 : i32 to index
        %get3A_236 = arith.constant 80 : index
        %get3A_237 = tpu.vector_load %arg12[%get3A_235, %get3A_236] {strides = array<i32>} : memref<104x128xf32, #tpu.memory_space<vmem>>, vector<16xf32>,
        %mul3A_238 = arith.mulf %get3A_200, %get3A_237 : vector<16xf32>
        %add3A_239 = arith.addf %add3A_234, %mul3A_238 : vector<16xf32>
        %get3A_240 = arith.index_cast %add3A_210 : i32 to index
        %get3A_241 = arith.constant 96 : index
        %get3A_242 = tpu.vector_load %arg12[%get3A_240, %get3A_241] {strides = array<i32>} : memref<104x128xf32, #tpu.memory_space<vmem>>, vector<16xf32>,
        %mul3A_243 = arith.mulf %get3A_203, %get3A_242 : vector<16xf32>
        %add3A_244 = arith.addf %add3A_239, %mul3A_243 : vector<16xf32>
        %get3A_245 = arith.index_cast %add3A_210 : i32 to index
        %get3A_246 = arith.constant 112 : index
        %get3A_247 = tpu.vector_load %arg12[%get3A_245, %get3A_246] {strides = array<i32>} : memref<104x128xf32, #tpu.memory_space<vmem>>, vector<16xf32>,
        %mul3A_248 = arith.mulf %get3A_206, %get3A_247 : vector<16xf32>
        %add3A_249 = arith.addf %add3A_244, %mul3A_248 : vector<16xf32>
        %mul3A_250 = arith.constant 17 : i32
        %mul3A_251 = arith.muli %add3A_210, %mul3A_250 : i32
        %swap3A = arith.index_cast %mul3A_251 : i32 to index
        %swap3A_252 = tpu.vector_load %arg14[%swap3A] {strides = array<i32>} : memref<1904xf32, #tpu.memory_space<vmem>>, vector<16xf32>,
        tpu.vector_store %arg14[%swap3A], %add3A_249 {strides = array<i32>} : memref<1904xf32, #tpu.memory_space<vmem>>, vector<16xf32>,
        %mul3A_253 = arith.constant 26 : i32
        %mul3A_254 = arith.muli %scan3A_180, %mul3A_253 : i32
        %add3A_255 = arith.constant 1 : i32
        %add3A_256 = arith.addi %mul3A_254, %add3A_255 : i32
        %get3A_257 = arith.index_cast %add3A_256 : i32 to index
        %get3A_258 = arith.constant 0 : index
        %get3A_259 = tpu.vector_load %arg12[%get3A_257, %get3A_258] {strides = array<i32>} : memref<104x128xf32, #tpu.memory_space<vmem>>, vector<16xf32>,
        %mul3A_260 = arith.mulf %get3A_185, %get3A_259 : vector<16xf32>
        %get3A_261 = arith.index_cast %add3A_256 : i32 to index
        %get3A_262 = arith.constant 16 : index
        %get3A_263 = tpu.vector_load %arg12[%get3A_261, %get3A_262] {strides = array<i32>} : memref<104x128xf32, #tpu.memory_space<vmem>>, vector<16xf32>,
        %mul3A_264 = arith.mulf %get3A_188, %get3A_263 : vector<16xf32>
        %add3A_265 = arith.addf %mul3A_260, %mul3A_264 : vector<16xf32>
        %get3A_266 = arith.index_cast %add3A_256 : i32 to index
        %get3A_267 = arith.constant 32 : index
        %get3A_268 = tpu.vector_load %arg12[%get3A_266, %get3A_267] {strides = array<i32>} : memref<104x128xf32, #tpu.memory_space<vmem>>, vector<16xf32>,
        %mul3A_269 = arith.mulf %get3A_191, %get3A_268 : vector<16xf32>
        %add3A_270 = arith.addf %add3A_265, %mul3A_269 : vector<16xf32>
        %get3A_271 = arith.index_cast %add3A_256 : i32 to index
        %get3A_272 = arith.constant 48 : index
        %get3A_273 = tpu.vector_load %arg12[%get3A_271, %get3A_272] {strides = array<i32>} : memref<104x128xf32, #tpu.memory_space<vmem>>, vector<16xf32>,
        %mul3A_274 = arith.mulf %get3A_194, %get3A_273 : vector<16xf32>
        %add3A_275 = arith.addf %add3A_270, %mul3A_274 : vector<16xf32>
        %get3A_276 = arith.index_cast %add3A_256 : i32 to index
        %get3A_277 = arith.constant 64 : index
        %get3A_278 = tpu.vector_load %arg12[%get3A_276, %get3A_277] {strides = array<i32>} : memref<104x128xf32, #tpu.memory_space<vmem>>, vector<16xf32>,
        %mul3A_279 = arith.mulf %get3A_197, %get3A_278 : vector<16xf32>
        %add3A_280 = arith.addf %add3A_275, %mul3A_279 : vector<16xf32>
        %get3A_281 = arith.index_cast %add3A_256 : i32 to index
        %get3A_282 = arith.constant 80 : index
        %get3A_283 = tpu.vector_load %arg12[%get3A_281, %get3A_282] {strides = array<i32>} : memref<104x128xf32, #tpu.memory_space<vmem>>, vector<16xf32>,
        %mul3A_284 = arith.mulf %get3A_200, %get3A_283 : vector<16xf32>
        %add3A_285 = arith.addf %add3A_280, %mul3A_284 : vector<16xf32>
        %get3A_286 = arith.index_cast %add3A_256 : i32 to index
        %get3A_287 = arith.constant 96 : index
        %get3A_288 = tpu.vector_load %arg12[%get3A_286, %get3A_287] {strides = array<i32>} : memref<104x128xf32, #tpu.memory_space<vmem>>, vector<16xf32>,
        %mul3A_289 = arith.mulf %get3A_203, %get3A_288 : vector<16xf32>
        %add3A_290 = arith.addf %add3A_285, %mul3A_289 : vector<16xf32>
        %get3A_291 = arith.index_cast %add3A_256 : i32 to index
        %get3A_292 = arith.constant 112 : index
        %get3A_293 = tpu.vector_load %arg12[%get3A_291, %get3A_292] {strides = array<i32>} : memref<104x128xf32, #tpu.memory_space<vmem>>, vector<16xf32>,
        %mul3A_294 = arith.mulf %get3A_206, %get3A_293 : vector<16xf32>
        %add3A_295 = arith.addf %add3A_290, %mul3A_294 : vector<16xf32>
        %mul3A_296 = arith.constant 17 : i32
        %mul3A_297 = arith.muli %add3A_256, %mul3A_296 : i32
        %swap3A_298 = arith.index_cast %mul3A_297 : i32 to index
        %swap3A_299 = tpu.vector_load %arg14[%swap3A_298] {strides = array<i32>} : memref<1904xf32, #tpu.memory_space<vmem>>, vector<16xf32>,
        tpu.vector_store %arg14[%swap3A_298], %add3A_295 {strides = array<i32>} : memref<1904xf32, #tpu.memory_space<vmem>>, vector<16xf32>,
        %mul3A_300 = arith.constant 26 : i32
        %mul3A_301 = arith.muli %scan3A_180, %mul3A_300 : i32
        %add3A_302 = arith.constant 2 : i32
        %add3A_303 = arith.addi %mul3A_301, %add3A_302 : i32
        %get3A_304 = arith.index_cast %add3A_303 : i32 to index
        %get3A_305 = arith.constant 0 : index
        %get3A_306 = tpu.vector_load %arg12[%get3A_304, %get3A_305] {strides = array<i32>} : memref<104x128xf32, #tpu.memory_space<vmem>>, vector<16xf32>,
        %mul3A_307 = arith.mulf %get3A_185, %get3A_306 : vector<16xf32>
        %get3A_308 = arith.index_cast %add3A_303 : i32 to index
        %get3A_309 = arith.constant 16 : index
        %get3A_310 = tpu.vector_load %arg12[%get3A_308, %get3A_309] {strides = array<i32>} : memref<104x128xf32, #tpu.memory_space<vmem>>, vector<16xf32>,
        %mul3A_311 = arith.mulf %get3A_188, %get3A_310 : vector<16xf32>
        %add3A_312 = arith.addf %mul3A_307, %mul3A_311 : vector<16xf32>
        %get3A_313 = arith.index_cast %add3A_303 : i32 to index
        %get3A_314 = arith.constant 32 : index
        %get3A_315 = tpu.vector_load %arg12[%get3A_313, %get3A_314] {strides = array<i32>} : memref<104x128xf32, #tpu.memory_space<vmem>>, vector<16xf32>,
        %mul3A_316 = arith.mulf %get3A_191, %get3A_315 : vector<16xf32>
        %add3A_317 = arith.addf %add3A_312, %mul3A_316 : vector<16xf32>
        %get3A_318 = arith.index_cast %add3A_303 : i32 to index
        %get3A_319 = arith.constant 48 : index
        %get3A_320 = tpu.vector_load %arg12[%get3A_318, %get3A_319] {strides = array<i32>} : memref<104x128xf32, #tpu.memory_space<vmem>>, vector<16xf32>,
        %mul3A_321 = arith.mulf %get3A_194, %get3A_320 : vector<16xf32>
        %add3A_322 = arith.addf %add3A_317, %mul3A_321 : vector<16xf32>
        %get3A_323 = arith.index_cast %add3A_303 : i32 to index
        %get3A_324 = arith.constant 64 : index
        %get3A_325 = tpu.vector_load %arg12[%get3A_323, %get3A_324] {strides = array<i32>} : memref<104x128xf32, #tpu.memory_space<vmem>>, vector<16xf32>,
        %mul3A_326 = arith.mulf %get3A_197, %get3A_325 : vector<16xf32>
        %add3A_327 = arith.addf %add3A_322, %mul3A_326 : vector<16xf32>
        %get3A_328 = arith.index_cast %add3A_303 : i32 to index
        %get3A_329 = arith.constant 80 : index
        %get3A_330 = tpu.vector_load %arg12[%get3A_328, %get3A_329] {strides = array<i32>} : memref<104x128xf32, #tpu.memory_space<vmem>>, vector<16xf32>,
        %mul3A_331 = arith.mulf %get3A_200, %get3A_330 : vector<16xf32>
        %add3A_332 = arith.addf %add3A_327, %mul3A_331 : vector<16xf32>
        %get3A_333 = arith.index_cast %add3A_303 : i32 to index
        %get3A_334 = arith.constant 96 : index
        %get3A_335 = tpu.vector_load %arg12[%get3A_333, %get3A_334] {strides = array<i32>} : memref<104x128xf32, #tpu.memory_space<vmem>>, vector<16xf32>,
        %mul3A_336 = arith.mulf %get3A_203, %get3A_335 : vector<16xf32>
        %add3A_337 = arith.addf %add3A_332, %mul3A_336 : vector<16xf32>
        %get3A_338 = arith.index_cast %add3A_303 : i32 to index
        %get3A_339 = arith.constant 112 : index
        %get3A_340 = tpu.vector_load %arg12[%get3A_338, %get3A_339] {strides = array<i32>} : memref<104x128xf32, #tpu.memory_space<vmem>>, vector<16xf32>,
        %mul3A_341 = arith.mulf %get3A_206, %get3A_340 : vector<16xf32>
        %add3A_342 = arith.addf %add3A_337, %mul3A_341 : vector<16xf32>
        %mul3A_343 = arith.constant 17 : i32
        %mul3A_344 = arith.muli %add3A_303, %mul3A_343 : i32
        %swap3A_345 = arith.index_cast %mul3A_344 : i32 to index
        %swap3A_346 = tpu.vector_load %arg14[%swap3A_345] {strides = array<i32>} : memref<1904xf32, #tpu.memory_space<vmem>>, vector<16xf32>,
        tpu.vector_store %arg14[%swap3A_345], %add3A_342 {strides = array<i32>} : memref<1904xf32, #tpu.memory_space<vmem>>, vector<16xf32>,
        %mul3A_347 = arith.constant 26 : i32
        %mul3A_348 = arith.muli %scan3A_180, %mul3A_347 : i32
        %add3A_349 = arith.constant 3 : i32
        %add3A_350 = arith.addi %mul3A_348, %add3A_349 : i32
        %get3A_351 = arith.index_cast %add3A_350 : i32 to index
        %get3A_352 = arith.constant 0 : index
        %get3A_353 = tpu.vector_load %arg12[%get3A_351, %get3A_352] {strides = array<i32>} : memref<104x128xf32, #tpu.memory_space<vmem>>, vector<16xf32>,
        %mul3A_354 = arith.mulf %get3A_185, %get3A_353 : vector<16xf32>
        %get3A_355 = arith.index_cast %add3A_350 : i32 to index
        %get3A_356 = arith.constant 16 : index
        %get3A_357 = tpu.vector_load %arg12[%get3A_355, %get3A_356] {strides = array<i32>} : memref<104x128xf32, #tpu.memory_space<vmem>>, vector<16xf32>,
        %mul3A_358 = arith.mulf %get3A_188, %get3A_357 : vector<16xf32>
        %add3A_359 = arith.addf %mul3A_354, %mul3A_358 : vector<16xf32>
        %get3A_360 = arith.index_cast %add3A_350 : i32 to index
        %get3A_361 = arith.constant 32 : index
        %get3A_362 = tpu.vector_load %arg12[%get3A_360, %get3A_361] {strides = array<i32>} : memref<104x128xf32, #tpu.memory_space<vmem>>, vector<16xf32>,
        %mul3A_363 = arith.mulf %get3A_191, %get3A_362 : vector<16xf32>
        %add3A_364 = arith.addf %add3A_359, %mul3A_363 : vector<16xf32>
        %get3A_365 = arith.index_cast %add3A_350 : i32 to index
        %get3A_366 = arith.constant 48 : index
        %get3A_367 = tpu.vector_load %arg12[%get3A_365, %get3A_366] {strides = array<i32>} : memref<104x128xf32, #tpu.memory_space<vmem>>, vector<16xf32>,
        %mul3A_368 = arith.mulf %get3A_194, %get3A_367 : vector<16xf32>
        %add3A_369 = arith.addf %add3A_364, %mul3A_368 : vector<16xf32>
        %get3A_370 = arith.index_cast %add3A_350 : i32 to index
        %get3A_371 = arith.constant 64 : index
        %get3A_372 = tpu.vector_load %arg12[%get3A_370, %get3A_371] {strides = array<i32>} : memref<104x128xf32, #tpu.memory_space<vmem>>, vector<16xf32>,
        %mul3A_373 = arith.mulf %get3A_197, %get3A_372 : vector<16xf32>
        %add3A_374 = arith.addf %add3A_369, %mul3A_373 : vector<16xf32>
        %get3A_375 = arith.index_cast %add3A_350 : i32 to index
        %get3A_376 = arith.constant 80 : index
        %get3A_377 = tpu.vector_load %arg12[%get3A_375, %get3A_376] {strides = array<i32>} : memref<104x128xf32, #tpu.memory_space<vmem>>, vector<16xf32>,
        %mul3A_378 = arith.mulf %get3A_200, %get3A_377 : vector<16xf32>
        %add3A_379 = arith.addf %add3A_374, %mul3A_378 : vector<16xf32>
        %get3A_380 = arith.index_cast %add3A_350 : i32 to index
        %get3A_381 = arith.constant 96 : index
        %get3A_382 = tpu.vector_load %arg12[%get3A_380, %get3A_381] {strides = array<i32>} : memref<104x128xf32, #tpu.memory_space<vmem>>, vector<16xf32>,
        %mul3A_383 = arith.mulf %get3A_203, %get3A_382 : vector<16xf32>
        %add3A_384 = arith.addf %add3A_379, %mul3A_383 : vector<16xf32>
        %get3A_385 = arith.index_cast %add3A_350 : i32 to index
        %get3A_386 = arith.constant 112 : index
        %get3A_387 = tpu.vector_load %arg12[%get3A_385, %get3A_386] {strides = array<i32>} : memref<104x128xf32, #tpu.memory_space<vmem>>, vector<16xf32>,
        %mul3A_388 = arith.mulf %get3A_206, %get3A_387 : vector<16xf32>
        %add3A_389 = arith.addf %add3A_384, %mul3A_388 : vector<16xf32>
        %mul3A_390 = arith.constant 17 : i32
        %mul3A_391 = arith.muli %add3A_350, %mul3A_390 : i32
        %swap3A_392 = arith.index_cast %mul3A_391 : i32 to index
        %swap3A_393 = tpu.vector_load %arg14[%swap3A_392] {strides = array<i32>} : memref<1904xf32, #tpu.memory_space<vmem>>, vector<16xf32>,
        tpu.vector_store %arg14[%swap3A_392], %add3A_389 {strides = array<i32>} : memref<1904xf32, #tpu.memory_space<vmem>>, vector<16xf32>,
        %mul3A_394 = arith.constant 26 : i32
        %mul3A_395 = arith.muli %scan3A_180, %mul3A_394 : i32
        %add3A_396 = arith.constant 4 : i32
        %add3A_397 = arith.addi %mul3A_395, %add3A_396 : i32
        %get3A_398 = arith.index_cast %add3A_397 : i32 to index
        %get3A_399 = arith.constant 0 : index
        %get3A_400 = tpu.vector_load %arg12[%get3A_398, %get3A_399] {strides = array<i32>} : memref<104x128xf32, #tpu.memory_space<vmem>>, vector<16xf32>,
        %mul3A_401 = arith.mulf %get3A_185, %get3A_400 : vector<16xf32>
        %get3A_402 = arith.index_cast %add3A_397 : i32 to index
        %get3A_403 = arith.constant 16 : index
        %get3A_404 = tpu.vector_load %arg12[%get3A_402, %get3A_403] {strides = array<i32>} : memref<104x128xf32, #tpu.memory_space<vmem>>, vector<16xf32>,
        %mul3A_405 = arith.mulf %get3A_188, %get3A_404 : vector<16xf32>
        %add3A_406 = arith.addf %mul3A_401, %mul3A_405 : vector<16xf32>
        %get3A_407 = arith.index_cast %add3A_397 : i32 to index
        %get3A_408 = arith.constant 32 : index
        %get3A_409 = tpu.vector_load %arg12[%get3A_407, %get3A_408] {strides = array<i32>} : memref<104x128xf32, #tpu.memory_space<vmem>>, vector<16xf32>,
        %mul3A_410 = arith.mulf %get3A_191, %get3A_409 : vector<16xf32>
        %add3A_411 = arith.addf %add3A_406, %mul3A_410 : vector<16xf32>
        %get3A_412 = arith.index_cast %add3A_397 : i32 to index
        %get3A_413 = arith.constant 48 : index
        %get3A_414 = tpu.vector_load %arg12[%get3A_412, %get3A_413] {strides = array<i32>} : memref<104x128xf32, #tpu.memory_space<vmem>>, vector<16xf32>,
        %mul3A_415 = arith.mulf %get3A_194, %get3A_414 : vector<16xf32>
        %add3A_416 = arith.addf %add3A_411, %mul3A_415 : vector<16xf32>
        %get3A_417 = arith.index_cast %add3A_397 : i32 to index
        %get3A_418 = arith.constant 64 : index
        %get3A_419 = tpu.vector_load %arg12[%get3A_417, %get3A_418] {strides = array<i32>} : memref<104x128xf32, #tpu.memory_space<vmem>>, vector<16xf32>,
        %mul3A_420 = arith.mulf %get3A_197, %get3A_419 : vector<16xf32>
        %add3A_421 = arith.addf %add3A_416, %mul3A_420 : vector<16xf32>
        %get3A_422 = arith.index_cast %add3A_397 : i32 to index
        %get3A_423 = arith.constant 80 : index
        %get3A_424 = tpu.vector_load %arg12[%get3A_422, %get3A_423] {strides = array<i32>} : memref<104x128xf32, #tpu.memory_space<vmem>>, vector<16xf32>,
        %mul3A_425 = arith.mulf %get3A_200, %get3A_424 : vector<16xf32>
        %add3A_426 = arith.addf %add3A_421, %mul3A_425 : vector<16xf32>
        %get3A_427 = arith.index_cast %add3A_397 : i32 to index
        %get3A_428 = arith.constant 96 : index
        %get3A_429 = tpu.vector_load %arg12[%get3A_427, %get3A_428] {strides = array<i32>} : memref<104x128xf32, #tpu.memory_space<vmem>>, vector<16xf32>,
        %mul3A_430 = arith.mulf %get3A_203, %get3A_429 : vector<16xf32>
        %add3A_431 = arith.addf %add3A_426, %mul3A_430 : vector<16xf32>
        %get3A_432 = arith.index_cast %add3A_397 : i32 to index
        %get3A_433 = arith.constant 112 : index
        %get3A_434 = tpu.vector_load %arg12[%get3A_432, %get3A_433] {strides = array<i32>} : memref<104x128xf32, #tpu.memory_space<vmem>>, vector<16xf32>,
        %mul3A_435 = arith.mulf %get3A_206, %get3A_434 : vector<16xf32>
        %add3A_436 = arith.addf %add3A_431, %mul3A_435 : vector<16xf32>
        %mul3A_437 = arith.constant 17 : i32
        %mul3A_438 = arith.muli %add3A_397, %mul3A_437 : i32
        %swap3A_439 = arith.index_cast %mul3A_438 : i32 to index
        %swap3A_440 = tpu.vector_load %arg14[%swap3A_439] {strides = array<i32>} : memref<1904xf32, #tpu.memory_space<vmem>>, vector<16xf32>,
        tpu.vector_store %arg14[%swap3A_439], %add3A_436 {strides = array<i32>} : memref<1904xf32, #tpu.memory_space<vmem>>, vector<16xf32>,
        %mul3A_441 = arith.constant 26 : i32
        %mul3A_442 = arith.muli %scan3A_180, %mul3A_441 : i32
        %add3A_443 = arith.constant 5 : i32
        %add3A_444 = arith.addi %mul3A_442, %add3A_443 : i32
        %get3A_445 = arith.index_cast %add3A_444 : i32 to index
        %get3A_446 = arith.constant 0 : index
        %get3A_447 = tpu.vector_load %arg12[%get3A_445, %get3A_446] {strides = array<i32>} : memref<104x128xf32, #tpu.memory_space<vmem>>, vector<16xf32>,
        %mul3A_448 = arith.mulf %get3A_185, %get3A_447 : vector<16xf32>
        %get3A_449 = arith.index_cast %add3A_444 : i32 to index
        %get3A_450 = arith.constant 16 : index
        %get3A_451 = tpu.vector_load %arg12[%get3A_449, %get3A_450] {strides = array<i32>} : memref<104x128xf32, #tpu.memory_space<vmem>>, vector<16xf32>,
        %mul3A_452 = arith.mulf %get3A_188, %get3A_451 : vector<16xf32>
        %add3A_453 = arith.addf %mul3A_448, %mul3A_452 : vector<16xf32>
        %get3A_454 = arith.index_cast %add3A_444 : i32 to index
        %get3A_455 = arith.constant 32 : index
        %get3A_456 = tpu.vector_load %arg12[%get3A_454, %get3A_455] {strides = array<i32>} : memref<104x128xf32, #tpu.memory_space<vmem>>, vector<16xf32>,
        %mul3A_457 = arith.mulf %get3A_191, %get3A_456 : vector<16xf32>
        %add3A_458 = arith.addf %add3A_453, %mul3A_457 : vector<16xf32>
        %get3A_459 = arith.index_cast %add3A_444 : i32 to index
        %get3A_460 = arith.constant 48 : index
        %get3A_461 = tpu.vector_load %arg12[%get3A_459, %get3A_460] {strides = array<i32>} : memref<104x128xf32, #tpu.memory_space<vmem>>, vector<16xf32>,
        %mul3A_462 = arith.mulf %get3A_194, %get3A_461 : vector<16xf32>
        %add3A_463 = arith.addf %add3A_458, %mul3A_462 : vector<16xf32>
        %get3A_464 = arith.index_cast %add3A_444 : i32 to index
        %get3A_465 = arith.constant 64 : index
        %get3A_466 = tpu.vector_load %arg12[%get3A_464, %get3A_465] {strides = array<i32>} : memref<104x128xf32, #tpu.memory_space<vmem>>, vector<16xf32>,
        %mul3A_467 = arith.mulf %get3A_197, %get3A_466 : vector<16xf32>
        %add3A_468 = arith.addf %add3A_463, %mul3A_467 : vector<16xf32>
        %get3A_469 = arith.index_cast %add3A_444 : i32 to index
        %get3A_470 = arith.constant 80 : index
        %get3A_471 = tpu.vector_load %arg12[%get3A_469, %get3A_470] {strides = array<i32>} : memref<104x128xf32, #tpu.memory_space<vmem>>, vector<16xf32>,
        %mul3A_472 = arith.mulf %get3A_200, %get3A_471 : vector<16xf32>
        %add3A_473 = arith.addf %add3A_468, %mul3A_472 : vector<16xf32>
        %get3A_474 = arith.index_cast %add3A_444 : i32 to index
        %get3A_475 = arith.constant 96 : index
        %get3A_476 = tpu.vector_load %arg12[%get3A_474, %get3A_475] {strides = array<i32>} : memref<104x128xf32, #tpu.memory_space<vmem>>, vector<16xf32>,
        %mul3A_477 = arith.mulf %get3A_203, %get3A_476 : vector<16xf32>
        %add3A_478 = arith.addf %add3A_473, %mul3A_477 : vector<16xf32>
        %get3A_479 = arith.index_cast %add3A_444 : i32 to index
        %get3A_480 = arith.constant 112 : index
        %get3A_481 = tpu.vector_load %arg12[%get3A_479, %get3A_480] {strides = array<i32>} : memref<104x128xf32, #tpu.memory_space<vmem>>, vector<16xf32>,
        %mul3A_482 = arith.mulf %get3A_206, %get3A_481 : vector<16xf32>
        %add3A_483 = arith.addf %add3A_478, %mul3A_482 : vector<16xf32>
        %mul3A_484 = arith.constant 17 : i32
        %mul3A_485 = arith.muli %add3A_444, %mul3A_484 : i32
        %swap3A_486 = arith.index_cast %mul3A_485 : i32 to index
        %swap3A_487 = tpu.vector_load %arg14[%swap3A_486] {strides = array<i32>} : memref<1904xf32, #tpu.memory_space<vmem>>, vector<16xf32>,
        tpu.vector_store %arg14[%swap3A_486], %add3A_483 {strides = array<i32>} : memref<1904xf32, #tpu.memory_space<vmem>>, vector<16xf32>,
        %mul3A_488 = arith.constant 26 : i32
        %mul3A_489 = arith.muli %scan3A_180, %mul3A_488 : i32
        %add3A_490 = arith.constant 6 : i32
        %add3A_491 = arith.addi %mul3A_489, %add3A_490 : i32
        %get3A_492 = arith.index_cast %add3A_491 : i32 to index
        %get3A_493 = arith.constant 0 : index
        %get3A_494 = tpu.vector_load %arg12[%get3A_492, %get3A_493] {strides = array<i32>} : memref<104x128xf32, #tpu.memory_space<vmem>>, vector<16xf32>,
        %mul3A_495 = arith.mulf %get3A_185, %get3A_494 : vector<16xf32>
        %get3A_496 = arith.index_cast %add3A_491 : i32 to index
        %get3A_497 = arith.constant 16 : index
        %get3A_498 = tpu.vector_load %arg12[%get3A_496, %get3A_497] {strides = array<i32>} : memref<104x128xf32, #tpu.memory_space<vmem>>, vector<16xf32>,
        %mul3A_499 = arith.mulf %get3A_188, %get3A_498 : vector<16xf32>
        %add3A_500 = arith.addf %mul3A_495, %mul3A_499 : vector<16xf32>
        %get3A_501 = arith.index_cast %add3A_491 : i32 to index
        %get3A_502 = arith.constant 32 : index
        %get3A_503 = tpu.vector_load %arg12[%get3A_501, %get3A_502] {strides = array<i32>} : memref<104x128xf32, #tpu.memory_space<vmem>>, vector<16xf32>,
        %mul3A_504 = arith.mulf %get3A_191, %get3A_503 : vector<16xf32>
        %add3A_505 = arith.addf %add3A_500, %mul3A_504 : vector<16xf32>
        %get3A_506 = arith.index_cast %add3A_491 : i32 to index
        %get3A_507 = arith.constant 48 : index
        %get3A_508 = tpu.vector_load %arg12[%get3A_506, %get3A_507] {strides = array<i32>} : memref<104x128xf32, #tpu.memory_space<vmem>>, vector<16xf32>,
        %mul3A_509 = arith.mulf %get3A_194, %get3A_508 : vector<16xf32>
        %add3A_510 = arith.addf %add3A_505, %mul3A_509 : vector<16xf32>
        %get3A_511 = arith.index_cast %add3A_491 : i32 to index
        %get3A_512 = arith.constant 64 : index
        %get3A_513 = tpu.vector_load %arg12[%get3A_511, %get3A_512] {strides = array<i32>} : memref<104x128xf32, #tpu.memory_space<vmem>>, vector<16xf32>,
        %mul3A_514 = arith.mulf %get3A_197, %get3A_513 : vector<16xf32>
        %add3A_515 = arith.addf %add3A_510, %mul3A_514 : vector<16xf32>
        %get3A_516 = arith.index_cast %add3A_491 : i32 to index
        %get3A_517 = arith.constant 80 : index
        %get3A_518 = tpu.vector_load %arg12[%get3A_516, %get3A_517] {strides = array<i32>} : memref<104x128xf32, #tpu.memory_space<vmem>>, vector<16xf32>,
        %mul3A_519 = arith.mulf %get3A_200, %get3A_518 : vector<16xf32>
        %add3A_520 = arith.addf %add3A_515, %mul3A_519 : vector<16xf32>
        %get3A_521 = arith.index_cast %add3A_491 : i32 to index
        %get3A_522 = arith.constant 96 : index
        %get3A_523 = tpu.vector_load %arg12[%get3A_521, %get3A_522] {strides = array<i32>} : memref<104x128xf32, #tpu.memory_space<vmem>>, vector<16xf32>,
        %mul3A_524 = arith.mulf %get3A_203, %get3A_523 : vector<16xf32>
        %add3A_525 = arith.addf %add3A_520, %mul3A_524 : vector<16xf32>
        %get3A_526 = arith.index_cast %add3A_491 : i32 to index
        %get3A_527 = arith.constant 112 : index
        %get3A_528 = tpu.vector_load %arg12[%get3A_526, %get3A_527] {strides = array<i32>} : memref<104x128xf32, #tpu.memory_space<vmem>>, vector<16xf32>,
        %mul3A_529 = arith.mulf %get3A_206, %get3A_528 : vector<16xf32>
        %add3A_530 = arith.addf %add3A_525, %mul3A_529 : vector<16xf32>
        %mul3A_531 = arith.constant 17 : i32
        %mul3A_532 = arith.muli %add3A_491, %mul3A_531 : i32
        %swap3A_533 = arith.index_cast %mul3A_532 : i32 to index
        %swap3A_534 = tpu.vector_load %arg14[%swap3A_533] {strides = array<i32>} : memref<1904xf32, #tpu.memory_space<vmem>>, vector<16xf32>,
        tpu.vector_store %arg14[%swap3A_533], %add3A_530 {strides = array<i32>} : memref<1904xf32, #tpu.memory_space<vmem>>, vector<16xf32>,
        %mul3A_535 = arith.constant 26 : i32
        %mul3A_536 = arith.muli %scan3A_180, %mul3A_535 : i32
        %add3A_537 = arith.constant 7 : i32
        %add3A_538 = arith.addi %mul3A_536, %add3A_537 : i32
        %get3A_539 = arith.index_cast %add3A_538 : i32 to index
        %get3A_540 = arith.constant 0 : index
        %get3A_541 = tpu.vector_load %arg12[%get3A_539, %get3A_540] {strides = array<i32>} : memref<104x128xf32, #tpu.memory_space<vmem>>, vector<16xf32>,
        %mul3A_542 = arith.mulf %get3A_185, %get3A_541 : vector<16xf32>
        %get3A_543 = arith.index_cast %add3A_538 : i32 to index
        %get3A_544 = arith.constant 16 : index
        %get3A_545 = tpu.vector_load %arg12[%get3A_543, %get3A_544] {strides = array<i32>} : memref<104x128xf32, #tpu.memory_space<vmem>>, vector<16xf32>,
        %mul3A_546 = arith.mulf %get3A_188, %get3A_545 : vector<16xf32>
        %add3A_547 = arith.addf %mul3A_542, %mul3A_546 : vector<16xf32>
        %get3A_548 = arith.index_cast %add3A_538 : i32 to index
        %get3A_549 = arith.constant 32 : index
        %get3A_550 = tpu.vector_load %arg12[%get3A_548, %get3A_549] {strides = array<i32>} : memref<104x128xf32, #tpu.memory_space<vmem>>, vector<16xf32>,
        %mul3A_551 = arith.mulf %get3A_191, %get3A_550 : vector<16xf32>
        %add3A_552 = arith.addf %add3A_547, %mul3A_551 : vector<16xf32>
        %get3A_553 = arith.index_cast %add3A_538 : i32 to index
        %get3A_554 = arith.constant 48 : index
        %get3A_555 = tpu.vector_load %arg12[%get3A_553, %get3A_554] {strides = array<i32>} : memref<104x128xf32, #tpu.memory_space<vmem>>, vector<16xf32>,
        %mul3A_556 = arith.mulf %get3A_194, %get3A_555 : vector<16xf32>
        %add3A_557 = arith.addf %add3A_552, %mul3A_556 : vector<16xf32>
        %get3A_558 = arith.index_cast %add3A_538 : i32 to index
        %get3A_559 = arith.constant 64 : index
        %get3A_560 = tpu.vector_load %arg12[%get3A_558, %get3A_559] {strides = array<i32>} : memref<104x128xf32, #tpu.memory_space<vmem>>, vector<16xf32>,
        %mul3A_561 = arith.mulf %get3A_197, %get3A_560 : vector<16xf32>
        %add3A_562 = arith.addf %add3A_557, %mul3A_561 : vector<16xf32>
        %get3A_563 = arith.index_cast %add3A_538 : i32 to index
        %get3A_564 = arith.constant 80 : index
        %get3A_565 = tpu.vector_load %arg12[%get3A_563, %get3A_564] {strides = array<i32>} : memref<104x128xf32, #tpu.memory_space<vmem>>, vector<16xf32>,
        %mul3A_566 = arith.mulf %get3A_200, %get3A_565 : vector<16xf32>
        %add3A_567 = arith.addf %add3A_562, %mul3A_566 : vector<16xf32>
        %get3A_568 = arith.index_cast %add3A_538 : i32 to index
        %get3A_569 = arith.constant 96 : index
        %get3A_570 = tpu.vector_load %arg12[%get3A_568, %get3A_569] {strides = array<i32>} : memref<104x128xf32, #tpu.memory_space<vmem>>, vector<16xf32>,
        %mul3A_571 = arith.mulf %get3A_203, %get3A_570 : vector<16xf32>
        %add3A_572 = arith.addf %add3A_567, %mul3A_571 : vector<16xf32>
        %get3A_573 = arith.index_cast %add3A_538 : i32 to index
        %get3A_574 = arith.constant 112 : index
        %get3A_575 = tpu.vector_load %arg12[%get3A_573, %get3A_574] {strides = array<i32>} : memref<104x128xf32, #tpu.memory_space<vmem>>, vector<16xf32>,
        %mul3A_576 = arith.mulf %get3A_206, %get3A_575 : vector<16xf32>
        %add3A_577 = arith.addf %add3A_572, %mul3A_576 : vector<16xf32>
        %mul3A_578 = arith.constant 17 : i32
        %mul3A_579 = arith.muli %add3A_538, %mul3A_578 : i32
        %swap3A_580 = arith.index_cast %mul3A_579 : i32 to index
        %swap3A_581 = tpu.vector_load %arg14[%swap3A_580] {strides = array<i32>} : memref<1904xf32, #tpu.memory_space<vmem>>, vector<16xf32>,
        tpu.vector_store %arg14[%swap3A_580], %add3A_577 {strides = array<i32>} : memref<1904xf32, #tpu.memory_space<vmem>>, vector<16xf32>,
        %mul3A_582 = arith.constant 26 : i32
        %mul3A_583 = arith.muli %scan3A_180, %mul3A_582 : i32
        %add3A_584 = arith.constant 8 : i32
        %add3A_585 = arith.addi %mul3A_583, %add3A_584 : i32
        %get3A_586 = arith.index_cast %add3A_585 : i32 to index
        %get3A_587 = arith.constant 0 : index
        %get3A_588 = tpu.vector_load %arg12[%get3A_586, %get3A_587] {strides = array<i32>} : memref<104x128xf32, #tpu.memory_space<vmem>>, vector<16xf32>,
        %mul3A_589 = arith.mulf %get3A_185, %get3A_588 : vector<16xf32>
        %get3A_590 = arith.index_cast %add3A_585 : i32 to index
        %get3A_591 = arith.constant 16 : index
        %get3A_592 = tpu.vector_load %arg12[%get3A_590, %get3A_591] {strides = array<i32>} : memref<104x128xf32, #tpu.memory_space<vmem>>, vector<16xf32>,
        %mul3A_593 = arith.mulf %get3A_188, %get3A_592 : vector<16xf32>
        %add3A_594 = arith.addf %mul3A_589, %mul3A_593 : vector<16xf32>
        %get3A_595 = arith.index_cast %add3A_585 : i32 to index
        %get3A_596 = arith.constant 32 : index
        %get3A_597 = tpu.vector_load %arg12[%get3A_595, %get3A_596] {strides = array<i32>} : memref<104x128xf32, #tpu.memory_space<vmem>>, vector<16xf32>,
        %mul3A_598 = arith.mulf %get3A_191, %get3A_597 : vector<16xf32>
        %add3A_599 = arith.addf %add3A_594, %mul3A_598 : vector<16xf32>
        %get3A_600 = arith.index_cast %add3A_585 : i32 to index
        %get3A_601 = arith.constant 48 : index
        %get3A_602 = tpu.vector_load %arg12[%get3A_600, %get3A_601] {strides = array<i32>} : memref<104x128xf32, #tpu.memory_space<vmem>>, vector<16xf32>,
        %mul3A_603 = arith.mulf %get3A_194, %get3A_602 : vector<16xf32>
        %add3A_604 = arith.addf %add3A_599, %mul3A_603 : vector<16xf32>
        %get3A_605 = arith.index_cast %add3A_585 : i32 to index
        %get3A_606 = arith.constant 64 : index
        %get3A_607 = tpu.vector_load %arg12[%get3A_605, %get3A_606] {strides = array<i32>} : memref<104x128xf32, #tpu.memory_space<vmem>>, vector<16xf32>,
        %mul3A_608 = arith.mulf %get3A_197, %get3A_607 : vector<16xf32>
        %add3A_609 = arith.addf %add3A_604, %mul3A_608 : vector<16xf32>
        %get3A_610 = arith.index_cast %add3A_585 : i32 to index
        %get3A_611 = arith.constant 80 : index
        %get3A_612 = tpu.vector_load %arg12[%get3A_610, %get3A_611] {strides = array<i32>} : memref<104x128xf32, #tpu.memory_space<vmem>>, vector<16xf32>,
        %mul3A_613 = arith.mulf %get3A_200, %get3A_612 : vector<16xf32>
        %add3A_614 = arith.addf %add3A_609, %mul3A_613 : vector<16xf32>
        %get3A_615 = arith.index_cast %add3A_585 : i32 to index
        %get3A_616 = arith.constant 96 : index
        %get3A_617 = tpu.vector_load %arg12[%get3A_615, %get3A_616] {strides = array<i32>} : memref<104x128xf32, #tpu.memory_space<vmem>>, vector<16xf32>,
        %mul3A_618 = arith.mulf %get3A_203, %get3A_617 : vector<16xf32>
        %add3A_619 = arith.addf %add3A_614, %mul3A_618 : vector<16xf32>
        %get3A_620 = arith.index_cast %add3A_585 : i32 to index
        %get3A_621 = arith.constant 112 : index
        %get3A_622 = tpu.vector_load %arg12[%get3A_620, %get3A_621] {strides = array<i32>} : memref<104x128xf32, #tpu.memory_space<vmem>>, vector<16xf32>,
        %mul3A_623 = arith.mulf %get3A_206, %get3A_622 : vector<16xf32>
        %add3A_624 = arith.addf %add3A_619, %mul3A_623 : vector<16xf32>
        %mul3A_625 = arith.constant 17 : i32
        %mul3A_626 = arith.muli %add3A_585, %mul3A_625 : i32
        %swap3A_627 = arith.index_cast %mul3A_626 : i32 to index
        %swap3A_628 = tpu.vector_load %arg14[%swap3A_627] {strides = array<i32>} : memref<1904xf32, #tpu.memory_space<vmem>>, vector<16xf32>,
        tpu.vector_store %arg14[%swap3A_627], %add3A_624 {strides = array<i32>} : memref<1904xf32, #tpu.memory_space<vmem>>, vector<16xf32>,
        %mul3A_629 = arith.constant 26 : i32
        %mul3A_630 = arith.muli %scan3A_180, %mul3A_629 : i32
        %add3A_631 = arith.constant 9 : i32
        %add3A_632 = arith.addi %mul3A_630, %add3A_631 : i32
        %get3A_633 = arith.index_cast %add3A_632 : i32 to index
        %get3A_634 = arith.constant 0 : index
        %get3A_635 = tpu.vector_load %arg12[%get3A_633, %get3A_634] {strides = array<i32>} : memref<104x128xf32, #tpu.memory_space<vmem>>, vector<16xf32>,
        %mul3A_636 = arith.mulf %get3A_185, %get3A_635 : vector<16xf32>
        %get3A_637 = arith.index_cast %add3A_632 : i32 to index
        %get3A_638 = arith.constant 16 : index
        %get3A_639 = tpu.vector_load %arg12[%get3A_637, %get3A_638] {strides = array<i32>} : memref<104x128xf32, #tpu.memory_space<vmem>>, vector<16xf32>,
        %mul3A_640 = arith.mulf %get3A_188, %get3A_639 : vector<16xf32>
        %add3A_641 = arith.addf %mul3A_636, %mul3A_640 : vector<16xf32>
        %get3A_642 = arith.index_cast %add3A_632 : i32 to index
        %get3A_643 = arith.constant 32 : index
        %get3A_644 = tpu.vector_load %arg12[%get3A_642, %get3A_643] {strides = array<i32>} : memref<104x128xf32, #tpu.memory_space<vmem>>, vector<16xf32>,
        %mul3A_645 = arith.mulf %get3A_191, %get3A_644 : vector<16xf32>
        %add3A_646 = arith.addf %add3A_641, %mul3A_645 : vector<16xf32>
        %get3A_647 = arith.index_cast %add3A_632 : i32 to index
        %get3A_648 = arith.constant 48 : index
        %get3A_649 = tpu.vector_load %arg12[%get3A_647, %get3A_648] {strides = array<i32>} : memref<104x128xf32, #tpu.memory_space<vmem>>, vector<16xf32>,
        %mul3A_650 = arith.mulf %get3A_194, %get3A_649 : vector<16xf32>
        %add3A_651 = arith.addf %add3A_646, %mul3A_650 : vector<16xf32>
        %get3A_652 = arith.index_cast %add3A_632 : i32 to index
        %get3A_653 = arith.constant 64 : index
        %get3A_654 = tpu.vector_load %arg12[%get3A_652, %get3A_653] {strides = array<i32>} : memref<104x128xf32, #tpu.memory_space<vmem>>, vector<16xf32>,
        %mul3A_655 = arith.mulf %get3A_197, %get3A_654 : vector<16xf32>
        %add3A_656 = arith.addf %add3A_651, %mul3A_655 : vector<16xf32>
        %get3A_657 = arith.index_cast %add3A_632 : i32 to index
        %get3A_658 = arith.constant 80 : index
        %get3A_659 = tpu.vector_load %arg12[%get3A_657, %get3A_658] {strides = array<i32>} : memref<104x128xf32, #tpu.memory_space<vmem>>, vector<16xf32>,
        %mul3A_660 = arith.mulf %get3A_200, %get3A_659 : vector<16xf32>
        %add3A_661 = arith.addf %add3A_656, %mul3A_660 : vector<16xf32>
        %get3A_662 = arith.index_cast %add3A_632 : i32 to index
        %get3A_663 = arith.constant 96 : index
        %get3A_664 = tpu.vector_load %arg12[%get3A_662, %get3A_663] {strides = array<i32>} : memref<104x128xf32, #tpu.memory_space<vmem>>, vector<16xf32>,
        %mul3A_665 = arith.mulf %get3A_203, %get3A_664 : vector<16xf32>
        %add3A_666 = arith.addf %add3A_661, %mul3A_665 : vector<16xf32>
        %get3A_667 = arith.index_cast %add3A_632 : i32 to index
        %get3A_668 = arith.constant 112 : index
        %get3A_669 = tpu.vector_load %arg12[%get3A_667, %get3A_668] {strides = array<i32>} : memref<104x128xf32, #tpu.memory_space<vmem>>, vector<16xf32>,
        %mul3A_670 = arith.mulf %get3A_206, %get3A_669 : vector<16xf32>
        %add3A_671 = arith.addf %add3A_666, %mul3A_670 : vector<16xf32>
        %mul3A_672 = arith.constant 17 : i32
        %mul3A_673 = arith.muli %add3A_632, %mul3A_672 : i32
        %swap3A_674 = arith.index_cast %mul3A_673 : i32 to index
        %swap3A_675 = tpu.vector_load %arg14[%swap3A_674] {strides = array<i32>} : memref<1904xf32, #tpu.memory_space<vmem>>, vector<16xf32>,
        tpu.vector_store %arg14[%swap3A_674], %add3A_671 {strides = array<i32>} : memref<1904xf32, #tpu.memory_space<vmem>>, vector<16xf32>,
        %mul3A_676 = arith.constant 26 : i32
        %mul3A_677 = arith.muli %scan3A_180, %mul3A_676 : i32
        %add3A_678 = arith.constant 10 : i32
        %add3A_679 = arith.addi %mul3A_677, %add3A_678 : i32
        %get3A_680 = arith.index_cast %add3A_679 : i32 to index
        %get3A_681 = arith.constant 0 : index
        %get3A_682 = tpu.vector_load %arg12[%get3A_680, %get3A_681] {strides = array<i32>} : memref<104x128xf32, #tpu.memory_space<vmem>>, vector<16xf32>,
        %mul3A_683 = arith.mulf %get3A_185, %get3A_682 : vector<16xf32>
        %get3A_684 = arith.index_cast %add3A_679 : i32 to index
        %get3A_685 = arith.constant 16 : index
        %get3A_686 = tpu.vector_load %arg12[%get3A_684, %get3A_685] {strides = array<i32>} : memref<104x128xf32, #tpu.memory_space<vmem>>, vector<16xf32>,
        %mul3A_687 = arith.mulf %get3A_188, %get3A_686 : vector<16xf32>
        %add3A_688 = arith.addf %mul3A_683, %mul3A_687 : vector<16xf32>
        %get3A_689 = arith.index_cast %add3A_679 : i32 to index
        %get3A_690 = arith.constant 32 : index
        %get3A_691 = tpu.vector_load %arg12[%get3A_689, %get3A_690] {strides = array<i32>} : memref<104x128xf32, #tpu.memory_space<vmem>>, vector<16xf32>,
        %mul3A_692 = arith.mulf %get3A_191, %get3A_691 : vector<16xf32>
        %add3A_693 = arith.addf %add3A_688, %mul3A_692 : vector<16xf32>
        %get3A_694 = arith.index_cast %add3A_679 : i32 to index
        %get3A_695 = arith.constant 48 : index
        %get3A_696 = tpu.vector_load %arg12[%get3A_694, %get3A_695] {strides = array<i32>} : memref<104x128xf32, #tpu.memory_space<vmem>>, vector<16xf32>,
        %mul3A_697 = arith.mulf %get3A_194, %get3A_696 : vector<16xf32>
        %add3A_698 = arith.addf %add3A_693, %mul3A_697 : vector<16xf32>
        %get3A_699 = arith.index_cast %add3A_679 : i32 to index
        %get3A_700 = arith.constant 64 : index
        %get3A_701 = tpu.vector_load %arg12[%get3A_699, %get3A_700] {strides = array<i32>} : memref<104x128xf32, #tpu.memory_space<vmem>>, vector<16xf32>,
        %mul3A_702 = arith.mulf %get3A_197, %get3A_701 : vector<16xf32>
        %add3A_703 = arith.addf %add3A_698, %mul3A_702 : vector<16xf32>
        %get3A_704 = arith.index_cast %add3A_679 : i32 to index
        %get3A_705 = arith.constant 80 : index
        %get3A_706 = tpu.vector_load %arg12[%get3A_704, %get3A_705] {strides = array<i32>} : memref<104x128xf32, #tpu.memory_space<vmem>>, vector<16xf32>,
        %mul3A_707 = arith.mulf %get3A_200, %get3A_706 : vector<16xf32>
        %add3A_708 = arith.addf %add3A_703, %mul3A_707 : vector<16xf32>
        %get3A_709 = arith.index_cast %add3A_679 : i32 to index
        %get3A_710 = arith.constant 96 : index
        %get3A_711 = tpu.vector_load %arg12[%get3A_709, %get3A_710] {strides = array<i32>} : memref<104x128xf32, #tpu.memory_space<vmem>>, vector<16xf32>,
        %mul3A_712 = arith.mulf %get3A_203, %get3A_711 : vector<16xf32>
        %add3A_713 = arith.addf %add3A_708, %mul3A_712 : vector<16xf32>
        %get3A_714 = arith.index_cast %add3A_679 : i32 to index
        %get3A_715 = arith.constant 112 : index
        %get3A_716 = tpu.vector_load %arg12[%get3A_714, %get3A_715] {strides = array<i32>} : memref<104x128xf32, #tpu.memory_space<vmem>>, vector<16xf32>,
        %mul3A_717 = arith.mulf %get3A_206, %get3A_716 : vector<16xf32>
        %add3A_718 = arith.addf %add3A_713, %mul3A_717 : vector<16xf32>
        %mul3A_719 = arith.constant 17 : i32
        %mul3A_720 = arith.muli %add3A_679, %mul3A_719 : i32
        %swap3A_721 = arith.index_cast %mul3A_720 : i32 to index
        %swap3A_722 = tpu.vector_load %arg14[%swap3A_721] {strides = array<i32>} : memref<1904xf32, #tpu.memory_space<vmem>>, vector<16xf32>,
        tpu.vector_store %arg14[%swap3A_721], %add3A_718 {strides = array<i32>} : memref<1904xf32, #tpu.memory_space<vmem>>, vector<16xf32>,
        %mul3A_723 = arith.constant 26 : i32
        %mul3A_724 = arith.muli %scan3A_180, %mul3A_723 : i32
        %add3A_725 = arith.constant 11 : i32
        %add3A_726 = arith.addi %mul3A_724, %add3A_725 : i32
        %get3A_727 = arith.index_cast %add3A_726 : i32 to index
        %get3A_728 = arith.constant 0 : index
        %get3A_729 = tpu.vector_load %arg12[%get3A_727, %get3A_728] {strides = array<i32>} : memref<104x128xf32, #tpu.memory_space<vmem>>, vector<16xf32>,
        %mul3A_730 = arith.mulf %get3A_185, %get3A_729 : vector<16xf32>
        %get3A_731 = arith.index_cast %add3A_726 : i32 to index
        %get3A_732 = arith.constant 16 : index
        %get3A_733 = tpu.vector_load %arg12[%get3A_731, %get3A_732] {strides = array<i32>} : memref<104x128xf32, #tpu.memory_space<vmem>>, vector<16xf32>,
        %mul3A_734 = arith.mulf %get3A_188, %get3A_733 : vector<16xf32>
        %add3A_735 = arith.addf %mul3A_730, %mul3A_734 : vector<16xf32>
        %get3A_736 = arith.index_cast %add3A_726 : i32 to index
        %get3A_737 = arith.constant 32 : index
        %get3A_738 = tpu.vector_load %arg12[%get3A_736, %get3A_737] {strides = array<i32>} : memref<104x128xf32, #tpu.memory_space<vmem>>, vector<16xf32>,
        %mul3A_739 = arith.mulf %get3A_191, %get3A_738 : vector<16xf32>
        %add3A_740 = arith.addf %add3A_735, %mul3A_739 : vector<16xf32>
        %get3A_741 = arith.index_cast %add3A_726 : i32 to index
        %get3A_742 = arith.constant 48 : index
        %get3A_743 = tpu.vector_load %arg12[%get3A_741, %get3A_742] {strides = array<i32>} : memref<104x128xf32, #tpu.memory_space<vmem>>, vector<16xf32>,
        %mul3A_744 = arith.mulf %get3A_194, %get3A_743 : vector<16xf32>
        %add3A_745 = arith.addf %add3A_740, %mul3A_744 : vector<16xf32>
        %get3A_746 = arith.index_cast %add3A_726 : i32 to index
        %get3A_747 = arith.constant 64 : index
        %get3A_748 = tpu.vector_load %arg12[%get3A_746, %get3A_747] {strides = array<i32>} : memref<104x128xf32, #tpu.memory_space<vmem>>, vector<16xf32>,
        %mul3A_749 = arith.mulf %get3A_197, %get3A_748 : vector<16xf32>
        %add3A_750 = arith.addf %add3A_745, %mul3A_749 : vector<16xf32>
        %get3A_751 = arith.index_cast %add3A_726 : i32 to index
        %get3A_752 = arith.constant 80 : index
        %get3A_753 = tpu.vector_load %arg12[%get3A_751, %get3A_752] {strides = array<i32>} : memref<104x128xf32, #tpu.memory_space<vmem>>, vector<16xf32>,
        %mul3A_754 = arith.mulf %get3A_200, %get3A_753 : vector<16xf32>
        %add3A_755 = arith.addf %add3A_750, %mul3A_754 : vector<16xf32>
        %get3A_756 = arith.index_cast %add3A_726 : i32 to index
        %get3A_757 = arith.constant 96 : index
        %get3A_758 = tpu.vector_load %arg12[%get3A_756, %get3A_757] {strides = array<i32>} : memref<104x128xf32, #tpu.memory_space<vmem>>, vector<16xf32>,
        %mul3A_759 = arith.mulf %get3A_203, %get3A_758 : vector<16xf32>
        %add3A_760 = arith.addf %add3A_755, %mul3A_759 : vector<16xf32>
        %get3A_761 = arith.index_cast %add3A_726 : i32 to index
        %get3A_762 = arith.constant 112 : index
        %get3A_763 = tpu.vector_load %arg12[%get3A_761, %get3A_762] {strides = array<i32>} : memref<104x128xf32, #tpu.memory_space<vmem>>, vector<16xf32>,
        %mul3A_764 = arith.mulf %get3A_206, %get3A_763 : vector<16xf32>
        %add3A_765 = arith.addf %add3A_760, %mul3A_764 : vector<16xf32>
        %mul3A_766 = arith.constant 17 : i32
        %mul3A_767 = arith.muli %add3A_726, %mul3A_766 : i32
        %swap3A_768 = arith.index_cast %mul3A_767 : i32 to index
        %swap3A_769 = tpu.vector_load %arg14[%swap3A_768] {strides = array<i32>} : memref<1904xf32, #tpu.memory_space<vmem>>, vector<16xf32>,
        tpu.vector_store %arg14[%swap3A_768], %add3A_765 {strides = array<i32>} : memref<1904xf32, #tpu.memory_space<vmem>>, vector<16xf32>,
        %mul3A_770 = arith.constant 26 : i32
        %mul3A_771 = arith.muli %scan3A_180, %mul3A_770 : i32
        %add3A_772 = arith.constant 12 : i32
        %add3A_773 = arith.addi %mul3A_771, %add3A_772 : i32
        %get3A_774 = arith.index_cast %add3A_773 : i32 to index
        %get3A_775 = arith.constant 0 : index
        %get3A_776 = tpu.vector_load %arg12[%get3A_774, %get3A_775] {strides = array<i32>} : memref<104x128xf32, #tpu.memory_space<vmem>>, vector<16xf32>,
        %mul3A_777 = arith.mulf %get3A_185, %get3A_776 : vector<16xf32>
        %get3A_778 = arith.index_cast %add3A_773 : i32 to index
        %get3A_779 = arith.constant 16 : index
        %get3A_780 = tpu.vector_load %arg12[%get3A_778, %get3A_779] {strides = array<i32>} : memref<104x128xf32, #tpu.memory_space<vmem>>, vector<16xf32>,
        %mul3A_781 = arith.mulf %get3A_188, %get3A_780 : vector<16xf32>
        %add3A_782 = arith.addf %mul3A_777, %mul3A_781 : vector<16xf32>
        %get3A_783 = arith.index_cast %add3A_773 : i32 to index
        %get3A_784 = arith.constant 32 : index
        %get3A_785 = tpu.vector_load %arg12[%get3A_783, %get3A_784] {strides = array<i32>} : memref<104x128xf32, #tpu.memory_space<vmem>>, vector<16xf32>,
        %mul3A_786 = arith.mulf %get3A_191, %get3A_785 : vector<16xf32>
        %add3A_787 = arith.addf %add3A_782, %mul3A_786 : vector<16xf32>
        %get3A_788 = arith.index_cast %add3A_773 : i32 to index
        %get3A_789 = arith.constant 48 : index
        %get3A_790 = tpu.vector_load %arg12[%get3A_788, %get3A_789] {strides = array<i32>} : memref<104x128xf32, #tpu.memory_space<vmem>>, vector<16xf32>,
        %mul3A_791 = arith.mulf %get3A_194, %get3A_790 : vector<16xf32>
        %add3A_792 = arith.addf %add3A_787, %mul3A_791 : vector<16xf32>
        %get3A_793 = arith.index_cast %add3A_773 : i32 to index
        %get3A_794 = arith.constant 64 : index
        %get3A_795 = tpu.vector_load %arg12[%get3A_793, %get3A_794] {strides = array<i32>} : memref<104x128xf32, #tpu.memory_space<vmem>>, vector<16xf32>,
        %mul3A_796 = arith.mulf %get3A_197, %get3A_795 : vector<16xf32>
        %add3A_797 = arith.addf %add3A_792, %mul3A_796 : vector<16xf32>
        %get3A_798 = arith.index_cast %add3A_773 : i32 to index
        %get3A_799 = arith.constant 80 : index
        %get3A_800 = tpu.vector_load %arg12[%get3A_798, %get3A_799] {strides = array<i32>} : memref<104x128xf32, #tpu.memory_space<vmem>>, vector<16xf32>,
        %mul3A_801 = arith.mulf %get3A_200, %get3A_800 : vector<16xf32>
        %add3A_802 = arith.addf %add3A_797, %mul3A_801 : vector<16xf32>
        %get3A_803 = arith.index_cast %add3A_773 : i32 to index
        %get3A_804 = arith.constant 96 : index
        %get3A_805 = tpu.vector_load %arg12[%get3A_803, %get3A_804] {strides = array<i32>} : memref<104x128xf32, #tpu.memory_space<vmem>>, vector<16xf32>,
        %mul3A_806 = arith.mulf %get3A_203, %get3A_805 : vector<16xf32>
        %add3A_807 = arith.addf %add3A_802, %mul3A_806 : vector<16xf32>
        %get3A_808 = arith.index_cast %add3A_773 : i32 to index
        %get3A_809 = arith.constant 112 : index
        %get3A_810 = tpu.vector_load %arg12[%get3A_808, %get3A_809] {strides = array<i32>} : memref<104x128xf32, #tpu.memory_space<vmem>>, vector<16xf32>,
        %mul3A_811 = arith.mulf %get3A_206, %get3A_810 : vector<16xf32>
        %add3A_812 = arith.addf %add3A_807, %mul3A_811 : vector<16xf32>
        %mul3A_813 = arith.constant 17 : i32
        %mul3A_814 = arith.muli %add3A_773, %mul3A_813 : i32
        %swap3A_815 = arith.index_cast %mul3A_814 : i32 to index
        %swap3A_816 = tpu.vector_load %arg14[%swap3A_815] {strides = array<i32>} : memref<1904xf32, #tpu.memory_space<vmem>>, vector<16xf32>,
        tpu.vector_store %arg14[%swap3A_815], %add3A_812 {strides = array<i32>} : memref<1904xf32, #tpu.memory_space<vmem>>, vector<16xf32>,
        %mul3A_817 = arith.constant 26 : i32
        %mul3A_818 = arith.muli %scan3A_180, %mul3A_817 : i32
        %add3A_819 = arith.constant 13 : i32
        %add3A_820 = arith.addi %mul3A_818, %add3A_819 : i32
        %get3A_821 = arith.index_cast %add3A_820 : i32 to index
        %get3A_822 = arith.constant 0 : index
        %get3A_823 = tpu.vector_load %arg12[%get3A_821, %get3A_822] {strides = array<i32>} : memref<104x128xf32, #tpu.memory_space<vmem>>, vector<16xf32>,
        %mul3A_824 = arith.mulf %get3A_185, %get3A_823 : vector<16xf32>
        %get3A_825 = arith.index_cast %add3A_820 : i32 to index
        %get3A_826 = arith.constant 16 : index
        %get3A_827 = tpu.vector_load %arg12[%get3A_825, %get3A_826] {strides = array<i32>} : memref<104x128xf32, #tpu.memory_space<vmem>>, vector<16xf32>,
        %mul3A_828 = arith.mulf %get3A_188, %get3A_827 : vector<16xf32>
        %add3A_829 = arith.addf %mul3A_824, %mul3A_828 : vector<16xf32>
        %get3A_830 = arith.index_cast %add3A_820 : i32 to index
        %get3A_831 = arith.constant 32 : index
        %get3A_832 = tpu.vector_load %arg12[%get3A_830, %get3A_831] {strides = array<i32>} : memref<104x128xf32, #tpu.memory_space<vmem>>, vector<16xf32>,
        %mul3A_833 = arith.mulf %get3A_191, %get3A_832 : vector<16xf32>
        %add3A_834 = arith.addf %add3A_829, %mul3A_833 : vector<16xf32>
        %get3A_835 = arith.index_cast %add3A_820 : i32 to index
        %get3A_836 = arith.constant 48 : index
        %get3A_837 = tpu.vector_load %arg12[%get3A_835, %get3A_836] {strides = array<i32>} : memref<104x128xf32, #tpu.memory_space<vmem>>, vector<16xf32>,
        %mul3A_838 = arith.mulf %get3A_194, %get3A_837 : vector<16xf32>
        %add3A_839 = arith.addf %add3A_834, %mul3A_838 : vector<16xf32>
        %get3A_840 = arith.index_cast %add3A_820 : i32 to index
        %get3A_841 = arith.constant 64 : index
        %get3A_842 = tpu.vector_load %arg12[%get3A_840, %get3A_841] {strides = array<i32>} : memref<104x128xf32, #tpu.memory_space<vmem>>, vector<16xf32>,
        %mul3A_843 = arith.mulf %get3A_197, %get3A_842 : vector<16xf32>
        %add3A_844 = arith.addf %add3A_839, %mul3A_843 : vector<16xf32>
        %get3A_845 = arith.index_cast %add3A_820 : i32 to index
        %get3A_846 = arith.constant 80 : index
        %get3A_847 = tpu.vector_load %arg12[%get3A_845, %get3A_846] {strides = array<i32>} : memref<104x128xf32, #tpu.memory_space<vmem>>, vector<16xf32>,
        %mul3A_848 = arith.mulf %get3A_200, %get3A_847 : vector<16xf32>
        %add3A_849 = arith.addf %add3A_844, %mul3A_848 : vector<16xf32>
        %get3A_850 = arith.index_cast %add3A_820 : i32 to index
        %get3A_851 = arith.constant 96 : index
        %get3A_852 = tpu.vector_load %arg12[%get3A_850, %get3A_851] {strides = array<i32>} : memref<104x128xf32, #tpu.memory_space<vmem>>, vector<16xf32>,
        %mul3A_853 = arith.mulf %get3A_203, %get3A_852 : vector<16xf32>
        %add3A_854 = arith.addf %add3A_849, %mul3A_853 : vector<16xf32>
        %get3A_855 = arith.index_cast %add3A_820 : i32 to index
        %get3A_856 = arith.constant 112 : index
        %get3A_857 = tpu.vector_load %arg12[%get3A_855, %get3A_856] {strides = array<i32>} : memref<104x128xf32, #tpu.memory_space<vmem>>, vector<16xf32>,
        %mul3A_858 = arith.mulf %get3A_206, %get3A_857 : vector<16xf32>
        %add3A_859 = arith.addf %add3A_854, %mul3A_858 : vector<16xf32>
        %mul3A_860 = arith.constant 17 : i32
        %mul3A_861 = arith.muli %add3A_820, %mul3A_860 : i32
        %swap3A_862 = arith.index_cast %mul3A_861 : i32 to index
        %swap3A_863 = tpu.vector_load %arg14[%swap3A_862] {strides = array<i32>} : memref<1904xf32, #tpu.memory_space<vmem>>, vector<16xf32>,
        tpu.vector_store %arg14[%swap3A_862], %add3A_859 {strides = array<i32>} : memref<1904xf32, #tpu.memory_space<vmem>>, vector<16xf32>,
        %mul3A_864 = arith.constant 26 : i32
        %mul3A_865 = arith.muli %scan3A_180, %mul3A_864 : i32
        %add3A_866 = arith.constant 14 : i32
        %add3A_867 = arith.addi %mul3A_865, %add3A_866 : i32
        %get3A_868 = arith.index_cast %add3A_867 : i32 to index
        %get3A_869 = arith.constant 0 : index
        %get3A_870 = tpu.vector_load %arg12[%get3A_868, %get3A_869] {strides = array<i32>} : memref<104x128xf32, #tpu.memory_space<vmem>>, vector<16xf32>,
        %mul3A_871 = arith.mulf %get3A_185, %get3A_870 : vector<16xf32>
        %get3A_872 = arith.index_cast %add3A_867 : i32 to index
        %get3A_873 = arith.constant 16 : index
        %get3A_874 = tpu.vector_load %arg12[%get3A_872, %get3A_873] {strides = array<i32>} : memref<104x128xf32, #tpu.memory_space<vmem>>, vector<16xf32>,
        %mul3A_875 = arith.mulf %get3A_188, %get3A_874 : vector<16xf32>
        %add3A_876 = arith.addf %mul3A_871, %mul3A_875 : vector<16xf32>
        %get3A_877 = arith.index_cast %add3A_867 : i32 to index
        %get3A_878 = arith.constant 32 : index
        %get3A_879 = tpu.vector_load %arg12[%get3A_877, %get3A_878] {strides = array<i32>} : memref<104x128xf32, #tpu.memory_space<vmem>>, vector<16xf32>,
        %mul3A_880 = arith.mulf %get3A_191, %get3A_879 : vector<16xf32>
        %add3A_881 = arith.addf %add3A_876, %mul3A_880 : vector<16xf32>
        %get3A_882 = arith.index_cast %add3A_867 : i32 to index
        %get3A_883 = arith.constant 48 : index
        %get3A_884 = tpu.vector_load %arg12[%get3A_882, %get3A_883] {strides = array<i32>} : memref<104x128xf32, #tpu.memory_space<vmem>>, vector<16xf32>,
        %mul3A_885 = arith.mulf %get3A_194, %get3A_884 : vector<16xf32>
        %add3A_886 = arith.addf %add3A_881, %mul3A_885 : vector<16xf32>
        %get3A_887 = arith.index_cast %add3A_867 : i32 to index
        %get3A_888 = arith.constant 64 : index
        %get3A_889 = tpu.vector_load %arg12[%get3A_887, %get3A_888] {strides = array<i32>} : memref<104x128xf32, #tpu.memory_space<vmem>>, vector<16xf32>,
        %mul3A_890 = arith.mulf %get3A_197, %get3A_889 : vector<16xf32>
        %add3A_891 = arith.addf %add3A_886, %mul3A_890 : vector<16xf32>
        %get3A_892 = arith.index_cast %add3A_867 : i32 to index
        %get3A_893 = arith.constant 80 : index
        %get3A_894 = tpu.vector_load %arg12[%get3A_892, %get3A_893] {strides = array<i32>} : memref<104x128xf32, #tpu.memory_space<vmem>>, vector<16xf32>,
        %mul3A_895 = arith.mulf %get3A_200, %get3A_894 : vector<16xf32>
        %add3A_896 = arith.addf %add3A_891, %mul3A_895 : vector<16xf32>
        %get3A_897 = arith.index_cast %add3A_867 : i32 to index
        %get3A_898 = arith.constant 96 : index
        %get3A_899 = tpu.vector_load %arg12[%get3A_897, %get3A_898] {strides = array<i32>} : memref<104x128xf32, #tpu.memory_space<vmem>>, vector<16xf32>,
        %mul3A_900 = arith.mulf %get3A_203, %get3A_899 : vector<16xf32>
        %add3A_901 = arith.addf %add3A_896, %mul3A_900 : vector<16xf32>
        %get3A_902 = arith.index_cast %add3A_867 : i32 to index
        %get3A_903 = arith.constant 112 : index
        %get3A_904 = tpu.vector_load %arg12[%get3A_902, %get3A_903] {strides = array<i32>} : memref<104x128xf32, #tpu.memory_space<vmem>>, vector<16xf32>,
        %mul3A_905 = arith.mulf %get3A_206, %get3A_904 : vector<16xf32>
        %add3A_906 = arith.addf %add3A_901, %mul3A_905 : vector<16xf32>
        %mul3A_907 = arith.constant 17 : i32
        %mul3A_908 = arith.muli %add3A_867, %mul3A_907 : i32
        %swap3A_909 = arith.index_cast %mul3A_908 : i32 to index
        %swap3A_910 = tpu.vector_load %arg14[%swap3A_909] {strides = array<i32>} : memref<1904xf32, #tpu.memory_space<vmem>>, vector<16xf32>,
        tpu.vector_store %arg14[%swap3A_909], %add3A_906 {strides = array<i32>} : memref<1904xf32, #tpu.memory_space<vmem>>, vector<16xf32>,
        %mul3A_911 = arith.constant 26 : i32
        %mul3A_912 = arith.muli %scan3A_180, %mul3A_911 : i32
        %add3A_913 = arith.constant 15 : i32
        %add3A_914 = arith.addi %mul3A_912, %add3A_913 : i32
        %get3A_915 = arith.index_cast %add3A_914 : i32 to index
        %get3A_916 = arith.constant 0 : index
        %get3A_917 = tpu.vector_load %arg12[%get3A_915, %get3A_916] {strides = array<i32>} : memref<104x128xf32, #tpu.memory_space<vmem>>, vector<16xf32>,
        %mul3A_918 = arith.mulf %get3A_185, %get3A_917 : vector<16xf32>
        %get3A_919 = arith.index_cast %add3A_914 : i32 to index
        %get3A_920 = arith.constant 16 : index
        %get3A_921 = tpu.vector_load %arg12[%get3A_919, %get3A_920] {strides = array<i32>} : memref<104x128xf32, #tpu.memory_space<vmem>>, vector<16xf32>,
        %mul3A_922 = arith.mulf %get3A_188, %get3A_921 : vector<16xf32>
        %add3A_923 = arith.addf %mul3A_918, %mul3A_922 : vector<16xf32>
        %get3A_924 = arith.index_cast %add3A_914 : i32 to index
        %get3A_925 = arith.constant 32 : index
        %get3A_926 = tpu.vector_load %arg12[%get3A_924, %get3A_925] {strides = array<i32>} : memref<104x128xf32, #tpu.memory_space<vmem>>, vector<16xf32>,
        %mul3A_927 = arith.mulf %get3A_191, %get3A_926 : vector<16xf32>
        %add3A_928 = arith.addf %add3A_923, %mul3A_927 : vector<16xf32>
        %get3A_929 = arith.index_cast %add3A_914 : i32 to index
        %get3A_930 = arith.constant 48 : index
        %get3A_931 = tpu.vector_load %arg12[%get3A_929, %get3A_930] {strides = array<i32>} : memref<104x128xf32, #tpu.memory_space<vmem>>, vector<16xf32>,
        %mul3A_932 = arith.mulf %get3A_194, %get3A_931 : vector<16xf32>
        %add3A_933 = arith.addf %add3A_928, %mul3A_932 : vector<16xf32>
        %get3A_934 = arith.index_cast %add3A_914 : i32 to index
        %get3A_935 = arith.constant 64 : index
        %get3A_936 = tpu.vector_load %arg12[%get3A_934, %get3A_935] {strides = array<i32>} : memref<104x128xf32, #tpu.memory_space<vmem>>, vector<16xf32>,
        %mul3A_937 = arith.mulf %get3A_197, %get3A_936 : vector<16xf32>
        %add3A_938 = arith.addf %add3A_933, %mul3A_937 : vector<16xf32>
        %get3A_939 = arith.index_cast %add3A_914 : i32 to index
        %get3A_940 = arith.constant 80 : index
        %get3A_941 = tpu.vector_load %arg12[%get3A_939, %get3A_940] {strides = array<i32>} : memref<104x128xf32, #tpu.memory_space<vmem>>, vector<16xf32>,
        %mul3A_942 = arith.mulf %get3A_200, %get3A_941 : vector<16xf32>
        %add3A_943 = arith.addf %add3A_938, %mul3A_942 : vector<16xf32>
        %get3A_944 = arith.index_cast %add3A_914 : i32 to index
        %get3A_945 = arith.constant 96 : index
        %get3A_946 = tpu.vector_load %arg12[%get3A_944, %get3A_945] {strides = array<i32>} : memref<104x128xf32, #tpu.memory_space<vmem>>, vector<16xf32>,
        %mul3A_947 = arith.mulf %get3A_203, %get3A_946 : vector<16xf32>
        %add3A_948 = arith.addf %add3A_943, %mul3A_947 : vector<16xf32>
        %get3A_949 = arith.index_cast %add3A_914 : i32 to index
        %get3A_950 = arith.constant 112 : index
        %get3A_951 = tpu.vector_load %arg12[%get3A_949, %get3A_950] {strides = array<i32>} : memref<104x128xf32, #tpu.memory_space<vmem>>, vector<16xf32>,
        %mul3A_952 = arith.mulf %get3A_206, %get3A_951 : vector<16xf32>
        %add3A_953 = arith.addf %add3A_948, %mul3A_952 : vector<16xf32>
        %mul3A_954 = arith.constant 17 : i32
        %mul3A_955 = arith.muli %add3A_914, %mul3A_954 : i32
        %swap3A_956 = arith.index_cast %mul3A_955 : i32 to index
        %swap3A_957 = tpu.vector_load %arg14[%swap3A_956] {strides = array<i32>} : memref<1904xf32, #tpu.memory_space<vmem>>, vector<16xf32>,
        tpu.vector_store %arg14[%swap3A_956], %add3A_953 {strides = array<i32>} : memref<1904xf32, #tpu.memory_space<vmem>>, vector<16xf32>,
        %mul3A_958 = arith.constant 26 : i32
        %mul3A_959 = arith.muli %scan3A_180, %mul3A_958 : i32
        %add3A_960 = arith.constant 16 : i32
        %add3A_961 = arith.addi %mul3A_959, %add3A_960 : i32
        %get3A_962 = arith.index_cast %add3A_961 : i32 to index
        %get3A_963 = arith.constant 0 : index
        %get3A_964 = tpu.vector_load %arg12[%get3A_962, %get3A_963] {strides = array<i32>} : memref<104x128xf32, #tpu.memory_space<vmem>>, vector<16xf32>,
        %mul3A_965 = arith.mulf %get3A_185, %get3A_964 : vector<16xf32>
        %get3A_966 = arith.index_cast %add3A_961 : i32 to index
        %get3A_967 = arith.constant 16 : index
        %get3A_968 = tpu.vector_load %arg12[%get3A_966, %get3A_967] {strides = array<i32>} : memref<104x128xf32, #tpu.memory_space<vmem>>, vector<16xf32>,
        %mul3A_969 = arith.mulf %get3A_188, %get3A_968 : vector<16xf32>
        %add3A_970 = arith.addf %mul3A_965, %mul3A_969 : vector<16xf32>
        %get3A_971 = arith.index_cast %add3A_961 : i32 to index
        %get3A_972 = arith.constant 32 : index
        %get3A_973 = tpu.vector_load %arg12[%get3A_971, %get3A_972] {strides = array<i32>} : memref<104x128xf32, #tpu.memory_space<vmem>>, vector<16xf32>,
        %mul3A_974 = arith.mulf %get3A_191, %get3A_973 : vector<16xf32>
        %add3A_975 = arith.addf %add3A_970, %mul3A_974 : vector<16xf32>
        %get3A_976 = arith.index_cast %add3A_961 : i32 to index
        %get3A_977 = arith.constant 48 : index
        %get3A_978 = tpu.vector_load %arg12[%get3A_976, %get3A_977] {strides = array<i32>} : memref<104x128xf32, #tpu.memory_space<vmem>>, vector<16xf32>,
        %mul3A_979 = arith.mulf %get3A_194, %get3A_978 : vector<16xf32>
        %add3A_980 = arith.addf %add3A_975, %mul3A_979 : vector<16xf32>
        %get3A_981 = arith.index_cast %add3A_961 : i32 to index
        %get3A_982 = arith.constant 64 : index
        %get3A_983 = tpu.vector_load %arg12[%get3A_981, %get3A_982] {strides = array<i32>} : memref<104x128xf32, #tpu.memory_space<vmem>>, vector<16xf32>,
        %mul3A_984 = arith.mulf %get3A_197, %get3A_983 : vector<16xf32>
        %add3A_985 = arith.addf %add3A_980, %mul3A_984 : vector<16xf32>
        %get3A_986 = arith.index_cast %add3A_961 : i32 to index
        %get3A_987 = arith.constant 80 : index
        %get3A_988 = tpu.vector_load %arg12[%get3A_986, %get3A_987] {strides = array<i32>} : memref<104x128xf32, #tpu.memory_space<vmem>>, vector<16xf32>,
        %mul3A_989 = arith.mulf %get3A_200, %get3A_988 : vector<16xf32>
        %add3A_990 = arith.addf %add3A_985, %mul3A_989 : vector<16xf32>
        %get3A_991 = arith.index_cast %add3A_961 : i32 to index
        %get3A_992 = arith.constant 96 : index
        %get3A_993 = tpu.vector_load %arg12[%get3A_991, %get3A_992] {strides = array<i32>} : memref<104x128xf32, #tpu.memory_space<vmem>>, vector<16xf32>,
        %mul3A_994 = arith.mulf %get3A_203, %get3A_993 : vector<16xf32>
        %add3A_995 = arith.addf %add3A_990, %mul3A_994 : vector<16xf32>
        %get3A_996 = arith.index_cast %add3A_961 : i32 to index
        %get3A_997 = arith.constant 112 : index
        %get3A_998 = tpu.vector_load %arg12[%get3A_996, %get3A_997] {strides = array<i32>} : memref<104x128xf32, #tpu.memory_space<vmem>>, vector<16xf32>,
        %mul3A_999 = arith.mulf %get3A_206, %get3A_998 : vector<16xf32>
        %add3A_1000 = arith.addf %add3A_995, %mul3A_999 : vector<16xf32>
        %mul3A_1001 = arith.constant 17 : i32
        %mul3A_1002 = arith.muli %add3A_961, %mul3A_1001 : i32
        %swap3A_1003 = arith.index_cast %mul3A_1002 : i32 to index
        %swap3A_1004 = tpu.vector_load %arg14[%swap3A_1003] {strides = array<i32>} : memref<1904xf32, #tpu.memory_space<vmem>>, vector<16xf32>,
        tpu.vector_store %arg14[%swap3A_1003], %add3A_1000 {strides = array<i32>} : memref<1904xf32, #tpu.memory_space<vmem>>, vector<16xf32>,
        %mul3A_1005 = arith.constant 26 : i32
        %mul3A_1006 = arith.muli %scan3A_180, %mul3A_1005 : i32
        %add3A_1007 = arith.constant 17 : i32
        %add3A_1008 = arith.addi %mul3A_1006, %add3A_1007 : i32
        %get3A_1009 = arith.index_cast %add3A_1008 : i32 to index
        %get3A_1010 = arith.constant 0 : index
        %get3A_1011 = tpu.vector_load %arg12[%get3A_1009, %get3A_1010] {strides = array<i32>} : memref<104x128xf32, #tpu.memory_space<vmem>>, vector<16xf32>,
        %mul3A_1012 = arith.mulf %get3A_185, %get3A_1011 : vector<16xf32>
        %get3A_1013 = arith.index_cast %add3A_1008 : i32 to index
        %get3A_1014 = arith.constant 16 : index
        %get3A_1015 = tpu.vector_load %arg12[%get3A_1013, %get3A_1014] {strides = array<i32>} : memref<104x128xf32, #tpu.memory_space<vmem>>, vector<16xf32>,
        %mul3A_1016 = arith.mulf %get3A_188, %get3A_1015 : vector<16xf32>
        %add3A_1017 = arith.addf %mul3A_1012, %mul3A_1016 : vector<16xf32>
        %get3A_1018 = arith.index_cast %add3A_1008 : i32 to index
        %get3A_1019 = arith.constant 32 : index
        %get3A_1020 = tpu.vector_load %arg12[%get3A_1018, %get3A_1019] {strides = array<i32>} : memref<104x128xf32, #tpu.memory_space<vmem>>, vector<16xf32>,
        %mul3A_1021 = arith.mulf %get3A_191, %get3A_1020 : vector<16xf32>
        %add3A_1022 = arith.addf %add3A_1017, %mul3A_1021 : vector<16xf32>
        %get3A_1023 = arith.index_cast %add3A_1008 : i32 to index
        %get3A_1024 = arith.constant 48 : index
        %get3A_1025 = tpu.vector_load %arg12[%get3A_1023, %get3A_1024] {strides = array<i32>} : memref<104x128xf32, #tpu.memory_space<vmem>>, vector<16xf32>,
        %mul3A_1026 = arith.mulf %get3A_194, %get3A_1025 : vector<16xf32>
        %add3A_1027 = arith.addf %add3A_1022, %mul3A_1026 : vector<16xf32>
        %get3A_1028 = arith.index_cast %add3A_1008 : i32 to index
        %get3A_1029 = arith.constant 64 : index
        %get3A_1030 = tpu.vector_load %arg12[%get3A_1028, %get3A_1029] {strides = array<i32>} : memref<104x128xf32, #tpu.memory_space<vmem>>, vector<16xf32>,
        %mul3A_1031 = arith.mulf %get3A_197, %get3A_1030 : vector<16xf32>
        %add3A_1032 = arith.addf %add3A_1027, %mul3A_1031 : vector<16xf32>
        %get3A_1033 = arith.index_cast %add3A_1008 : i32 to index
        %get3A_1034 = arith.constant 80 : index
        %get3A_1035 = tpu.vector_load %arg12[%get3A_1033, %get3A_1034] {strides = array<i32>} : memref<104x128xf32, #tpu.memory_space<vmem>>, vector<16xf32>,
        %mul3A_1036 = arith.mulf %get3A_200, %get3A_1035 : vector<16xf32>
        %add3A_1037 = arith.addf %add3A_1032, %mul3A_1036 : vector<16xf32>
        %get3A_1038 = arith.index_cast %add3A_1008 : i32 to index
        %get3A_1039 = arith.constant 96 : index
        %get3A_1040 = tpu.vector_load %arg12[%get3A_1038, %get3A_1039] {strides = array<i32>} : memref<104x128xf32, #tpu.memory_space<vmem>>, vector<16xf32>,
        %mul3A_1041 = arith.mulf %get3A_203, %get3A_1040 : vector<16xf32>
        %add3A_1042 = arith.addf %add3A_1037, %mul3A_1041 : vector<16xf32>
        %get3A_1043 = arith.index_cast %add3A_1008 : i32 to index
        %get3A_1044 = arith.constant 112 : index
        %get3A_1045 = tpu.vector_load %arg12[%get3A_1043, %get3A_1044] {strides = array<i32>} : memref<104x128xf32, #tpu.memory_space<vmem>>, vector<16xf32>,
        %mul3A_1046 = arith.mulf %get3A_206, %get3A_1045 : vector<16xf32>
        %add3A_1047 = arith.addf %add3A_1042, %mul3A_1046 : vector<16xf32>
        %mul3A_1048 = arith.constant 17 : i32
        %mul3A_1049 = arith.muli %add3A_1008, %mul3A_1048 : i32
        %swap3A_1050 = arith.index_cast %mul3A_1049 : i32 to index
        %swap3A_1051 = tpu.vector_load %arg14[%swap3A_1050] {strides = array<i32>} : memref<1904xf32, #tpu.memory_space<vmem>>, vector<16xf32>,
        tpu.vector_store %arg14[%swap3A_1050], %add3A_1047 {strides = array<i32>} : memref<1904xf32, #tpu.memory_space<vmem>>, vector<16xf32>,
        %mul3A_1052 = arith.constant 26 : i32
        %mul3A_1053 = arith.muli %scan3A_180, %mul3A_1052 : i32
        %add3A_1054 = arith.constant 18 : i32
        %add3A_1055 = arith.addi %mul3A_1053, %add3A_1054 : i32
        %get3A_1056 = arith.index_cast %add3A_1055 : i32 to index
        %get3A_1057 = arith.constant 0 : index
        %get3A_1058 = tpu.vector_load %arg12[%get3A_1056, %get3A_1057] {strides = array<i32>} : memref<104x128xf32, #tpu.memory_space<vmem>>, vector<16xf32>,
        %mul3A_1059 = arith.mulf %get3A_185, %get3A_1058 : vector<16xf32>
        %get3A_1060 = arith.index_cast %add3A_1055 : i32 to index
        %get3A_1061 = arith.constant 16 : index
        %get3A_1062 = tpu.vector_load %arg12[%get3A_1060, %get3A_1061] {strides = array<i32>} : memref<104x128xf32, #tpu.memory_space<vmem>>, vector<16xf32>,
        %mul3A_1063 = arith.mulf %get3A_188, %get3A_1062 : vector<16xf32>
        %add3A_1064 = arith.addf %mul3A_1059, %mul3A_1063 : vector<16xf32>
        %get3A_1065 = arith.index_cast %add3A_1055 : i32 to index
        %get3A_1066 = arith.constant 32 : index
        %get3A_1067 = tpu.vector_load %arg12[%get3A_1065, %get3A_1066] {strides = array<i32>} : memref<104x128xf32, #tpu.memory_space<vmem>>, vector<16xf32>,
        %mul3A_1068 = arith.mulf %get3A_191, %get3A_1067 : vector<16xf32>
        %add3A_1069 = arith.addf %add3A_1064, %mul3A_1068 : vector<16xf32>
        %get3A_1070 = arith.index_cast %add3A_1055 : i32 to index
        %get3A_1071 = arith.constant 48 : index
        %get3A_1072 = tpu.vector_load %arg12[%get3A_1070, %get3A_1071] {strides = array<i32>} : memref<104x128xf32, #tpu.memory_space<vmem>>, vector<16xf32>,
        %mul3A_1073 = arith.mulf %get3A_194, %get3A_1072 : vector<16xf32>
        %add3A_1074 = arith.addf %add3A_1069, %mul3A_1073 : vector<16xf32>
        %get3A_1075 = arith.index_cast %add3A_1055 : i32 to index
        %get3A_1076 = arith.constant 64 : index
        %get3A_1077 = tpu.vector_load %arg12[%get3A_1075, %get3A_1076] {strides = array<i32>} : memref<104x128xf32, #tpu.memory_space<vmem>>, vector<16xf32>,
        %mul3A_1078 = arith.mulf %get3A_197, %get3A_1077 : vector<16xf32>
        %add3A_1079 = arith.addf %add3A_1074, %mul3A_1078 : vector<16xf32>
        %get3A_1080 = arith.index_cast %add3A_1055 : i32 to index
        %get3A_1081 = arith.constant 80 : index
        %get3A_1082 = tpu.vector_load %arg12[%get3A_1080, %get3A_1081] {strides = array<i32>} : memref<104x128xf32, #tpu.memory_space<vmem>>, vector<16xf32>,
        %mul3A_1083 = arith.mulf %get3A_200, %get3A_1082 : vector<16xf32>
        %add3A_1084 = arith.addf %add3A_1079, %mul3A_1083 : vector<16xf32>
        %get3A_1085 = arith.index_cast %add3A_1055 : i32 to index
        %get3A_1086 = arith.constant 96 : index
        %get3A_1087 = tpu.vector_load %arg12[%get3A_1085, %get3A_1086] {strides = array<i32>} : memref<104x128xf32, #tpu.memory_space<vmem>>, vector<16xf32>,
        %mul3A_1088 = arith.mulf %get3A_203, %get3A_1087 : vector<16xf32>
        %add3A_1089 = arith.addf %add3A_1084, %mul3A_1088 : vector<16xf32>
        %get3A_1090 = arith.index_cast %add3A_1055 : i32 to index
        %get3A_1091 = arith.constant 112 : index
        %get3A_1092 = tpu.vector_load %arg12[%get3A_1090, %get3A_1091] {strides = array<i32>} : memref<104x128xf32, #tpu.memory_space<vmem>>, vector<16xf32>,
        %mul3A_1093 = arith.mulf %get3A_206, %get3A_1092 : vector<16xf32>
        %add3A_1094 = arith.addf %add3A_1089, %mul3A_1093 : vector<16xf32>
        %mul3A_1095 = arith.constant 17 : i32
        %mul3A_1096 = arith.muli %add3A_1055, %mul3A_1095 : i32
        %swap3A_1097 = arith.index_cast %mul3A_1096 : i32 to index
        %swap3A_1098 = tpu.vector_load %arg14[%swap3A_1097] {strides = array<i32>} : memref<1904xf32, #tpu.memory_space<vmem>>, vector<16xf32>,
        tpu.vector_store %arg14[%swap3A_1097], %add3A_1094 {strides = array<i32>} : memref<1904xf32, #tpu.memory_space<vmem>>, vector<16xf32>,
        %mul3A_1099 = arith.constant 26 : i32
        %mul3A_1100 = arith.muli %scan3A_180, %mul3A_1099 : i32
        %add3A_1101 = arith.constant 19 : i32
        %add3A_1102 = arith.addi %mul3A_1100, %add3A_1101 : i32
        %get3A_1103 = arith.index_cast %add3A_1102 : i32 to index
        %get3A_1104 = arith.constant 0 : index
        %get3A_1105 = tpu.vector_load %arg12[%get3A_1103, %get3A_1104] {strides = array<i32>} : memref<104x128xf32, #tpu.memory_space<vmem>>, vector<16xf32>,
        %mul3A_1106 = arith.mulf %get3A_185, %get3A_1105 : vector<16xf32>
        %get3A_1107 = arith.index_cast %add3A_1102 : i32 to index
        %get3A_1108 = arith.constant 16 : index
        %get3A_1109 = tpu.vector_load %arg12[%get3A_1107, %get3A_1108] {strides = array<i32>} : memref<104x128xf32, #tpu.memory_space<vmem>>, vector<16xf32>,
        %mul3A_1110 = arith.mulf %get3A_188, %get3A_1109 : vector<16xf32>
        %add3A_1111 = arith.addf %mul3A_1106, %mul3A_1110 : vector<16xf32>
        %get3A_1112 = arith.index_cast %add3A_1102 : i32 to index
        %get3A_1113 = arith.constant 32 : index
        %get3A_1114 = tpu.vector_load %arg12[%get3A_1112, %get3A_1113] {strides = array<i32>} : memref<104x128xf32, #tpu.memory_space<vmem>>, vector<16xf32>,
        %mul3A_1115 = arith.mulf %get3A_191, %get3A_1114 : vector<16xf32>
        %add3A_1116 = arith.addf %add3A_1111, %mul3A_1115 : vector<16xf32>
        %get3A_1117 = arith.index_cast %add3A_1102 : i32 to index
        %get3A_1118 = arith.constant 48 : index
        %get3A_1119 = tpu.vector_load %arg12[%get3A_1117, %get3A_1118] {strides = array<i32>} : memref<104x128xf32, #tpu.memory_space<vmem>>, vector<16xf32>,
        %mul3A_1120 = arith.mulf %get3A_194, %get3A_1119 : vector<16xf32>
        %add3A_1121 = arith.addf %add3A_1116, %mul3A_1120 : vector<16xf32>
        %get3A_1122 = arith.index_cast %add3A_1102 : i32 to index
        %get3A_1123 = arith.constant 64 : index
        %get3A_1124 = tpu.vector_load %arg12[%get3A_1122, %get3A_1123] {strides = array<i32>} : memref<104x128xf32, #tpu.memory_space<vmem>>, vector<16xf32>,
        %mul3A_1125 = arith.mulf %get3A_197, %get3A_1124 : vector<16xf32>
        %add3A_1126 = arith.addf %add3A_1121, %mul3A_1125 : vector<16xf32>
        %get3A_1127 = arith.index_cast %add3A_1102 : i32 to index
        %get3A_1128 = arith.constant 80 : index
        %get3A_1129 = tpu.vector_load %arg12[%get3A_1127, %get3A_1128] {strides = array<i32>} : memref<104x128xf32, #tpu.memory_space<vmem>>, vector<16xf32>,
        %mul3A_1130 = arith.mulf %get3A_200, %get3A_1129 : vector<16xf32>
        %add3A_1131 = arith.addf %add3A_1126, %mul3A_1130 : vector<16xf32>
        %get3A_1132 = arith.index_cast %add3A_1102 : i32 to index
        %get3A_1133 = arith.constant 96 : index
        %get3A_1134 = tpu.vector_load %arg12[%get3A_1132, %get3A_1133] {strides = array<i32>} : memref<104x128xf32, #tpu.memory_space<vmem>>, vector<16xf32>,
        %mul3A_1135 = arith.mulf %get3A_203, %get3A_1134 : vector<16xf32>
        %add3A_1136 = arith.addf %add3A_1131, %mul3A_1135 : vector<16xf32>
        %get3A_1137 = arith.index_cast %add3A_1102 : i32 to index
        %get3A_1138 = arith.constant 112 : index
        %get3A_1139 = tpu.vector_load %arg12[%get3A_1137, %get3A_1138] {strides = array<i32>} : memref<104x128xf32, #tpu.memory_space<vmem>>, vector<16xf32>,
        %mul3A_1140 = arith.mulf %get3A_206, %get3A_1139 : vector<16xf32>
        %add3A_1141 = arith.addf %add3A_1136, %mul3A_1140 : vector<16xf32>
        %mul3A_1142 = arith.constant 17 : i32
        %mul3A_1143 = arith.muli %add3A_1102, %mul3A_1142 : i32
        %swap3A_1144 = arith.index_cast %mul3A_1143 : i32 to index
        %swap3A_1145 = tpu.vector_load %arg14[%swap3A_1144] {strides = array<i32>} : memref<1904xf32, #tpu.memory_space<vmem>>, vector<16xf32>,
        tpu.vector_store %arg14[%swap3A_1144], %add3A_1141 {strides = array<i32>} : memref<1904xf32, #tpu.memory_space<vmem>>, vector<16xf32>,
        %mul3A_1146 = arith.constant 26 : i32
        %mul3A_1147 = arith.muli %scan3A_180, %mul3A_1146 : i32
        %add3A_1148 = arith.constant 20 : i32
        %add3A_1149 = arith.addi %mul3A_1147, %add3A_1148 : i32
        %get3A_1150 = arith.index_cast %add3A_1149 : i32 to index
        %get3A_1151 = arith.constant 0 : index
        %get3A_1152 = tpu.vector_load %arg12[%get3A_1150, %get3A_1151] {strides = array<i32>} : memref<104x128xf32, #tpu.memory_space<vmem>>, vector<16xf32>,
        %mul3A_1153 = arith.mulf %get3A_185, %get3A_1152 : vector<16xf32>
        %get3A_1154 = arith.index_cast %add3A_1149 : i32 to index
        %get3A_1155 = arith.constant 16 : index
        %get3A_1156 = tpu.vector_load %arg12[%get3A_1154, %get3A_1155] {strides = array<i32>} : memref<104x128xf32, #tpu.memory_space<vmem>>, vector<16xf32>,
        %mul3A_1157 = arith.mulf %get3A_188, %get3A_1156 : vector<16xf32>
        %add3A_1158 = arith.addf %mul3A_1153, %mul3A_1157 : vector<16xf32>
        %get3A_1159 = arith.index_cast %add3A_1149 : i32 to index
        %get3A_1160 = arith.constant 32 : index
        %get3A_1161 = tpu.vector_load %arg12[%get3A_1159, %get3A_1160] {strides = array<i32>} : memref<104x128xf32, #tpu.memory_space<vmem>>, vector<16xf32>,
        %mul3A_1162 = arith.mulf %get3A_191, %get3A_1161 : vector<16xf32>
        %add3A_1163 = arith.addf %add3A_1158, %mul3A_1162 : vector<16xf32>
        %get3A_1164 = arith.index_cast %add3A_1149 : i32 to index
        %get3A_1165 = arith.constant 48 : index
        %get3A_1166 = tpu.vector_load %arg12[%get3A_1164, %get3A_1165] {strides = array<i32>} : memref<104x128xf32, #tpu.memory_space<vmem>>, vector<16xf32>,
        %mul3A_1167 = arith.mulf %get3A_194, %get3A_1166 : vector<16xf32>
        %add3A_1168 = arith.addf %add3A_1163, %mul3A_1167 : vector<16xf32>
        %get3A_1169 = arith.index_cast %add3A_1149 : i32 to index
        %get3A_1170 = arith.constant 64 : index
        %get3A_1171 = tpu.vector_load %arg12[%get3A_1169, %get3A_1170] {strides = array<i32>} : memref<104x128xf32, #tpu.memory_space<vmem>>, vector<16xf32>,
        %mul3A_1172 = arith.mulf %get3A_197, %get3A_1171 : vector<16xf32>
        %add3A_1173 = arith.addf %add3A_1168, %mul3A_1172 : vector<16xf32>
        %get3A_1174 = arith.index_cast %add3A_1149 : i32 to index
        %get3A_1175 = arith.constant 80 : index
        %get3A_1176 = tpu.vector_load %arg12[%get3A_1174, %get3A_1175] {strides = array<i32>} : memref<104x128xf32, #tpu.memory_space<vmem>>, vector<16xf32>,
        %mul3A_1177 = arith.mulf %get3A_200, %get3A_1176 : vector<16xf32>
        %add3A_1178 = arith.addf %add3A_1173, %mul3A_1177 : vector<16xf32>
        %get3A_1179 = arith.index_cast %add3A_1149 : i32 to index
        %get3A_1180 = arith.constant 96 : index
        %get3A_1181 = tpu.vector_load %arg12[%get3A_1179, %get3A_1180] {strides = array<i32>} : memref<104x128xf32, #tpu.memory_space<vmem>>, vector<16xf32>,
        %mul3A_1182 = arith.mulf %get3A_203, %get3A_1181 : vector<16xf32>
        %add3A_1183 = arith.addf %add3A_1178, %mul3A_1182 : vector<16xf32>
        %get3A_1184 = arith.index_cast %add3A_1149 : i32 to index
        %get3A_1185 = arith.constant 112 : index
        %get3A_1186 = tpu.vector_load %arg12[%get3A_1184, %get3A_1185] {strides = array<i32>} : memref<104x128xf32, #tpu.memory_space<vmem>>, vector<16xf32>,
        %mul3A_1187 = arith.mulf %get3A_206, %get3A_1186 : vector<16xf32>
        %add3A_1188 = arith.addf %add3A_1183, %mul3A_1187 : vector<16xf32>
        %mul3A_1189 = arith.constant 17 : i32
        %mul3A_1190 = arith.muli %add3A_1149, %mul3A_1189 : i32
        %swap3A_1191 = arith.index_cast %mul3A_1190 : i32 to index
        %swap3A_1192 = tpu.vector_load %arg14[%swap3A_1191] {strides = array<i32>} : memref<1904xf32, #tpu.memory_space<vmem>>, vector<16xf32>,
        tpu.vector_store %arg14[%swap3A_1191], %add3A_1188 {strides = array<i32>} : memref<1904xf32, #tpu.memory_space<vmem>>, vector<16xf32>,
        %mul3A_1193 = arith.constant 26 : i32
        %mul3A_1194 = arith.muli %scan3A_180, %mul3A_1193 : i32
        %add3A_1195 = arith.constant 21 : i32
        %add3A_1196 = arith.addi %mul3A_1194, %add3A_1195 : i32
        %get3A_1197 = arith.index_cast %add3A_1196 : i32 to index
        %get3A_1198 = arith.constant 0 : index
        %get3A_1199 = tpu.vector_load %arg12[%get3A_1197, %get3A_1198] {strides = array<i32>} : memref<104x128xf32, #tpu.memory_space<vmem>>, vector<16xf32>,
        %mul3A_1200 = arith.mulf %get3A_185, %get3A_1199 : vector<16xf32>
        %get3A_1201 = arith.index_cast %add3A_1196 : i32 to index
        %get3A_1202 = arith.constant 16 : index
        %get3A_1203 = tpu.vector_load %arg12[%get3A_1201, %get3A_1202] {strides = array<i32>} : memref<104x128xf32, #tpu.memory_space<vmem>>, vector<16xf32>,
        %mul3A_1204 = arith.mulf %get3A_188, %get3A_1203 : vector<16xf32>
        %add3A_1205 = arith.addf %mul3A_1200, %mul3A_1204 : vector<16xf32>
        %get3A_1206 = arith.index_cast %add3A_1196 : i32 to index
        %get3A_1207 = arith.constant 32 : index
        %get3A_1208 = tpu.vector_load %arg12[%get3A_1206, %get3A_1207] {strides = array<i32>} : memref<104x128xf32, #tpu.memory_space<vmem>>, vector<16xf32>,
        %mul3A_1209 = arith.mulf %get3A_191, %get3A_1208 : vector<16xf32>
        %add3A_1210 = arith.addf %add3A_1205, %mul3A_1209 : vector<16xf32>
        %get3A_1211 = arith.index_cast %add3A_1196 : i32 to index
        %get3A_1212 = arith.constant 48 : index
        %get3A_1213 = tpu.vector_load %arg12[%get3A_1211, %get3A_1212] {strides = array<i32>} : memref<104x128xf32, #tpu.memory_space<vmem>>, vector<16xf32>,
        %mul3A_1214 = arith.mulf %get3A_194, %get3A_1213 : vector<16xf32>
        %add3A_1215 = arith.addf %add3A_1210, %mul3A_1214 : vector<16xf32>
        %get3A_1216 = arith.index_cast %add3A_1196 : i32 to index
        %get3A_1217 = arith.constant 64 : index
        %get3A_1218 = tpu.vector_load %arg12[%get3A_1216, %get3A_1217] {strides = array<i32>} : memref<104x128xf32, #tpu.memory_space<vmem>>, vector<16xf32>,
        %mul3A_1219 = arith.mulf %get3A_197, %get3A_1218 : vector<16xf32>
        %add3A_1220 = arith.addf %add3A_1215, %mul3A_1219 : vector<16xf32>
        %get3A_1221 = arith.index_cast %add3A_1196 : i32 to index
        %get3A_1222 = arith.constant 80 : index
        %get3A_1223 = tpu.vector_load %arg12[%get3A_1221, %get3A_1222] {strides = array<i32>} : memref<104x128xf32, #tpu.memory_space<vmem>>, vector<16xf32>,
        %mul3A_1224 = arith.mulf %get3A_200, %get3A_1223 : vector<16xf32>
        %add3A_1225 = arith.addf %add3A_1220, %mul3A_1224 : vector<16xf32>
        %get3A_1226 = arith.index_cast %add3A_1196 : i32 to index
        %get3A_1227 = arith.constant 96 : index
        %get3A_1228 = tpu.vector_load %arg12[%get3A_1226, %get3A_1227] {strides = array<i32>} : memref<104x128xf32, #tpu.memory_space<vmem>>, vector<16xf32>,
        %mul3A_1229 = arith.mulf %get3A_203, %get3A_1228 : vector<16xf32>
        %add3A_1230 = arith.addf %add3A_1225, %mul3A_1229 : vector<16xf32>
        %get3A_1231 = arith.index_cast %add3A_1196 : i32 to index
        %get3A_1232 = arith.constant 112 : index
        %get3A_1233 = tpu.vector_load %arg12[%get3A_1231, %get3A_1232] {strides = array<i32>} : memref<104x128xf32, #tpu.memory_space<vmem>>, vector<16xf32>,
        %mul3A_1234 = arith.mulf %get3A_206, %get3A_1233 : vector<16xf32>
        %add3A_1235 = arith.addf %add3A_1230, %mul3A_1234 : vector<16xf32>
        %mul3A_1236 = arith.constant 17 : i32
        %mul3A_1237 = arith.muli %add3A_1196, %mul3A_1236 : i32
        %swap3A_1238 = arith.index_cast %mul3A_1237 : i32 to index
        %swap3A_1239 = tpu.vector_load %arg14[%swap3A_1238] {strides = array<i32>} : memref<1904xf32, #tpu.memory_space<vmem>>, vector<16xf32>,
        tpu.vector_store %arg14[%swap3A_1238], %add3A_1235 {strides = array<i32>} : memref<1904xf32, #tpu.memory_space<vmem>>, vector<16xf32>,
        %mul3A_1240 = arith.constant 26 : i32
        %mul3A_1241 = arith.muli %scan3A_180, %mul3A_1240 : i32
        %add3A_1242 = arith.constant 22 : i32
        %add3A_1243 = arith.addi %mul3A_1241, %add3A_1242 : i32
        %get3A_1244 = arith.index_cast %add3A_1243 : i32 to index
        %get3A_1245 = arith.constant 0 : index
        %get3A_1246 = tpu.vector_load %arg12[%get3A_1244, %get3A_1245] {strides = array<i32>} : memref<104x128xf32, #tpu.memory_space<vmem>>, vector<16xf32>,
        %mul3A_1247 = arith.mulf %get3A_185, %get3A_1246 : vector<16xf32>
        %get3A_1248 = arith.index_cast %add3A_1243 : i32 to index
        %get3A_1249 = arith.constant 16 : index
        %get3A_1250 = tpu.vector_load %arg12[%get3A_1248, %get3A_1249] {strides = array<i32>} : memref<104x128xf32, #tpu.memory_space<vmem>>, vector<16xf32>,
        %mul3A_1251 = arith.mulf %get3A_188, %get3A_1250 : vector<16xf32>
        %add3A_1252 = arith.addf %mul3A_1247, %mul3A_1251 : vector<16xf32>
        %get3A_1253 = arith.index_cast %add3A_1243 : i32 to index
        %get3A_1254 = arith.constant 32 : index
        %get3A_1255 = tpu.vector_load %arg12[%get3A_1253, %get3A_1254] {strides = array<i32>} : memref<104x128xf32, #tpu.memory_space<vmem>>, vector<16xf32>,
        %mul3A_1256 = arith.mulf %get3A_191, %get3A_1255 : vector<16xf32>
        %add3A_1257 = arith.addf %add3A_1252, %mul3A_1256 : vector<16xf32>
        %get3A_1258 = arith.index_cast %add3A_1243 : i32 to index
        %get3A_1259 = arith.constant 48 : index
        %get3A_1260 = tpu.vector_load %arg12[%get3A_1258, %get3A_1259] {strides = array<i32>} : memref<104x128xf32, #tpu.memory_space<vmem>>, vector<16xf32>,
        %mul3A_1261 = arith.mulf %get3A_194, %get3A_1260 : vector<16xf32>
        %add3A_1262 = arith.addf %add3A_1257, %mul3A_1261 : vector<16xf32>
        %get3A_1263 = arith.index_cast %add3A_1243 : i32 to index
        %get3A_1264 = arith.constant 64 : index
        %get3A_1265 = tpu.vector_load %arg12[%get3A_1263, %get3A_1264] {strides = array<i32>} : memref<104x128xf32, #tpu.memory_space<vmem>>, vector<16xf32>,
        %mul3A_1266 = arith.mulf %get3A_197, %get3A_1265 : vector<16xf32>
        %add3A_1267 = arith.addf %add3A_1262, %mul3A_1266 : vector<16xf32>
        %get3A_1268 = arith.index_cast %add3A_1243 : i32 to index
        %get3A_1269 = arith.constant 80 : index
        %get3A_1270 = tpu.vector_load %arg12[%get3A_1268, %get3A_1269] {strides = array<i32>} : memref<104x128xf32, #tpu.memory_space<vmem>>, vector<16xf32>,
        %mul3A_1271 = arith.mulf %get3A_200, %get3A_1270 : vector<16xf32>
        %add3A_1272 = arith.addf %add3A_1267, %mul3A_1271 : vector<16xf32>
        %get3A_1273 = arith.index_cast %add3A_1243 : i32 to index
        %get3A_1274 = arith.constant 96 : index
        %get3A_1275 = tpu.vector_load %arg12[%get3A_1273, %get3A_1274] {strides = array<i32>} : memref<104x128xf32, #tpu.memory_space<vmem>>, vector<16xf32>,
        %mul3A_1276 = arith.mulf %get3A_203, %get3A_1275 : vector<16xf32>
        %add3A_1277 = arith.addf %add3A_1272, %mul3A_1276 : vector<16xf32>
        %get3A_1278 = arith.index_cast %add3A_1243 : i32 to index
        %get3A_1279 = arith.constant 112 : index
        %get3A_1280 = tpu.vector_load %arg12[%get3A_1278, %get3A_1279] {strides = array<i32>} : memref<104x128xf32, #tpu.memory_space<vmem>>, vector<16xf32>,
        %mul3A_1281 = arith.mulf %get3A_206, %get3A_1280 : vector<16xf32>
        %add3A_1282 = arith.addf %add3A_1277, %mul3A_1281 : vector<16xf32>
        %mul3A_1283 = arith.constant 17 : i32
        %mul3A_1284 = arith.muli %add3A_1243, %mul3A_1283 : i32
        %swap3A_1285 = arith.index_cast %mul3A_1284 : i32 to index
        %swap3A_1286 = tpu.vector_load %arg14[%swap3A_1285] {strides = array<i32>} : memref<1904xf32, #tpu.memory_space<vmem>>, vector<16xf32>,
        tpu.vector_store %arg14[%swap3A_1285], %add3A_1282 {strides = array<i32>} : memref<1904xf32, #tpu.memory_space<vmem>>, vector<16xf32>,
        %mul3A_1287 = arith.constant 26 : i32
        %mul3A_1288 = arith.muli %scan3A_180, %mul3A_1287 : i32
        %add3A_1289 = arith.constant 23 : i32
        %add3A_1290 = arith.addi %mul3A_1288, %add3A_1289 : i32
        %get3A_1291 = arith.index_cast %add3A_1290 : i32 to index
        %get3A_1292 = arith.constant 0 : index
        %get3A_1293 = tpu.vector_load %arg12[%get3A_1291, %get3A_1292] {strides = array<i32>} : memref<104x128xf32, #tpu.memory_space<vmem>>, vector<16xf32>,
        %mul3A_1294 = arith.mulf %get3A_185, %get3A_1293 : vector<16xf32>
        %get3A_1295 = arith.index_cast %add3A_1290 : i32 to index
        %get3A_1296 = arith.constant 16 : index
        %get3A_1297 = tpu.vector_load %arg12[%get3A_1295, %get3A_1296] {strides = array<i32>} : memref<104x128xf32, #tpu.memory_space<vmem>>, vector<16xf32>,
        %mul3A_1298 = arith.mulf %get3A_188, %get3A_1297 : vector<16xf32>
        %add3A_1299 = arith.addf %mul3A_1294, %mul3A_1298 : vector<16xf32>
        %get3A_1300 = arith.index_cast %add3A_1290 : i32 to index
        %get3A_1301 = arith.constant 32 : index
        %get3A_1302 = tpu.vector_load %arg12[%get3A_1300, %get3A_1301] {strides = array<i32>} : memref<104x128xf32, #tpu.memory_space<vmem>>, vector<16xf32>,
        %mul3A_1303 = arith.mulf %get3A_191, %get3A_1302 : vector<16xf32>
        %add3A_1304 = arith.addf %add3A_1299, %mul3A_1303 : vector<16xf32>
        %get3A_1305 = arith.index_cast %add3A_1290 : i32 to index
        %get3A_1306 = arith.constant 48 : index
        %get3A_1307 = tpu.vector_load %arg12[%get3A_1305, %get3A_1306] {strides = array<i32>} : memref<104x128xf32, #tpu.memory_space<vmem>>, vector<16xf32>,
        %mul3A_1308 = arith.mulf %get3A_194, %get3A_1307 : vector<16xf32>
        %add3A_1309 = arith.addf %add3A_1304, %mul3A_1308 : vector<16xf32>
        %get3A_1310 = arith.index_cast %add3A_1290 : i32 to index
        %get3A_1311 = arith.constant 64 : index
        %get3A_1312 = tpu.vector_load %arg12[%get3A_1310, %get3A_1311] {strides = array<i32>} : memref<104x128xf32, #tpu.memory_space<vmem>>, vector<16xf32>,
        %mul3A_1313 = arith.mulf %get3A_197, %get3A_1312 : vector<16xf32>
        %add3A_1314 = arith.addf %add3A_1309, %mul3A_1313 : vector<16xf32>
        %get3A_1315 = arith.index_cast %add3A_1290 : i32 to index
        %get3A_1316 = arith.constant 80 : index
        %get3A_1317 = tpu.vector_load %arg12[%get3A_1315, %get3A_1316] {strides = array<i32>} : memref<104x128xf32, #tpu.memory_space<vmem>>, vector<16xf32>,
        %mul3A_1318 = arith.mulf %get3A_200, %get3A_1317 : vector<16xf32>
        %add3A_1319 = arith.addf %add3A_1314, %mul3A_1318 : vector<16xf32>
        %get3A_1320 = arith.index_cast %add3A_1290 : i32 to index
        %get3A_1321 = arith.constant 96 : index
        %get3A_1322 = tpu.vector_load %arg12[%get3A_1320, %get3A_1321] {strides = array<i32>} : memref<104x128xf32, #tpu.memory_space<vmem>>, vector<16xf32>,
        %mul3A_1323 = arith.mulf %get3A_203, %get3A_1322 : vector<16xf32>
        %add3A_1324 = arith.addf %add3A_1319, %mul3A_1323 : vector<16xf32>
        %get3A_1325 = arith.index_cast %add3A_1290 : i32 to index
        %get3A_1326 = arith.constant 112 : index
        %get3A_1327 = tpu.vector_load %arg12[%get3A_1325, %get3A_1326] {strides = array<i32>} : memref<104x128xf32, #tpu.memory_space<vmem>>, vector<16xf32>,
        %mul3A_1328 = arith.mulf %get3A_206, %get3A_1327 : vector<16xf32>
        %add3A_1329 = arith.addf %add3A_1324, %mul3A_1328 : vector<16xf32>
        %mul3A_1330 = arith.constant 17 : i32
        %mul3A_1331 = arith.muli %add3A_1290, %mul3A_1330 : i32
        %swap3A_1332 = arith.index_cast %mul3A_1331 : i32 to index
        %swap3A_1333 = tpu.vector_load %arg14[%swap3A_1332] {strides = array<i32>} : memref<1904xf32, #tpu.memory_space<vmem>>, vector<16xf32>,
        tpu.vector_store %arg14[%swap3A_1332], %add3A_1329 {strides = array<i32>} : memref<1904xf32, #tpu.memory_space<vmem>>, vector<16xf32>,
        %mul3A_1334 = arith.constant 26 : i32
        %mul3A_1335 = arith.muli %scan3A_180, %mul3A_1334 : i32
        %add3A_1336 = arith.constant 24 : i32
        %add3A_1337 = arith.addi %mul3A_1335, %add3A_1336 : i32
        %get3A_1338 = arith.index_cast %add3A_1337 : i32 to index
        %get3A_1339 = arith.constant 0 : index
        %get3A_1340 = tpu.vector_load %arg12[%get3A_1338, %get3A_1339] {strides = array<i32>} : memref<104x128xf32, #tpu.memory_space<vmem>>, vector<16xf32>,
        %mul3A_1341 = arith.mulf %get3A_185, %get3A_1340 : vector<16xf32>
        %get3A_1342 = arith.index_cast %add3A_1337 : i32 to index
        %get3A_1343 = arith.constant 16 : index
        %get3A_1344 = tpu.vector_load %arg12[%get3A_1342, %get3A_1343] {strides = array<i32>} : memref<104x128xf32, #tpu.memory_space<vmem>>, vector<16xf32>,
        %mul3A_1345 = arith.mulf %get3A_188, %get3A_1344 : vector<16xf32>
        %add3A_1346 = arith.addf %mul3A_1341, %mul3A_1345 : vector<16xf32>
        %get3A_1347 = arith.index_cast %add3A_1337 : i32 to index
        %get3A_1348 = arith.constant 32 : index
        %get3A_1349 = tpu.vector_load %arg12[%get3A_1347, %get3A_1348] {strides = array<i32>} : memref<104x128xf32, #tpu.memory_space<vmem>>, vector<16xf32>,
        %mul3A_1350 = arith.mulf %get3A_191, %get3A_1349 : vector<16xf32>
        %add3A_1351 = arith.addf %add3A_1346, %mul3A_1350 : vector<16xf32>
        %get3A_1352 = arith.index_cast %add3A_1337 : i32 to index
        %get3A_1353 = arith.constant 48 : index
        %get3A_1354 = tpu.vector_load %arg12[%get3A_1352, %get3A_1353] {strides = array<i32>} : memref<104x128xf32, #tpu.memory_space<vmem>>, vector<16xf32>,
        %mul3A_1355 = arith.mulf %get3A_194, %get3A_1354 : vector<16xf32>
        %add3A_1356 = arith.addf %add3A_1351, %mul3A_1355 : vector<16xf32>
        %get3A_1357 = arith.index_cast %add3A_1337 : i32 to index
        %get3A_1358 = arith.constant 64 : index
        %get3A_1359 = tpu.vector_load %arg12[%get3A_1357, %get3A_1358] {strides = array<i32>} : memref<104x128xf32, #tpu.memory_space<vmem>>, vector<16xf32>,
        %mul3A_1360 = arith.mulf %get3A_197, %get3A_1359 : vector<16xf32>
        %add3A_1361 = arith.addf %add3A_1356, %mul3A_1360 : vector<16xf32>
        %get3A_1362 = arith.index_cast %add3A_1337 : i32 to index
        %get3A_1363 = arith.constant 80 : index
        %get3A_1364 = tpu.vector_load %arg12[%get3A_1362, %get3A_1363] {strides = array<i32>} : memref<104x128xf32, #tpu.memory_space<vmem>>, vector<16xf32>,
        %mul3A_1365 = arith.mulf %get3A_200, %get3A_1364 : vector<16xf32>
        %add3A_1366 = arith.addf %add3A_1361, %mul3A_1365 : vector<16xf32>
        %get3A_1367 = arith.index_cast %add3A_1337 : i32 to index
        %get3A_1368 = arith.constant 96 : index
        %get3A_1369 = tpu.vector_load %arg12[%get3A_1367, %get3A_1368] {strides = array<i32>} : memref<104x128xf32, #tpu.memory_space<vmem>>, vector<16xf32>,
        %mul3A_1370 = arith.mulf %get3A_203, %get3A_1369 : vector<16xf32>
        %add3A_1371 = arith.addf %add3A_1366, %mul3A_1370 : vector<16xf32>
        %get3A_1372 = arith.index_cast %add3A_1337 : i32 to index
        %get3A_1373 = arith.constant 112 : index
        %get3A_1374 = tpu.vector_load %arg12[%get3A_1372, %get3A_1373] {strides = array<i32>} : memref<104x128xf32, #tpu.memory_space<vmem>>, vector<16xf32>,
        %mul3A_1375 = arith.mulf %get3A_206, %get3A_1374 : vector<16xf32>
        %add3A_1376 = arith.addf %add3A_1371, %mul3A_1375 : vector<16xf32>
        %mul3A_1377 = arith.constant 17 : i32
        %mul3A_1378 = arith.muli %add3A_1337, %mul3A_1377 : i32
        %swap3A_1379 = arith.index_cast %mul3A_1378 : i32 to index
        %swap3A_1380 = tpu.vector_load %arg14[%swap3A_1379] {strides = array<i32>} : memref<1904xf32, #tpu.memory_space<vmem>>, vector<16xf32>,
        tpu.vector_store %arg14[%swap3A_1379], %add3A_1376 {strides = array<i32>} : memref<1904xf32, #tpu.memory_space<vmem>>, vector<16xf32>,
        %mul3A_1381 = arith.constant 26 : i32
        %mul3A_1382 = arith.muli %scan3A_180, %mul3A_1381 : i32
        %add3A_1383 = arith.constant 25 : i32
        %add3A_1384 = arith.addi %mul3A_1382, %add3A_1383 : i32
        %get3A_1385 = arith.index_cast %add3A_1384 : i32 to index
        %get3A_1386 = arith.constant 0 : index
        %get3A_1387 = tpu.vector_load %arg12[%get3A_1385, %get3A_1386] {strides = array<i32>} : memref<104x128xf32, #tpu.memory_space<vmem>>, vector<16xf32>,
        %mul3A_1388 = arith.mulf %get3A_185, %get3A_1387 : vector<16xf32>
        %get3A_1389 = arith.index_cast %add3A_1384 : i32 to index
        %get3A_1390 = arith.constant 16 : index
        %get3A_1391 = tpu.vector_load %arg12[%get3A_1389, %get3A_1390] {strides = array<i32>} : memref<104x128xf32, #tpu.memory_space<vmem>>, vector<16xf32>,
        %mul3A_1392 = arith.mulf %get3A_188, %get3A_1391 : vector<16xf32>
        %add3A_1393 = arith.addf %mul3A_1388, %mul3A_1392 : vector<16xf32>
        %get3A_1394 = arith.index_cast %add3A_1384 : i32 to index
        %get3A_1395 = arith.constant 32 : index
        %get3A_1396 = tpu.vector_load %arg12[%get3A_1394, %get3A_1395] {strides = array<i32>} : memref<104x128xf32, #tpu.memory_space<vmem>>, vector<16xf32>,
        %mul3A_1397 = arith.mulf %get3A_191, %get3A_1396 : vector<16xf32>
        %add3A_1398 = arith.addf %add3A_1393, %mul3A_1397 : vector<16xf32>
        %get3A_1399 = arith.index_cast %add3A_1384 : i32 to index
        %get3A_1400 = arith.constant 48 : index
        %get3A_1401 = tpu.vector_load %arg12[%get3A_1399, %get3A_1400] {strides = array<i32>} : memref<104x128xf32, #tpu.memory_space<vmem>>, vector<16xf32>,
        %mul3A_1402 = arith.mulf %get3A_194, %get3A_1401 : vector<16xf32>
        %add3A_1403 = arith.addf %add3A_1398, %mul3A_1402 : vector<16xf32>
        %get3A_1404 = arith.index_cast %add3A_1384 : i32 to index
        %get3A_1405 = arith.constant 64 : index
        %get3A_1406 = tpu.vector_load %arg12[%get3A_1404, %get3A_1405] {strides = array<i32>} : memref<104x128xf32, #tpu.memory_space<vmem>>, vector<16xf32>,
        %mul3A_1407 = arith.mulf %get3A_197, %get3A_1406 : vector<16xf32>
        %add3A_1408 = arith.addf %add3A_1403, %mul3A_1407 : vector<16xf32>
        %get3A_1409 = arith.index_cast %add3A_1384 : i32 to index
        %get3A_1410 = arith.constant 80 : index
        %get3A_1411 = tpu.vector_load %arg12[%get3A_1409, %get3A_1410] {strides = array<i32>} : memref<104x128xf32, #tpu.memory_space<vmem>>, vector<16xf32>,
        %mul3A_1412 = arith.mulf %get3A_200, %get3A_1411 : vector<16xf32>
        %add3A_1413 = arith.addf %add3A_1408, %mul3A_1412 : vector<16xf32>
        %get3A_1414 = arith.index_cast %add3A_1384 : i32 to index
        %get3A_1415 = arith.constant 96 : index
        %get3A_1416 = tpu.vector_load %arg12[%get3A_1414, %get3A_1415] {strides = array<i32>} : memref<104x128xf32, #tpu.memory_space<vmem>>, vector<16xf32>,
        %mul3A_1417 = arith.mulf %get3A_203, %get3A_1416 : vector<16xf32>
        %add3A_1418 = arith.addf %add3A_1413, %mul3A_1417 : vector<16xf32>
        %get3A_1419 = arith.index_cast %add3A_1384 : i32 to index
        %get3A_1420 = arith.constant 112 : index
        %get3A_1421 = tpu.vector_load %arg12[%get3A_1419, %get3A_1420] {strides = array<i32>} : memref<104x128xf32, #tpu.memory_space<vmem>>, vector<16xf32>,
        %mul3A_1422 = arith.mulf %get3A_206, %get3A_1421 : vector<16xf32>
        %add3A_1423 = arith.addf %add3A_1418, %mul3A_1422 : vector<16xf32>
        %mul3A_1424 = arith.constant 17 : i32
        %mul3A_1425 = arith.muli %add3A_1384, %mul3A_1424 : i32
        %swap3A_1426 = arith.index_cast %mul3A_1425 : i32 to index
        %swap3A_1427 = tpu.vector_load %arg14[%swap3A_1426] {strides = array<i32>} : memref<1904xf32, #tpu.memory_space<vmem>>, vector<16xf32>,
        tpu.vector_store %arg14[%swap3A_1426], %add3A_1423 {strides = array<i32>} : memref<1904xf32, #tpu.memory_space<vmem>>, vector<16xf32>,
      }
      %scan3A_79 = arith.constant 4 : i32
      %iota3A = tpu.iota {dimensions = array<i32: 0>} : vector<16xi32>
      %scan3A_80 = arith.constant 0 : i32
      %scan3A_81 = arith.constant 0 : i32
      %scan3A_82 = arith.constant 7 : i32
      %scan3A_83 = arith.addi %scan3A_81, %scan3A_82 : i32
      %scan3A_84 = arith.constant 1 : i32
      scf.for %scan3A_180 = %scan3A_81 to %scan3A_83 step %scan3A_84  : i32 {
        %mul3A_181 = arith.constant 16 : i32
        %mul3A_182 = arith.muli %scan3A_180, %mul3A_181 : i32
        %add3A_183 = vector.broadcast %mul3A_182 : i32 to vector<16xi32>
        %add3A_184 = arith.addi %add3A_183, %iota3A : vector<16xi32>
        %mul3A_185 = arith.constant 17 : i32
        %mul3A_186 = vector.broadcast %mul3A_185 : i32 to vector<16xi32>
        %mul3A_187 = arith.muli %add3A_184, %mul3A_186 : vector<16xi32>
        %gather3A = tpu.vector_load_idx %arg14[%mul3A_187] : memref<1904xf32, #tpu.memory_space<vmem>>[vector<16xi32>], vector<16xf32>,
        %add3A_188 = arith.constant 1 : i32
        %add3A_189 = vector.broadcast %add3A_188 : i32 to vector<16xi32>
        %add3A_190 = arith.addi %mul3A_187, %add3A_189 : vector<16xi32>
        %gather3A_191 = tpu.vector_load_idx %arg14[%add3A_190] : memref<1904xf32, #tpu.memory_space<vmem>>[vector<16xi32>], vector<16xf32>,
        %add3A_192 = arith.addf %gather3A, %gather3A_191 : vector<16xf32>
        %add3A_193 = arith.constant 2 : i32
        %add3A_194 = vector.broadcast %add3A_193 : i32 to vector<16xi32>
        %add3A_195 = arith.addi %mul3A_187, %add3A_194 : vector<16xi32>
        %gather3A_196 = tpu.vector_load_idx %arg14[%add3A_195] : memref<1904xf32, #tpu.memory_space<vmem>>[vector<16xi32>], vector<16xf32>,
        %add3A_197 = arith.addf %add3A_192, %gather3A_196 : vector<16xf32>
        %add3A_198 = arith.constant 3 : i32
        %add3A_199 = vector.broadcast %add3A_198 : i32 to vector<16xi32>
        %add3A_200 = arith.addi %mul3A_187, %add3A_199 : vector<16xi32>
        %gather3A_201 = tpu.vector_load_idx %arg14[%add3A_200] : memref<1904xf32, #tpu.memory_space<vmem>>[vector<16xi32>], vector<16xf32>,
        %add3A_202 = arith.addf %add3A_197, %gather3A_201 : vector<16xf32>
        %add3A_203 = arith.constant 4 : i32
        %add3A_204 = vector.broadcast %add3A_203 : i32 to vector<16xi32>
        %add3A_205 = arith.addi %mul3A_187, %add3A_204 : vector<16xi32>
        %gather3A_206 = tpu.vector_load_idx %arg14[%add3A_205] : memref<1904xf32, #tpu.memory_space<vmem>>[vector<16xi32>], vector<16xf32>,
        %add3A_207 = arith.addf %add3A_202, %gather3A_206 : vector<16xf32>
        %add3A_208 = arith.constant 5 : i32
        %add3A_209 = vector.broadcast %add3A_208 : i32 to vector<16xi32>
        %add3A_210 = arith.addi %mul3A_187, %add3A_209 : vector<16xi32>
        %gather3A_211 = tpu.vector_load_idx %arg14[%add3A_210] : memref<1904xf32, #tpu.memory_space<vmem>>[vector<16xi32>], vector<16xf32>,
        %add3A_212 = arith.addf %add3A_207, %gather3A_211 : vector<16xf32>
        %add3A_213 = arith.constant 6 : i32
        %add3A_214 = vector.broadcast %add3A_213 : i32 to vector<16xi32>
        %add3A_215 = arith.addi %mul3A_187, %add3A_214 : vector<16xi32>
        %gather3A_216 = tpu.vector_load_idx %arg14[%add3A_215] : memref<1904xf32, #tpu.memory_space<vmem>>[vector<16xi32>], vector<16xf32>,
        %add3A_217 = arith.addf %add3A_212, %gather3A_216 : vector<16xf32>
        %add3A_218 = arith.constant 7 : i32
        %add3A_219 = vector.broadcast %add3A_218 : i32 to vector<16xi32>
        %add3A_220 = arith.addi %mul3A_187, %add3A_219 : vector<16xi32>
        %gather3A_221 = tpu.vector_load_idx %arg14[%add3A_220] : memref<1904xf32, #tpu.memory_space<vmem>>[vector<16xi32>], vector<16xf32>,
        %add3A_222 = arith.addf %add3A_217, %gather3A_221 : vector<16xf32>
        %add3A_223 = arith.constant 8 : i32
        %add3A_224 = vector.broadcast %add3A_223 : i32 to vector<16xi32>
        %add3A_225 = arith.addi %mul3A_187, %add3A_224 : vector<16xi32>
        %gather3A_226 = tpu.vector_load_idx %arg14[%add3A_225] : memref<1904xf32, #tpu.memory_space<vmem>>[vector<16xi32>], vector<16xf32>,
        %add3A_227 = arith.addf %add3A_222, %gather3A_226 : vector<16xf32>
        %add3A_228 = arith.constant 9 : i32
        %add3A_229 = vector.broadcast %add3A_228 : i32 to vector<16xi32>
        %add3A_230 = arith.addi %mul3A_187, %add3A_229 : vector<16xi32>
        %gather3A_231 = tpu.vector_load_idx %arg14[%add3A_230] : memref<1904xf32, #tpu.memory_space<vmem>>[vector<16xi32>], vector<16xf32>,
        %add3A_232 = arith.addf %add3A_227, %gather3A_231 : vector<16xf32>
        %add3A_233 = arith.constant 10 : i32
        %add3A_234 = vector.broadcast %add3A_233 : i32 to vector<16xi32>
        %add3A_235 = arith.addi %mul3A_187, %add3A_234 : vector<16xi32>
        %gather3A_236 = tpu.vector_load_idx %arg14[%add3A_235] : memref<1904xf32, #tpu.memory_space<vmem>>[vector<16xi32>], vector<16xf32>,
        %add3A_237 = arith.addf %add3A_232, %gather3A_236 : vector<16xf32>
        %add3A_238 = arith.constant 11 : i32
        %add3A_239 = vector.broadcast %add3A_238 : i32 to vector<16xi32>
        %add3A_240 = arith.addi %mul3A_187, %add3A_239 : vector<16xi32>
        %gather3A_241 = tpu.vector_load_idx %arg14[%add3A_240] : memref<1904xf32, #tpu.memory_space<vmem>>[vector<16xi32>], vector<16xf32>,
        %add3A_242 = arith.addf %add3A_237, %gather3A_241 : vector<16xf32>
        %add3A_243 = arith.constant 12 : i32
        %add3A_244 = vector.broadcast %add3A_243 : i32 to vector<16xi32>
        %add3A_245 = arith.addi %mul3A_187, %add3A_244 : vector<16xi32>
        %gather3A_246 = tpu.vector_load_idx %arg14[%add3A_245] : memref<1904xf32, #tpu.memory_space<vmem>>[vector<16xi32>], vector<16xf32>,
        %add3A_247 = arith.addf %add3A_242, %gather3A_246 : vector<16xf32>
        %add3A_248 = arith.constant 13 : i32
        %add3A_249 = vector.broadcast %add3A_248 : i32 to vector<16xi32>
        %add3A_250 = arith.addi %mul3A_187, %add3A_249 : vector<16xi32>
        %gather3A_251 = tpu.vector_load_idx %arg14[%add3A_250] : memref<1904xf32, #tpu.memory_space<vmem>>[vector<16xi32>], vector<16xf32>,
        %add3A_252 = arith.addf %add3A_247, %gather3A_251 : vector<16xf32>
        %add3A_253 = arith.constant 14 : i32
        %add3A_254 = vector.broadcast %add3A_253 : i32 to vector<16xi32>
        %add3A_255 = arith.addi %mul3A_187, %add3A_254 : vector<16xi32>
        %gather3A_256 = tpu.vector_load_idx %arg14[%add3A_255] : memref<1904xf32, #tpu.memory_space<vmem>>[vector<16xi32>], vector<16xf32>,
        %add3A_257 = arith.addf %add3A_252, %gather3A_256 : vector<16xf32>
        %add3A_258 = arith.constant 15 : i32
        %add3A_259 = vector.broadcast %add3A_258 : i32 to vector<16xi32>
        %add3A_260 = arith.addi %mul3A_187, %add3A_259 : vector<16xi32>
        %gather3A_261 = tpu.vector_load_idx %arg14[%add3A_260] : memref<1904xf32, #tpu.memory_space<vmem>>[vector<16xi32>], vector<16xf32>,
        %add3A_262 = arith.addf %add3A_257, %gather3A_261 : vector<16xf32>
        %mul3A_263 = arith.constant 16 : i32
        %mul3A_264 = arith.muli %scan3A_180, %mul3A_263 : i32
        %swap3A = arith.index_cast %mul3A_264 : i32 to index
        %swap3A_265 = tpu.vector_load %arg15[%swap3A] {strides = array<i32>} : memref<112xf32, #tpu.memory_space<vmem>>, vector<16xf32>,
        tpu.vector_store %arg15[%swap3A], %add3A_262 {strides = array<i32>} : memref<112xf32, #tpu.memory_space<vmem>>, vector<16xf32>,
      }
      %scan3A_85 = arith.constant 7 : i32
      %dma_wait3A_86 = arith.constant 0 : i32
      %dma_wait3A_87 = tpu.memref_slice %arg11[%add3A_47, %dma_wait3A_86] : memref<32x104xi32, #tpu.memory_space<vmem>> -> memref<1x104xi32, #tpu.memory_space<vmem>>
      %dma_wait3A_88 = tpu.memref_squeeze %dma_wait3A_87 : memref<1x104xi32, #tpu.memory_space<vmem>> -> memref<104xi32, #tpu.memory_space<vmem>>
      %dma_wait3A_89 = arith.constant 0 : i32
      %dma_wait3A_90 = tpu.memref_slice %arg5[%dma_wait3A_89] : memref<100000xf32, #tpu.memory_space<hbm>> -> memref<100000xf32, #tpu.memory_space<hbm>>
      tpu.wait_indirect_dma semaphore(%arg23 : memref<!tpu.dma_semaphore, #tpu.memory_space<semaphore_mem>>) src(%dma_wait3A_90 : memref<100000xf32, #tpu.memory_space<hbm>>) dst(%arg17 : memref<104xf32, #tpu.memory_space<vmem>>)
      %dma_wait3A_91 = arith.constant 0 : i32
      %dma_wait3A_92 = tpu.memref_slice %arg11[%add3A_47, %dma_wait3A_91] : memref<32x104xi32, #tpu.memory_space<vmem>> -> memref<1x104xi32, #tpu.memory_space<vmem>>
      %dma_wait3A_93 = tpu.memref_squeeze %dma_wait3A_92 : memref<1x104xi32, #tpu.memory_space<vmem>> -> memref<104xi32, #tpu.memory_space<vmem>>
      %dma_wait3A_94 = arith.constant 0 : i32
      %dma_wait3A_95 = tpu.memref_slice %arg6[%dma_wait3A_94] : memref<100000xf32, #tpu.memory_space<hbm>> -> memref<100000xf32, #tpu.memory_space<hbm>>
      tpu.wait_indirect_dma semaphore(%arg25 : memref<!tpu.dma_semaphore, #tpu.memory_space<semaphore_mem>>) src(%dma_wait3A_95 : memref<100000xf32, #tpu.memory_space<hbm>>) dst(%arg19 : memref<104xf32, #tpu.memory_space<vmem>>)
      %mul3A_96 = arith.constant 3328 : i32
      %mul3A_97 = arith.muli %add3A, %mul3A_96 : i32
      %mul3A_98 = arith.constant 104 : i32
      %mul3A_99 = arith.muli %add3A_47, %mul3A_98 : i32
      %add3A_100 = arith.addi %mul3A_97, %mul3A_99 : i32
      %dma_start3A_101 = arith.constant 0 : i32
      %dma_start3A_102 = tpu.memref_slice %arg15[%dma_start3A_101] : memref<112xf32, #tpu.memory_space<vmem>> -> memref<104xf32, #tpu.memory_space<vmem>>
      %dma_start3A_103 = tpu.memref_slice %arg7[%add3A_100] : memref<106496xf32, #tpu.memory_space<hbm>> -> memref<104xf32, #tpu.memory_space<hbm>>
      %dma_start3A_104 = tpu.memref_slice %arg7[%add3A_100] : memref<106496xf32, #tpu.memory_space<hbm>> -> memref<104xf32, #tpu.memory_space<hbm>>
      %dma_start3A_105 = arith.constant 0 : i32
      %dma_start3A_106 = tpu.memref_slice %arg15[%dma_start3A_105] : memref<112xf32, #tpu.memory_space<vmem>> -> memref<104xf32, #tpu.memory_space<vmem>>
      tpu.enqueue_dma source(%dma_start3A_106 : memref<104xf32, #tpu.memory_space<vmem>>) target(%dma_start3A_104 : memref<104xf32, #tpu.memory_space<hbm>>) target_semaphore(%arg27 : memref<!tpu.dma_semaphore, #tpu.memory_space<semaphore_mem>>)
      %dma_start3A_107 = tpu.memref_slice %arg8[%add3A_100] : memref<106496xf32, #tpu.memory_space<hbm>> -> memref<104xf32, #tpu.memory_space<hbm>>
      %dma_start3A_108 = tpu.memref_slice %arg8[%add3A_100] : memref<106496xf32, #tpu.memory_space<hbm>> -> memref<104xf32, #tpu.memory_space<hbm>>
      tpu.enqueue_dma source(%arg17 : memref<104xf32, #tpu.memory_space<vmem>>) target(%dma_start3A_108 : memref<104xf32, #tpu.memory_space<hbm>>) target_semaphore(%arg27 : memref<!tpu.dma_semaphore, #tpu.memory_space<semaphore_mem>>)
      %dma_start3A_109 = tpu.memref_slice %arg9[%add3A_100] : memref<106496xf32, #tpu.memory_space<hbm>> -> memref<104xf32, #tpu.memory_space<hbm>>
      %dma_start3A_110 = tpu.memref_slice %arg9[%add3A_100] : memref<106496xf32, #tpu.memory_space<hbm>> -> memref<104xf32, #tpu.memory_space<hbm>>
      tpu.enqueue_dma source(%arg19 : memref<104xf32, #tpu.memory_space<vmem>>) target(%dma_start3A_110 : memref<104xf32, #tpu.memory_space<hbm>>) target_semaphore(%arg27 : memref<!tpu.dma_semaphore, #tpu.memory_space<semaphore_mem>>)
      %mul3A_111 = arith.constant 2 : i32
      %mul3A_112 = arith.muli %mul3A_111, %scan3A_43 : i32
      %add3A_113 = arith.constant 1 : i32
      %add3A_114 = arith.addi %mul3A_112, %add3A_113 : i32
      %ge3A_115 = arith.constant 2 : i32
      %ge3A_116 = arith.cmpi sge, %add3A_114, %ge3A_115 : i32
      %convert_element_type3A_117 = arith.extui %ge3A_116 : i1 to i32
      %cond3A_118 = arith.constant 0 : i32
      %cond3A_119 = arith.cmpi ne, %convert_element_type3A_117, %cond3A_118 : i32
      scf.if %cond3A_119 {
        %sub3A = arith.constant 2 : i32
        %sub3A_180 = arith.subi %add3A_114, %sub3A : i32
        %mul3A_181 = arith.constant 3328 : i32
        %mul3A_182 = arith.muli %add3A, %mul3A_181 : i32
        %mul3A_183 = arith.constant 104 : i32
        %mul3A_184 = arith.muli %sub3A_180, %mul3A_183 : i32
        %add3A_185 = arith.addi %mul3A_182, %mul3A_184 : i32
        %dma_wait3A_186 = arith.constant 0 : i32
        %dma_wait3A_187 = tpu.memref_slice %arg16[%dma_wait3A_186] : memref<112xf32, #tpu.memory_space<vmem>> -> memref<104xf32, #tpu.memory_space<vmem>>
        %dma_wait3A_188 = tpu.memref_slice %arg7[%add3A_185] : memref<106496xf32, #tpu.memory_space<hbm>> -> memref<104xf32, #tpu.memory_space<hbm>>
        %dma_wait3A_189 = tpu.memref_slice %arg7[%add3A_185] : memref<106496xf32, #tpu.memory_space<hbm>> -> memref<104xf32, #tpu.memory_space<hbm>>
        %dma_wait3A_190 = arith.constant 0 : i32
        %dma_wait3A_191 = tpu.memref_slice %arg16[%dma_wait3A_190] : memref<112xf32, #tpu.memory_space<vmem>> -> memref<104xf32, #tpu.memory_space<vmem>>
        tpu.wait_dma2 semaphore(%arg28 : memref<!tpu.dma_semaphore, #tpu.memory_space<semaphore_mem>>) src(%dma_wait3A_191 : memref<104xf32, #tpu.memory_space<vmem>>) dst(%dma_wait3A_189 : memref<104xf32, #tpu.memory_space<hbm>>)
        %dma_wait3A_192 = tpu.memref_slice %arg8[%add3A_185] : memref<106496xf32, #tpu.memory_space<hbm>> -> memref<104xf32, #tpu.memory_space<hbm>>
        %dma_wait3A_193 = tpu.memref_slice %arg8[%add3A_185] : memref<106496xf32, #tpu.memory_space<hbm>> -> memref<104xf32, #tpu.memory_space<hbm>>
        tpu.wait_dma2 semaphore(%arg28 : memref<!tpu.dma_semaphore, #tpu.memory_space<semaphore_mem>>) src(%arg18 : memref<104xf32, #tpu.memory_space<vmem>>) dst(%dma_wait3A_193 : memref<104xf32, #tpu.memory_space<hbm>>)
        %dma_wait3A_194 = tpu.memref_slice %arg9[%add3A_185] : memref<106496xf32, #tpu.memory_space<hbm>> -> memref<104xf32, #tpu.memory_space<hbm>>
        %dma_wait3A_195 = tpu.memref_slice %arg9[%add3A_185] : memref<106496xf32, #tpu.memory_space<hbm>> -> memref<104xf32, #tpu.memory_space<hbm>>
        tpu.wait_dma2 semaphore(%arg28 : memref<!tpu.dma_semaphore, #tpu.memory_space<semaphore_mem>>) src(%arg20 : memref<104xf32, #tpu.memory_space<vmem>>) dst(%dma_wait3A_195 : memref<104xf32, #tpu.memory_space<hbm>>)
      } else {
      }
      %dma_start3A_120 = arith.constant 0 : i32
      %dma_start3A_121 = tpu.memref_slice %arg11[%add3A_114, %dma_start3A_120] : memref<32x104xi32, #tpu.memory_space<vmem>> -> memref<1x104xi32, #tpu.memory_space<vmem>>
      %dma_start3A_122 = tpu.memref_squeeze %dma_start3A_121 : memref<1x104xi32, #tpu.memory_space<vmem>> -> memref<104xi32, #tpu.memory_space<vmem>>
      %dma_start3A_123 = arith.constant 0 : i32
      %dma_start3A_124 = tpu.memref_slice %arg5[%dma_start3A_123] : memref<100000xf32, #tpu.memory_space<hbm>> -> memref<100000xf32, #tpu.memory_space<hbm>>
      tpu.enqueue_indirect_dma source(%dma_start3A_124 : memref<100000xf32, #tpu.memory_space<hbm>>) target(%arg18 : memref<104xf32, #tpu.memory_space<vmem>>) offsets(%dma_start3A_122 : memref<104xi32, #tpu.memory_space<vmem>>) semaphore(%arg24 : memref<!tpu.dma_semaphore, #tpu.memory_space<semaphore_mem>>)
      %dma_start3A_125 = arith.constant 0 : i32
      %dma_start3A_126 = tpu.memref_slice %arg11[%add3A_114, %dma_start3A_125] : memref<32x104xi32, #tpu.memory_space<vmem>> -> memref<1x104xi32, #tpu.memory_space<vmem>>
      %dma_start3A_127 = tpu.memref_squeeze %dma_start3A_126 : memref<1x104xi32, #tpu.memory_space<vmem>> -> memref<104xi32, #tpu.memory_space<vmem>>
      %dma_start3A_128 = arith.constant 0 : i32
      %dma_start3A_129 = tpu.memref_slice %arg6[%dma_start3A_128] : memref<100000xf32, #tpu.memory_space<hbm>> -> memref<100000xf32, #tpu.memory_space<hbm>>
      tpu.enqueue_indirect_dma source(%dma_start3A_129 : memref<100000xf32, #tpu.memory_space<hbm>>) target(%arg20 : memref<104xf32, #tpu.memory_space<vmem>>) offsets(%dma_start3A_127 : memref<104xi32, #tpu.memory_space<vmem>>) semaphore(%arg26 : memref<!tpu.dma_semaphore, #tpu.memory_space<semaphore_mem>>)
      %add3A_130 = arith.constant 1 : i32
      %add3A_131 = arith.addi %add3A_114, %add3A_130 : i32
      %lt3A = arith.constant 32 : i32
      %lt3A_132 = arith.cmpi slt, %add3A_131, %lt3A : i32
      %convert_element_type3A_133 = arith.extui %lt3A_132 : i1 to i32
      %cond3A_134 = arith.constant 0 : i32
      %cond3A_135 = arith.cmpi ne, %convert_element_type3A_133, %cond3A_134 : i32
      scf.if %cond3A_135 {
        %dma_start3A_180 = arith.constant 0 : i32
        %dma_start3A_181 = tpu.memref_slice %arg11[%add3A_131, %dma_start3A_180] : memref<32x104xi32, #tpu.memory_space<vmem>> -> memref<1x104xi32, #tpu.memory_space<vmem>>
        %dma_start3A_182 = tpu.memref_squeeze %dma_start3A_181 : memref<1x104xi32, #tpu.memory_space<vmem>> -> memref<104xi32, #tpu.memory_space<vmem>>
        %dma_start3A_183 = arith.constant 0 : i32
        %dma_start3A_184 = arith.constant 0 : i32
        %dma_start3A_185 = tpu.memref_slice %arg2[%dma_start3A_183, %dma_start3A_184] : memref<100000x128xf32, #tpu.memory_space<hbm>> -> memref<100000x128xf32, #tpu.memory_space<hbm>>
        tpu.enqueue_indirect_dma source(%dma_start3A_185 : memref<100000x128xf32, #tpu.memory_space<hbm>>) target(%arg12 : memref<104x128xf32, #tpu.memory_space<vmem>>) offsets(%dma_start3A_182 : memref<104xi32, #tpu.memory_space<vmem>>) semaphore(%arg21 : memref<!tpu.dma_semaphore, #tpu.memory_space<semaphore_mem>>)
      } else {
      }
      %dma_wait3A_136 = arith.constant 0 : i32
      %dma_wait3A_137 = tpu.memref_slice %arg11[%add3A_114, %dma_wait3A_136] : memref<32x104xi32, #tpu.memory_space<vmem>> -> memref<1x104xi32, #tpu.memory_space<vmem>>
      %dma_wait3A_138 = tpu.memref_squeeze %dma_wait3A_137 : memref<1x104xi32, #tpu.memory_space<vmem>> -> memref<104xi32, #tpu.memory_space<vmem>>
      %dma_wait3A_139 = arith.constant 0 : i32
      %dma_wait3A_140 = arith.constant 0 : i32
      %dma_wait3A_141 = tpu.memref_slice %arg2[%dma_wait3A_139, %dma_wait3A_140] : memref<100000x128xf32, #tpu.memory_space<hbm>> -> memref<100000x128xf32, #tpu.memory_space<hbm>>
      tpu.wait_indirect_dma semaphore(%arg22 : memref<!tpu.dma_semaphore, #tpu.memory_space<semaphore_mem>>) src(%dma_wait3A_141 : memref<100000x128xf32, #tpu.memory_space<hbm>>) dst(%arg13 : memref<104x128xf32, #tpu.memory_space<vmem>>)
      %scan3A_142 = arith.constant 0 : i32
      %scan3A_143 = arith.constant 0 : i32
      %scan3A_144 = arith.constant 4 : i32
      %scan3A_145 = arith.addi %scan3A_143, %scan3A_144 : i32
      %scan3A_146 = arith.constant 1 : i32
      scf.for %scan3A_180 = %scan3A_143 to %scan3A_145 step %scan3A_146  : i32 {
        %mul3A_181 = arith.constant 4 : i32
        %mul3A_182 = arith.muli %add3A_114, %mul3A_181 : i32
        %add3A_183 = arith.addi %mul3A_182, %scan3A_180 : i32
        %get3A = arith.index_cast %add3A_183 : i32 to index
        %get3A_184 = arith.constant 0 : index
        %get3A_185 = tpu.vector_load %arg10[%get3A, %get3A_184] {strides = array<i32>} : memref<128x128xf32, #tpu.memory_space<vmem>>, vector<16xf32>,
        %get3A_186 = arith.index_cast %add3A_183 : i32 to index
        %get3A_187 = arith.constant 16 : index
        %get3A_188 = tpu.vector_load %arg10[%get3A_186, %get3A_187] {strides = array<i32>} : memref<128x128xf32, #tpu.memory_space<vmem>>, vector<16xf32>,
        %get3A_189 = arith.index_cast %add3A_183 : i32 to index
        %get3A_190 = arith.constant 32 : index
        %get3A_191 = tpu.vector_load %arg10[%get3A_189, %get3A_190] {strides = array<i32>} : memref<128x128xf32, #tpu.memory_space<vmem>>, vector<16xf32>,
        %get3A_192 = arith.index_cast %add3A_183 : i32 to index
        %get3A_193 = arith.constant 48 : index
        %get3A_194 = tpu.vector_load %arg10[%get3A_192, %get3A_193] {strides = array<i32>} : memref<128x128xf32, #tpu.memory_space<vmem>>, vector<16xf32>,
        %get3A_195 = arith.index_cast %add3A_183 : i32 to index
        %get3A_196 = arith.constant 64 : index
        %get3A_197 = tpu.vector_load %arg10[%get3A_195, %get3A_196] {strides = array<i32>} : memref<128x128xf32, #tpu.memory_space<vmem>>, vector<16xf32>,
        %get3A_198 = arith.index_cast %add3A_183 : i32 to index
        %get3A_199 = arith.constant 80 : index
        %get3A_200 = tpu.vector_load %arg10[%get3A_198, %get3A_199] {strides = array<i32>} : memref<128x128xf32, #tpu.memory_space<vmem>>, vector<16xf32>,
        %get3A_201 = arith.index_cast %add3A_183 : i32 to index
        %get3A_202 = arith.constant 96 : index
        %get3A_203 = tpu.vector_load %arg10[%get3A_201, %get3A_202] {strides = array<i32>} : memref<128x128xf32, #tpu.memory_space<vmem>>, vector<16xf32>,
        %get3A_204 = arith.index_cast %add3A_183 : i32 to index
        %get3A_205 = arith.constant 112 : index
        %get3A_206 = tpu.vector_load %arg10[%get3A_204, %get3A_205] {strides = array<i32>} : memref<128x128xf32, #tpu.memory_space<vmem>>, vector<16xf32>,
        %mul3A_207 = arith.constant 26 : i32
        %mul3A_208 = arith.muli %scan3A_180, %mul3A_207 : i32
        %add3A_209 = arith.constant 0 : i32
        %add3A_210 = arith.addi %mul3A_208, %add3A_209 : i32
        %get3A_211 = arith.index_cast %add3A_210 : i32 to index
        %get3A_212 = arith.constant 0 : index
        %get3A_213 = tpu.vector_load %arg13[%get3A_211, %get3A_212] {strides = array<i32>} : memref<104x128xf32, #tpu.memory_space<vmem>>, vector<16xf32>,
        %mul3A_214 = arith.mulf %get3A_185, %get3A_213 : vector<16xf32>
        %get3A_215 = arith.index_cast %add3A_210 : i32 to index
        %get3A_216 = arith.constant 16 : index
        %get3A_217 = tpu.vector_load %arg13[%get3A_215, %get3A_216] {strides = array<i32>} : memref<104x128xf32, #tpu.memory_space<vmem>>, vector<16xf32>,
        %mul3A_218 = arith.mulf %get3A_188, %get3A_217 : vector<16xf32>
        %add3A_219 = arith.addf %mul3A_214, %mul3A_218 : vector<16xf32>
        %get3A_220 = arith.index_cast %add3A_210 : i32 to index
        %get3A_221 = arith.constant 32 : index
        %get3A_222 = tpu.vector_load %arg13[%get3A_220, %get3A_221] {strides = array<i32>} : memref<104x128xf32, #tpu.memory_space<vmem>>, vector<16xf32>,
        %mul3A_223 = arith.mulf %get3A_191, %get3A_222 : vector<16xf32>
        %add3A_224 = arith.addf %add3A_219, %mul3A_223 : vector<16xf32>
        %get3A_225 = arith.index_cast %add3A_210 : i32 to index
        %get3A_226 = arith.constant 48 : index
        %get3A_227 = tpu.vector_load %arg13[%get3A_225, %get3A_226] {strides = array<i32>} : memref<104x128xf32, #tpu.memory_space<vmem>>, vector<16xf32>,
        %mul3A_228 = arith.mulf %get3A_194, %get3A_227 : vector<16xf32>
        %add3A_229 = arith.addf %add3A_224, %mul3A_228 : vector<16xf32>
        %get3A_230 = arith.index_cast %add3A_210 : i32 to index
        %get3A_231 = arith.constant 64 : index
        %get3A_232 = tpu.vector_load %arg13[%get3A_230, %get3A_231] {strides = array<i32>} : memref<104x128xf32, #tpu.memory_space<vmem>>, vector<16xf32>,
        %mul3A_233 = arith.mulf %get3A_197, %get3A_232 : vector<16xf32>
        %add3A_234 = arith.addf %add3A_229, %mul3A_233 : vector<16xf32>
        %get3A_235 = arith.index_cast %add3A_210 : i32 to index
        %get3A_236 = arith.constant 80 : index
        %get3A_237 = tpu.vector_load %arg13[%get3A_235, %get3A_236] {strides = array<i32>} : memref<104x128xf32, #tpu.memory_space<vmem>>, vector<16xf32>,
        %mul3A_238 = arith.mulf %get3A_200, %get3A_237 : vector<16xf32>
        %add3A_239 = arith.addf %add3A_234, %mul3A_238 : vector<16xf32>
        %get3A_240 = arith.index_cast %add3A_210 : i32 to index
        %get3A_241 = arith.constant 96 : index
        %get3A_242 = tpu.vector_load %arg13[%get3A_240, %get3A_241] {strides = array<i32>} : memref<104x128xf32, #tpu.memory_space<vmem>>, vector<16xf32>,
        %mul3A_243 = arith.mulf %get3A_203, %get3A_242 : vector<16xf32>
        %add3A_244 = arith.addf %add3A_239, %mul3A_243 : vector<16xf32>
        %get3A_245 = arith.index_cast %add3A_210 : i32 to index
        %get3A_246 = arith.constant 112 : index
        %get3A_247 = tpu.vector_load %arg13[%get3A_245, %get3A_246] {strides = array<i32>} : memref<104x128xf32, #tpu.memory_space<vmem>>, vector<16xf32>,
        %mul3A_248 = arith.mulf %get3A_206, %get3A_247 : vector<16xf32>
        %add3A_249 = arith.addf %add3A_244, %mul3A_248 : vector<16xf32>
        %mul3A_250 = arith.constant 17 : i32
        %mul3A_251 = arith.muli %add3A_210, %mul3A_250 : i32
        %swap3A = arith.index_cast %mul3A_251 : i32 to index
        %swap3A_252 = tpu.vector_load %arg14[%swap3A] {strides = array<i32>} : memref<1904xf32, #tpu.memory_space<vmem>>, vector<16xf32>,
        tpu.vector_store %arg14[%swap3A], %add3A_249 {strides = array<i32>} : memref<1904xf32, #tpu.memory_space<vmem>>, vector<16xf32>,
        %mul3A_253 = arith.constant 26 : i32
        %mul3A_254 = arith.muli %scan3A_180, %mul3A_253 : i32
        %add3A_255 = arith.constant 1 : i32
        %add3A_256 = arith.addi %mul3A_254, %add3A_255 : i32
        %get3A_257 = arith.index_cast %add3A_256 : i32 to index
        %get3A_258 = arith.constant 0 : index
        %get3A_259 = tpu.vector_load %arg13[%get3A_257, %get3A_258] {strides = array<i32>} : memref<104x128xf32, #tpu.memory_space<vmem>>, vector<16xf32>,
        %mul3A_260 = arith.mulf %get3A_185, %get3A_259 : vector<16xf32>
        %get3A_261 = arith.index_cast %add3A_256 : i32 to index
        %get3A_262 = arith.constant 16 : index
        %get3A_263 = tpu.vector_load %arg13[%get3A_261, %get3A_262] {strides = array<i32>} : memref<104x128xf32, #tpu.memory_space<vmem>>, vector<16xf32>,
        %mul3A_264 = arith.mulf %get3A_188, %get3A_263 : vector<16xf32>
        %add3A_265 = arith.addf %mul3A_260, %mul3A_264 : vector<16xf32>
        %get3A_266 = arith.index_cast %add3A_256 : i32 to index
        %get3A_267 = arith.constant 32 : index
        %get3A_268 = tpu.vector_load %arg13[%get3A_266, %get3A_267] {strides = array<i32>} : memref<104x128xf32, #tpu.memory_space<vmem>>, vector<16xf32>,
        %mul3A_269 = arith.mulf %get3A_191, %get3A_268 : vector<16xf32>
        %add3A_270 = arith.addf %add3A_265, %mul3A_269 : vector<16xf32>
        %get3A_271 = arith.index_cast %add3A_256 : i32 to index
        %get3A_272 = arith.constant 48 : index
        %get3A_273 = tpu.vector_load %arg13[%get3A_271, %get3A_272] {strides = array<i32>} : memref<104x128xf32, #tpu.memory_space<vmem>>, vector<16xf32>,
        %mul3A_274 = arith.mulf %get3A_194, %get3A_273 : vector<16xf32>
        %add3A_275 = arith.addf %add3A_270, %mul3A_274 : vector<16xf32>
        %get3A_276 = arith.index_cast %add3A_256 : i32 to index
        %get3A_277 = arith.constant 64 : index
        %get3A_278 = tpu.vector_load %arg13[%get3A_276, %get3A_277] {strides = array<i32>} : memref<104x128xf32, #tpu.memory_space<vmem>>, vector<16xf32>,
        %mul3A_279 = arith.mulf %get3A_197, %get3A_278 : vector<16xf32>
        %add3A_280 = arith.addf %add3A_275, %mul3A_279 : vector<16xf32>
        %get3A_281 = arith.index_cast %add3A_256 : i32 to index
        %get3A_282 = arith.constant 80 : index
        %get3A_283 = tpu.vector_load %arg13[%get3A_281, %get3A_282] {strides = array<i32>} : memref<104x128xf32, #tpu.memory_space<vmem>>, vector<16xf32>,
        %mul3A_284 = arith.mulf %get3A_200, %get3A_283 : vector<16xf32>
        %add3A_285 = arith.addf %add3A_280, %mul3A_284 : vector<16xf32>
        %get3A_286 = arith.index_cast %add3A_256 : i32 to index
        %get3A_287 = arith.constant 96 : index
        %get3A_288 = tpu.vector_load %arg13[%get3A_286, %get3A_287] {strides = array<i32>} : memref<104x128xf32, #tpu.memory_space<vmem>>, vector<16xf32>,
        %mul3A_289 = arith.mulf %get3A_203, %get3A_288 : vector<16xf32>
        %add3A_290 = arith.addf %add3A_285, %mul3A_289 : vector<16xf32>
        %get3A_291 = arith.index_cast %add3A_256 : i32 to index
        %get3A_292 = arith.constant 112 : index
        %get3A_293 = tpu.vector_load %arg13[%get3A_291, %get3A_292] {strides = array<i32>} : memref<104x128xf32, #tpu.memory_space<vmem>>, vector<16xf32>,
        %mul3A_294 = arith.mulf %get3A_206, %get3A_293 : vector<16xf32>
        %add3A_295 = arith.addf %add3A_290, %mul3A_294 : vector<16xf32>
        %mul3A_296 = arith.constant 17 : i32
        %mul3A_297 = arith.muli %add3A_256, %mul3A_296 : i32
        %swap3A_298 = arith.index_cast %mul3A_297 : i32 to index
        %swap3A_299 = tpu.vector_load %arg14[%swap3A_298] {strides = array<i32>} : memref<1904xf32, #tpu.memory_space<vmem>>, vector<16xf32>,
        tpu.vector_store %arg14[%swap3A_298], %add3A_295 {strides = array<i32>} : memref<1904xf32, #tpu.memory_space<vmem>>, vector<16xf32>,
        %mul3A_300 = arith.constant 26 : i32
        %mul3A_301 = arith.muli %scan3A_180, %mul3A_300 : i32
        %add3A_302 = arith.constant 2 : i32
        %add3A_303 = arith.addi %mul3A_301, %add3A_302 : i32
        %get3A_304 = arith.index_cast %add3A_303 : i32 to index
        %get3A_305 = arith.constant 0 : index
        %get3A_306 = tpu.vector_load %arg13[%get3A_304, %get3A_305] {strides = array<i32>} : memref<104x128xf32, #tpu.memory_space<vmem>>, vector<16xf32>,
        %mul3A_307 = arith.mulf %get3A_185, %get3A_306 : vector<16xf32>
        %get3A_308 = arith.index_cast %add3A_303 : i32 to index
        %get3A_309 = arith.constant 16 : index
        %get3A_310 = tpu.vector_load %arg13[%get3A_308, %get3A_309] {strides = array<i32>} : memref<104x128xf32, #tpu.memory_space<vmem>>, vector<16xf32>,
        %mul3A_311 = arith.mulf %get3A_188, %get3A_310 : vector<16xf32>
        %add3A_312 = arith.addf %mul3A_307, %mul3A_311 : vector<16xf32>
        %get3A_313 = arith.index_cast %add3A_303 : i32 to index
        %get3A_314 = arith.constant 32 : index
        %get3A_315 = tpu.vector_load %arg13[%get3A_313, %get3A_314] {strides = array<i32>} : memref<104x128xf32, #tpu.memory_space<vmem>>, vector<16xf32>,
        %mul3A_316 = arith.mulf %get3A_191, %get3A_315 : vector<16xf32>
        %add3A_317 = arith.addf %add3A_312, %mul3A_316 : vector<16xf32>
        %get3A_318 = arith.index_cast %add3A_303 : i32 to index
        %get3A_319 = arith.constant 48 : index
        %get3A_320 = tpu.vector_load %arg13[%get3A_318, %get3A_319] {strides = array<i32>} : memref<104x128xf32, #tpu.memory_space<vmem>>, vector<16xf32>,
        %mul3A_321 = arith.mulf %get3A_194, %get3A_320 : vector<16xf32>
        %add3A_322 = arith.addf %add3A_317, %mul3A_321 : vector<16xf32>
        %get3A_323 = arith.index_cast %add3A_303 : i32 to index
        %get3A_324 = arith.constant 64 : index
        %get3A_325 = tpu.vector_load %arg13[%get3A_323, %get3A_324] {strides = array<i32>} : memref<104x128xf32, #tpu.memory_space<vmem>>, vector<16xf32>,
        %mul3A_326 = arith.mulf %get3A_197, %get3A_325 : vector<16xf32>
        %add3A_327 = arith.addf %add3A_322, %mul3A_326 : vector<16xf32>
        %get3A_328 = arith.index_cast %add3A_303 : i32 to index
        %get3A_329 = arith.constant 80 : index
        %get3A_330 = tpu.vector_load %arg13[%get3A_328, %get3A_329] {strides = array<i32>} : memref<104x128xf32, #tpu.memory_space<vmem>>, vector<16xf32>,
        %mul3A_331 = arith.mulf %get3A_200, %get3A_330 : vector<16xf32>
        %add3A_332 = arith.addf %add3A_327, %mul3A_331 : vector<16xf32>
        %get3A_333 = arith.index_cast %add3A_303 : i32 to index
        %get3A_334 = arith.constant 96 : index
        %get3A_335 = tpu.vector_load %arg13[%get3A_333, %get3A_334] {strides = array<i32>} : memref<104x128xf32, #tpu.memory_space<vmem>>, vector<16xf32>,
        %mul3A_336 = arith.mulf %get3A_203, %get3A_335 : vector<16xf32>
        %add3A_337 = arith.addf %add3A_332, %mul3A_336 : vector<16xf32>
        %get3A_338 = arith.index_cast %add3A_303 : i32 to index
        %get3A_339 = arith.constant 112 : index
        %get3A_340 = tpu.vector_load %arg13[%get3A_338, %get3A_339] {strides = array<i32>} : memref<104x128xf32, #tpu.memory_space<vmem>>, vector<16xf32>,
        %mul3A_341 = arith.mulf %get3A_206, %get3A_340 : vector<16xf32>
        %add3A_342 = arith.addf %add3A_337, %mul3A_341 : vector<16xf32>
        %mul3A_343 = arith.constant 17 : i32
        %mul3A_344 = arith.muli %add3A_303, %mul3A_343 : i32
        %swap3A_345 = arith.index_cast %mul3A_344 : i32 to index
        %swap3A_346 = tpu.vector_load %arg14[%swap3A_345] {strides = array<i32>} : memref<1904xf32, #tpu.memory_space<vmem>>, vector<16xf32>,
        tpu.vector_store %arg14[%swap3A_345], %add3A_342 {strides = array<i32>} : memref<1904xf32, #tpu.memory_space<vmem>>, vector<16xf32>,
        %mul3A_347 = arith.constant 26 : i32
        %mul3A_348 = arith.muli %scan3A_180, %mul3A_347 : i32
        %add3A_349 = arith.constant 3 : i32
        %add3A_350 = arith.addi %mul3A_348, %add3A_349 : i32
        %get3A_351 = arith.index_cast %add3A_350 : i32 to index
        %get3A_352 = arith.constant 0 : index
        %get3A_353 = tpu.vector_load %arg13[%get3A_351, %get3A_352] {strides = array<i32>} : memref<104x128xf32, #tpu.memory_space<vmem>>, vector<16xf32>,
        %mul3A_354 = arith.mulf %get3A_185, %get3A_353 : vector<16xf32>
        %get3A_355 = arith.index_cast %add3A_350 : i32 to index
        %get3A_356 = arith.constant 16 : index
        %get3A_357 = tpu.vector_load %arg13[%get3A_355, %get3A_356] {strides = array<i32>} : memref<104x128xf32, #tpu.memory_space<vmem>>, vector<16xf32>,
        %mul3A_358 = arith.mulf %get3A_188, %get3A_357 : vector<16xf32>
        %add3A_359 = arith.addf %mul3A_354, %mul3A_358 : vector<16xf32>
        %get3A_360 = arith.index_cast %add3A_350 : i32 to index
        %get3A_361 = arith.constant 32 : index
        %get3A_362 = tpu.vector_load %arg13[%get3A_360, %get3A_361] {strides = array<i32>} : memref<104x128xf32, #tpu.memory_space<vmem>>, vector<16xf32>,
        %mul3A_363 = arith.mulf %get3A_191, %get3A_362 : vector<16xf32>
        %add3A_364 = arith.addf %add3A_359, %mul3A_363 : vector<16xf32>
        %get3A_365 = arith.index_cast %add3A_350 : i32 to index
        %get3A_366 = arith.constant 48 : index
        %get3A_367 = tpu.vector_load %arg13[%get3A_365, %get3A_366] {strides = array<i32>} : memref<104x128xf32, #tpu.memory_space<vmem>>, vector<16xf32>,
        %mul3A_368 = arith.mulf %get3A_194, %get3A_367 : vector<16xf32>
        %add3A_369 = arith.addf %add3A_364, %mul3A_368 : vector<16xf32>
        %get3A_370 = arith.index_cast %add3A_350 : i32 to index
        %get3A_371 = arith.constant 64 : index
        %get3A_372 = tpu.vector_load %arg13[%get3A_370, %get3A_371] {strides = array<i32>} : memref<104x128xf32, #tpu.memory_space<vmem>>, vector<16xf32>,
        %mul3A_373 = arith.mulf %get3A_197, %get3A_372 : vector<16xf32>
        %add3A_374 = arith.addf %add3A_369, %mul3A_373 : vector<16xf32>
        %get3A_375 = arith.index_cast %add3A_350 : i32 to index
        %get3A_376 = arith.constant 80 : index
        %get3A_377 = tpu.vector_load %arg13[%get3A_375, %get3A_376] {strides = array<i32>} : memref<104x128xf32, #tpu.memory_space<vmem>>, vector<16xf32>,
        %mul3A_378 = arith.mulf %get3A_200, %get3A_377 : vector<16xf32>
        %add3A_379 = arith.addf %add3A_374, %mul3A_378 : vector<16xf32>
        %get3A_380 = arith.index_cast %add3A_350 : i32 to index
        %get3A_381 = arith.constant 96 : index
        %get3A_382 = tpu.vector_load %arg13[%get3A_380, %get3A_381] {strides = array<i32>} : memref<104x128xf32, #tpu.memory_space<vmem>>, vector<16xf32>,
        %mul3A_383 = arith.mulf %get3A_203, %get3A_382 : vector<16xf32>
        %add3A_384 = arith.addf %add3A_379, %mul3A_383 : vector<16xf32>
        %get3A_385 = arith.index_cast %add3A_350 : i32 to index
        %get3A_386 = arith.constant 112 : index
        %get3A_387 = tpu.vector_load %arg13[%get3A_385, %get3A_386] {strides = array<i32>} : memref<104x128xf32, #tpu.memory_space<vmem>>, vector<16xf32>,
        %mul3A_388 = arith.mulf %get3A_206, %get3A_387 : vector<16xf32>
        %add3A_389 = arith.addf %add3A_384, %mul3A_388 : vector<16xf32>
        %mul3A_390 = arith.constant 17 : i32
        %mul3A_391 = arith.muli %add3A_350, %mul3A_390 : i32
        %swap3A_392 = arith.index_cast %mul3A_391 : i32 to index
        %swap3A_393 = tpu.vector_load %arg14[%swap3A_392] {strides = array<i32>} : memref<1904xf32, #tpu.memory_space<vmem>>, vector<16xf32>,
        tpu.vector_store %arg14[%swap3A_392], %add3A_389 {strides = array<i32>} : memref<1904xf32, #tpu.memory_space<vmem>>, vector<16xf32>,
        %mul3A_394 = arith.constant 26 : i32
        %mul3A_395 = arith.muli %scan3A_180, %mul3A_394 : i32
        %add3A_396 = arith.constant 4 : i32
        %add3A_397 = arith.addi %mul3A_395, %add3A_396 : i32
        %get3A_398 = arith.index_cast %add3A_397 : i32 to index
        %get3A_399 = arith.constant 0 : index
        %get3A_400 = tpu.vector_load %arg13[%get3A_398, %get3A_399] {strides = array<i32>} : memref<104x128xf32, #tpu.memory_space<vmem>>, vector<16xf32>,
        %mul3A_401 = arith.mulf %get3A_185, %get3A_400 : vector<16xf32>
        %get3A_402 = arith.index_cast %add3A_397 : i32 to index
        %get3A_403 = arith.constant 16 : index
        %get3A_404 = tpu.vector_load %arg13[%get3A_402, %get3A_403] {strides = array<i32>} : memref<104x128xf32, #tpu.memory_space<vmem>>, vector<16xf32>,
        %mul3A_405 = arith.mulf %get3A_188, %get3A_404 : vector<16xf32>
        %add3A_406 = arith.addf %mul3A_401, %mul3A_405 : vector<16xf32>
        %get3A_407 = arith.index_cast %add3A_397 : i32 to index
        %get3A_408 = arith.constant 32 : index
        %get3A_409 = tpu.vector_load %arg13[%get3A_407, %get3A_408] {strides = array<i32>} : memref<104x128xf32, #tpu.memory_space<vmem>>, vector<16xf32>,
        %mul3A_410 = arith.mulf %get3A_191, %get3A_409 : vector<16xf32>
        %add3A_411 = arith.addf %add3A_406, %mul3A_410 : vector<16xf32>
        %get3A_412 = arith.index_cast %add3A_397 : i32 to index
        %get3A_413 = arith.constant 48 : index
        %get3A_414 = tpu.vector_load %arg13[%get3A_412, %get3A_413] {strides = array<i32>} : memref<104x128xf32, #tpu.memory_space<vmem>>, vector<16xf32>,
        %mul3A_415 = arith.mulf %get3A_194, %get3A_414 : vector<16xf32>
        %add3A_416 = arith.addf %add3A_411, %mul3A_415 : vector<16xf32>
        %get3A_417 = arith.index_cast %add3A_397 : i32 to index
        %get3A_418 = arith.constant 64 : index
        %get3A_419 = tpu.vector_load %arg13[%get3A_417, %get3A_418] {strides = array<i32>} : memref<104x128xf32, #tpu.memory_space<vmem>>, vector<16xf32>,
        %mul3A_420 = arith.mulf %get3A_197, %get3A_419 : vector<16xf32>
        %add3A_421 = arith.addf %add3A_416, %mul3A_420 : vector<16xf32>
        %get3A_422 = arith.index_cast %add3A_397 : i32 to index
        %get3A_423 = arith.constant 80 : index
        %get3A_424 = tpu.vector_load %arg13[%get3A_422, %get3A_423] {strides = array<i32>} : memref<104x128xf32, #tpu.memory_space<vmem>>, vector<16xf32>,
        %mul3A_425 = arith.mulf %get3A_200, %get3A_424 : vector<16xf32>
        %add3A_426 = arith.addf %add3A_421, %mul3A_425 : vector<16xf32>
        %get3A_427 = arith.index_cast %add3A_397 : i32 to index
        %get3A_428 = arith.constant 96 : index
        %get3A_429 = tpu.vector_load %arg13[%get3A_427, %get3A_428] {strides = array<i32>} : memref<104x128xf32, #tpu.memory_space<vmem>>, vector<16xf32>,
        %mul3A_430 = arith.mulf %get3A_203, %get3A_429 : vector<16xf32>
        %add3A_431 = arith.addf %add3A_426, %mul3A_430 : vector<16xf32>
        %get3A_432 = arith.index_cast %add3A_397 : i32 to index
        %get3A_433 = arith.constant 112 : index
        %get3A_434 = tpu.vector_load %arg13[%get3A_432, %get3A_433] {strides = array<i32>} : memref<104x128xf32, #tpu.memory_space<vmem>>, vector<16xf32>,
        %mul3A_435 = arith.mulf %get3A_206, %get3A_434 : vector<16xf32>
        %add3A_436 = arith.addf %add3A_431, %mul3A_435 : vector<16xf32>
        %mul3A_437 = arith.constant 17 : i32
        %mul3A_438 = arith.muli %add3A_397, %mul3A_437 : i32
        %swap3A_439 = arith.index_cast %mul3A_438 : i32 to index
        %swap3A_440 = tpu.vector_load %arg14[%swap3A_439] {strides = array<i32>} : memref<1904xf32, #tpu.memory_space<vmem>>, vector<16xf32>,
        tpu.vector_store %arg14[%swap3A_439], %add3A_436 {strides = array<i32>} : memref<1904xf32, #tpu.memory_space<vmem>>, vector<16xf32>,
        %mul3A_441 = arith.constant 26 : i32
        %mul3A_442 = arith.muli %scan3A_180, %mul3A_441 : i32
        %add3A_443 = arith.constant 5 : i32
        %add3A_444 = arith.addi %mul3A_442, %add3A_443 : i32
        %get3A_445 = arith.index_cast %add3A_444 : i32 to index
        %get3A_446 = arith.constant 0 : index
        %get3A_447 = tpu.vector_load %arg13[%get3A_445, %get3A_446] {strides = array<i32>} : memref<104x128xf32, #tpu.memory_space<vmem>>, vector<16xf32>,
        %mul3A_448 = arith.mulf %get3A_185, %get3A_447 : vector<16xf32>
        %get3A_449 = arith.index_cast %add3A_444 : i32 to index
        %get3A_450 = arith.constant 16 : index
        %get3A_451 = tpu.vector_load %arg13[%get3A_449, %get3A_450] {strides = array<i32>} : memref<104x128xf32, #tpu.memory_space<vmem>>, vector<16xf32>,
        %mul3A_452 = arith.mulf %get3A_188, %get3A_451 : vector<16xf32>
        %add3A_453 = arith.addf %mul3A_448, %mul3A_452 : vector<16xf32>
        %get3A_454 = arith.index_cast %add3A_444 : i32 to index
        %get3A_455 = arith.constant 32 : index
        %get3A_456 = tpu.vector_load %arg13[%get3A_454, %get3A_455] {strides = array<i32>} : memref<104x128xf32, #tpu.memory_space<vmem>>, vector<16xf32>,
        %mul3A_457 = arith.mulf %get3A_191, %get3A_456 : vector<16xf32>
        %add3A_458 = arith.addf %add3A_453, %mul3A_457 : vector<16xf32>
        %get3A_459 = arith.index_cast %add3A_444 : i32 to index
        %get3A_460 = arith.constant 48 : index
        %get3A_461 = tpu.vector_load %arg13[%get3A_459, %get3A_460] {strides = array<i32>} : memref<104x128xf32, #tpu.memory_space<vmem>>, vector<16xf32>,
        %mul3A_462 = arith.mulf %get3A_194, %get3A_461 : vector<16xf32>
        %add3A_463 = arith.addf %add3A_458, %mul3A_462 : vector<16xf32>
        %get3A_464 = arith.index_cast %add3A_444 : i32 to index
        %get3A_465 = arith.constant 64 : index
        %get3A_466 = tpu.vector_load %arg13[%get3A_464, %get3A_465] {strides = array<i32>} : memref<104x128xf32, #tpu.memory_space<vmem>>, vector<16xf32>,
        %mul3A_467 = arith.mulf %get3A_197, %get3A_466 : vector<16xf32>
        %add3A_468 = arith.addf %add3A_463, %mul3A_467 : vector<16xf32>
        %get3A_469 = arith.index_cast %add3A_444 : i32 to index
        %get3A_470 = arith.constant 80 : index
        %get3A_471 = tpu.vector_load %arg13[%get3A_469, %get3A_470] {strides = array<i32>} : memref<104x128xf32, #tpu.memory_space<vmem>>, vector<16xf32>,
        %mul3A_472 = arith.mulf %get3A_200, %get3A_471 : vector<16xf32>
        %add3A_473 = arith.addf %add3A_468, %mul3A_472 : vector<16xf32>
        %get3A_474 = arith.index_cast %add3A_444 : i32 to index
        %get3A_475 = arith.constant 96 : index
        %get3A_476 = tpu.vector_load %arg13[%get3A_474, %get3A_475] {strides = array<i32>} : memref<104x128xf32, #tpu.memory_space<vmem>>, vector<16xf32>,
        %mul3A_477 = arith.mulf %get3A_203, %get3A_476 : vector<16xf32>
        %add3A_478 = arith.addf %add3A_473, %mul3A_477 : vector<16xf32>
        %get3A_479 = arith.index_cast %add3A_444 : i32 to index
        %get3A_480 = arith.constant 112 : index
        %get3A_481 = tpu.vector_load %arg13[%get3A_479, %get3A_480] {strides = array<i32>} : memref<104x128xf32, #tpu.memory_space<vmem>>, vector<16xf32>,
        %mul3A_482 = arith.mulf %get3A_206, %get3A_481 : vector<16xf32>
        %add3A_483 = arith.addf %add3A_478, %mul3A_482 : vector<16xf32>
        %mul3A_484 = arith.constant 17 : i32
        %mul3A_485 = arith.muli %add3A_444, %mul3A_484 : i32
        %swap3A_486 = arith.index_cast %mul3A_485 : i32 to index
        %swap3A_487 = tpu.vector_load %arg14[%swap3A_486] {strides = array<i32>} : memref<1904xf32, #tpu.memory_space<vmem>>, vector<16xf32>,
        tpu.vector_store %arg14[%swap3A_486], %add3A_483 {strides = array<i32>} : memref<1904xf32, #tpu.memory_space<vmem>>, vector<16xf32>,
        %mul3A_488 = arith.constant 26 : i32
        %mul3A_489 = arith.muli %scan3A_180, %mul3A_488 : i32
        %add3A_490 = arith.constant 6 : i32
        %add3A_491 = arith.addi %mul3A_489, %add3A_490 : i32
        %get3A_492 = arith.index_cast %add3A_491 : i32 to index
        %get3A_493 = arith.constant 0 : index
        %get3A_494 = tpu.vector_load %arg13[%get3A_492, %get3A_493] {strides = array<i32>} : memref<104x128xf32, #tpu.memory_space<vmem>>, vector<16xf32>,
        %mul3A_495 = arith.mulf %get3A_185, %get3A_494 : vector<16xf32>
        %get3A_496 = arith.index_cast %add3A_491 : i32 to index
        %get3A_497 = arith.constant 16 : index
        %get3A_498 = tpu.vector_load %arg13[%get3A_496, %get3A_497] {strides = array<i32>} : memref<104x128xf32, #tpu.memory_space<vmem>>, vector<16xf32>,
        %mul3A_499 = arith.mulf %get3A_188, %get3A_498 : vector<16xf32>
        %add3A_500 = arith.addf %mul3A_495, %mul3A_499 : vector<16xf32>
        %get3A_501 = arith.index_cast %add3A_491 : i32 to index
        %get3A_502 = arith.constant 32 : index
        %get3A_503 = tpu.vector_load %arg13[%get3A_501, %get3A_502] {strides = array<i32>} : memref<104x128xf32, #tpu.memory_space<vmem>>, vector<16xf32>,
        %mul3A_504 = arith.mulf %get3A_191, %get3A_503 : vector<16xf32>
        %add3A_505 = arith.addf %add3A_500, %mul3A_504 : vector<16xf32>
        %get3A_506 = arith.index_cast %add3A_491 : i32 to index
        %get3A_507 = arith.constant 48 : index
        %get3A_508 = tpu.vector_load %arg13[%get3A_506, %get3A_507] {strides = array<i32>} : memref<104x128xf32, #tpu.memory_space<vmem>>, vector<16xf32>,
        %mul3A_509 = arith.mulf %get3A_194, %get3A_508 : vector<16xf32>
        %add3A_510 = arith.addf %add3A_505, %mul3A_509 : vector<16xf32>
        %get3A_511 = arith.index_cast %add3A_491 : i32 to index
        %get3A_512 = arith.constant 64 : index
        %get3A_513 = tpu.vector_load %arg13[%get3A_511, %get3A_512] {strides = array<i32>} : memref<104x128xf32, #tpu.memory_space<vmem>>, vector<16xf32>,
        %mul3A_514 = arith.mulf %get3A_197, %get3A_513 : vector<16xf32>
        %add3A_515 = arith.addf %add3A_510, %mul3A_514 : vector<16xf32>
        %get3A_516 = arith.index_cast %add3A_491 : i32 to index
        %get3A_517 = arith.constant 80 : index
        %get3A_518 = tpu.vector_load %arg13[%get3A_516, %get3A_517] {strides = array<i32>} : memref<104x128xf32, #tpu.memory_space<vmem>>, vector<16xf32>,
        %mul3A_519 = arith.mulf %get3A_200, %get3A_518 : vector<16xf32>
        %add3A_520 = arith.addf %add3A_515, %mul3A_519 : vector<16xf32>
        %get3A_521 = arith.index_cast %add3A_491 : i32 to index
        %get3A_522 = arith.constant 96 : index
        %get3A_523 = tpu.vector_load %arg13[%get3A_521, %get3A_522] {strides = array<i32>} : memref<104x128xf32, #tpu.memory_space<vmem>>, vector<16xf32>,
        %mul3A_524 = arith.mulf %get3A_203, %get3A_523 : vector<16xf32>
        %add3A_525 = arith.addf %add3A_520, %mul3A_524 : vector<16xf32>
        %get3A_526 = arith.index_cast %add3A_491 : i32 to index
        %get3A_527 = arith.constant 112 : index
        %get3A_528 = tpu.vector_load %arg13[%get3A_526, %get3A_527] {strides = array<i32>} : memref<104x128xf32, #tpu.memory_space<vmem>>, vector<16xf32>,
        %mul3A_529 = arith.mulf %get3A_206, %get3A_528 : vector<16xf32>
        %add3A_530 = arith.addf %add3A_525, %mul3A_529 : vector<16xf32>
        %mul3A_531 = arith.constant 17 : i32
        %mul3A_532 = arith.muli %add3A_491, %mul3A_531 : i32
        %swap3A_533 = arith.index_cast %mul3A_532 : i32 to index
        %swap3A_534 = tpu.vector_load %arg14[%swap3A_533] {strides = array<i32>} : memref<1904xf32, #tpu.memory_space<vmem>>, vector<16xf32>,
        tpu.vector_store %arg14[%swap3A_533], %add3A_530 {strides = array<i32>} : memref<1904xf32, #tpu.memory_space<vmem>>, vector<16xf32>,
        %mul3A_535 = arith.constant 26 : i32
        %mul3A_536 = arith.muli %scan3A_180, %mul3A_535 : i32
        %add3A_537 = arith.constant 7 : i32
        %add3A_538 = arith.addi %mul3A_536, %add3A_537 : i32
        %get3A_539 = arith.index_cast %add3A_538 : i32 to index
        %get3A_540 = arith.constant 0 : index
        %get3A_541 = tpu.vector_load %arg13[%get3A_539, %get3A_540] {strides = array<i32>} : memref<104x128xf32, #tpu.memory_space<vmem>>, vector<16xf32>,
        %mul3A_542 = arith.mulf %get3A_185, %get3A_541 : vector<16xf32>
        %get3A_543 = arith.index_cast %add3A_538 : i32 to index
        %get3A_544 = arith.constant 16 : index
        %get3A_545 = tpu.vector_load %arg13[%get3A_543, %get3A_544] {strides = array<i32>} : memref<104x128xf32, #tpu.memory_space<vmem>>, vector<16xf32>,
        %mul3A_546 = arith.mulf %get3A_188, %get3A_545 : vector<16xf32>
        %add3A_547 = arith.addf %mul3A_542, %mul3A_546 : vector<16xf32>
        %get3A_548 = arith.index_cast %add3A_538 : i32 to index
        %get3A_549 = arith.constant 32 : index
        %get3A_550 = tpu.vector_load %arg13[%get3A_548, %get3A_549] {strides = array<i32>} : memref<104x128xf32, #tpu.memory_space<vmem>>, vector<16xf32>,
        %mul3A_551 = arith.mulf %get3A_191, %get3A_550 : vector<16xf32>
        %add3A_552 = arith.addf %add3A_547, %mul3A_551 : vector<16xf32>
        %get3A_553 = arith.index_cast %add3A_538 : i32 to index
        %get3A_554 = arith.constant 48 : index
        %get3A_555 = tpu.vector_load %arg13[%get3A_553, %get3A_554] {strides = array<i32>} : memref<104x128xf32, #tpu.memory_space<vmem>>, vector<16xf32>,
        %mul3A_556 = arith.mulf %get3A_194, %get3A_555 : vector<16xf32>
        %add3A_557 = arith.addf %add3A_552, %mul3A_556 : vector<16xf32>
        %get3A_558 = arith.index_cast %add3A_538 : i32 to index
        %get3A_559 = arith.constant 64 : index
        %get3A_560 = tpu.vector_load %arg13[%get3A_558, %get3A_559] {strides = array<i32>} : memref<104x128xf32, #tpu.memory_space<vmem>>, vector<16xf32>,
        %mul3A_561 = arith.mulf %get3A_197, %get3A_560 : vector<16xf32>
        %add3A_562 = arith.addf %add3A_557, %mul3A_561 : vector<16xf32>
        %get3A_563 = arith.index_cast %add3A_538 : i32 to index
        %get3A_564 = arith.constant 80 : index
        %get3A_565 = tpu.vector_load %arg13[%get3A_563, %get3A_564] {strides = array<i32>} : memref<104x128xf32, #tpu.memory_space<vmem>>, vector<16xf32>,
        %mul3A_566 = arith.mulf %get3A_200, %get3A_565 : vector<16xf32>
        %add3A_567 = arith.addf %add3A_562, %mul3A_566 : vector<16xf32>
        %get3A_568 = arith.index_cast %add3A_538 : i32 to index
        %get3A_569 = arith.constant 96 : index
        %get3A_570 = tpu.vector_load %arg13[%get3A_568, %get3A_569] {strides = array<i32>} : memref<104x128xf32, #tpu.memory_space<vmem>>, vector<16xf32>,
        %mul3A_571 = arith.mulf %get3A_203, %get3A_570 : vector<16xf32>
        %add3A_572 = arith.addf %add3A_567, %mul3A_571 : vector<16xf32>
        %get3A_573 = arith.index_cast %add3A_538 : i32 to index
        %get3A_574 = arith.constant 112 : index
        %get3A_575 = tpu.vector_load %arg13[%get3A_573, %get3A_574] {strides = array<i32>} : memref<104x128xf32, #tpu.memory_space<vmem>>, vector<16xf32>,
        %mul3A_576 = arith.mulf %get3A_206, %get3A_575 : vector<16xf32>
        %add3A_577 = arith.addf %add3A_572, %mul3A_576 : vector<16xf32>
        %mul3A_578 = arith.constant 17 : i32
        %mul3A_579 = arith.muli %add3A_538, %mul3A_578 : i32
        %swap3A_580 = arith.index_cast %mul3A_579 : i32 to index
        %swap3A_581 = tpu.vector_load %arg14[%swap3A_580] {strides = array<i32>} : memref<1904xf32, #tpu.memory_space<vmem>>, vector<16xf32>,
        tpu.vector_store %arg14[%swap3A_580], %add3A_577 {strides = array<i32>} : memref<1904xf32, #tpu.memory_space<vmem>>, vector<16xf32>,
        %mul3A_582 = arith.constant 26 : i32
        %mul3A_583 = arith.muli %scan3A_180, %mul3A_582 : i32
        %add3A_584 = arith.constant 8 : i32
        %add3A_585 = arith.addi %mul3A_583, %add3A_584 : i32
        %get3A_586 = arith.index_cast %add3A_585 : i32 to index
        %get3A_587 = arith.constant 0 : index
        %get3A_588 = tpu.vector_load %arg13[%get3A_586, %get3A_587] {strides = array<i32>} : memref<104x128xf32, #tpu.memory_space<vmem>>, vector<16xf32>,
        %mul3A_589 = arith.mulf %get3A_185, %get3A_588 : vector<16xf32>
        %get3A_590 = arith.index_cast %add3A_585 : i32 to index
        %get3A_591 = arith.constant 16 : index
        %get3A_592 = tpu.vector_load %arg13[%get3A_590, %get3A_591] {strides = array<i32>} : memref<104x128xf32, #tpu.memory_space<vmem>>, vector<16xf32>,
        %mul3A_593 = arith.mulf %get3A_188, %get3A_592 : vector<16xf32>
        %add3A_594 = arith.addf %mul3A_589, %mul3A_593 : vector<16xf32>
        %get3A_595 = arith.index_cast %add3A_585 : i32 to index
        %get3A_596 = arith.constant 32 : index
        %get3A_597 = tpu.vector_load %arg13[%get3A_595, %get3A_596] {strides = array<i32>} : memref<104x128xf32, #tpu.memory_space<vmem>>, vector<16xf32>,
        %mul3A_598 = arith.mulf %get3A_191, %get3A_597 : vector<16xf32>
        %add3A_599 = arith.addf %add3A_594, %mul3A_598 : vector<16xf32>
        %get3A_600 = arith.index_cast %add3A_585 : i32 to index
        %get3A_601 = arith.constant 48 : index
        %get3A_602 = tpu.vector_load %arg13[%get3A_600, %get3A_601] {strides = array<i32>} : memref<104x128xf32, #tpu.memory_space<vmem>>, vector<16xf32>,
        %mul3A_603 = arith.mulf %get3A_194, %get3A_602 : vector<16xf32>
        %add3A_604 = arith.addf %add3A_599, %mul3A_603 : vector<16xf32>
        %get3A_605 = arith.index_cast %add3A_585 : i32 to index
        %get3A_606 = arith.constant 64 : index
        %get3A_607 = tpu.vector_load %arg13[%get3A_605, %get3A_606] {strides = array<i32>} : memref<104x128xf32, #tpu.memory_space<vmem>>, vector<16xf32>,
        %mul3A_608 = arith.mulf %get3A_197, %get3A_607 : vector<16xf32>
        %add3A_609 = arith.addf %add3A_604, %mul3A_608 : vector<16xf32>
        %get3A_610 = arith.index_cast %add3A_585 : i32 to index
        %get3A_611 = arith.constant 80 : index
        %get3A_612 = tpu.vector_load %arg13[%get3A_610, %get3A_611] {strides = array<i32>} : memref<104x128xf32, #tpu.memory_space<vmem>>, vector<16xf32>,
        %mul3A_613 = arith.mulf %get3A_200, %get3A_612 : vector<16xf32>
        %add3A_614 = arith.addf %add3A_609, %mul3A_613 : vector<16xf32>
        %get3A_615 = arith.index_cast %add3A_585 : i32 to index
        %get3A_616 = arith.constant 96 : index
        %get3A_617 = tpu.vector_load %arg13[%get3A_615, %get3A_616] {strides = array<i32>} : memref<104x128xf32, #tpu.memory_space<vmem>>, vector<16xf32>,
        %mul3A_618 = arith.mulf %get3A_203, %get3A_617 : vector<16xf32>
        %add3A_619 = arith.addf %add3A_614, %mul3A_618 : vector<16xf32>
        %get3A_620 = arith.index_cast %add3A_585 : i32 to index
        %get3A_621 = arith.constant 112 : index
        %get3A_622 = tpu.vector_load %arg13[%get3A_620, %get3A_621] {strides = array<i32>} : memref<104x128xf32, #tpu.memory_space<vmem>>, vector<16xf32>,
        %mul3A_623 = arith.mulf %get3A_206, %get3A_622 : vector<16xf32>
        %add3A_624 = arith.addf %add3A_619, %mul3A_623 : vector<16xf32>
        %mul3A_625 = arith.constant 17 : i32
        %mul3A_626 = arith.muli %add3A_585, %mul3A_625 : i32
        %swap3A_627 = arith.index_cast %mul3A_626 : i32 to index
        %swap3A_628 = tpu.vector_load %arg14[%swap3A_627] {strides = array<i32>} : memref<1904xf32, #tpu.memory_space<vmem>>, vector<16xf32>,
        tpu.vector_store %arg14[%swap3A_627], %add3A_624 {strides = array<i32>} : memref<1904xf32, #tpu.memory_space<vmem>>, vector<16xf32>,
        %mul3A_629 = arith.constant 26 : i32
        %mul3A_630 = arith.muli %scan3A_180, %mul3A_629 : i32
        %add3A_631 = arith.constant 9 : i32
        %add3A_632 = arith.addi %mul3A_630, %add3A_631 : i32
        %get3A_633 = arith.index_cast %add3A_632 : i32 to index
        %get3A_634 = arith.constant 0 : index
        %get3A_635 = tpu.vector_load %arg13[%get3A_633, %get3A_634] {strides = array<i32>} : memref<104x128xf32, #tpu.memory_space<vmem>>, vector<16xf32>,
        %mul3A_636 = arith.mulf %get3A_185, %get3A_635 : vector<16xf32>
        %get3A_637 = arith.index_cast %add3A_632 : i32 to index
        %get3A_638 = arith.constant 16 : index
        %get3A_639 = tpu.vector_load %arg13[%get3A_637, %get3A_638] {strides = array<i32>} : memref<104x128xf32, #tpu.memory_space<vmem>>, vector<16xf32>,
        %mul3A_640 = arith.mulf %get3A_188, %get3A_639 : vector<16xf32>
        %add3A_641 = arith.addf %mul3A_636, %mul3A_640 : vector<16xf32>
        %get3A_642 = arith.index_cast %add3A_632 : i32 to index
        %get3A_643 = arith.constant 32 : index
        %get3A_644 = tpu.vector_load %arg13[%get3A_642, %get3A_643] {strides = array<i32>} : memref<104x128xf32, #tpu.memory_space<vmem>>, vector<16xf32>,
        %mul3A_645 = arith.mulf %get3A_191, %get3A_644 : vector<16xf32>
        %add3A_646 = arith.addf %add3A_641, %mul3A_645 : vector<16xf32>
        %get3A_647 = arith.index_cast %add3A_632 : i32 to index
        %get3A_648 = arith.constant 48 : index
        %get3A_649 = tpu.vector_load %arg13[%get3A_647, %get3A_648] {strides = array<i32>} : memref<104x128xf32, #tpu.memory_space<vmem>>, vector<16xf32>,
        %mul3A_650 = arith.mulf %get3A_194, %get3A_649 : vector<16xf32>
        %add3A_651 = arith.addf %add3A_646, %mul3A_650 : vector<16xf32>
        %get3A_652 = arith.index_cast %add3A_632 : i32 to index
        %get3A_653 = arith.constant 64 : index
        %get3A_654 = tpu.vector_load %arg13[%get3A_652, %get3A_653] {strides = array<i32>} : memref<104x128xf32, #tpu.memory_space<vmem>>, vector<16xf32>,
        %mul3A_655 = arith.mulf %get3A_197, %get3A_654 : vector<16xf32>
        %add3A_656 = arith.addf %add3A_651, %mul3A_655 : vector<16xf32>
        %get3A_657 = arith.index_cast %add3A_632 : i32 to index
        %get3A_658 = arith.constant 80 : index
        %get3A_659 = tpu.vector_load %arg13[%get3A_657, %get3A_658] {strides = array<i32>} : memref<104x128xf32, #tpu.memory_space<vmem>>, vector<16xf32>,
        %mul3A_660 = arith.mulf %get3A_200, %get3A_659 : vector<16xf32>
        %add3A_661 = arith.addf %add3A_656, %mul3A_660 : vector<16xf32>
        %get3A_662 = arith.index_cast %add3A_632 : i32 to index
        %get3A_663 = arith.constant 96 : index
        %get3A_664 = tpu.vector_load %arg13[%get3A_662, %get3A_663] {strides = array<i32>} : memref<104x128xf32, #tpu.memory_space<vmem>>, vector<16xf32>,
        %mul3A_665 = arith.mulf %get3A_203, %get3A_664 : vector<16xf32>
        %add3A_666 = arith.addf %add3A_661, %mul3A_665 : vector<16xf32>
        %get3A_667 = arith.index_cast %add3A_632 : i32 to index
        %get3A_668 = arith.constant 112 : index
        %get3A_669 = tpu.vector_load %arg13[%get3A_667, %get3A_668] {strides = array<i32>} : memref<104x128xf32, #tpu.memory_space<vmem>>, vector<16xf32>,
        %mul3A_670 = arith.mulf %get3A_206, %get3A_669 : vector<16xf32>
        %add3A_671 = arith.addf %add3A_666, %mul3A_670 : vector<16xf32>
        %mul3A_672 = arith.constant 17 : i32
        %mul3A_673 = arith.muli %add3A_632, %mul3A_672 : i32
        %swap3A_674 = arith.index_cast %mul3A_673 : i32 to index
        %swap3A_675 = tpu.vector_load %arg14[%swap3A_674] {strides = array<i32>} : memref<1904xf32, #tpu.memory_space<vmem>>, vector<16xf32>,
        tpu.vector_store %arg14[%swap3A_674], %add3A_671 {strides = array<i32>} : memref<1904xf32, #tpu.memory_space<vmem>>, vector<16xf32>,
        %mul3A_676 = arith.constant 26 : i32
        %mul3A_677 = arith.muli %scan3A_180, %mul3A_676 : i32
        %add3A_678 = arith.constant 10 : i32
        %add3A_679 = arith.addi %mul3A_677, %add3A_678 : i32
        %get3A_680 = arith.index_cast %add3A_679 : i32 to index
        %get3A_681 = arith.constant 0 : index
        %get3A_682 = tpu.vector_load %arg13[%get3A_680, %get3A_681] {strides = array<i32>} : memref<104x128xf32, #tpu.memory_space<vmem>>, vector<16xf32>,
        %mul3A_683 = arith.mulf %get3A_185, %get3A_682 : vector<16xf32>
        %get3A_684 = arith.index_cast %add3A_679 : i32 to index
        %get3A_685 = arith.constant 16 : index
        %get3A_686 = tpu.vector_load %arg13[%get3A_684, %get3A_685] {strides = array<i32>} : memref<104x128xf32, #tpu.memory_space<vmem>>, vector<16xf32>,
        %mul3A_687 = arith.mulf %get3A_188, %get3A_686 : vector<16xf32>
        %add3A_688 = arith.addf %mul3A_683, %mul3A_687 : vector<16xf32>
        %get3A_689 = arith.index_cast %add3A_679 : i32 to index
        %get3A_690 = arith.constant 32 : index
        %get3A_691 = tpu.vector_load %arg13[%get3A_689, %get3A_690] {strides = array<i32>} : memref<104x128xf32, #tpu.memory_space<vmem>>, vector<16xf32>,
        %mul3A_692 = arith.mulf %get3A_191, %get3A_691 : vector<16xf32>
        %add3A_693 = arith.addf %add3A_688, %mul3A_692 : vector<16xf32>
        %get3A_694 = arith.index_cast %add3A_679 : i32 to index
        %get3A_695 = arith.constant 48 : index
        %get3A_696 = tpu.vector_load %arg13[%get3A_694, %get3A_695] {strides = array<i32>} : memref<104x128xf32, #tpu.memory_space<vmem>>, vector<16xf32>,
        %mul3A_697 = arith.mulf %get3A_194, %get3A_696 : vector<16xf32>
        %add3A_698 = arith.addf %add3A_693, %mul3A_697 : vector<16xf32>
        %get3A_699 = arith.index_cast %add3A_679 : i32 to index
        %get3A_700 = arith.constant 64 : index
        %get3A_701 = tpu.vector_load %arg13[%get3A_699, %get3A_700] {strides = array<i32>} : memref<104x128xf32, #tpu.memory_space<vmem>>, vector<16xf32>,
        %mul3A_702 = arith.mulf %get3A_197, %get3A_701 : vector<16xf32>
        %add3A_703 = arith.addf %add3A_698, %mul3A_702 : vector<16xf32>
        %get3A_704 = arith.index_cast %add3A_679 : i32 to index
        %get3A_705 = arith.constant 80 : index
        %get3A_706 = tpu.vector_load %arg13[%get3A_704, %get3A_705] {strides = array<i32>} : memref<104x128xf32, #tpu.memory_space<vmem>>, vector<16xf32>,
        %mul3A_707 = arith.mulf %get3A_200, %get3A_706 : vector<16xf32>
        %add3A_708 = arith.addf %add3A_703, %mul3A_707 : vector<16xf32>
        %get3A_709 = arith.index_cast %add3A_679 : i32 to index
        %get3A_710 = arith.constant 96 : index
        %get3A_711 = tpu.vector_load %arg13[%get3A_709, %get3A_710] {strides = array<i32>} : memref<104x128xf32, #tpu.memory_space<vmem>>, vector<16xf32>,
        %mul3A_712 = arith.mulf %get3A_203, %get3A_711 : vector<16xf32>
        %add3A_713 = arith.addf %add3A_708, %mul3A_712 : vector<16xf32>
        %get3A_714 = arith.index_cast %add3A_679 : i32 to index
        %get3A_715 = arith.constant 112 : index
        %get3A_716 = tpu.vector_load %arg13[%get3A_714, %get3A_715] {strides = array<i32>} : memref<104x128xf32, #tpu.memory_space<vmem>>, vector<16xf32>,
        %mul3A_717 = arith.mulf %get3A_206, %get3A_716 : vector<16xf32>
        %add3A_718 = arith.addf %add3A_713, %mul3A_717 : vector<16xf32>
        %mul3A_719 = arith.constant 17 : i32
        %mul3A_720 = arith.muli %add3A_679, %mul3A_719 : i32
        %swap3A_721 = arith.index_cast %mul3A_720 : i32 to index
        %swap3A_722 = tpu.vector_load %arg14[%swap3A_721] {strides = array<i32>} : memref<1904xf32, #tpu.memory_space<vmem>>, vector<16xf32>,
        tpu.vector_store %arg14[%swap3A_721], %add3A_718 {strides = array<i32>} : memref<1904xf32, #tpu.memory_space<vmem>>, vector<16xf32>,
        %mul3A_723 = arith.constant 26 : i32
        %mul3A_724 = arith.muli %scan3A_180, %mul3A_723 : i32
        %add3A_725 = arith.constant 11 : i32
        %add3A_726 = arith.addi %mul3A_724, %add3A_725 : i32
        %get3A_727 = arith.index_cast %add3A_726 : i32 to index
        %get3A_728 = arith.constant 0 : index
        %get3A_729 = tpu.vector_load %arg13[%get3A_727, %get3A_728] {strides = array<i32>} : memref<104x128xf32, #tpu.memory_space<vmem>>, vector<16xf32>,
        %mul3A_730 = arith.mulf %get3A_185, %get3A_729 : vector<16xf32>
        %get3A_731 = arith.index_cast %add3A_726 : i32 to index
        %get3A_732 = arith.constant 16 : index
        %get3A_733 = tpu.vector_load %arg13[%get3A_731, %get3A_732] {strides = array<i32>} : memref<104x128xf32, #tpu.memory_space<vmem>>, vector<16xf32>,
        %mul3A_734 = arith.mulf %get3A_188, %get3A_733 : vector<16xf32>
        %add3A_735 = arith.addf %mul3A_730, %mul3A_734 : vector<16xf32>
        %get3A_736 = arith.index_cast %add3A_726 : i32 to index
        %get3A_737 = arith.constant 32 : index
        %get3A_738 = tpu.vector_load %arg13[%get3A_736, %get3A_737] {strides = array<i32>} : memref<104x128xf32, #tpu.memory_space<vmem>>, vector<16xf32>,
        %mul3A_739 = arith.mulf %get3A_191, %get3A_738 : vector<16xf32>
        %add3A_740 = arith.addf %add3A_735, %mul3A_739 : vector<16xf32>
        %get3A_741 = arith.index_cast %add3A_726 : i32 to index
        %get3A_742 = arith.constant 48 : index
        %get3A_743 = tpu.vector_load %arg13[%get3A_741, %get3A_742] {strides = array<i32>} : memref<104x128xf32, #tpu.memory_space<vmem>>, vector<16xf32>,
        %mul3A_744 = arith.mulf %get3A_194, %get3A_743 : vector<16xf32>
        %add3A_745 = arith.addf %add3A_740, %mul3A_744 : vector<16xf32>
        %get3A_746 = arith.index_cast %add3A_726 : i32 to index
        %get3A_747 = arith.constant 64 : index
        %get3A_748 = tpu.vector_load %arg13[%get3A_746, %get3A_747] {strides = array<i32>} : memref<104x128xf32, #tpu.memory_space<vmem>>, vector<16xf32>,
        %mul3A_749 = arith.mulf %get3A_197, %get3A_748 : vector<16xf32>
        %add3A_750 = arith.addf %add3A_745, %mul3A_749 : vector<16xf32>
        %get3A_751 = arith.index_cast %add3A_726 : i32 to index
        %get3A_752 = arith.constant 80 : index
        %get3A_753 = tpu.vector_load %arg13[%get3A_751, %get3A_752] {strides = array<i32>} : memref<104x128xf32, #tpu.memory_space<vmem>>, vector<16xf32>,
        %mul3A_754 = arith.mulf %get3A_200, %get3A_753 : vector<16xf32>
        %add3A_755 = arith.addf %add3A_750, %mul3A_754 : vector<16xf32>
        %get3A_756 = arith.index_cast %add3A_726 : i32 to index
        %get3A_757 = arith.constant 96 : index
        %get3A_758 = tpu.vector_load %arg13[%get3A_756, %get3A_757] {strides = array<i32>} : memref<104x128xf32, #tpu.memory_space<vmem>>, vector<16xf32>,
        %mul3A_759 = arith.mulf %get3A_203, %get3A_758 : vector<16xf32>
        %add3A_760 = arith.addf %add3A_755, %mul3A_759 : vector<16xf32>
        %get3A_761 = arith.index_cast %add3A_726 : i32 to index
        %get3A_762 = arith.constant 112 : index
        %get3A_763 = tpu.vector_load %arg13[%get3A_761, %get3A_762] {strides = array<i32>} : memref<104x128xf32, #tpu.memory_space<vmem>>, vector<16xf32>,
        %mul3A_764 = arith.mulf %get3A_206, %get3A_763 : vector<16xf32>
        %add3A_765 = arith.addf %add3A_760, %mul3A_764 : vector<16xf32>
        %mul3A_766 = arith.constant 17 : i32
        %mul3A_767 = arith.muli %add3A_726, %mul3A_766 : i32
        %swap3A_768 = arith.index_cast %mul3A_767 : i32 to index
        %swap3A_769 = tpu.vector_load %arg14[%swap3A_768] {strides = array<i32>} : memref<1904xf32, #tpu.memory_space<vmem>>, vector<16xf32>,
        tpu.vector_store %arg14[%swap3A_768], %add3A_765 {strides = array<i32>} : memref<1904xf32, #tpu.memory_space<vmem>>, vector<16xf32>,
        %mul3A_770 = arith.constant 26 : i32
        %mul3A_771 = arith.muli %scan3A_180, %mul3A_770 : i32
        %add3A_772 = arith.constant 12 : i32
        %add3A_773 = arith.addi %mul3A_771, %add3A_772 : i32
        %get3A_774 = arith.index_cast %add3A_773 : i32 to index
        %get3A_775 = arith.constant 0 : index
        %get3A_776 = tpu.vector_load %arg13[%get3A_774, %get3A_775] {strides = array<i32>} : memref<104x128xf32, #tpu.memory_space<vmem>>, vector<16xf32>,
        %mul3A_777 = arith.mulf %get3A_185, %get3A_776 : vector<16xf32>
        %get3A_778 = arith.index_cast %add3A_773 : i32 to index
        %get3A_779 = arith.constant 16 : index
        %get3A_780 = tpu.vector_load %arg13[%get3A_778, %get3A_779] {strides = array<i32>} : memref<104x128xf32, #tpu.memory_space<vmem>>, vector<16xf32>,
        %mul3A_781 = arith.mulf %get3A_188, %get3A_780 : vector<16xf32>
        %add3A_782 = arith.addf %mul3A_777, %mul3A_781 : vector<16xf32>
        %get3A_783 = arith.index_cast %add3A_773 : i32 to index
        %get3A_784 = arith.constant 32 : index
        %get3A_785 = tpu.vector_load %arg13[%get3A_783, %get3A_784] {strides = array<i32>} : memref<104x128xf32, #tpu.memory_space<vmem>>, vector<16xf32>,
        %mul3A_786 = arith.mulf %get3A_191, %get3A_785 : vector<16xf32>
        %add3A_787 = arith.addf %add3A_782, %mul3A_786 : vector<16xf32>
        %get3A_788 = arith.index_cast %add3A_773 : i32 to index
        %get3A_789 = arith.constant 48 : index
        %get3A_790 = tpu.vector_load %arg13[%get3A_788, %get3A_789] {strides = array<i32>} : memref<104x128xf32, #tpu.memory_space<vmem>>, vector<16xf32>,
        %mul3A_791 = arith.mulf %get3A_194, %get3A_790 : vector<16xf32>
        %add3A_792 = arith.addf %add3A_787, %mul3A_791 : vector<16xf32>
        %get3A_793 = arith.index_cast %add3A_773 : i32 to index
        %get3A_794 = arith.constant 64 : index
        %get3A_795 = tpu.vector_load %arg13[%get3A_793, %get3A_794] {strides = array<i32>} : memref<104x128xf32, #tpu.memory_space<vmem>>, vector<16xf32>,
        %mul3A_796 = arith.mulf %get3A_197, %get3A_795 : vector<16xf32>
        %add3A_797 = arith.addf %add3A_792, %mul3A_796 : vector<16xf32>
        %get3A_798 = arith.index_cast %add3A_773 : i32 to index
        %get3A_799 = arith.constant 80 : index
        %get3A_800 = tpu.vector_load %arg13[%get3A_798, %get3A_799] {strides = array<i32>} : memref<104x128xf32, #tpu.memory_space<vmem>>, vector<16xf32>,
        %mul3A_801 = arith.mulf %get3A_200, %get3A_800 : vector<16xf32>
        %add3A_802 = arith.addf %add3A_797, %mul3A_801 : vector<16xf32>
        %get3A_803 = arith.index_cast %add3A_773 : i32 to index
        %get3A_804 = arith.constant 96 : index
        %get3A_805 = tpu.vector_load %arg13[%get3A_803, %get3A_804] {strides = array<i32>} : memref<104x128xf32, #tpu.memory_space<vmem>>, vector<16xf32>,
        %mul3A_806 = arith.mulf %get3A_203, %get3A_805 : vector<16xf32>
        %add3A_807 = arith.addf %add3A_802, %mul3A_806 : vector<16xf32>
        %get3A_808 = arith.index_cast %add3A_773 : i32 to index
        %get3A_809 = arith.constant 112 : index
        %get3A_810 = tpu.vector_load %arg13[%get3A_808, %get3A_809] {strides = array<i32>} : memref<104x128xf32, #tpu.memory_space<vmem>>, vector<16xf32>,
        %mul3A_811 = arith.mulf %get3A_206, %get3A_810 : vector<16xf32>
        %add3A_812 = arith.addf %add3A_807, %mul3A_811 : vector<16xf32>
        %mul3A_813 = arith.constant 17 : i32
        %mul3A_814 = arith.muli %add3A_773, %mul3A_813 : i32
        %swap3A_815 = arith.index_cast %mul3A_814 : i32 to index
        %swap3A_816 = tpu.vector_load %arg14[%swap3A_815] {strides = array<i32>} : memref<1904xf32, #tpu.memory_space<vmem>>, vector<16xf32>,
        tpu.vector_store %arg14[%swap3A_815], %add3A_812 {strides = array<i32>} : memref<1904xf32, #tpu.memory_space<vmem>>, vector<16xf32>,
        %mul3A_817 = arith.constant 26 : i32
        %mul3A_818 = arith.muli %scan3A_180, %mul3A_817 : i32
        %add3A_819 = arith.constant 13 : i32
        %add3A_820 = arith.addi %mul3A_818, %add3A_819 : i32
        %get3A_821 = arith.index_cast %add3A_820 : i32 to index
        %get3A_822 = arith.constant 0 : index
        %get3A_823 = tpu.vector_load %arg13[%get3A_821, %get3A_822] {strides = array<i32>} : memref<104x128xf32, #tpu.memory_space<vmem>>, vector<16xf32>,
        %mul3A_824 = arith.mulf %get3A_185, %get3A_823 : vector<16xf32>
        %get3A_825 = arith.index_cast %add3A_820 : i32 to index
        %get3A_826 = arith.constant 16 : index
        %get3A_827 = tpu.vector_load %arg13[%get3A_825, %get3A_826] {strides = array<i32>} : memref<104x128xf32, #tpu.memory_space<vmem>>, vector<16xf32>,
        %mul3A_828 = arith.mulf %get3A_188, %get3A_827 : vector<16xf32>
        %add3A_829 = arith.addf %mul3A_824, %mul3A_828 : vector<16xf32>
        %get3A_830 = arith.index_cast %add3A_820 : i32 to index
        %get3A_831 = arith.constant 32 : index
        %get3A_832 = tpu.vector_load %arg13[%get3A_830, %get3A_831] {strides = array<i32>} : memref<104x128xf32, #tpu.memory_space<vmem>>, vector<16xf32>,
        %mul3A_833 = arith.mulf %get3A_191, %get3A_832 : vector<16xf32>
        %add3A_834 = arith.addf %add3A_829, %mul3A_833 : vector<16xf32>
        %get3A_835 = arith.index_cast %add3A_820 : i32 to index
        %get3A_836 = arith.constant 48 : index
        %get3A_837 = tpu.vector_load %arg13[%get3A_835, %get3A_836] {strides = array<i32>} : memref<104x128xf32, #tpu.memory_space<vmem>>, vector<16xf32>,
        %mul3A_838 = arith.mulf %get3A_194, %get3A_837 : vector<16xf32>
        %add3A_839 = arith.addf %add3A_834, %mul3A_838 : vector<16xf32>
        %get3A_840 = arith.index_cast %add3A_820 : i32 to index
        %get3A_841 = arith.constant 64 : index
        %get3A_842 = tpu.vector_load %arg13[%get3A_840, %get3A_841] {strides = array<i32>} : memref<104x128xf32, #tpu.memory_space<vmem>>, vector<16xf32>,
        %mul3A_843 = arith.mulf %get3A_197, %get3A_842 : vector<16xf32>
        %add3A_844 = arith.addf %add3A_839, %mul3A_843 : vector<16xf32>
        %get3A_845 = arith.index_cast %add3A_820 : i32 to index
        %get3A_846 = arith.constant 80 : index
        %get3A_847 = tpu.vector_load %arg13[%get3A_845, %get3A_846] {strides = array<i32>} : memref<104x128xf32, #tpu.memory_space<vmem>>, vector<16xf32>,
        %mul3A_848 = arith.mulf %get3A_200, %get3A_847 : vector<16xf32>
        %add3A_849 = arith.addf %add3A_844, %mul3A_848 : vector<16xf32>
        %get3A_850 = arith.index_cast %add3A_820 : i32 to index
        %get3A_851 = arith.constant 96 : index
        %get3A_852 = tpu.vector_load %arg13[%get3A_850, %get3A_851] {strides = array<i32>} : memref<104x128xf32, #tpu.memory_space<vmem>>, vector<16xf32>,
        %mul3A_853 = arith.mulf %get3A_203, %get3A_852 : vector<16xf32>
        %add3A_854 = arith.addf %add3A_849, %mul3A_853 : vector<16xf32>
        %get3A_855 = arith.index_cast %add3A_820 : i32 to index
        %get3A_856 = arith.constant 112 : index
        %get3A_857 = tpu.vector_load %arg13[%get3A_855, %get3A_856] {strides = array<i32>} : memref<104x128xf32, #tpu.memory_space<vmem>>, vector<16xf32>,
        %mul3A_858 = arith.mulf %get3A_206, %get3A_857 : vector<16xf32>
        %add3A_859 = arith.addf %add3A_854, %mul3A_858 : vector<16xf32>
        %mul3A_860 = arith.constant 17 : i32
        %mul3A_861 = arith.muli %add3A_820, %mul3A_860 : i32
        %swap3A_862 = arith.index_cast %mul3A_861 : i32 to index
        %swap3A_863 = tpu.vector_load %arg14[%swap3A_862] {strides = array<i32>} : memref<1904xf32, #tpu.memory_space<vmem>>, vector<16xf32>,
        tpu.vector_store %arg14[%swap3A_862], %add3A_859 {strides = array<i32>} : memref<1904xf32, #tpu.memory_space<vmem>>, vector<16xf32>,
        %mul3A_864 = arith.constant 26 : i32
        %mul3A_865 = arith.muli %scan3A_180, %mul3A_864 : i32
        %add3A_866 = arith.constant 14 : i32
        %add3A_867 = arith.addi %mul3A_865, %add3A_866 : i32
        %get3A_868 = arith.index_cast %add3A_867 : i32 to index
        %get3A_869 = arith.constant 0 : index
        %get3A_870 = tpu.vector_load %arg13[%get3A_868, %get3A_869] {strides = array<i32>} : memref<104x128xf32, #tpu.memory_space<vmem>>, vector<16xf32>,
        %mul3A_871 = arith.mulf %get3A_185, %get3A_870 : vector<16xf32>
        %get3A_872 = arith.index_cast %add3A_867 : i32 to index
        %get3A_873 = arith.constant 16 : index
        %get3A_874 = tpu.vector_load %arg13[%get3A_872, %get3A_873] {strides = array<i32>} : memref<104x128xf32, #tpu.memory_space<vmem>>, vector<16xf32>,
        %mul3A_875 = arith.mulf %get3A_188, %get3A_874 : vector<16xf32>
        %add3A_876 = arith.addf %mul3A_871, %mul3A_875 : vector<16xf32>
        %get3A_877 = arith.index_cast %add3A_867 : i32 to index
        %get3A_878 = arith.constant 32 : index
        %get3A_879 = tpu.vector_load %arg13[%get3A_877, %get3A_878] {strides = array<i32>} : memref<104x128xf32, #tpu.memory_space<vmem>>, vector<16xf32>,
        %mul3A_880 = arith.mulf %get3A_191, %get3A_879 : vector<16xf32>
        %add3A_881 = arith.addf %add3A_876, %mul3A_880 : vector<16xf32>
        %get3A_882 = arith.index_cast %add3A_867 : i32 to index
        %get3A_883 = arith.constant 48 : index
        %get3A_884 = tpu.vector_load %arg13[%get3A_882, %get3A_883] {strides = array<i32>} : memref<104x128xf32, #tpu.memory_space<vmem>>, vector<16xf32>,
        %mul3A_885 = arith.mulf %get3A_194, %get3A_884 : vector<16xf32>
        %add3A_886 = arith.addf %add3A_881, %mul3A_885 : vector<16xf32>
        %get3A_887 = arith.index_cast %add3A_867 : i32 to index
        %get3A_888 = arith.constant 64 : index
        %get3A_889 = tpu.vector_load %arg13[%get3A_887, %get3A_888] {strides = array<i32>} : memref<104x128xf32, #tpu.memory_space<vmem>>, vector<16xf32>,
        %mul3A_890 = arith.mulf %get3A_197, %get3A_889 : vector<16xf32>
        %add3A_891 = arith.addf %add3A_886, %mul3A_890 : vector<16xf32>
        %get3A_892 = arith.index_cast %add3A_867 : i32 to index
        %get3A_893 = arith.constant 80 : index
        %get3A_894 = tpu.vector_load %arg13[%get3A_892, %get3A_893] {strides = array<i32>} : memref<104x128xf32, #tpu.memory_space<vmem>>, vector<16xf32>,
        %mul3A_895 = arith.mulf %get3A_200, %get3A_894 : vector<16xf32>
        %add3A_896 = arith.addf %add3A_891, %mul3A_895 : vector<16xf32>
        %get3A_897 = arith.index_cast %add3A_867 : i32 to index
        %get3A_898 = arith.constant 96 : index
        %get3A_899 = tpu.vector_load %arg13[%get3A_897, %get3A_898] {strides = array<i32>} : memref<104x128xf32, #tpu.memory_space<vmem>>, vector<16xf32>,
        %mul3A_900 = arith.mulf %get3A_203, %get3A_899 : vector<16xf32>
        %add3A_901 = arith.addf %add3A_896, %mul3A_900 : vector<16xf32>
        %get3A_902 = arith.index_cast %add3A_867 : i32 to index
        %get3A_903 = arith.constant 112 : index
        %get3A_904 = tpu.vector_load %arg13[%get3A_902, %get3A_903] {strides = array<i32>} : memref<104x128xf32, #tpu.memory_space<vmem>>, vector<16xf32>,
        %mul3A_905 = arith.mulf %get3A_206, %get3A_904 : vector<16xf32>
        %add3A_906 = arith.addf %add3A_901, %mul3A_905 : vector<16xf32>
        %mul3A_907 = arith.constant 17 : i32
        %mul3A_908 = arith.muli %add3A_867, %mul3A_907 : i32
        %swap3A_909 = arith.index_cast %mul3A_908 : i32 to index
        %swap3A_910 = tpu.vector_load %arg14[%swap3A_909] {strides = array<i32>} : memref<1904xf32, #tpu.memory_space<vmem>>, vector<16xf32>,
        tpu.vector_store %arg14[%swap3A_909], %add3A_906 {strides = array<i32>} : memref<1904xf32, #tpu.memory_space<vmem>>, vector<16xf32>,
        %mul3A_911 = arith.constant 26 : i32
        %mul3A_912 = arith.muli %scan3A_180, %mul3A_911 : i32
        %add3A_913 = arith.constant 15 : i32
        %add3A_914 = arith.addi %mul3A_912, %add3A_913 : i32
        %get3A_915 = arith.index_cast %add3A_914 : i32 to index
        %get3A_916 = arith.constant 0 : index
        %get3A_917 = tpu.vector_load %arg13[%get3A_915, %get3A_916] {strides = array<i32>} : memref<104x128xf32, #tpu.memory_space<vmem>>, vector<16xf32>,
        %mul3A_918 = arith.mulf %get3A_185, %get3A_917 : vector<16xf32>
        %get3A_919 = arith.index_cast %add3A_914 : i32 to index
        %get3A_920 = arith.constant 16 : index
        %get3A_921 = tpu.vector_load %arg13[%get3A_919, %get3A_920] {strides = array<i32>} : memref<104x128xf32, #tpu.memory_space<vmem>>, vector<16xf32>,
        %mul3A_922 = arith.mulf %get3A_188, %get3A_921 : vector<16xf32>
        %add3A_923 = arith.addf %mul3A_918, %mul3A_922 : vector<16xf32>
        %get3A_924 = arith.index_cast %add3A_914 : i32 to index
        %get3A_925 = arith.constant 32 : index
        %get3A_926 = tpu.vector_load %arg13[%get3A_924, %get3A_925] {strides = array<i32>} : memref<104x128xf32, #tpu.memory_space<vmem>>, vector<16xf32>,
        %mul3A_927 = arith.mulf %get3A_191, %get3A_926 : vector<16xf32>
        %add3A_928 = arith.addf %add3A_923, %mul3A_927 : vector<16xf32>
        %get3A_929 = arith.index_cast %add3A_914 : i32 to index
        %get3A_930 = arith.constant 48 : index
        %get3A_931 = tpu.vector_load %arg13[%get3A_929, %get3A_930] {strides = array<i32>} : memref<104x128xf32, #tpu.memory_space<vmem>>, vector<16xf32>,
        %mul3A_932 = arith.mulf %get3A_194, %get3A_931 : vector<16xf32>
        %add3A_933 = arith.addf %add3A_928, %mul3A_932 : vector<16xf32>
        %get3A_934 = arith.index_cast %add3A_914 : i32 to index
        %get3A_935 = arith.constant 64 : index
        %get3A_936 = tpu.vector_load %arg13[%get3A_934, %get3A_935] {strides = array<i32>} : memref<104x128xf32, #tpu.memory_space<vmem>>, vector<16xf32>,
        %mul3A_937 = arith.mulf %get3A_197, %get3A_936 : vector<16xf32>
        %add3A_938 = arith.addf %add3A_933, %mul3A_937 : vector<16xf32>
        %get3A_939 = arith.index_cast %add3A_914 : i32 to index
        %get3A_940 = arith.constant 80 : index
        %get3A_941 = tpu.vector_load %arg13[%get3A_939, %get3A_940] {strides = array<i32>} : memref<104x128xf32, #tpu.memory_space<vmem>>, vector<16xf32>,
        %mul3A_942 = arith.mulf %get3A_200, %get3A_941 : vector<16xf32>
        %add3A_943 = arith.addf %add3A_938, %mul3A_942 : vector<16xf32>
        %get3A_944 = arith.index_cast %add3A_914 : i32 to index
        %get3A_945 = arith.constant 96 : index
        %get3A_946 = tpu.vector_load %arg13[%get3A_944, %get3A_945] {strides = array<i32>} : memref<104x128xf32, #tpu.memory_space<vmem>>, vector<16xf32>,
        %mul3A_947 = arith.mulf %get3A_203, %get3A_946 : vector<16xf32>
        %add3A_948 = arith.addf %add3A_943, %mul3A_947 : vector<16xf32>
        %get3A_949 = arith.index_cast %add3A_914 : i32 to index
        %get3A_950 = arith.constant 112 : index
        %get3A_951 = tpu.vector_load %arg13[%get3A_949, %get3A_950] {strides = array<i32>} : memref<104x128xf32, #tpu.memory_space<vmem>>, vector<16xf32>,
        %mul3A_952 = arith.mulf %get3A_206, %get3A_951 : vector<16xf32>
        %add3A_953 = arith.addf %add3A_948, %mul3A_952 : vector<16xf32>
        %mul3A_954 = arith.constant 17 : i32
        %mul3A_955 = arith.muli %add3A_914, %mul3A_954 : i32
        %swap3A_956 = arith.index_cast %mul3A_955 : i32 to index
        %swap3A_957 = tpu.vector_load %arg14[%swap3A_956] {strides = array<i32>} : memref<1904xf32, #tpu.memory_space<vmem>>, vector<16xf32>,
        tpu.vector_store %arg14[%swap3A_956], %add3A_953 {strides = array<i32>} : memref<1904xf32, #tpu.memory_space<vmem>>, vector<16xf32>,
        %mul3A_958 = arith.constant 26 : i32
        %mul3A_959 = arith.muli %scan3A_180, %mul3A_958 : i32
        %add3A_960 = arith.constant 16 : i32
        %add3A_961 = arith.addi %mul3A_959, %add3A_960 : i32
        %get3A_962 = arith.index_cast %add3A_961 : i32 to index
        %get3A_963 = arith.constant 0 : index
        %get3A_964 = tpu.vector_load %arg13[%get3A_962, %get3A_963] {strides = array<i32>} : memref<104x128xf32, #tpu.memory_space<vmem>>, vector<16xf32>,
        %mul3A_965 = arith.mulf %get3A_185, %get3A_964 : vector<16xf32>
        %get3A_966 = arith.index_cast %add3A_961 : i32 to index
        %get3A_967 = arith.constant 16 : index
        %get3A_968 = tpu.vector_load %arg13[%get3A_966, %get3A_967] {strides = array<i32>} : memref<104x128xf32, #tpu.memory_space<vmem>>, vector<16xf32>,
        %mul3A_969 = arith.mulf %get3A_188, %get3A_968 : vector<16xf32>
        %add3A_970 = arith.addf %mul3A_965, %mul3A_969 : vector<16xf32>
        %get3A_971 = arith.index_cast %add3A_961 : i32 to index
        %get3A_972 = arith.constant 32 : index
        %get3A_973 = tpu.vector_load %arg13[%get3A_971, %get3A_972] {strides = array<i32>} : memref<104x128xf32, #tpu.memory_space<vmem>>, vector<16xf32>,
        %mul3A_974 = arith.mulf %get3A_191, %get3A_973 : vector<16xf32>
        %add3A_975 = arith.addf %add3A_970, %mul3A_974 : vector<16xf32>
        %get3A_976 = arith.index_cast %add3A_961 : i32 to index
        %get3A_977 = arith.constant 48 : index
        %get3A_978 = tpu.vector_load %arg13[%get3A_976, %get3A_977] {strides = array<i32>} : memref<104x128xf32, #tpu.memory_space<vmem>>, vector<16xf32>,
        %mul3A_979 = arith.mulf %get3A_194, %get3A_978 : vector<16xf32>
        %add3A_980 = arith.addf %add3A_975, %mul3A_979 : vector<16xf32>
        %get3A_981 = arith.index_cast %add3A_961 : i32 to index
        %get3A_982 = arith.constant 64 : index
        %get3A_983 = tpu.vector_load %arg13[%get3A_981, %get3A_982] {strides = array<i32>} : memref<104x128xf32, #tpu.memory_space<vmem>>, vector<16xf32>,
        %mul3A_984 = arith.mulf %get3A_197, %get3A_983 : vector<16xf32>
        %add3A_985 = arith.addf %add3A_980, %mul3A_984 : vector<16xf32>
        %get3A_986 = arith.index_cast %add3A_961 : i32 to index
        %get3A_987 = arith.constant 80 : index
        %get3A_988 = tpu.vector_load %arg13[%get3A_986, %get3A_987] {strides = array<i32>} : memref<104x128xf32, #tpu.memory_space<vmem>>, vector<16xf32>,
        %mul3A_989 = arith.mulf %get3A_200, %get3A_988 : vector<16xf32>
        %add3A_990 = arith.addf %add3A_985, %mul3A_989 : vector<16xf32>
        %get3A_991 = arith.index_cast %add3A_961 : i32 to index
        %get3A_992 = arith.constant 96 : index
        %get3A_993 = tpu.vector_load %arg13[%get3A_991, %get3A_992] {strides = array<i32>} : memref<104x128xf32, #tpu.memory_space<vmem>>, vector<16xf32>,
        %mul3A_994 = arith.mulf %get3A_203, %get3A_993 : vector<16xf32>
        %add3A_995 = arith.addf %add3A_990, %mul3A_994 : vector<16xf32>
        %get3A_996 = arith.index_cast %add3A_961 : i32 to index
        %get3A_997 = arith.constant 112 : index
        %get3A_998 = tpu.vector_load %arg13[%get3A_996, %get3A_997] {strides = array<i32>} : memref<104x128xf32, #tpu.memory_space<vmem>>, vector<16xf32>,
        %mul3A_999 = arith.mulf %get3A_206, %get3A_998 : vector<16xf32>
        %add3A_1000 = arith.addf %add3A_995, %mul3A_999 : vector<16xf32>
        %mul3A_1001 = arith.constant 17 : i32
        %mul3A_1002 = arith.muli %add3A_961, %mul3A_1001 : i32
        %swap3A_1003 = arith.index_cast %mul3A_1002 : i32 to index
        %swap3A_1004 = tpu.vector_load %arg14[%swap3A_1003] {strides = array<i32>} : memref<1904xf32, #tpu.memory_space<vmem>>, vector<16xf32>,
        tpu.vector_store %arg14[%swap3A_1003], %add3A_1000 {strides = array<i32>} : memref<1904xf32, #tpu.memory_space<vmem>>, vector<16xf32>,
        %mul3A_1005 = arith.constant 26 : i32
        %mul3A_1006 = arith.muli %scan3A_180, %mul3A_1005 : i32
        %add3A_1007 = arith.constant 17 : i32
        %add3A_1008 = arith.addi %mul3A_1006, %add3A_1007 : i32
        %get3A_1009 = arith.index_cast %add3A_1008 : i32 to index
        %get3A_1010 = arith.constant 0 : index
        %get3A_1011 = tpu.vector_load %arg13[%get3A_1009, %get3A_1010] {strides = array<i32>} : memref<104x128xf32, #tpu.memory_space<vmem>>, vector<16xf32>,
        %mul3A_1012 = arith.mulf %get3A_185, %get3A_1011 : vector<16xf32>
        %get3A_1013 = arith.index_cast %add3A_1008 : i32 to index
        %get3A_1014 = arith.constant 16 : index
        %get3A_1015 = tpu.vector_load %arg13[%get3A_1013, %get3A_1014] {strides = array<i32>} : memref<104x128xf32, #tpu.memory_space<vmem>>, vector<16xf32>,
        %mul3A_1016 = arith.mulf %get3A_188, %get3A_1015 : vector<16xf32>
        %add3A_1017 = arith.addf %mul3A_1012, %mul3A_1016 : vector<16xf32>
        %get3A_1018 = arith.index_cast %add3A_1008 : i32 to index
        %get3A_1019 = arith.constant 32 : index
        %get3A_1020 = tpu.vector_load %arg13[%get3A_1018, %get3A_1019] {strides = array<i32>} : memref<104x128xf32, #tpu.memory_space<vmem>>, vector<16xf32>,
        %mul3A_1021 = arith.mulf %get3A_191, %get3A_1020 : vector<16xf32>
        %add3A_1022 = arith.addf %add3A_1017, %mul3A_1021 : vector<16xf32>
        %get3A_1023 = arith.index_cast %add3A_1008 : i32 to index
        %get3A_1024 = arith.constant 48 : index
        %get3A_1025 = tpu.vector_load %arg13[%get3A_1023, %get3A_1024] {strides = array<i32>} : memref<104x128xf32, #tpu.memory_space<vmem>>, vector<16xf32>,
        %mul3A_1026 = arith.mulf %get3A_194, %get3A_1025 : vector<16xf32>
        %add3A_1027 = arith.addf %add3A_1022, %mul3A_1026 : vector<16xf32>
        %get3A_1028 = arith.index_cast %add3A_1008 : i32 to index
        %get3A_1029 = arith.constant 64 : index
        %get3A_1030 = tpu.vector_load %arg13[%get3A_1028, %get3A_1029] {strides = array<i32>} : memref<104x128xf32, #tpu.memory_space<vmem>>, vector<16xf32>,
        %mul3A_1031 = arith.mulf %get3A_197, %get3A_1030 : vector<16xf32>
        %add3A_1032 = arith.addf %add3A_1027, %mul3A_1031 : vector<16xf32>
        %get3A_1033 = arith.index_cast %add3A_1008 : i32 to index
        %get3A_1034 = arith.constant 80 : index
        %get3A_1035 = tpu.vector_load %arg13[%get3A_1033, %get3A_1034] {strides = array<i32>} : memref<104x128xf32, #tpu.memory_space<vmem>>, vector<16xf32>,
        %mul3A_1036 = arith.mulf %get3A_200, %get3A_1035 : vector<16xf32>
        %add3A_1037 = arith.addf %add3A_1032, %mul3A_1036 : vector<16xf32>
        %get3A_1038 = arith.index_cast %add3A_1008 : i32 to index
        %get3A_1039 = arith.constant 96 : index
        %get3A_1040 = tpu.vector_load %arg13[%get3A_1038, %get3A_1039] {strides = array<i32>} : memref<104x128xf32, #tpu.memory_space<vmem>>, vector<16xf32>,
        %mul3A_1041 = arith.mulf %get3A_203, %get3A_1040 : vector<16xf32>
        %add3A_1042 = arith.addf %add3A_1037, %mul3A_1041 : vector<16xf32>
        %get3A_1043 = arith.index_cast %add3A_1008 : i32 to index
        %get3A_1044 = arith.constant 112 : index
        %get3A_1045 = tpu.vector_load %arg13[%get3A_1043, %get3A_1044] {strides = array<i32>} : memref<104x128xf32, #tpu.memory_space<vmem>>, vector<16xf32>,
        %mul3A_1046 = arith.mulf %get3A_206, %get3A_1045 : vector<16xf32>
        %add3A_1047 = arith.addf %add3A_1042, %mul3A_1046 : vector<16xf32>
        %mul3A_1048 = arith.constant 17 : i32
        %mul3A_1049 = arith.muli %add3A_1008, %mul3A_1048 : i32
        %swap3A_1050 = arith.index_cast %mul3A_1049 : i32 to index
        %swap3A_1051 = tpu.vector_load %arg14[%swap3A_1050] {strides = array<i32>} : memref<1904xf32, #tpu.memory_space<vmem>>, vector<16xf32>,
        tpu.vector_store %arg14[%swap3A_1050], %add3A_1047 {strides = array<i32>} : memref<1904xf32, #tpu.memory_space<vmem>>, vector<16xf32>,
        %mul3A_1052 = arith.constant 26 : i32
        %mul3A_1053 = arith.muli %scan3A_180, %mul3A_1052 : i32
        %add3A_1054 = arith.constant 18 : i32
        %add3A_1055 = arith.addi %mul3A_1053, %add3A_1054 : i32
        %get3A_1056 = arith.index_cast %add3A_1055 : i32 to index
        %get3A_1057 = arith.constant 0 : index
        %get3A_1058 = tpu.vector_load %arg13[%get3A_1056, %get3A_1057] {strides = array<i32>} : memref<104x128xf32, #tpu.memory_space<vmem>>, vector<16xf32>,
        %mul3A_1059 = arith.mulf %get3A_185, %get3A_1058 : vector<16xf32>
        %get3A_1060 = arith.index_cast %add3A_1055 : i32 to index
        %get3A_1061 = arith.constant 16 : index
        %get3A_1062 = tpu.vector_load %arg13[%get3A_1060, %get3A_1061] {strides = array<i32>} : memref<104x128xf32, #tpu.memory_space<vmem>>, vector<16xf32>,
        %mul3A_1063 = arith.mulf %get3A_188, %get3A_1062 : vector<16xf32>
        %add3A_1064 = arith.addf %mul3A_1059, %mul3A_1063 : vector<16xf32>
        %get3A_1065 = arith.index_cast %add3A_1055 : i32 to index
        %get3A_1066 = arith.constant 32 : index
        %get3A_1067 = tpu.vector_load %arg13[%get3A_1065, %get3A_1066] {strides = array<i32>} : memref<104x128xf32, #tpu.memory_space<vmem>>, vector<16xf32>,
        %mul3A_1068 = arith.mulf %get3A_191, %get3A_1067 : vector<16xf32>
        %add3A_1069 = arith.addf %add3A_1064, %mul3A_1068 : vector<16xf32>
        %get3A_1070 = arith.index_cast %add3A_1055 : i32 to index
        %get3A_1071 = arith.constant 48 : index
        %get3A_1072 = tpu.vector_load %arg13[%get3A_1070, %get3A_1071] {strides = array<i32>} : memref<104x128xf32, #tpu.memory_space<vmem>>, vector<16xf32>,
        %mul3A_1073 = arith.mulf %get3A_194, %get3A_1072 : vector<16xf32>
        %add3A_1074 = arith.addf %add3A_1069, %mul3A_1073 : vector<16xf32>
        %get3A_1075 = arith.index_cast %add3A_1055 : i32 to index
        %get3A_1076 = arith.constant 64 : index
        %get3A_1077 = tpu.vector_load %arg13[%get3A_1075, %get3A_1076] {strides = array<i32>} : memref<104x128xf32, #tpu.memory_space<vmem>>, vector<16xf32>,
        %mul3A_1078 = arith.mulf %get3A_197, %get3A_1077 : vector<16xf32>
        %add3A_1079 = arith.addf %add3A_1074, %mul3A_1078 : vector<16xf32>
        %get3A_1080 = arith.index_cast %add3A_1055 : i32 to index
        %get3A_1081 = arith.constant 80 : index
        %get3A_1082 = tpu.vector_load %arg13[%get3A_1080, %get3A_1081] {strides = array<i32>} : memref<104x128xf32, #tpu.memory_space<vmem>>, vector<16xf32>,
        %mul3A_1083 = arith.mulf %get3A_200, %get3A_1082 : vector<16xf32>
        %add3A_1084 = arith.addf %add3A_1079, %mul3A_1083 : vector<16xf32>
        %get3A_1085 = arith.index_cast %add3A_1055 : i32 to index
        %get3A_1086 = arith.constant 96 : index
        %get3A_1087 = tpu.vector_load %arg13[%get3A_1085, %get3A_1086] {strides = array<i32>} : memref<104x128xf32, #tpu.memory_space<vmem>>, vector<16xf32>,
        %mul3A_1088 = arith.mulf %get3A_203, %get3A_1087 : vector<16xf32>
        %add3A_1089 = arith.addf %add3A_1084, %mul3A_1088 : vector<16xf32>
        %get3A_1090 = arith.index_cast %add3A_1055 : i32 to index
        %get3A_1091 = arith.constant 112 : index
        %get3A_1092 = tpu.vector_load %arg13[%get3A_1090, %get3A_1091] {strides = array<i32>} : memref<104x128xf32, #tpu.memory_space<vmem>>, vector<16xf32>,
        %mul3A_1093 = arith.mulf %get3A_206, %get3A_1092 : vector<16xf32>
        %add3A_1094 = arith.addf %add3A_1089, %mul3A_1093 : vector<16xf32>
        %mul3A_1095 = arith.constant 17 : i32
        %mul3A_1096 = arith.muli %add3A_1055, %mul3A_1095 : i32
        %swap3A_1097 = arith.index_cast %mul3A_1096 : i32 to index
        %swap3A_1098 = tpu.vector_load %arg14[%swap3A_1097] {strides = array<i32>} : memref<1904xf32, #tpu.memory_space<vmem>>, vector<16xf32>,
        tpu.vector_store %arg14[%swap3A_1097], %add3A_1094 {strides = array<i32>} : memref<1904xf32, #tpu.memory_space<vmem>>, vector<16xf32>,
        %mul3A_1099 = arith.constant 26 : i32
        %mul3A_1100 = arith.muli %scan3A_180, %mul3A_1099 : i32
        %add3A_1101 = arith.constant 19 : i32
        %add3A_1102 = arith.addi %mul3A_1100, %add3A_1101 : i32
        %get3A_1103 = arith.index_cast %add3A_1102 : i32 to index
        %get3A_1104 = arith.constant 0 : index
        %get3A_1105 = tpu.vector_load %arg13[%get3A_1103, %get3A_1104] {strides = array<i32>} : memref<104x128xf32, #tpu.memory_space<vmem>>, vector<16xf32>,
        %mul3A_1106 = arith.mulf %get3A_185, %get3A_1105 : vector<16xf32>
        %get3A_1107 = arith.index_cast %add3A_1102 : i32 to index
        %get3A_1108 = arith.constant 16 : index
        %get3A_1109 = tpu.vector_load %arg13[%get3A_1107, %get3A_1108] {strides = array<i32>} : memref<104x128xf32, #tpu.memory_space<vmem>>, vector<16xf32>,
        %mul3A_1110 = arith.mulf %get3A_188, %get3A_1109 : vector<16xf32>
        %add3A_1111 = arith.addf %mul3A_1106, %mul3A_1110 : vector<16xf32>
        %get3A_1112 = arith.index_cast %add3A_1102 : i32 to index
        %get3A_1113 = arith.constant 32 : index
        %get3A_1114 = tpu.vector_load %arg13[%get3A_1112, %get3A_1113] {strides = array<i32>} : memref<104x128xf32, #tpu.memory_space<vmem>>, vector<16xf32>,
        %mul3A_1115 = arith.mulf %get3A_191, %get3A_1114 : vector<16xf32>
        %add3A_1116 = arith.addf %add3A_1111, %mul3A_1115 : vector<16xf32>
        %get3A_1117 = arith.index_cast %add3A_1102 : i32 to index
        %get3A_1118 = arith.constant 48 : index
        %get3A_1119 = tpu.vector_load %arg13[%get3A_1117, %get3A_1118] {strides = array<i32>} : memref<104x128xf32, #tpu.memory_space<vmem>>, vector<16xf32>,
        %mul3A_1120 = arith.mulf %get3A_194, %get3A_1119 : vector<16xf32>
        %add3A_1121 = arith.addf %add3A_1116, %mul3A_1120 : vector<16xf32>
        %get3A_1122 = arith.index_cast %add3A_1102 : i32 to index
        %get3A_1123 = arith.constant 64 : index
        %get3A_1124 = tpu.vector_load %arg13[%get3A_1122, %get3A_1123] {strides = array<i32>} : memref<104x128xf32, #tpu.memory_space<vmem>>, vector<16xf32>,
        %mul3A_1125 = arith.mulf %get3A_197, %get3A_1124 : vector<16xf32>
        %add3A_1126 = arith.addf %add3A_1121, %mul3A_1125 : vector<16xf32>
        %get3A_1127 = arith.index_cast %add3A_1102 : i32 to index
        %get3A_1128 = arith.constant 80 : index
        %get3A_1129 = tpu.vector_load %arg13[%get3A_1127, %get3A_1128] {strides = array<i32>} : memref<104x128xf32, #tpu.memory_space<vmem>>, vector<16xf32>,
        %mul3A_1130 = arith.mulf %get3A_200, %get3A_1129 : vector<16xf32>
        %add3A_1131 = arith.addf %add3A_1126, %mul3A_1130 : vector<16xf32>
        %get3A_1132 = arith.index_cast %add3A_1102 : i32 to index
        %get3A_1133 = arith.constant 96 : index
        %get3A_1134 = tpu.vector_load %arg13[%get3A_1132, %get3A_1133] {strides = array<i32>} : memref<104x128xf32, #tpu.memory_space<vmem>>, vector<16xf32>,
        %mul3A_1135 = arith.mulf %get3A_203, %get3A_1134 : vector<16xf32>
        %add3A_1136 = arith.addf %add3A_1131, %mul3A_1135 : vector<16xf32>
        %get3A_1137 = arith.index_cast %add3A_1102 : i32 to index
        %get3A_1138 = arith.constant 112 : index
        %get3A_1139 = tpu.vector_load %arg13[%get3A_1137, %get3A_1138] {strides = array<i32>} : memref<104x128xf32, #tpu.memory_space<vmem>>, vector<16xf32>,
        %mul3A_1140 = arith.mulf %get3A_206, %get3A_1139 : vector<16xf32>
        %add3A_1141 = arith.addf %add3A_1136, %mul3A_1140 : vector<16xf32>
        %mul3A_1142 = arith.constant 17 : i32
        %mul3A_1143 = arith.muli %add3A_1102, %mul3A_1142 : i32
        %swap3A_1144 = arith.index_cast %mul3A_1143 : i32 to index
        %swap3A_1145 = tpu.vector_load %arg14[%swap3A_1144] {strides = array<i32>} : memref<1904xf32, #tpu.memory_space<vmem>>, vector<16xf32>,
        tpu.vector_store %arg14[%swap3A_1144], %add3A_1141 {strides = array<i32>} : memref<1904xf32, #tpu.memory_space<vmem>>, vector<16xf32>,
        %mul3A_1146 = arith.constant 26 : i32
        %mul3A_1147 = arith.muli %scan3A_180, %mul3A_1146 : i32
        %add3A_1148 = arith.constant 20 : i32
        %add3A_1149 = arith.addi %mul3A_1147, %add3A_1148 : i32
        %get3A_1150 = arith.index_cast %add3A_1149 : i32 to index
        %get3A_1151 = arith.constant 0 : index
        %get3A_1152 = tpu.vector_load %arg13[%get3A_1150, %get3A_1151] {strides = array<i32>} : memref<104x128xf32, #tpu.memory_space<vmem>>, vector<16xf32>,
        %mul3A_1153 = arith.mulf %get3A_185, %get3A_1152 : vector<16xf32>
        %get3A_1154 = arith.index_cast %add3A_1149 : i32 to index
        %get3A_1155 = arith.constant 16 : index
        %get3A_1156 = tpu.vector_load %arg13[%get3A_1154, %get3A_1155] {strides = array<i32>} : memref<104x128xf32, #tpu.memory_space<vmem>>, vector<16xf32>,
        %mul3A_1157 = arith.mulf %get3A_188, %get3A_1156 : vector<16xf32>
        %add3A_1158 = arith.addf %mul3A_1153, %mul3A_1157 : vector<16xf32>
        %get3A_1159 = arith.index_cast %add3A_1149 : i32 to index
        %get3A_1160 = arith.constant 32 : index
        %get3A_1161 = tpu.vector_load %arg13[%get3A_1159, %get3A_1160] {strides = array<i32>} : memref<104x128xf32, #tpu.memory_space<vmem>>, vector<16xf32>,
        %mul3A_1162 = arith.mulf %get3A_191, %get3A_1161 : vector<16xf32>
        %add3A_1163 = arith.addf %add3A_1158, %mul3A_1162 : vector<16xf32>
        %get3A_1164 = arith.index_cast %add3A_1149 : i32 to index
        %get3A_1165 = arith.constant 48 : index
        %get3A_1166 = tpu.vector_load %arg13[%get3A_1164, %get3A_1165] {strides = array<i32>} : memref<104x128xf32, #tpu.memory_space<vmem>>, vector<16xf32>,
        %mul3A_1167 = arith.mulf %get3A_194, %get3A_1166 : vector<16xf32>
        %add3A_1168 = arith.addf %add3A_1163, %mul3A_1167 : vector<16xf32>
        %get3A_1169 = arith.index_cast %add3A_1149 : i32 to index
        %get3A_1170 = arith.constant 64 : index
        %get3A_1171 = tpu.vector_load %arg13[%get3A_1169, %get3A_1170] {strides = array<i32>} : memref<104x128xf32, #tpu.memory_space<vmem>>, vector<16xf32>,
        %mul3A_1172 = arith.mulf %get3A_197, %get3A_1171 : vector<16xf32>
        %add3A_1173 = arith.addf %add3A_1168, %mul3A_1172 : vector<16xf32>
        %get3A_1174 = arith.index_cast %add3A_1149 : i32 to index
        %get3A_1175 = arith.constant 80 : index
        %get3A_1176 = tpu.vector_load %arg13[%get3A_1174, %get3A_1175] {strides = array<i32>} : memref<104x128xf32, #tpu.memory_space<vmem>>, vector<16xf32>,
        %mul3A_1177 = arith.mulf %get3A_200, %get3A_1176 : vector<16xf32>
        %add3A_1178 = arith.addf %add3A_1173, %mul3A_1177 : vector<16xf32>
        %get3A_1179 = arith.index_cast %add3A_1149 : i32 to index
        %get3A_1180 = arith.constant 96 : index
        %get3A_1181 = tpu.vector_load %arg13[%get3A_1179, %get3A_1180] {strides = array<i32>} : memref<104x128xf32, #tpu.memory_space<vmem>>, vector<16xf32>,
        %mul3A_1182 = arith.mulf %get3A_203, %get3A_1181 : vector<16xf32>
        %add3A_1183 = arith.addf %add3A_1178, %mul3A_1182 : vector<16xf32>
        %get3A_1184 = arith.index_cast %add3A_1149 : i32 to index
        %get3A_1185 = arith.constant 112 : index
        %get3A_1186 = tpu.vector_load %arg13[%get3A_1184, %get3A_1185] {strides = array<i32>} : memref<104x128xf32, #tpu.memory_space<vmem>>, vector<16xf32>,
        %mul3A_1187 = arith.mulf %get3A_206, %get3A_1186 : vector<16xf32>
        %add3A_1188 = arith.addf %add3A_1183, %mul3A_1187 : vector<16xf32>
        %mul3A_1189 = arith.constant 17 : i32
        %mul3A_1190 = arith.muli %add3A_1149, %mul3A_1189 : i32
        %swap3A_1191 = arith.index_cast %mul3A_1190 : i32 to index
        %swap3A_1192 = tpu.vector_load %arg14[%swap3A_1191] {strides = array<i32>} : memref<1904xf32, #tpu.memory_space<vmem>>, vector<16xf32>,
        tpu.vector_store %arg14[%swap3A_1191], %add3A_1188 {strides = array<i32>} : memref<1904xf32, #tpu.memory_space<vmem>>, vector<16xf32>,
        %mul3A_1193 = arith.constant 26 : i32
        %mul3A_1194 = arith.muli %scan3A_180, %mul3A_1193 : i32
        %add3A_1195 = arith.constant 21 : i32
        %add3A_1196 = arith.addi %mul3A_1194, %add3A_1195 : i32
        %get3A_1197 = arith.index_cast %add3A_1196 : i32 to index
        %get3A_1198 = arith.constant 0 : index
        %get3A_1199 = tpu.vector_load %arg13[%get3A_1197, %get3A_1198] {strides = array<i32>} : memref<104x128xf32, #tpu.memory_space<vmem>>, vector<16xf32>,
        %mul3A_1200 = arith.mulf %get3A_185, %get3A_1199 : vector<16xf32>
        %get3A_1201 = arith.index_cast %add3A_1196 : i32 to index
        %get3A_1202 = arith.constant 16 : index
        %get3A_1203 = tpu.vector_load %arg13[%get3A_1201, %get3A_1202] {strides = array<i32>} : memref<104x128xf32, #tpu.memory_space<vmem>>, vector<16xf32>,
        %mul3A_1204 = arith.mulf %get3A_188, %get3A_1203 : vector<16xf32>
        %add3A_1205 = arith.addf %mul3A_1200, %mul3A_1204 : vector<16xf32>
        %get3A_1206 = arith.index_cast %add3A_1196 : i32 to index
        %get3A_1207 = arith.constant 32 : index
        %get3A_1208 = tpu.vector_load %arg13[%get3A_1206, %get3A_1207] {strides = array<i32>} : memref<104x128xf32, #tpu.memory_space<vmem>>, vector<16xf32>,
        %mul3A_1209 = arith.mulf %get3A_191, %get3A_1208 : vector<16xf32>
        %add3A_1210 = arith.addf %add3A_1205, %mul3A_1209 : vector<16xf32>
        %get3A_1211 = arith.index_cast %add3A_1196 : i32 to index
        %get3A_1212 = arith.constant 48 : index
        %get3A_1213 = tpu.vector_load %arg13[%get3A_1211, %get3A_1212] {strides = array<i32>} : memref<104x128xf32, #tpu.memory_space<vmem>>, vector<16xf32>,
        %mul3A_1214 = arith.mulf %get3A_194, %get3A_1213 : vector<16xf32>
        %add3A_1215 = arith.addf %add3A_1210, %mul3A_1214 : vector<16xf32>
        %get3A_1216 = arith.index_cast %add3A_1196 : i32 to index
        %get3A_1217 = arith.constant 64 : index
        %get3A_1218 = tpu.vector_load %arg13[%get3A_1216, %get3A_1217] {strides = array<i32>} : memref<104x128xf32, #tpu.memory_space<vmem>>, vector<16xf32>,
        %mul3A_1219 = arith.mulf %get3A_197, %get3A_1218 : vector<16xf32>
        %add3A_1220 = arith.addf %add3A_1215, %mul3A_1219 : vector<16xf32>
        %get3A_1221 = arith.index_cast %add3A_1196 : i32 to index
        %get3A_1222 = arith.constant 80 : index
        %get3A_1223 = tpu.vector_load %arg13[%get3A_1221, %get3A_1222] {strides = array<i32>} : memref<104x128xf32, #tpu.memory_space<vmem>>, vector<16xf32>,
        %mul3A_1224 = arith.mulf %get3A_200, %get3A_1223 : vector<16xf32>
        %add3A_1225 = arith.addf %add3A_1220, %mul3A_1224 : vector<16xf32>
        %get3A_1226 = arith.index_cast %add3A_1196 : i32 to index
        %get3A_1227 = arith.constant 96 : index
        %get3A_1228 = tpu.vector_load %arg13[%get3A_1226, %get3A_1227] {strides = array<i32>} : memref<104x128xf32, #tpu.memory_space<vmem>>, vector<16xf32>,
        %mul3A_1229 = arith.mulf %get3A_203, %get3A_1228 : vector<16xf32>
        %add3A_1230 = arith.addf %add3A_1225, %mul3A_1229 : vector<16xf32>
        %get3A_1231 = arith.index_cast %add3A_1196 : i32 to index
        %get3A_1232 = arith.constant 112 : index
        %get3A_1233 = tpu.vector_load %arg13[%get3A_1231, %get3A_1232] {strides = array<i32>} : memref<104x128xf32, #tpu.memory_space<vmem>>, vector<16xf32>,
        %mul3A_1234 = arith.mulf %get3A_206, %get3A_1233 : vector<16xf32>
        %add3A_1235 = arith.addf %add3A_1230, %mul3A_1234 : vector<16xf32>
        %mul3A_1236 = arith.constant 17 : i32
        %mul3A_1237 = arith.muli %add3A_1196, %mul3A_1236 : i32
        %swap3A_1238 = arith.index_cast %mul3A_1237 : i32 to index
        %swap3A_1239 = tpu.vector_load %arg14[%swap3A_1238] {strides = array<i32>} : memref<1904xf32, #tpu.memory_space<vmem>>, vector<16xf32>,
        tpu.vector_store %arg14[%swap3A_1238], %add3A_1235 {strides = array<i32>} : memref<1904xf32, #tpu.memory_space<vmem>>, vector<16xf32>,
        %mul3A_1240 = arith.constant 26 : i32
        %mul3A_1241 = arith.muli %scan3A_180, %mul3A_1240 : i32
        %add3A_1242 = arith.constant 22 : i32
        %add3A_1243 = arith.addi %mul3A_1241, %add3A_1242 : i32
        %get3A_1244 = arith.index_cast %add3A_1243 : i32 to index
        %get3A_1245 = arith.constant 0 : index
        %get3A_1246 = tpu.vector_load %arg13[%get3A_1244, %get3A_1245] {strides = array<i32>} : memref<104x128xf32, #tpu.memory_space<vmem>>, vector<16xf32>,
        %mul3A_1247 = arith.mulf %get3A_185, %get3A_1246 : vector<16xf32>
        %get3A_1248 = arith.index_cast %add3A_1243 : i32 to index
        %get3A_1249 = arith.constant 16 : index
        %get3A_1250 = tpu.vector_load %arg13[%get3A_1248, %get3A_1249] {strides = array<i32>} : memref<104x128xf32, #tpu.memory_space<vmem>>, vector<16xf32>,
        %mul3A_1251 = arith.mulf %get3A_188, %get3A_1250 : vector<16xf32>
        %add3A_1252 = arith.addf %mul3A_1247, %mul3A_1251 : vector<16xf32>
        %get3A_1253 = arith.index_cast %add3A_1243 : i32 to index
        %get3A_1254 = arith.constant 32 : index
        %get3A_1255 = tpu.vector_load %arg13[%get3A_1253, %get3A_1254] {strides = array<i32>} : memref<104x128xf32, #tpu.memory_space<vmem>>, vector<16xf32>,
        %mul3A_1256 = arith.mulf %get3A_191, %get3A_1255 : vector<16xf32>
        %add3A_1257 = arith.addf %add3A_1252, %mul3A_1256 : vector<16xf32>
        %get3A_1258 = arith.index_cast %add3A_1243 : i32 to index
        %get3A_1259 = arith.constant 48 : index
        %get3A_1260 = tpu.vector_load %arg13[%get3A_1258, %get3A_1259] {strides = array<i32>} : memref<104x128xf32, #tpu.memory_space<vmem>>, vector<16xf32>,
        %mul3A_1261 = arith.mulf %get3A_194, %get3A_1260 : vector<16xf32>
        %add3A_1262 = arith.addf %add3A_1257, %mul3A_1261 : vector<16xf32>
        %get3A_1263 = arith.index_cast %add3A_1243 : i32 to index
        %get3A_1264 = arith.constant 64 : index
        %get3A_1265 = tpu.vector_load %arg13[%get3A_1263, %get3A_1264] {strides = array<i32>} : memref<104x128xf32, #tpu.memory_space<vmem>>, vector<16xf32>,
        %mul3A_1266 = arith.mulf %get3A_197, %get3A_1265 : vector<16xf32>
        %add3A_1267 = arith.addf %add3A_1262, %mul3A_1266 : vector<16xf32>
        %get3A_1268 = arith.index_cast %add3A_1243 : i32 to index
        %get3A_1269 = arith.constant 80 : index
        %get3A_1270 = tpu.vector_load %arg13[%get3A_1268, %get3A_1269] {strides = array<i32>} : memref<104x128xf32, #tpu.memory_space<vmem>>, vector<16xf32>,
        %mul3A_1271 = arith.mulf %get3A_200, %get3A_1270 : vector<16xf32>
        %add3A_1272 = arith.addf %add3A_1267, %mul3A_1271 : vector<16xf32>
        %get3A_1273 = arith.index_cast %add3A_1243 : i32 to index
        %get3A_1274 = arith.constant 96 : index
        %get3A_1275 = tpu.vector_load %arg13[%get3A_1273, %get3A_1274] {strides = array<i32>} : memref<104x128xf32, #tpu.memory_space<vmem>>, vector<16xf32>,
        %mul3A_1276 = arith.mulf %get3A_203, %get3A_1275 : vector<16xf32>
        %add3A_1277 = arith.addf %add3A_1272, %mul3A_1276 : vector<16xf32>
        %get3A_1278 = arith.index_cast %add3A_1243 : i32 to index
        %get3A_1279 = arith.constant 112 : index
        %get3A_1280 = tpu.vector_load %arg13[%get3A_1278, %get3A_1279] {strides = array<i32>} : memref<104x128xf32, #tpu.memory_space<vmem>>, vector<16xf32>,
        %mul3A_1281 = arith.mulf %get3A_206, %get3A_1280 : vector<16xf32>
        %add3A_1282 = arith.addf %add3A_1277, %mul3A_1281 : vector<16xf32>
        %mul3A_1283 = arith.constant 17 : i32
        %mul3A_1284 = arith.muli %add3A_1243, %mul3A_1283 : i32
        %swap3A_1285 = arith.index_cast %mul3A_1284 : i32 to index
        %swap3A_1286 = tpu.vector_load %arg14[%swap3A_1285] {strides = array<i32>} : memref<1904xf32, #tpu.memory_space<vmem>>, vector<16xf32>,
        tpu.vector_store %arg14[%swap3A_1285], %add3A_1282 {strides = array<i32>} : memref<1904xf32, #tpu.memory_space<vmem>>, vector<16xf32>,
        %mul3A_1287 = arith.constant 26 : i32
        %mul3A_1288 = arith.muli %scan3A_180, %mul3A_1287 : i32
        %add3A_1289 = arith.constant 23 : i32
        %add3A_1290 = arith.addi %mul3A_1288, %add3A_1289 : i32
        %get3A_1291 = arith.index_cast %add3A_1290 : i32 to index
        %get3A_1292 = arith.constant 0 : index
        %get3A_1293 = tpu.vector_load %arg13[%get3A_1291, %get3A_1292] {strides = array<i32>} : memref<104x128xf32, #tpu.memory_space<vmem>>, vector<16xf32>,
        %mul3A_1294 = arith.mulf %get3A_185, %get3A_1293 : vector<16xf32>
        %get3A_1295 = arith.index_cast %add3A_1290 : i32 to index
        %get3A_1296 = arith.constant 16 : index
        %get3A_1297 = tpu.vector_load %arg13[%get3A_1295, %get3A_1296] {strides = array<i32>} : memref<104x128xf32, #tpu.memory_space<vmem>>, vector<16xf32>,
        %mul3A_1298 = arith.mulf %get3A_188, %get3A_1297 : vector<16xf32>
        %add3A_1299 = arith.addf %mul3A_1294, %mul3A_1298 : vector<16xf32>
        %get3A_1300 = arith.index_cast %add3A_1290 : i32 to index
        %get3A_1301 = arith.constant 32 : index
        %get3A_1302 = tpu.vector_load %arg13[%get3A_1300, %get3A_1301] {strides = array<i32>} : memref<104x128xf32, #tpu.memory_space<vmem>>, vector<16xf32>,
        %mul3A_1303 = arith.mulf %get3A_191, %get3A_1302 : vector<16xf32>
        %add3A_1304 = arith.addf %add3A_1299, %mul3A_1303 : vector<16xf32>
        %get3A_1305 = arith.index_cast %add3A_1290 : i32 to index
        %get3A_1306 = arith.constant 48 : index
        %get3A_1307 = tpu.vector_load %arg13[%get3A_1305, %get3A_1306] {strides = array<i32>} : memref<104x128xf32, #tpu.memory_space<vmem>>, vector<16xf32>,
        %mul3A_1308 = arith.mulf %get3A_194, %get3A_1307 : vector<16xf32>
        %add3A_1309 = arith.addf %add3A_1304, %mul3A_1308 : vector<16xf32>
        %get3A_1310 = arith.index_cast %add3A_1290 : i32 to index
        %get3A_1311 = arith.constant 64 : index
        %get3A_1312 = tpu.vector_load %arg13[%get3A_1310, %get3A_1311] {strides = array<i32>} : memref<104x128xf32, #tpu.memory_space<vmem>>, vector<16xf32>,
        %mul3A_1313 = arith.mulf %get3A_197, %get3A_1312 : vector<16xf32>
        %add3A_1314 = arith.addf %add3A_1309, %mul3A_1313 : vector<16xf32>
        %get3A_1315 = arith.index_cast %add3A_1290 : i32 to index
        %get3A_1316 = arith.constant 80 : index
        %get3A_1317 = tpu.vector_load %arg13[%get3A_1315, %get3A_1316] {strides = array<i32>} : memref<104x128xf32, #tpu.memory_space<vmem>>, vector<16xf32>,
        %mul3A_1318 = arith.mulf %get3A_200, %get3A_1317 : vector<16xf32>
        %add3A_1319 = arith.addf %add3A_1314, %mul3A_1318 : vector<16xf32>
        %get3A_1320 = arith.index_cast %add3A_1290 : i32 to index
        %get3A_1321 = arith.constant 96 : index
        %get3A_1322 = tpu.vector_load %arg13[%get3A_1320, %get3A_1321] {strides = array<i32>} : memref<104x128xf32, #tpu.memory_space<vmem>>, vector<16xf32>,
        %mul3A_1323 = arith.mulf %get3A_203, %get3A_1322 : vector<16xf32>
        %add3A_1324 = arith.addf %add3A_1319, %mul3A_1323 : vector<16xf32>
        %get3A_1325 = arith.index_cast %add3A_1290 : i32 to index
        %get3A_1326 = arith.constant 112 : index
        %get3A_1327 = tpu.vector_load %arg13[%get3A_1325, %get3A_1326] {strides = array<i32>} : memref<104x128xf32, #tpu.memory_space<vmem>>, vector<16xf32>,
        %mul3A_1328 = arith.mulf %get3A_206, %get3A_1327 : vector<16xf32>
        %add3A_1329 = arith.addf %add3A_1324, %mul3A_1328 : vector<16xf32>
        %mul3A_1330 = arith.constant 17 : i32
        %mul3A_1331 = arith.muli %add3A_1290, %mul3A_1330 : i32
        %swap3A_1332 = arith.index_cast %mul3A_1331 : i32 to index
        %swap3A_1333 = tpu.vector_load %arg14[%swap3A_1332] {strides = array<i32>} : memref<1904xf32, #tpu.memory_space<vmem>>, vector<16xf32>,
        tpu.vector_store %arg14[%swap3A_1332], %add3A_1329 {strides = array<i32>} : memref<1904xf32, #tpu.memory_space<vmem>>, vector<16xf32>,
        %mul3A_1334 = arith.constant 26 : i32
        %mul3A_1335 = arith.muli %scan3A_180, %mul3A_1334 : i32
        %add3A_1336 = arith.constant 24 : i32
        %add3A_1337 = arith.addi %mul3A_1335, %add3A_1336 : i32
        %get3A_1338 = arith.index_cast %add3A_1337 : i32 to index
        %get3A_1339 = arith.constant 0 : index
        %get3A_1340 = tpu.vector_load %arg13[%get3A_1338, %get3A_1339] {strides = array<i32>} : memref<104x128xf32, #tpu.memory_space<vmem>>, vector<16xf32>,
        %mul3A_1341 = arith.mulf %get3A_185, %get3A_1340 : vector<16xf32>
        %get3A_1342 = arith.index_cast %add3A_1337 : i32 to index
        %get3A_1343 = arith.constant 16 : index
        %get3A_1344 = tpu.vector_load %arg13[%get3A_1342, %get3A_1343] {strides = array<i32>} : memref<104x128xf32, #tpu.memory_space<vmem>>, vector<16xf32>,
        %mul3A_1345 = arith.mulf %get3A_188, %get3A_1344 : vector<16xf32>
        %add3A_1346 = arith.addf %mul3A_1341, %mul3A_1345 : vector<16xf32>
        %get3A_1347 = arith.index_cast %add3A_1337 : i32 to index
        %get3A_1348 = arith.constant 32 : index
        %get3A_1349 = tpu.vector_load %arg13[%get3A_1347, %get3A_1348] {strides = array<i32>} : memref<104x128xf32, #tpu.memory_space<vmem>>, vector<16xf32>,
        %mul3A_1350 = arith.mulf %get3A_191, %get3A_1349 : vector<16xf32>
        %add3A_1351 = arith.addf %add3A_1346, %mul3A_1350 : vector<16xf32>
        %get3A_1352 = arith.index_cast %add3A_1337 : i32 to index
        %get3A_1353 = arith.constant 48 : index
        %get3A_1354 = tpu.vector_load %arg13[%get3A_1352, %get3A_1353] {strides = array<i32>} : memref<104x128xf32, #tpu.memory_space<vmem>>, vector<16xf32>,
        %mul3A_1355 = arith.mulf %get3A_194, %get3A_1354 : vector<16xf32>
        %add3A_1356 = arith.addf %add3A_1351, %mul3A_1355 : vector<16xf32>
        %get3A_1357 = arith.index_cast %add3A_1337 : i32 to index
        %get3A_1358 = arith.constant 64 : index
        %get3A_1359 = tpu.vector_load %arg13[%get3A_1357, %get3A_1358] {strides = array<i32>} : memref<104x128xf32, #tpu.memory_space<vmem>>, vector<16xf32>,
        %mul3A_1360 = arith.mulf %get3A_197, %get3A_1359 : vector<16xf32>
        %add3A_1361 = arith.addf %add3A_1356, %mul3A_1360 : vector<16xf32>
        %get3A_1362 = arith.index_cast %add3A_1337 : i32 to index
        %get3A_1363 = arith.constant 80 : index
        %get3A_1364 = tpu.vector_load %arg13[%get3A_1362, %get3A_1363] {strides = array<i32>} : memref<104x128xf32, #tpu.memory_space<vmem>>, vector<16xf32>,
        %mul3A_1365 = arith.mulf %get3A_200, %get3A_1364 : vector<16xf32>
        %add3A_1366 = arith.addf %add3A_1361, %mul3A_1365 : vector<16xf32>
        %get3A_1367 = arith.index_cast %add3A_1337 : i32 to index
        %get3A_1368 = arith.constant 96 : index
        %get3A_1369 = tpu.vector_load %arg13[%get3A_1367, %get3A_1368] {strides = array<i32>} : memref<104x128xf32, #tpu.memory_space<vmem>>, vector<16xf32>,
        %mul3A_1370 = arith.mulf %get3A_203, %get3A_1369 : vector<16xf32>
        %add3A_1371 = arith.addf %add3A_1366, %mul3A_1370 : vector<16xf32>
        %get3A_1372 = arith.index_cast %add3A_1337 : i32 to index
        %get3A_1373 = arith.constant 112 : index
        %get3A_1374 = tpu.vector_load %arg13[%get3A_1372, %get3A_1373] {strides = array<i32>} : memref<104x128xf32, #tpu.memory_space<vmem>>, vector<16xf32>,
        %mul3A_1375 = arith.mulf %get3A_206, %get3A_1374 : vector<16xf32>
        %add3A_1376 = arith.addf %add3A_1371, %mul3A_1375 : vector<16xf32>
        %mul3A_1377 = arith.constant 17 : i32
        %mul3A_1378 = arith.muli %add3A_1337, %mul3A_1377 : i32
        %swap3A_1379 = arith.index_cast %mul3A_1378 : i32 to index
        %swap3A_1380 = tpu.vector_load %arg14[%swap3A_1379] {strides = array<i32>} : memref<1904xf32, #tpu.memory_space<vmem>>, vector<16xf32>,
        tpu.vector_store %arg14[%swap3A_1379], %add3A_1376 {strides = array<i32>} : memref<1904xf32, #tpu.memory_space<vmem>>, vector<16xf32>,
        %mul3A_1381 = arith.constant 26 : i32
        %mul3A_1382 = arith.muli %scan3A_180, %mul3A_1381 : i32
        %add3A_1383 = arith.constant 25 : i32
        %add3A_1384 = arith.addi %mul3A_1382, %add3A_1383 : i32
        %get3A_1385 = arith.index_cast %add3A_1384 : i32 to index
        %get3A_1386 = arith.constant 0 : index
        %get3A_1387 = tpu.vector_load %arg13[%get3A_1385, %get3A_1386] {strides = array<i32>} : memref<104x128xf32, #tpu.memory_space<vmem>>, vector<16xf32>,
        %mul3A_1388 = arith.mulf %get3A_185, %get3A_1387 : vector<16xf32>
        %get3A_1389 = arith.index_cast %add3A_1384 : i32 to index
        %get3A_1390 = arith.constant 16 : index
        %get3A_1391 = tpu.vector_load %arg13[%get3A_1389, %get3A_1390] {strides = array<i32>} : memref<104x128xf32, #tpu.memory_space<vmem>>, vector<16xf32>,
        %mul3A_1392 = arith.mulf %get3A_188, %get3A_1391 : vector<16xf32>
        %add3A_1393 = arith.addf %mul3A_1388, %mul3A_1392 : vector<16xf32>
        %get3A_1394 = arith.index_cast %add3A_1384 : i32 to index
        %get3A_1395 = arith.constant 32 : index
        %get3A_1396 = tpu.vector_load %arg13[%get3A_1394, %get3A_1395] {strides = array<i32>} : memref<104x128xf32, #tpu.memory_space<vmem>>, vector<16xf32>,
        %mul3A_1397 = arith.mulf %get3A_191, %get3A_1396 : vector<16xf32>
        %add3A_1398 = arith.addf %add3A_1393, %mul3A_1397 : vector<16xf32>
        %get3A_1399 = arith.index_cast %add3A_1384 : i32 to index
        %get3A_1400 = arith.constant 48 : index
        %get3A_1401 = tpu.vector_load %arg13[%get3A_1399, %get3A_1400] {strides = array<i32>} : memref<104x128xf32, #tpu.memory_space<vmem>>, vector<16xf32>,
        %mul3A_1402 = arith.mulf %get3A_194, %get3A_1401 : vector<16xf32>
        %add3A_1403 = arith.addf %add3A_1398, %mul3A_1402 : vector<16xf32>
        %get3A_1404 = arith.index_cast %add3A_1384 : i32 to index
        %get3A_1405 = arith.constant 64 : index
        %get3A_1406 = tpu.vector_load %arg13[%get3A_1404, %get3A_1405] {strides = array<i32>} : memref<104x128xf32, #tpu.memory_space<vmem>>, vector<16xf32>,
        %mul3A_1407 = arith.mulf %get3A_197, %get3A_1406 : vector<16xf32>
        %add3A_1408 = arith.addf %add3A_1403, %mul3A_1407 : vector<16xf32>
        %get3A_1409 = arith.index_cast %add3A_1384 : i32 to index
        %get3A_1410 = arith.constant 80 : index
        %get3A_1411 = tpu.vector_load %arg13[%get3A_1409, %get3A_1410] {strides = array<i32>} : memref<104x128xf32, #tpu.memory_space<vmem>>, vector<16xf32>,
        %mul3A_1412 = arith.mulf %get3A_200, %get3A_1411 : vector<16xf32>
        %add3A_1413 = arith.addf %add3A_1408, %mul3A_1412 : vector<16xf32>
        %get3A_1414 = arith.index_cast %add3A_1384 : i32 to index
        %get3A_1415 = arith.constant 96 : index
        %get3A_1416 = tpu.vector_load %arg13[%get3A_1414, %get3A_1415] {strides = array<i32>} : memref<104x128xf32, #tpu.memory_space<vmem>>, vector<16xf32>,
        %mul3A_1417 = arith.mulf %get3A_203, %get3A_1416 : vector<16xf32>
        %add3A_1418 = arith.addf %add3A_1413, %mul3A_1417 : vector<16xf32>
        %get3A_1419 = arith.index_cast %add3A_1384 : i32 to index
        %get3A_1420 = arith.constant 112 : index
        %get3A_1421 = tpu.vector_load %arg13[%get3A_1419, %get3A_1420] {strides = array<i32>} : memref<104x128xf32, #tpu.memory_space<vmem>>, vector<16xf32>,
        %mul3A_1422 = arith.mulf %get3A_206, %get3A_1421 : vector<16xf32>
        %add3A_1423 = arith.addf %add3A_1418, %mul3A_1422 : vector<16xf32>
        %mul3A_1424 = arith.constant 17 : i32
        %mul3A_1425 = arith.muli %add3A_1384, %mul3A_1424 : i32
        %swap3A_1426 = arith.index_cast %mul3A_1425 : i32 to index
        %swap3A_1427 = tpu.vector_load %arg14[%swap3A_1426] {strides = array<i32>} : memref<1904xf32, #tpu.memory_space<vmem>>, vector<16xf32>,
        tpu.vector_store %arg14[%swap3A_1426], %add3A_1423 {strides = array<i32>} : memref<1904xf32, #tpu.memory_space<vmem>>, vector<16xf32>,
      }
      %scan3A_147 = arith.constant 4 : i32
      %iota3A_148 = tpu.iota {dimensions = array<i32: 0>} : vector<16xi32>
      %scan3A_149 = arith.constant 0 : i32
      %scan3A_150 = arith.constant 0 : i32
      %scan3A_151 = arith.constant 7 : i32
      %scan3A_152 = arith.addi %scan3A_150, %scan3A_151 : i32
      %scan3A_153 = arith.constant 1 : i32
      scf.for %scan3A_180 = %scan3A_150 to %scan3A_152 step %scan3A_153  : i32 {
        %mul3A_181 = arith.constant 16 : i32
        %mul3A_182 = arith.muli %scan3A_180, %mul3A_181 : i32
        %add3A_183 = vector.broadcast %mul3A_182 : i32 to vector<16xi32>
        %add3A_184 = arith.addi %add3A_183, %iota3A_148 : vector<16xi32>
        %mul3A_185 = arith.constant 17 : i32
        %mul3A_186 = vector.broadcast %mul3A_185 : i32 to vector<16xi32>
        %mul3A_187 = arith.muli %add3A_184, %mul3A_186 : vector<16xi32>
        %gather3A = tpu.vector_load_idx %arg14[%mul3A_187] : memref<1904xf32, #tpu.memory_space<vmem>>[vector<16xi32>], vector<16xf32>,
        %add3A_188 = arith.constant 1 : i32
        %add3A_189 = vector.broadcast %add3A_188 : i32 to vector<16xi32>
        %add3A_190 = arith.addi %mul3A_187, %add3A_189 : vector<16xi32>
        %gather3A_191 = tpu.vector_load_idx %arg14[%add3A_190] : memref<1904xf32, #tpu.memory_space<vmem>>[vector<16xi32>], vector<16xf32>,
        %add3A_192 = arith.addf %gather3A, %gather3A_191 : vector<16xf32>
        %add3A_193 = arith.constant 2 : i32
        %add3A_194 = vector.broadcast %add3A_193 : i32 to vector<16xi32>
        %add3A_195 = arith.addi %mul3A_187, %add3A_194 : vector<16xi32>
        %gather3A_196 = tpu.vector_load_idx %arg14[%add3A_195] : memref<1904xf32, #tpu.memory_space<vmem>>[vector<16xi32>], vector<16xf32>,
        %add3A_197 = arith.addf %add3A_192, %gather3A_196 : vector<16xf32>
        %add3A_198 = arith.constant 3 : i32
        %add3A_199 = vector.broadcast %add3A_198 : i32 to vector<16xi32>
        %add3A_200 = arith.addi %mul3A_187, %add3A_199 : vector<16xi32>
        %gather3A_201 = tpu.vector_load_idx %arg14[%add3A_200] : memref<1904xf32, #tpu.memory_space<vmem>>[vector<16xi32>], vector<16xf32>,
        %add3A_202 = arith.addf %add3A_197, %gather3A_201 : vector<16xf32>
        %add3A_203 = arith.constant 4 : i32
        %add3A_204 = vector.broadcast %add3A_203 : i32 to vector<16xi32>
        %add3A_205 = arith.addi %mul3A_187, %add3A_204 : vector<16xi32>
        %gather3A_206 = tpu.vector_load_idx %arg14[%add3A_205] : memref<1904xf32, #tpu.memory_space<vmem>>[vector<16xi32>], vector<16xf32>,
        %add3A_207 = arith.addf %add3A_202, %gather3A_206 : vector<16xf32>
        %add3A_208 = arith.constant 5 : i32
        %add3A_209 = vector.broadcast %add3A_208 : i32 to vector<16xi32>
        %add3A_210 = arith.addi %mul3A_187, %add3A_209 : vector<16xi32>
        %gather3A_211 = tpu.vector_load_idx %arg14[%add3A_210] : memref<1904xf32, #tpu.memory_space<vmem>>[vector<16xi32>], vector<16xf32>,
        %add3A_212 = arith.addf %add3A_207, %gather3A_211 : vector<16xf32>
        %add3A_213 = arith.constant 6 : i32
        %add3A_214 = vector.broadcast %add3A_213 : i32 to vector<16xi32>
        %add3A_215 = arith.addi %mul3A_187, %add3A_214 : vector<16xi32>
        %gather3A_216 = tpu.vector_load_idx %arg14[%add3A_215] : memref<1904xf32, #tpu.memory_space<vmem>>[vector<16xi32>], vector<16xf32>,
        %add3A_217 = arith.addf %add3A_212, %gather3A_216 : vector<16xf32>
        %add3A_218 = arith.constant 7 : i32
        %add3A_219 = vector.broadcast %add3A_218 : i32 to vector<16xi32>
        %add3A_220 = arith.addi %mul3A_187, %add3A_219 : vector<16xi32>
        %gather3A_221 = tpu.vector_load_idx %arg14[%add3A_220] : memref<1904xf32, #tpu.memory_space<vmem>>[vector<16xi32>], vector<16xf32>,
        %add3A_222 = arith.addf %add3A_217, %gather3A_221 : vector<16xf32>
        %add3A_223 = arith.constant 8 : i32
        %add3A_224 = vector.broadcast %add3A_223 : i32 to vector<16xi32>
        %add3A_225 = arith.addi %mul3A_187, %add3A_224 : vector<16xi32>
        %gather3A_226 = tpu.vector_load_idx %arg14[%add3A_225] : memref<1904xf32, #tpu.memory_space<vmem>>[vector<16xi32>], vector<16xf32>,
        %add3A_227 = arith.addf %add3A_222, %gather3A_226 : vector<16xf32>
        %add3A_228 = arith.constant 9 : i32
        %add3A_229 = vector.broadcast %add3A_228 : i32 to vector<16xi32>
        %add3A_230 = arith.addi %mul3A_187, %add3A_229 : vector<16xi32>
        %gather3A_231 = tpu.vector_load_idx %arg14[%add3A_230] : memref<1904xf32, #tpu.memory_space<vmem>>[vector<16xi32>], vector<16xf32>,
        %add3A_232 = arith.addf %add3A_227, %gather3A_231 : vector<16xf32>
        %add3A_233 = arith.constant 10 : i32
        %add3A_234 = vector.broadcast %add3A_233 : i32 to vector<16xi32>
        %add3A_235 = arith.addi %mul3A_187, %add3A_234 : vector<16xi32>
        %gather3A_236 = tpu.vector_load_idx %arg14[%add3A_235] : memref<1904xf32, #tpu.memory_space<vmem>>[vector<16xi32>], vector<16xf32>,
        %add3A_237 = arith.addf %add3A_232, %gather3A_236 : vector<16xf32>
        %add3A_238 = arith.constant 11 : i32
        %add3A_239 = vector.broadcast %add3A_238 : i32 to vector<16xi32>
        %add3A_240 = arith.addi %mul3A_187, %add3A_239 : vector<16xi32>
        %gather3A_241 = tpu.vector_load_idx %arg14[%add3A_240] : memref<1904xf32, #tpu.memory_space<vmem>>[vector<16xi32>], vector<16xf32>,
        %add3A_242 = arith.addf %add3A_237, %gather3A_241 : vector<16xf32>
        %add3A_243 = arith.constant 12 : i32
        %add3A_244 = vector.broadcast %add3A_243 : i32 to vector<16xi32>
        %add3A_245 = arith.addi %mul3A_187, %add3A_244 : vector<16xi32>
        %gather3A_246 = tpu.vector_load_idx %arg14[%add3A_245] : memref<1904xf32, #tpu.memory_space<vmem>>[vector<16xi32>], vector<16xf32>,
        %add3A_247 = arith.addf %add3A_242, %gather3A_246 : vector<16xf32>
        %add3A_248 = arith.constant 13 : i32
        %add3A_249 = vector.broadcast %add3A_248 : i32 to vector<16xi32>
        %add3A_250 = arith.addi %mul3A_187, %add3A_249 : vector<16xi32>
        %gather3A_251 = tpu.vector_load_idx %arg14[%add3A_250] : memref<1904xf32, #tpu.memory_space<vmem>>[vector<16xi32>], vector<16xf32>,
        %add3A_252 = arith.addf %add3A_247, %gather3A_251 : vector<16xf32>
        %add3A_253 = arith.constant 14 : i32
        %add3A_254 = vector.broadcast %add3A_253 : i32 to vector<16xi32>
        %add3A_255 = arith.addi %mul3A_187, %add3A_254 : vector<16xi32>
        %gather3A_256 = tpu.vector_load_idx %arg14[%add3A_255] : memref<1904xf32, #tpu.memory_space<vmem>>[vector<16xi32>], vector<16xf32>,
        %add3A_257 = arith.addf %add3A_252, %gather3A_256 : vector<16xf32>
        %add3A_258 = arith.constant 15 : i32
        %add3A_259 = vector.broadcast %add3A_258 : i32 to vector<16xi32>
        %add3A_260 = arith.addi %mul3A_187, %add3A_259 : vector<16xi32>
        %gather3A_261 = tpu.vector_load_idx %arg14[%add3A_260] : memref<1904xf32, #tpu.memory_space<vmem>>[vector<16xi32>], vector<16xf32>,
        %add3A_262 = arith.addf %add3A_257, %gather3A_261 : vector<16xf32>
        %mul3A_263 = arith.constant 16 : i32
        %mul3A_264 = arith.muli %scan3A_180, %mul3A_263 : i32
        %swap3A = arith.index_cast %mul3A_264 : i32 to index
        %swap3A_265 = tpu.vector_load %arg16[%swap3A] {strides = array<i32>} : memref<112xf32, #tpu.memory_space<vmem>>, vector<16xf32>,
        tpu.vector_store %arg16[%swap3A], %add3A_262 {strides = array<i32>} : memref<112xf32, #tpu.memory_space<vmem>>, vector<16xf32>,
      }
      %scan3A_154 = arith.constant 7 : i32
      %dma_wait3A_155 = arith.constant 0 : i32
      %dma_wait3A_156 = tpu.memref_slice %arg11[%add3A_114, %dma_wait3A_155] : memref<32x104xi32, #tpu.memory_space<vmem>> -> memref<1x104xi32, #tpu.memory_space<vmem>>
      %dma_wait3A_157 = tpu.memref_squeeze %dma_wait3A_156 : memref<1x104xi32, #tpu.memory_space<vmem>> -> memref<104xi32, #tpu.memory_space<vmem>>
      %dma_wait3A_158 = arith.constant 0 : i32
      %dma_wait3A_159 = tpu.memref_slice %arg5[%dma_wait3A_158] : memref<100000xf32, #tpu.memory_space<hbm>> -> memref<100000xf32, #tpu.memory_space<hbm>>
      tpu.wait_indirect_dma semaphore(%arg24 : memref<!tpu.dma_semaphore, #tpu.memory_space<semaphore_mem>>) src(%dma_wait3A_159 : memref<100000xf32, #tpu.memory_space<hbm>>) dst(%arg18 : memref<104xf32, #tpu.memory_space<vmem>>)
      %dma_wait3A_160 = arith.constant 0 : i32
      %dma_wait3A_161 = tpu.memref_slice %arg11[%add3A_114, %dma_wait3A_160] : memref<32x104xi32, #tpu.memory_space<vmem>> -> memref<1x104xi32, #tpu.memory_space<vmem>>
      %dma_wait3A_162 = tpu.memref_squeeze %dma_wait3A_161 : memref<1x104xi32, #tpu.memory_space<vmem>> -> memref<104xi32, #tpu.memory_space<vmem>>
      %dma_wait3A_163 = arith.constant 0 : i32
      %dma_wait3A_164 = tpu.memref_slice %arg6[%dma_wait3A_163] : memref<100000xf32, #tpu.memory_space<hbm>> -> memref<100000xf32, #tpu.memory_space<hbm>>
      tpu.wait_indirect_dma semaphore(%arg26 : memref<!tpu.dma_semaphore, #tpu.memory_space<semaphore_mem>>) src(%dma_wait3A_164 : memref<100000xf32, #tpu.memory_space<hbm>>) dst(%arg20 : memref<104xf32, #tpu.memory_space<vmem>>)
      %mul3A_165 = arith.constant 3328 : i32
      %mul3A_166 = arith.muli %add3A, %mul3A_165 : i32
      %mul3A_167 = arith.constant 104 : i32
      %mul3A_168 = arith.muli %add3A_114, %mul3A_167 : i32
      %add3A_169 = arith.addi %mul3A_166, %mul3A_168 : i32
      %dma_start3A_170 = arith.constant 0 : i32
      %dma_start3A_171 = tpu.memref_slice %arg16[%dma_start3A_170] : memref<112xf32, #tpu.memory_space<vmem>> -> memref<104xf32, #tpu.memory_space<vmem>>
      %dma_start3A_172 = tpu.memref_slice %arg7[%add3A_169] : memref<106496xf32, #tpu.memory_space<hbm>> -> memref<104xf32, #tpu.memory_space<hbm>>
      %dma_start3A_173 = tpu.memref_slice %arg7[%add3A_169] : memref<106496xf32, #tpu.memory_space<hbm>> -> memref<104xf32, #tpu.memory_space<hbm>>
      %dma_start3A_174 = arith.constant 0 : i32
      %dma_start3A_175 = tpu.memref_slice %arg16[%dma_start3A_174] : memref<112xf32, #tpu.memory_space<vmem>> -> memref<104xf32, #tpu.memory_space<vmem>>
      tpu.enqueue_dma source(%dma_start3A_175 : memref<104xf32, #tpu.memory_space<vmem>>) target(%dma_start3A_173 : memref<104xf32, #tpu.memory_space<hbm>>) target_semaphore(%arg28 : memref<!tpu.dma_semaphore, #tpu.memory_space<semaphore_mem>>)
      %dma_start3A_176 = tpu.memref_slice %arg8[%add3A_169] : memref<106496xf32, #tpu.memory_space<hbm>> -> memref<104xf32, #tpu.memory_space<hbm>>
      %dma_start3A_177 = tpu.memref_slice %arg8[%add3A_169] : memref<106496xf32, #tpu.memory_space<hbm>> -> memref<104xf32, #tpu.memory_space<hbm>>
      tpu.enqueue_dma source(%arg18 : memref<104xf32, #tpu.memory_space<vmem>>) target(%dma_start3A_177 : memref<104xf32, #tpu.memory_space<hbm>>) target_semaphore(%arg28 : memref<!tpu.dma_semaphore, #tpu.memory_space<semaphore_mem>>)
      %dma_start3A_178 = tpu.memref_slice %arg9[%add3A_169] : memref<106496xf32, #tpu.memory_space<hbm>> -> memref<104xf32, #tpu.memory_space<hbm>>
      %dma_start3A_179 = tpu.memref_slice %arg9[%add3A_169] : memref<106496xf32, #tpu.memory_space<hbm>> -> memref<104xf32, #tpu.memory_space<hbm>>
      tpu.enqueue_dma source(%arg20 : memref<104xf32, #tpu.memory_space<vmem>>) target(%dma_start3A_179 : memref<104xf32, #tpu.memory_space<hbm>>) target_semaphore(%arg28 : memref<!tpu.dma_semaphore, #tpu.memory_space<semaphore_mem>>)
    }
    %scan3A_15 = arith.constant 16 : i32
    %mul3A_16 = arith.constant 3328 : i32
    %mul3A_17 = arith.muli %add3A, %mul3A_16 : i32
    %add3A_18 = arith.constant 3120 : i32
    %add3A_19 = arith.addi %mul3A_17, %add3A_18 : i32
    %dma_wait3A = arith.constant 0 : i32
    %dma_wait3A_20 = tpu.memref_slice %arg15[%dma_wait3A] : memref<112xf32, #tpu.memory_space<vmem>> -> memref<104xf32, #tpu.memory_space<vmem>>
    %dma_wait3A_21 = tpu.memref_slice %arg7[%add3A_19] : memref<106496xf32, #tpu.memory_space<hbm>> -> memref<104xf32, #tpu.memory_space<hbm>>
    %dma_wait3A_22 = tpu.memref_slice %arg7[%add3A_19] : memref<106496xf32, #tpu.memory_space<hbm>> -> memref<104xf32, #tpu.memory_space<hbm>>
    %dma_wait3A_23 = arith.constant 0 : i32
    %dma_wait3A_24 = tpu.memref_slice %arg15[%dma_wait3A_23] : memref<112xf32, #tpu.memory_space<vmem>> -> memref<104xf32, #tpu.memory_space<vmem>>
    tpu.wait_dma2 semaphore(%arg27 : memref<!tpu.dma_semaphore, #tpu.memory_space<semaphore_mem>>) src(%dma_wait3A_24 : memref<104xf32, #tpu.memory_space<vmem>>) dst(%dma_wait3A_22 : memref<104xf32, #tpu.memory_space<hbm>>)
    %dma_wait3A_25 = tpu.memref_slice %arg8[%add3A_19] : memref<106496xf32, #tpu.memory_space<hbm>> -> memref<104xf32, #tpu.memory_space<hbm>>
    %dma_wait3A_26 = tpu.memref_slice %arg8[%add3A_19] : memref<106496xf32, #tpu.memory_space<hbm>> -> memref<104xf32, #tpu.memory_space<hbm>>
    tpu.wait_dma2 semaphore(%arg27 : memref<!tpu.dma_semaphore, #tpu.memory_space<semaphore_mem>>) src(%arg17 : memref<104xf32, #tpu.memory_space<vmem>>) dst(%dma_wait3A_26 : memref<104xf32, #tpu.memory_space<hbm>>)
    %dma_wait3A_27 = tpu.memref_slice %arg9[%add3A_19] : memref<106496xf32, #tpu.memory_space<hbm>> -> memref<104xf32, #tpu.memory_space<hbm>>
    %dma_wait3A_28 = tpu.memref_slice %arg9[%add3A_19] : memref<106496xf32, #tpu.memory_space<hbm>> -> memref<104xf32, #tpu.memory_space<hbm>>
    tpu.wait_dma2 semaphore(%arg27 : memref<!tpu.dma_semaphore, #tpu.memory_space<semaphore_mem>>) src(%arg19 : memref<104xf32, #tpu.memory_space<vmem>>) dst(%dma_wait3A_28 : memref<104xf32, #tpu.memory_space<hbm>>)
    %mul3A_29 = arith.constant 3328 : i32
    %mul3A_30 = arith.muli %add3A, %mul3A_29 : i32
    %add3A_31 = arith.constant 3224 : i32
    %add3A_32 = arith.addi %mul3A_30, %add3A_31 : i32
    %dma_wait3A_33 = arith.constant 0 : i32
    %dma_wait3A_34 = tpu.memref_slice %arg16[%dma_wait3A_33] : memref<112xf32, #tpu.memory_space<vmem>> -> memref<104xf32, #tpu.memory_space<vmem>>
    %dma_wait3A_35 = tpu.memref_slice %arg7[%add3A_32] : memref<106496xf32, #tpu.memory_space<hbm>> -> memref<104xf32, #tpu.memory_space<hbm>>
    %dma_wait3A_36 = tpu.memref_slice %arg7[%add3A_32] : memref<106496xf32, #tpu.memory_space<hbm>> -> memref<104xf32, #tpu.memory_space<hbm>>
    %dma_wait3A_37 = arith.constant 0 : i32
    %dma_wait3A_38 = tpu.memref_slice %arg16[%dma_wait3A_37] : memref<112xf32, #tpu.memory_space<vmem>> -> memref<104xf32, #tpu.memory_space<vmem>>
    tpu.wait_dma2 semaphore(%arg28 : memref<!tpu.dma_semaphore, #tpu.memory_space<semaphore_mem>>) src(%dma_wait3A_38 : memref<104xf32, #tpu.memory_space<vmem>>) dst(%dma_wait3A_36 : memref<104xf32, #tpu.memory_space<hbm>>)
    %dma_wait3A_39 = tpu.memref_slice %arg8[%add3A_32] : memref<106496xf32, #tpu.memory_space<hbm>> -> memref<104xf32, #tpu.memory_space<hbm>>
    %dma_wait3A_40 = tpu.memref_slice %arg8[%add3A_32] : memref<106496xf32, #tpu.memory_space<hbm>> -> memref<104xf32, #tpu.memory_space<hbm>>
    tpu.wait_dma2 semaphore(%arg28 : memref<!tpu.dma_semaphore, #tpu.memory_space<semaphore_mem>>) src(%arg18 : memref<104xf32, #tpu.memory_space<vmem>>) dst(%dma_wait3A_40 : memref<104xf32, #tpu.memory_space<hbm>>)
    %dma_wait3A_41 = tpu.memref_slice %arg9[%add3A_32] : memref<106496xf32, #tpu.memory_space<hbm>> -> memref<104xf32, #tpu.memory_space<hbm>>
    %dma_wait3A_42 = tpu.memref_slice %arg9[%add3A_32] : memref<106496xf32, #tpu.memory_space<hbm>> -> memref<104xf32, #tpu.memory_space<hbm>>
    tpu.wait_dma2 semaphore(%arg28 : memref<!tpu.dma_semaphore, #tpu.memory_space<semaphore_mem>>) src(%arg20 : memref<104xf32, #tpu.memory_space<vmem>>) dst(%dma_wait3A_42 : memref<104xf32, #tpu.memory_space<hbm>>)
    return
  }
}

module attributes {stable_mosaic.version = 14 : i64} {
  func.func @_tc_loss_body(%arg0: memref<832x128xf32, #tpu.memory_space<vmem>>, %arg1: memref<832x128xf32, #tpu.memory_space<vmem>>, %arg2: memref<832x128xf32, #tpu.memory_space<vmem>>, %arg3: memref<1x1xf32, #tpu.memory_space<smem>>) attributes {dimension_semantics = [], scalar_prefetch = 0 : i64, scratch_operands = 0 : i64, tpu.core_type = #tpu.core_type<tc>} {
    %get3A = arith.constant 0 : index
    %get3A_0 = arith.constant 0 : index
    %get3A_1 = vector.load %arg0[%get3A, %get3A_0] : memref<832x128xf32, #tpu.memory_space<vmem>>, vector<832x128xf32>
    %get3A_2 = arith.constant 0 : index
    %get3A_3 = arith.constant 0 : index
    %get3A_4 = vector.load %arg1[%get3A_2, %get3A_3] : memref<832x128xf32, #tpu.memory_space<vmem>>, vector<832x128xf32>
    %add3A = arith.addf %get3A_1, %get3A_4 : vector<832x128xf32>
    %sub3A = arith.constant 9.000000e+00 : f32
    %sub3A_5 = vector.broadcast %sub3A : f32 to vector<832x128xf32>
    %sub3A_6 = arith.subf %add3A, %sub3A_5 : vector<832x128xf32>
    %exp3A = math.exp %sub3A_6 : vector<832x128xf32>
    %get3A_7 = arith.constant 0 : index
    %get3A_8 = arith.constant 0 : index
    %get3A_9 = vector.load %arg2[%get3A_7, %get3A_8] : memref<832x128xf32, #tpu.memory_space<vmem>>, vector<832x128xf32>
    %mul3A = arith.constant 2.500000e+01 : f32
    %mul3A_10 = vector.broadcast %mul3A : f32 to vector<832x128xf32>
    %mul3A_11 = arith.mulf %mul3A_10, %get3A_9 : vector<832x128xf32>
    %iota3A = tpu.iota {dimensions = array<i32: 0>} : vector<832x128xi32>
    %iota3A_12 = tpu.iota {dimensions = array<i32: 1>} : vector<832x128xi32>
    %mul3A_13 = arith.constant 128 : i32
    %mul3A_14 = vector.broadcast %mul3A_13 : i32 to vector<832x128xi32>
    %mul3A_15 = arith.muli %iota3A, %mul3A_14 : vector<832x128xi32>
    %add3A_16 = arith.addi %mul3A_15, %iota3A_12 : vector<832x128xi32>
    %jit3A = arith.constant 26 : i32
    %eq3A = arith.constant 0 : i32
    %eq3A_17 = arith.cmpi eq, %jit3A, %eq3A : i32
    %jit3A_18 = arith.constant 1 : i32
    %select_n3A = arith.select %eq3A_17, %jit3A_18, %jit3A : i32
    %rem3A = vector.broadcast %select_n3A : i32 to vector<832x128xi32>
    %rem3A_19 = arith.remsi %add3A_16, %rem3A : vector<832x128xi32>
    %ne3A = arith.constant 0 : i32
    %ne3A_20 = vector.broadcast %ne3A : i32 to vector<832x128xi32>
    %ne3A_21 = arith.cmpi ne, %rem3A_19, %ne3A_20 : vector<832x128xi32>
    %lt3A = arith.constant 0 : i32
    %lt3A_22 = vector.broadcast %lt3A : i32 to vector<832x128xi32>
    %lt3A_23 = arith.cmpi slt, %rem3A_19, %lt3A_22 : vector<832x128xi32>
    %lt3A_24 = arith.constant 0 : i32
    %lt3A_25 = arith.cmpi slt, %select_n3A, %lt3A_24 : i32
    %ne3A_26 = vector.broadcast %lt3A_25 : i1 to vector<832x128xi1>
    %ne3A_27 = vector.broadcast %ne3A_26 : vector<832x128xi1> to vector<832x128xi1>
    %ne3A_28 = arith.xori %lt3A_23, %ne3A_27 : vector<832x128xi1>
    %and3A = arith.andi %ne3A_28, %ne3A_21 : vector<832x128xi1>
    %add3A_29 = vector.broadcast %select_n3A : i32 to vector<832x128xi32>
    %add3A_30 = arith.addi %rem3A_19, %add3A_29 : vector<832x128xi32>
    %select_n3A_31 = arith.select %and3A, %add3A_30, %rem3A_19 : vector<832x128xi1>, vector<832x128xi32>
    %eq3A_32 = arith.constant 0 : i32
    %eq3A_33 = vector.broadcast %eq3A_32 : i32 to vector<832x128xi32>
    %eq3A_34 = arith.cmpi eq, %select_n3A_31, %eq3A_33 : vector<832x128xi32>
    %select_n3A_35 = arith.select %eq3A_34, %exp3A, %mul3A_11 : vector<832x128xi1>, vector<832x128xf32>
    %add3A_36 = arith.addf %exp3A, %mul3A_11 : vector<832x128xf32>
    %div3A = arith.divf %select_n3A_35, %add3A_36 : vector<832x128xf32>
    %log3A = math.log %div3A : vector<832x128xf32>
    %reduce_sum3A = vector.shape_cast %log3A : vector<832x128xf32> to vector<1x832x128xf32>
    %reduce_sum3A_37 = arith.constant dense<0.000000e+00> : vector<1xf32>
    %reduce_sum3A_38 = vector.multi_reduction <add>, %reduce_sum3A, %reduce_sum3A_37 [1, 2] : vector<1x832x128xf32> to vector<1xf32>
    %reduce_sum3A_39 = vector.shape_cast %reduce_sum3A_38 : vector<1xf32> to vector<1x1x1xf32>
    %reduce_sum3A_40 = vector.extract %reduce_sum3A_39[0, 0, 0] : f32 from vector<1x1x1xf32>
    %neg3A = arith.constant 0.000000e+00 : f32
    %neg3A_41 = arith.subf %neg3A, %reduce_sum3A_40 : f32
    %div3A_42 = arith.constant 4.096000e+03 : f32
    %div3A_43 = arith.divf %neg3A_41, %div3A_42 : f32
    %swap3A = arith.constant 0 : index
    %swap3A_44 = arith.constant 0 : index
    %swap3A_45 = memref.load %arg3[%swap3A, %swap3A_44] : memref<1x1xf32, #tpu.memory_space<smem>>
    memref.store %div3A_43, %arg3[%swap3A, %swap3A_44] : memref<1x1xf32, #tpu.memory_space<smem>>
    return
  }
}

</mosaic_0001>

<sc_bundles>
// kernel: kernel.4.cloned.1.call-start
scs
__scs_entry_jumppad:
0x0: {  	(pc) =	sbr.rel $0x88, $3  }
0x1: {  	(tag) =	ssettag $0x0;
	lr =	simm.s32 $0x1  }
0x2: {  	[smem:$0x3F9B] =	sst lr;
	_ =	strace $0xD0000000  }
0x3: {  	_ = 	snop  }
0x4: {  	_ = 	snop  }
0x5: {  	_ = 	snop  }
0x6: {  	_ = 	snop  }
0x7: {  	_ = 	snop  }
__scs_overlays_trampoline_lowered:
0x8: {  	[smem:$0x3FAA] =	sst s0  }
0x9: {  	[smem:$0x3FAB] =	sst s1  }
0xa: {  	[smem:$0x3FAC] =	sst s2  }
0xb: {  	[smem:$0x3FAD] =	sst s3  }
0xc: {  	[smem:$0x3FAE] =	sst s4  }
0xd: {  	[smem:$0x3FAF] =	sst s5  }
0xe: {  	[smem:$0x3FB0] =	sst s6  }
0xf: {  	[smem:$0x3FB1] =	sst s7  }
0x10: {  	[smem:$0x3FB2] =	sst s8  }
0x11: {  	[smem:$0x3FB3] =	sst s9;
	s0 =	simm.s32 @!p0 $0x0  }
0x12: {  	s1 =	sld [smem:$0x3F99];
	s0 =	simm.s32 @p0 $0x1  }
0x13: {  	[smem:$0x3FB4] =	sst s0;
	s0 =	simm.s32 @!p1 $0x0  }
0x14: {  	s2 =	sld [smem:$0x3F98];
	s0 =	simm.s32 @p1 $0x1  }
0x15: {  	[smem:$0x3FB5] =	sst s0;
	s0 =	simm.s32 @!p2 $0x0  }
0x16: {  	s3 =	sld [smem:$0x3FDB];
	s0 =	simm.s32 @p2 $0x1  }
0x17: {  	s4 =	simm.s32 $0x1BF5;
	[smem:$0x3FB7] =	sst s0  }
0x18: {  	s0 =	sld [smem:$0x3F9A];
	_ =	swait.ge [sflag:s4], $0x0  }
0x19: {  	s7 =	sld [smem:$0x3F9B]  }
0x1a: {  	s8 =	sadd.s32 $0xFFFFE003, lr  }
0x1b: {  	s9 =	sadd.s32 $0xFFFFFEF7, lr;
	s5 =	simm.s32 $0xFFFFFFFF;
	p2 =	slt.u32 s8, $0xFFFFF086  }
0x1c: {  	p1 =	slt.u32 s9, $0xF7A;
	s5 =	simm.s32 @!p2 $0x0  }
0x1d: {  	s5 =	simm.s32 @p1 $0x1;
	p0 =	seq.s32 s7, s2  }
0x1e: {  	s7 =	smul.u32 @!p0 $0xF7A, s2;
	p2 =	seq.s32 @!p0 s5, $0x0  }
0x1f: {  	s9 =	smul.u32 $0xF7A, s1;
	s8 =	simm.s32 @!p0 $0x1BF5;
	p2 =	por !p2, p0  }
0x20: {  	[sflag:s8] =	ssyncset.s32 @!p0 $0xFFFFF086;
	s6 =	sadd.s32 @!p0 s3, s7;
	s7 =	simm.s32 @!p0 $0x108  }
0x21: {  	s3 =	sadd.s32 s3, s9;
	s6 =	sadd.s32 @!p0 $0x88, s6;
	s7 =	simm.s32 @p2 $0x1082  }
0x22: {  	[simem:s7], [sflag:s8] =	dma.local @!p0 [hbm:s6], $0xF7A  }
0x23: {  	s9 =	sor.u32 $0xD0000000, s2;
	s6 =	simm.s32 $0x108;
	_ =	swait.ge @!p0 [sflag:s8], $0x0  }
0x24: {  	s3 =	sadd.s32 $0x88, s3;
	s6 =	simm.s32 @!p1 $0x1082;
	[sflag:s4] =	ssyncset.s32 $0xFFFFF086  }
0x25: {  	[simem:s6], [sflag:s4] =	dma.local [hbm:s3], $0xF7A  }
0x26: {  	[smem:$0x3F9B] =	sst s1;
	(tag) =	ssettag s2;
	_ =	strace s9  }
0x27: {  	s1 =	sld [smem:$0x3FAB]  }
0x28: {  	s2 =	sld [smem:$0x3FAC]  }
0x29: {  	s4 =	sld [smem:$0x3FAE]  }
0x2a: {  	p0 =	seq.s32 s5, $0x0;
	s5 =	sld [smem:$0x3FAF]  }
0x2b: {  	s6 =	sld [smem:$0x3FB0]  }
0x2c: {  	s7 =	sld [smem:$0x3FB1]  }
0x2d: {  	s3 =	simm.s32 $0x108;
	s8 =	sld [smem:$0x3FB2]  }
0x2e: {  	s3 =	simm.s32 @!p0 $0x1082;
	s9 =	sld [smem:$0x3FB3]  }
0x2f: {  	lr =	sadd.s32 s0, s3;
	s0 =	sld [smem:$0x3FAA]  }
0x30: {  	s3 =	sld [smem:$0x3FAD]  }
0x31: {  	[smem:$0x3FB6] =	sst s10  }
0x32: {  	s10 =	sld [smem:$0x3FB4];
	_ =	sdelay $0x3  }
0x33: {  	p0 =	seq.s32 s10, $0x1;
	s10 =	sld [smem:$0x3FB6];
	_ =	sdelay $0x3  }
0x34: {  	[smem:$0x3FB6] =	sst s10  }
0x35: {  	s10 =	sld [smem:$0x3FB5];
	_ =	sdelay $0x3  }
0x36: {  	p1 =	seq.s32 s10, $0x1;
	s10 =	sld [smem:$0x3FB6];
	_ =	sdelay $0x3  }
0x37: {  	[smem:$0x3FB6] =	sst s10  }
0x38: {  	s10 =	sld [smem:$0x3FB7]  }
0x39: {  	_ = 	snop;
	(pc) =	sbr.ind lr, $3  }
0x3a: {  	_ = 	snop  }
0x3b: {  	_ = 	snop  }
0x3c: {  	p2 =	seq.s32 s10, $0x1;
	s10 =	sld [smem:$0x3FB6]  }
0x3d: {  	_ =	shalt  }
0x3e: {  	_ =	shalt  }
0x3f: {  	_ =	shalt  }
0x40: {  	_ =	shalt  }
0x41: {  	_ =	shalt  }
0x42: {  	_ =	shalt  }
0x43: {  	_ =	shalt  }
0x44: {  	_ =	shalt  }
0x45: {  	_ =	shalt  }
0x46: {  	_ =	shalt  }
0x47: {  	_ =	shalt  }
0x48: {  	_ =	shalt  }
0x49: {  	_ =	shalt  }
0x4a: {  	_ =	shalt  }
0x4b: {  	_ =	shalt  }
0x4c: {  	_ =	shalt  }
0x4d: {  	_ =	shalt  }
0x4e: {  	_ =	shalt  }
0x4f: {  	_ =	shalt  }
0x50: {  	_ =	shalt  }
0x51: {  	_ =	shalt  }
0x52: {  	_ =	shalt  }
0x53: {  	_ =	shalt  }
0x54: {  	_ =	shalt  }
0x55: {  	_ =	shalt  }
0x56: {  	_ =	shalt  }
0x57: {  	_ =	shalt  }
0x58: {  	_ =	shalt  }
0x59: {  	_ =	shalt  }
0x5a: {  	_ =	shalt  }
0x5b: {  	_ =	shalt  }
0x5c: {  	_ =	shalt  }
0x5d: {  	_ =	shalt  }
0x5e: {  	_ =	shalt  }
0x5f: {  	_ =	shalt  }
0x60: {  	_ =	shalt  }
0x61: {  	_ =	shalt  }
0x62: {  	_ =	shalt  }
0x63: {  	_ =	shalt  }
0x64: {  	_ =	shalt  }
0x65: {  	_ =	shalt  }
0x66: {  	_ =	shalt  }
0x67: {  	_ =	shalt  }
0x68: {  	_ =	shalt  }
0x69: {  	_ =	shalt  }
0x6a: {  	_ =	shalt  }
0x6b: {  	_ =	shalt  }
0x6c: {  	_ =	shalt  }
0x6d: {  	_ =	shalt  }
0x6e: {  	_ =	shalt  }
0x6f: {  	_ =	shalt  }
0x70: {  	_ =	shalt  }
0x71: {  	_ =	shalt  }
0x72: {  	_ =	shalt  }
0x73: {  	_ =	shalt  }
0x74: {  	_ =	shalt  }
0x75: {  	_ =	shalt  }
0x76: {  	_ =	shalt  }
0x77: {  	_ =	shalt  }
0x78: {  	_ =	shalt  }
0x79: {  	_ =	shalt  }
0x7a: {  	_ =	shalt  }
0x7b: {  	_ =	shalt  }
0x7c: {  	_ =	shalt  }
0x7d: {  	_ =	shalt  }
0x7e: {  	_ =	shalt  }
0x7f: {  	_ =	shalt  }
0x80: {  	_ =	shalt  }
0x81: {  	_ =	shalt  }
0x82: {  	_ =	shalt  }
0x83: {  	_ =	shalt  }
0x84: {  	_ =	shalt  }
0x85: {  	_ =	shalt  }
0x86: {  	_ =	shalt  }
0x87: {  	_ =	shalt  }
.Lfunc_end0:
.L_simem_size_0:
called_computation_lowered:
.L_overlay_start_0:
0x88: {  	s2 =	sld [smem:$0x3FD9]  }
0x89: {  	s3 =	sld [smem:$0x3FFE];
	_ =	sdelay $0x1  }
0x8a: {  	s1 =	srdreg.scid  }
0x8b: {  	s0 =	sand.u32 $0x1, s1  }
0x8c: {  	s17 =	sshll.u32 s0, $0xA;
	s2 =	sadd.s32 s3, s2  }
0x8d: {  	s2 =	sadd.s32 s2, s17  }
0x8e: {  	[smem:$0x3FC2] =	sst s2  }
0x8f: {  	_ = 	snop  }
0x90: {  	s2 =	sld [smem:$0x3FC9]  }
0x91: {  	s18 =	sld [smem:$0x3FC6]  }
0x92: {  	s4 =	sld [smem:$0x3FC5]  }
0x93: {  	s5 =	sld [smem:$0x3FC4];
	(tm) =	ssettm $0x1  }
0x94: {  	s6 =	sld [smem:$0x3FFB];
	_ =	sdelay $0x3  }
0x95: {  	_ =	strace s6  }
0x96: {  	s6 =	sld [smem:$0x3FFC];
	_ =	sdelay $0x3  }
0x97: {  	_ =	strace s6  }
0x98: {  	s6 =	sld [smem:$0x3FFD];
	_ =	sdelay $0x3  }
0x99: {  	_ =	strace s6  }
0x9a: {  	_ =	strace $0x8FFFFFFF  }
0x9b: {  	s19 =	sld [smem:$0x3FDB];
	_ =	sdelay $0x1  }
0x9c: {  	s7 =	simm.s32 $_scs_section_size  }
0x9d: {  	s8 =	simm.s32 $_size__tile_overlayer_lowered;
	s9 =	simm.s32 $_tile_overlayer_lowered  }
0x9e: {  	s22 =	simm.s32 $0x1BFF;
	s21 =	sshll.u32 s9, $0x1;
	s6 =	sadd.s32 s7, s19  }
0x9f: {  	s10 =	simm.s32 $0x0;
	s20 =	sshll.u32 s8, $0x1;
	s8 =	sadd.s32 s21, s6  }
0xa0: {  	[timem:s10], [sflag:s22] =	dma.local [hbm:s8], s20  }
0xa1: {  	_ =	swait.ge [sflag:s22], s20  }
0xa2: {  	s7 =	ssub.s32 $0x0, s20;
	[sflag:s22] =	ssyncset.done $0x0  }
0xa3: {  	[sflag:s22] =	ssyncadd.s32 s7;
	_ =	sdelay $0x1  }
0xa4: {  	s23 =	simm.s32 $0x1B8B  }
0xa5: {  	_ =	swait.ge [sflag:s23], $0x1  }
0xa6: {  	[sflag:s23] =	ssyncset.done $0x0  }
0xa7: {  	s25 =	simm.s32 $0x1B8E;
	s24 =	sld [smem:$0x3FFE];
	[sflag:s23] =	ssyncadd.s32 $0xFFFFFFFF  }
0xa8: {  	s26 =	simm.s32 $execute0_lowered;
	[smem:$0x3FD2] =	sst s25  }
0xa9: {  	s8 =	sshll.u32 s26, $0x1;
	_ =	strace $0x80000046;
	[dreg:$0x1] =	wrdreg $0xFFFFFFFF  }
0xaa: {  	s28 =	simm.s32 $_size_execute0_lowered;
	s6 =	sadd.s32 s6, s8;
	[dreg:$0x0] =	wrdreg $0x0  }
0xab: {  	s8 =	sshll.u32 s28, $0x1;
	[dreg:$0x2] =	wrdreg s6  }
0xac: {  	[dreg:$0x3] =	wrdreg s8  }
0xad: {  	[dreg:$0x4] =	wrdreg $0xC0  }
0xae: {  	_ =	task [dreg:s10], $0x5FFFF  }
0xaf: {  	[dreg:$0x1] =	wrdreg $0xFFFFFFFF  }
0xb0: {  	[dreg:$0x0] =	wrdreg $0x60  }
0xb1: {  	[dreg:$0x2] =	wrdreg s18  }
0xb2: {  	[dreg:$0x3] =	wrdreg s2  }
0xb3: {  	[dreg:$0x4] =	wrdreg s24  }
0xb4: {  	[dreg:$0x5] =	wrdreg s4  }
0xb5: {  	[dreg:$0x6] =	wrdreg s5  }
0xb6: {  	[dreg:$0x7] =	wrdreg $0x9  }
0xb7: {  	_ =	task.clear_ibuf [dreg:s10], $0x8FFFF;
	_ =	strace $0x90000046  }
0xb8: {  	s29 =	simm.s32 $0x9;
	_ =	strace $0x80000048  }
0xb9: {  	_ =	swait.ge [sflag:s29], $0x1  }
0xba: {  	[sflag:s29] =	ssyncadd.s32 $0xFFFFFFFF  }
0xbb: {  	_ =	strace $0x90000048  }
0xbc: {  	_ =	sfence  }
0xbd: {  	s30 =	sld [smem:$0x0];
	_ =	sdelay $0x2  }
0xbe: {  	s31 =	sshll.u32 s1, $0xD;
	s1 =	sshrl.u32 s1, $0x2  }
0xbf: {  	s3 =	sand.u32 $0x4000, s31;
	s1 =	sadd.s32 s1, s30  }
0xc0: {  	s0 =	sor.u32 s3, s0;
	s1 =	sshll.u32 s1, $0x11  }
0xc1: {  	s0 =	sor.u32 s1, s0  }
0xc2: {  	s0 =	sadd.s32 $0x8F2B, s0  }
0xc3: {  	[sflag:s0] =	ssyncadd.remote.s32 $0x1  }
0xc4: {  	_ =	sfence.sel $0xFFFF  }
0xc5: {  	[dreg:$0x0] =	wrdreg $0xFFFFFFFF;
	(pc) =	sbr.abs _section_cstart, $3  }
0xc6: {  	[dreg:$0x1] =	wrdreg $0xFFFFFFFF  }
0xc7: {  	_ =	task.clear_ibuf [dreg:s10], $0x2FFFF;
	_ =	strace $0x9FFFFFFF  }
0xc8: {  	(tm) =	ssettm $0x7FFFFFFF  }
0xc9: {  	_ =	shalt  }
tec
execute0_lowered:
.L_overlay_start_1:
0x0: {  	(tag) =	ssettag $0x1  }
0x1: {  	s0 =	rddreg [dreg:$0x1]  }
0x2: {  	s2 =	rddreg [dreg:$0x2]  }
0x3: {  	s19 =	rddreg [dreg:$0x3]  }
0x4: {  	s24 =	rddreg [dreg:$0x4]  }
0x5: {  	s6 =	srdreg.scid;
	s1 =	stileid.u32  }
0x6: {  	s5 =	simm.s32 $0x0;
	s15 =	simm.s32 $0x68;
	s31 =	simm.s32 $0xC080  }
0x7: {  	s18 =	simm.s32 $0xC180;
	s20 =	simm.s32 $0x1;
	s28 =	simm.s32 $0x2  }
0x8: {  	s29 =	simm.s32 $0x4;
	s30 =	simm.s32 $0x6;
	s7 =	sand.u32 $0x1, s6  }
0x9: {  	s21 =	sshll.u32 s1, $0x1;
	[smem:$0x7FF] =	sst s5;
	s8 =	sadd.s32 $0xB600, s2  }
0xa: {  	v0 =	vlaneseq.u32;
	s1 =	simm.s32 $0x0;
	s9 =	sor.u32 s7, s21;
	_ =	strace $0x80000047  }
0xb: {  	v0 =	vmul.u32 $0x11, v0;
	s11 =	ssub.s32 $0x2, s7;
	s7 =	sadd.s32 $0x8200, s2;
	s21 =	simm.s32 $0xB800  }
0xc: {  	s6 =	sshll.u32 s9, $0x9;
	s22 =	sshrl.u32 s11, $0x1;
	s25 =	sshll.u32 s9, $0xB  }
0xd: {  	v1 =	vadd.s32 $0x1, v0;
	v2 =	vadd.s32 $0x2, v0;
	v3 =	vadd.s32 $0x3, v0;
	s10 =	sadd.s32 s6, s2;
	s6 =	sadd.s32 $0x4E00, s2;
	s2 =	ssub.s32 s11, s22  }
0xe: {  	v4 =	vadd.s32 $0x4, v0;
	v5 =	vadd.s32 $0x5, v0;
	v6 =	vadd.s32 $0x6, v0;
	s0 =	sadd.s32 s0, s25;
	s11 =	smul.u32 $0xD00, s9;
	s22 =	simm.s32 $0x3  }
0xf: {  	v7 =	vadd.s32 $0x7, v0;
	v8 =	vadd.s32 $0x8, v0;
	v9 =	vadd.s32 $0x9, v0;
	s25 =	simm.s32 $0xC100;
	s23 =	sadd.s32 $0xE00, s10;
	[dreg:$0x7] =	wrdreg s0  }
0x10: {  	v10 =	vadd.s32 $0xA, v0;
	v11 =	vadd.s32 $0xB, v0;
	v12 =	vadd.s32 $0xC, v0;
	s26 =	smax.u32 s2, $0x1;
	s2 =	simm.s32 $0x8;
	[dreg:$0x6] =	wrdreg s23  }
0x11: {  	v13 =	vadd.s32 $0xD, v0;
	v14 =	vadd.s32 $0xE, v0;
	v15 =	vadd.s32 $0xF, v0;
	[dreg:$0x8] =	wrdreg s26;
	s23 =	simm.s32 $0x5;
	s26 =	simm.s32 $0xC200  }
.LBB2_1:
0x12: {  	[dreg:$0x9] =	wrdreg s1  }
0x13: {  	s0 =	rddreg [dreg:$0x6];
	s13 =	simm.s32 $0x4000;
	s3 =	simm.s32 $0x9  }
0x14: {  	[tilespmem:s13], [sflag:$0x9] =	stream.linear.gather [hbm4b:s0+s5], $0x1000, $0x38;
	[tilespmem:$0xC280] =	vst v63  }
0x15: {  	_ =	swait.ge [sflag:s3], $0x1000  }
0x16: {  	[sflag:s3] =	ssyncset.done $0x0  }
0x17: {  	s14 =	rddreg [dreg:$0x7];
	[sflag:s3] =	ssyncadd.s32 $0xFFFFF000  }
0x18: {  	[tilespmem:s5], [sflag:$0x9] =	stream.linear.gather [hbm4b:s14+s5], $0x4000, $0x38;
	[tilespmem:$0xC280] =	vst v63  }
0x19: {  	_ =	swait.ge [sflag:s3], $0x4000  }
0x1a: {  	[sflag:s3] =	ssyncset.done $0x0  }
0x1b: {  	[sflag:s3] =	ssyncadd.s32 $0xFFFFC000  }
0x1c: {  	s17 =	simm.s32 $0x5000;
	s9 =	simm.s32 $0x0;
	s16 =	rddreg [dreg:$0x0]  }
0x1d: {  	[tilespmem:s17], [sflag:$0x1] =	stream.indirect.gather [hbm4b:s16+s15], $0x80, s13, s15, $0xb8;
	[tilespmem:$0xC280] =	vst v63  }
.LBB2_2:
0x1e: {  	p0 =	seq.s32 s9, $0x0  }
0x1f: {  	s0 =	simm.s32 @!p0 $0x7  }
0x20: {  	_ =	swait.ge @!p0 [sflag:s0], $0x68  }
0x21: {  	[sflag:s0] =	ssyncset.done @!p0 $0x0  }
0x22: {  	[sflag:s0] =	ssyncadd.s32 @!p0 $0xFFFFFF98  }
0x23: {  	_ =	swait.ge @!p0 [sflag:s0], $0x68  }
0x24: {  	[sflag:s0] =	ssyncset.done @!p0 $0x0  }
0x25: {  	[sflag:s0] =	ssyncadd.s32 @!p0 $0xFFFFFF98  }
0x26: {  	s16 =	sshll.u32 s9, $0xA;
	_ =	swait.ge @!p0 [sflag:s0], $0x68  }
0x27: {  	s12 =	sshrl.u32 s16, $0x2;
	[sflag:s0] =	ssyncset.done @!p0 $0x0  }
0x28: {  	s10 =	sshll.u32 s9, $0x1;
	s14 =	sadd.s32 $0x4000, s12;
	[sflag:s0] =	ssyncadd.s32 @!p0 $0xFFFFFF98  }
0x29: {  	[tilespmem:s31], [sflag:$0x3] =	stream.indirect.gather [hbm4b:s19+s15], $0x1, s14, s15, $0xb8;
	[tilespmem:$0xC280] =	vst v63  }
0x2a: {  	s10 =	sor.u32 $0x1, s10  }
0x2b: {  	[tilespmem:s18], [sflag:$0x5] =	stream.indirect.gather [hbm4b:s24+s15], $0x1, s14, s15, $0xb8;
	[tilespmem:$0xC280] =	vst v63  }
0x2c: {  	s14 =	sshll.u32 s10, $0x9  }
0x2d: {  	s31 =	sshrl.u32 s14, $0x2  }
0x2e: {  	s3 =	simm.s32 $0x8400;
	s1 =	rddreg [dreg:$0x0];
	s0 =	sadd.s32 $0x4000, s31  }
0x2f: {  	[tilespmem:s3], [sflag:$0x2] =	stream.indirect.gather [hbm4b:s1+s15], $0x80, s0, s15, $0xb8;
	[tilespmem:$0xC280] =	vst v63  }
0x30: {  	v16 =	vmov s16;
	_ =	swait.ge [sflag:s20], $0x3400  }
0x31: {  	s4 =	smov.u32 s19;
	s17 =	smov.u32 s24;
	[sflag:s20] =	ssyncset.done $0x0  }
0x32: {  	s13 =	simm.s32 $0x0;
	s16 =	simm.s32 $0x0;
	[sflag:s20] =	ssyncadd.s32 $0xFFFFCC00  }
.LBB2_3:
0x33: {  	s19 =	sshll.u32 s16, $0x7  }
0x34: {  	s24 =	smul.u32 $0x3400, s16;
	s19 =	sand.u32 $0x3FFFFF80, s19  }
0x35: {  	v18 =	vld.idx.msk [tilespmem:v16+s19+$0x0 ss:$0x1], $0xffff  }
0x36: {  	v19 =	vld.idx.msk [tilespmem:v16+s19+$0x10 ss:$0x1], $0xffff;
	s24 =	sshra.s32 s24, $0x2  }
0x37: {  	v21 =	vld [tilespmem:s24+$0x5000]  }
0x38: {  	v23 =	vld [tilespmem:s24+$0x5010]  }
0x39: {  	v22 =	vld.idx.msk [tilespmem:v16+s19+$0x20 ss:$0x1], $0xffff  }
0x3a: {  	v24 =	vld [tilespmem:s24+$0x5020]  }
0x3b: {  	v20 =	vld.idx.msk [tilespmem:v16+s19+$0x30 ss:$0x1], $0xffff  }
0x3c: {  	v25 =	vld [tilespmem:s24+$0x5030]  }
0x3d: {  	v17 =	vld.idx.msk [tilespmem:v16+s19+$0x40 ss:$0x1], $0xffff;
	v26 =	vmul.f32 v21, v18;
	v23 =	vmul.f32 v23, v19  }
0x3e: {  	v27 =	vld [tilespmem:s24+$0x5040]  }
0x3f: {  	v28 =	vld [tilespmem:s24+$0x5050];
	v24 =	vmul.f32 v24, v22;
	v26 =	vadd.f32 v23, v26  }
0x40: {  	v21 =	vld.idx.msk [tilespmem:v16+s19+$0x50 ss:$0x1], $0xffff  }
0x41: {  	v29 =	vld [tilespmem:s24+$0x5060];
	v25 =	vmul.f32 v25, v20;
	v26 =	vadd.f32 v24, v26  }
0x42: {  	v23 =	vld.idx.msk [tilespmem:v16+s19+$0x60 ss:$0x1], $0xffff  }
0x43: {  	v37 =	vld [tilespmem:s24+$0x5070];
	v36 =	vmul.f32 v27, v17;
	v25 =	vadd.f32 v25, v26  }
0x44: {  	v24 =	vld.idx.msk [tilespmem:v16+s19+$0x70 ss:$0x1], $0xffff  }
0x45: {  	v38 =	vmul.f32 v28, v21;
	v25 =	vadd.f32 v36, v25;
	_ =	sdelay $0x1  }
0x46: {  	v39 =	vmul.f32 v29, v23;
	v25 =	vadd.f32 v38, v25;
	_ =	sdelay $0x1  }
0x47: {  	s24 =	smul.u32 $0x1A, s16;
	v40 =	vmul.f32 v37, v24;
	v25 =	vadd.f32 v39, v25  }
0x48: {  	s19 =	smul.u32 $0x6E8, s16  }
0x49: {  	s31 =	sor.u32 $0x1, s24;
	v25 =	vadd.f32 v40, v25  }
0x4a: {  	s3 =	sshll.u32 s31, $0x7;
	s1 =	sshra.s32 s19, $0x2  }
0x4b: {  	s3 =	sand.u32 $0x3FFFFF80, s3;
	[tilespmem:s1+$0xB800] =	vst v25  }
0x4c: {  	v25 =	vld [tilespmem:s3+$0x5000]  }
0x4d: {  	v41 =	vld [tilespmem:s3+$0x5010];
	_ =	sdelay $0x1  }
0x4e: {  	v42 =	vld [tilespmem:s3+$0x5020];
	_ =	sdelay $0x1  }
0x4f: {  	v43 =	vld [tilespmem:s3+$0x5030]  }
0x50: {  	v25 =	vmul.f32 v25, v18;
	v26 =	vmul.f32 v41, v19  }
0x51: {  	v44 =	vld [tilespmem:s3+$0x5040]  }
0x52: {  	v45 =	vmul.f32 v42, v22;
	v25 =	vadd.f32 v26, v25  }
0x53: {  	v46 =	vld [tilespmem:s3+$0x5050]  }
0x54: {  	v47 =	vmul.f32 v43, v20;
	v25 =	vadd.f32 v45, v25  }
0x55: {  	v48 =	vld [tilespmem:s3+$0x5060]  }
0x56: {  	v49 =	vmul.f32 v44, v17;
	v25 =	vadd.f32 v47, v25  }
0x57: {  	v50 =	vld [tilespmem:s3+$0x5070]  }
0x58: {  	v51 =	vmul.f32 v46, v21;
	v25 =	vadd.f32 v49, v25;
	_ =	sdelay $0x1  }
0x59: {  	v52 =	vmul.f32 v48, v23;
	v25 =	vadd.f32 v51, v25;
	_ =	sdelay $0x1  }
0x5a: {  	v53 =	vmul.f32 v50, v24;
	v25 =	vadd.f32 v52, v25  }
0x5b: {  	s31 =	smul.u32 $0x44, s31  }
0x5c: {  	s3 =	sadd.s32 $0x2, s24;
	v25 =	vadd.f32 v53, v25  }
0x5d: {  	s1 =	sshra.s32 s31, $0x2;
	s31 =	sshll.u32 s3, $0x7  }
0x5e: {  	s31 =	sand.u32 $0x3FFFFF00, s31;
	[tilespmem:s1+$0xB800] =	vst v25  }
0x5f: {  	v25 =	vld [tilespmem:s31+$0x5000]  }
0x60: {  	v54 =	vld [tilespmem:s31+$0x5010];
	_ =	sdelay $0x1  }
0x61: {  	v55 =	vld [tilespmem:s31+$0x5020];
	_ =	sdelay $0x1  }
0x62: {  	v56 =	vld [tilespmem:s31+$0x5030]  }
0x63: {  	v25 =	vmul.f32 v25, v18;
	v26 =	vmul.f32 v54, v19  }
0x64: {  	v57 =	vld [tilespmem:s31+$0x5040]  }
0x65: {  	v58 =	vmul.f32 v55, v22;
	v25 =	vadd.f32 v26, v25  }
0x66: {  	v59 =	vld [tilespmem:s31+$0x5050]  }
0x67: {  	v60 =	vmul.f32 v56, v20;
	v25 =	vadd.f32 v58, v25  }
0x68: {  	v61 =	vld [tilespmem:s31+$0x5060]  }
0x69: {  	v62 =	vmul.f32 v57, v17;
	v25 =	vadd.f32 v60, v25  }
0x6a: {  	v63 =	vld [tilespmem:s31+$0x5070]  }
0x6b: {  	v31 =	vmul.f32 v59, v21;
	v25 =	vadd.f32 v62, v25;
	_ =	sdelay $0x1  }
0x6c: {  	v32 =	vmul.f32 v61, v23;
	v25 =	vadd.f32 v31, v25;
	_ =	sdelay $0x1  }
0x6d: {  	v33 =	vmul.f32 v63, v24;
	v25 =	vadd.f32 v32, v25  }
0x6e: {  	s3 =	smul.u32 $0x44, s3  }
0x6f: {  	s24 =	sshll.u32 s24, $0x7;
	v25 =	vadd.f32 v33, v25  }
0x70: {  	s1 =	sshra.s32 s3, $0x2;
	s31 =	sadd.s32 $0x180, s24  }
0x71: {  	s31 =	sand.u32 $0x3FFFFF80, s31;
	[tilespmem:s1+$0xB800] =	vst v25  }
0x72: {  	v25 =	vld [tilespmem:s31+$0x5000]  }
0x73: {  	v34 =	vld [tilespmem:s31+$0x5010];
	_ =	sdelay $0x1  }
0x74: {  	v35 =	vld [tilespmem:s31+$0x5020];
	_ =	sdelay $0x1  }
0x75: {  	v36 =	vld [tilespmem:s31+$0x5030]  }
0x76: {  	v25 =	vmul.f32 v25, v18;
	v26 =	vmul.f32 v34, v19  }
0x77: {  	v37 =	vld [tilespmem:s31+$0x5040]  }
0x78: {  	v38 =	vmul.f32 v35, v22;
	v25 =	vadd.f32 v26, v25  }
0x79: {  	v39 =	vld [tilespmem:s31+$0x5050]  }
0x7a: {  	v40 =	vmul.f32 v36, v20;
	v25 =	vadd.f32 v38, v25  }
0x7b: {  	v41 =	vld [tilespmem:s31+$0x5060]  }
0x7c: {  	v42 =	vmul.f32 v37, v17;
	v25 =	vadd.f32 v40, v25  }
0x7d: {  	v43 =	vld [tilespmem:s31+$0x5070]  }
0x7e: {  	v44 =	vmul.f32 v39, v21;
	v25 =	vadd.f32 v42, v25;
	_ =	sdelay $0x1  }
0x7f: {  	v45 =	vmul.f32 v41, v23;
	v25 =	vadd.f32 v44, v25;
	_ =	sdelay $0x1  }
0x80: {  	v46 =	vmul.f32 v43, v24;
	v25 =	vadd.f32 v45, v25;
	_ =	sdelay $0x1  }
0x81: {  	s3 =	sadd.s32 $0xCC, s19;
	v25 =	vadd.f32 v46, v25  }
0x82: {  	s1 =	sshra.s32 s3, $0x2;
	s31 =	sadd.s32 $0x200, s24  }
0x83: {  	s31 =	sand.u32 $0x3FFFFF00, s31;
	[tilespmem:s1+$0xB800] =	vst v25  }
0x84: {  	v25 =	vld [tilespmem:s31+$0x5000]  }
0x85: {  	v47 =	vld [tilespmem:s31+$0x5010];
	_ =	sdelay $0x1  }
0x86: {  	v48 =	vld [tilespmem:s31+$0x5020];
	_ =	sdelay $0x1  }
0x87: {  	v49 =	vld [tilespmem:s31+$0x5030]  }
0x88: {  	v25 =	vmul.f32 v25, v18;
	v26 =	vmul.f32 v47, v19  }
0x89: {  	v50 =	vld [tilespmem:s31+$0x5040]  }
0x8a: {  	v51 =	vmul.f32 v48, v22;
	v25 =	vadd.f32 v26, v25  }
0x8b: {  	v52 =	vld [tilespmem:s31+$0x5050]  }
0x8c: {  	v53 =	vmul.f32 v49, v20;
	v25 =	vadd.f32 v51, v25  }
0x8d: {  	v54 =	vld [tilespmem:s31+$0x5060]  }
0x8e: {  	v55 =	vmul.f32 v50, v17;
	v25 =	vadd.f32 v53, v25  }
0x8f: {  	v56 =	vld [tilespmem:s31+$0x5070]  }
0x90: {  	v57 =	vmul.f32 v52, v21;
	v25 =	vadd.f32 v55, v25;
	_ =	sdelay $0x1  }
0x91: {  	v58 =	vmul.f32 v54, v23;
	v25 =	vadd.f32 v57, v25;
	_ =	sdelay $0x1  }
0x92: {  	v59 =	vmul.f32 v56, v24;
	v25 =	vadd.f32 v58, v25;
	_ =	sdelay $0x1  }
0x93: {  	s3 =	sadd.s32 $0x110, s19;
	v25 =	vadd.f32 v59, v25  }
0x94: {  	s1 =	sshra.s32 s3, $0x2;
	s31 =	sadd.s32 $0x280, s24  }
0x95: {  	s31 =	sand.u32 $0x3FFFFF80, s31;
	[tilespmem:s1+$0xB800] =	vst v25  }
0x96: {  	v25 =	vld [tilespmem:s31+$0x5000]  }
0x97: {  	v60 =	vld [tilespmem:s31+$0x5010];
	_ =	sdelay $0x1  }
0x98: {  	v61 =	vld [tilespmem:s31+$0x5020];
	_ =	sdelay $0x1  }
0x99: {  	v62 =	vld [tilespmem:s31+$0x5030]  }
0x9a: {  	v25 =	vmul.f32 v25, v18;
	v26 =	vmul.f32 v60, v19  }
0x9b: {  	v63 =	vld [tilespmem:s31+$0x5040]  }
0x9c: {  	v32 =	vmul.f32 v61, v22;
	v25 =	vadd.f32 v26, v25  }
0x9d: {  	v33 =	vld [tilespmem:s31+$0x5050]  }
0x9e: {  	v34 =	vmul.f32 v62, v20;
	v25 =	vadd.f32 v32, v25  }
0x9f: {  	v35 =	vld [tilespmem:s31+$0x5060]  }
0xa0: {  	v36 =	vmul.f32 v63, v17;
	v25 =	vadd.f32 v34, v25  }
0xa1: {  	v37 =	vld [tilespmem:s31+$0x5070]  }
0xa2: {  	v38 =	vmul.f32 v33, v21;
	v25 =	vadd.f32 v36, v25;
	_ =	sdelay $0x1  }
0xa3: {  	v39 =	vmul.f32 v35, v23;
	v25 =	vadd.f32 v38, v25;
	_ =	sdelay $0x1  }
0xa4: {  	v40 =	vmul.f32 v37, v24;
	v25 =	vadd.f32 v39, v25;
	_ =	sdelay $0x1  }
0xa5: {  	s3 =	sadd.s32 $0x154, s19;
	v25 =	vadd.f32 v40, v25  }
0xa6: {  	s1 =	sshra.s32 s3, $0x2;
	s31 =	sadd.s32 $0x300, s24  }
0xa7: {  	s31 =	sand.u32 $0x3FFFFF00, s31;
	[tilespmem:s1+$0xB800] =	vst v25  }
0xa8: {  	v25 =	vld [tilespmem:s31+$0x5000]  }
0xa9: {  	v41 =	vld [tilespmem:s31+$0x5010];
	_ =	sdelay $0x1  }
0xaa: {  	v42 =	vld [tilespmem:s31+$0x5020];
	_ =	sdelay $0x1  }
0xab: {  	v43 =	vld [tilespmem:s31+$0x5030]  }
0xac: {  	v25 =	vmul.f32 v25, v18;
	v26 =	vmul.f32 v41, v19  }
0xad: {  	v44 =	vld [tilespmem:s31+$0x5040]  }
0xae: {  	v45 =	vmul.f32 v42, v22;
	v25 =	vadd.f32 v26, v25  }
0xaf: {  	v46 =	vld [tilespmem:s31+$0x5050]  }
0xb0: {  	v47 =	vmul.f32 v43, v20;
	v25 =	vadd.f32 v45, v25  }
0xb1: {  	v48 =	vld [tilespmem:s31+$0x5060]  }
0xb2: {  	v49 =	vmul.f32 v44, v17;
	v25 =	vadd.f32 v47, v25  }
0xb3: {  	v50 =	vld [tilespmem:s31+$0x5070]  }
0xb4: {  	v51 =	vmul.f32 v46, v21;
	v25 =	vadd.f32 v49, v25;
	_ =	sdelay $0x1  }
0xb5: {  	v52 =	vmul.f32 v48, v23;
	v25 =	vadd.f32 v51, v25;
	_ =	sdelay $0x1  }
0xb6: {  	v53 =	vmul.f32 v50, v24;
	v25 =	vadd.f32 v52, v25;
	_ =	sdelay $0x1  }
0xb7: {  	s3 =	sadd.s32 $0x198, s19;
	v25 =	vadd.f32 v53, v25  }
0xb8: {  	s1 =	sshra.s32 s3, $0x2;
	s31 =	sadd.s32 $0x380, s24  }
0xb9: {  	s31 =	sand.u32 $0x3FFFFF80, s31;
	[tilespmem:s1+$0xB800] =	vst v25  }
0xba: {  	v25 =	vld [tilespmem:s31+$0x5000]  }
0xbb: {  	v54 =	vld [tilespmem:s31+$0x5010];
	_ =	sdelay $0x1  }
0xbc: {  	v55 =	vld [tilespmem:s31+$0x5020];
	_ =	sdelay $0x1  }
0xbd: {  	v56 =	vld [tilespmem:s31+$0x5030]  }
0xbe: {  	v25 =	vmul.f32 v25, v18;
	v26 =	vmul.f32 v54, v19  }
0xbf: {  	v57 =	vld [tilespmem:s31+$0x5040]  }
0xc0: {  	v58 =	vmul.f32 v55, v22;
	v25 =	vadd.f32 v26, v25  }
0xc1: {  	v59 =	vld [tilespmem:s31+$0x5050]  }
0xc2: {  	v60 =	vmul.f32 v56, v20;
	v25 =	vadd.f32 v58, v25  }
0xc3: {  	v61 =	vld [tilespmem:s31+$0x5060]  }
0xc4: {  	v62 =	vmul.f32 v57, v17;
	v25 =	vadd.f32 v60, v25  }
0xc5: {  	v63 =	vld [tilespmem:s31+$0x5070]  }
0xc6: {  	v31 =	vmul.f32 v59, v21;
	v25 =	vadd.f32 v62, v25;
	_ =	sdelay $0x1  }
0xc7: {  	v32 =	vmul.f32 v61, v23;
	v25 =	vadd.f32 v31, v25;
	_ =	sdelay $0x1  }
0xc8: {  	v33 =	vmul.f32 v63, v24;
	v25 =	vadd.f32 v32, v25;
	_ =	sdelay $0x1  }
0xc9: {  	s3 =	sadd.s32 $0x1DC, s19;
	v25 =	vadd.f32 v33, v25  }
0xca: {  	s1 =	sshra.s32 s3, $0x2;
	s31 =	sadd.s32 $0x400, s24  }
0xcb: {  	s31 =	sand.u32 $0x3FFFFF00, s31;
	[tilespmem:s1+$0xB800] =	vst v25  }
0xcc: {  	v25 =	vld [tilespmem:s31+$0x5000]  }
0xcd: {  	v34 =	vld [tilespmem:s31+$0x5010];
	_ =	sdelay $0x1  }
0xce: {  	v35 =	vld [tilespmem:s31+$0x5020];
	_ =	sdelay $0x1  }
0xcf: {  	v36 =	vld [tilespmem:s31+$0x5030]  }
0xd0: {  	v25 =	vmul.f32 v25, v18;
	v26 =	vmul.f32 v34, v19  }
0xd1: {  	v37 =	vld [tilespmem:s31+$0x5040]  }
0xd2: {  	v38 =	vmul.f32 v35, v22;
	v25 =	vadd.f32 v26, v25  }
0xd3: {  	v39 =	vld [tilespmem:s31+$0x5050]  }
0xd4: {  	v40 =	vmul.f32 v36, v20;
	v25 =	vadd.f32 v38, v25  }
0xd5: {  	v41 =	vld [tilespmem:s31+$0x5060]  }
0xd6: {  	v42 =	vmul.f32 v37, v17;
	v25 =	vadd.f32 v40, v25  }
0xd7: {  	v43 =	vld [tilespmem:s31+$0x5070]  }
0xd8: {  	v44 =	vmul.f32 v39, v21;
	v25 =	vadd.f32 v42, v25;
	_ =	sdelay $0x1  }
0xd9: {  	v45 =	vmul.f32 v41, v23;
	v25 =	vadd.f32 v44, v25;
	_ =	sdelay $0x1  }
0xda: {  	v46 =	vmul.f32 v43, v24;
	v25 =	vadd.f32 v45, v25;
	_ =	sdelay $0x1  }
0xdb: {  	s3 =	sadd.s32 $0x220, s19;
	v25 =	vadd.f32 v46, v25  }
0xdc: {  	s1 =	sshra.s32 s3, $0x2;
	s31 =	sadd.s32 $0x480, s24  }
0xdd: {  	s31 =	sand.u32 $0x3FFFFF80, s31;
	[tilespmem:s1+$0xB800] =	vst v25  }
0xde: {  	v25 =	vld [tilespmem:s31+$0x5000]  }
0xdf: {  	v47 =	vld [tilespmem:s31+$0x5010];
	_ =	sdelay $0x1  }
0xe0: {  	v48 =	vld [tilespmem:s31+$0x5020];
	_ =	sdelay $0x1  }
0xe1: {  	v49 =	vld [tilespmem:s31+$0x5030]  }
0xe2: {  	v25 =	vmul.f32 v25, v18;
	v26 =	vmul.f32 v47, v19  }
0xe3: {  	v50 =	vld [tilespmem:s31+$0x5040]  }
0xe4: {  	v51 =	vmul.f32 v48, v22;
	v25 =	vadd.f32 v26, v25  }
0xe5: {  	v52 =	vld [tilespmem:s31+$0x5050]  }
0xe6: {  	v53 =	vmul.f32 v49, v20;
	v25 =	vadd.f32 v51, v25  }
0xe7: {  	v54 =	vld [tilespmem:s31+$0x5060]  }
0xe8: {  	v55 =	vmul.f32 v50, v17;
	v25 =	vadd.f32 v53, v25  }
0xe9: {  	v56 =	vld [tilespmem:s31+$0x5070]  }
0xea: {  	v57 =	vmul.f32 v52, v21;
	v25 =	vadd.f32 v55, v25;
	_ =	sdelay $0x1  }
0xeb: {  	v58 =	vmul.f32 v54, v23;
	v25 =	vadd.f32 v57, v25;
	_ =	sdelay $0x1  }
0xec: {  	v59 =	vmul.f32 v56, v24;
	v25 =	vadd.f32 v58, v25;
	_ =	sdelay $0x1  }
0xed: {  	s3 =	sadd.s32 $0x264, s19;
	v25 =	vadd.f32 v59, v25  }
0xee: {  	s1 =	sshra.s32 s3, $0x2;
	s31 =	sadd.s32 $0x500, s24  }
0xef: {  	s31 =	sand.u32 $0x3FFFFF00, s31;
	[tilespmem:s1+$0xB800] =	vst v25  }
0xf0: {  	v25 =	vld [tilespmem:s31+$0x5000]  }
0xf1: {  	v60 =	vld [tilespmem:s31+$0x5010];
	_ =	sdelay $0x1  }
0xf2: {  	v61 =	vld [tilespmem:s31+$0x5020];
	_ =	sdelay $0x1  }
0xf3: {  	v62 =	vld [tilespmem:s31+$0x5030]  }
0xf4: {  	v25 =	vmul.f32 v25, v18;
	v26 =	vmul.f32 v60, v19  }
0xf5: {  	v63 =	vld [tilespmem:s31+$0x5040]  }
0xf6: {  	v32 =	vmul.f32 v61, v22;
	v25 =	vadd.f32 v26, v25  }
0xf7: {  	v33 =	vld [tilespmem:s31+$0x5050]  }
0xf8: {  	v34 =	vmul.f32 v62, v20;
	v25 =	vadd.f32 v32, v25  }
0xf9: {  	v35 =	vld [tilespmem:s31+$0x5060]  }
0xfa: {  	v36 =	vmul.f32 v63, v17;
	v25 =	vadd.f32 v34, v25  }
0xfb: {  	v37 =	vld [tilespmem:s31+$0x5070]  }
0xfc: {  	v38 =	vmul.f32 v33, v21;
	v25 =	vadd.f32 v36, v25;
	_ =	sdelay $0x1  }
0xfd: {  	v39 =	vmul.f32 v35, v23;
	v25 =	vadd.f32 v38, v25;
	_ =	sdelay $0x1  }
0xfe: {  	v40 =	vmul.f32 v37, v24;
	v25 =	vadd.f32 v39, v25;
	_ =	sdelay $0x1  }
0xff: {  	s3 =	sadd.s32 $0x2A8, s19;
	v25 =	vadd.f32 v40, v25  }
0x100: {  	s1 =	sshra.s32 s3, $0x2;
	s31 =	sadd.s32 $0x580, s24  }
0x101: {  	s31 =	sand.u32 $0x3FFFFF80, s31;
	[tilespmem:s1+$0xB800] =	vst v25  }
0x102: {  	v25 =	vld [tilespmem:s31+$0x5000]  }
0x103: {  	v41 =	vld [tilespmem:s31+$0x5010];
	_ =	sdelay $0x1  }
0x104: {  	v42 =	vld [tilespmem:s31+$0x5020];
	_ =	sdelay $0x1  }
0x105: {  	v43 =	vld [tilespmem:s31+$0x5030]  }
0x106: {  	v25 =	vmul.f32 v25, v18;
	v26 =	vmul.f32 v41, v19  }
0x107: {  	v44 =	vld [tilespmem:s31+$0x5040]  }
0x108: {  	v45 =	vmul.f32 v42, v22;
	v25 =	vadd.f32 v26, v25  }
0x109: {  	v46 =	vld [tilespmem:s31+$0x5050]  }
0x10a: {  	v47 =	vmul.f32 v43, v20;
	v25 =	vadd.f32 v45, v25  }
0x10b: {  	v48 =	vld [tilespmem:s31+$0x5060]  }
0x10c: {  	v49 =	vmul.f32 v44, v17;
	v25 =	vadd.f32 v47, v25  }
0x10d: {  	v50 =	vld [tilespmem:s31+$0x5070]  }
0x10e: {  	v51 =	vmul.f32 v46, v21;
	v25 =	vadd.f32 v49, v25;
	_ =	sdelay $0x1  }
0x10f: {  	v52 =	vmul.f32 v48, v23;
	v25 =	vadd.f32 v51, v25;
	_ =	sdelay $0x1  }
0x110: {  	v53 =	vmul.f32 v50, v24;
	v25 =	vadd.f32 v52, v25;
	_ =	sdelay $0x1  }
0x111: {  	s3 =	sadd.s32 $0x2EC, s19;
	v25 =	vadd.f32 v53, v25  }
0x112: {  	s1 =	sshra.s32 s3, $0x2;
	s31 =	sadd.s32 $0x600, s24  }
0x113: {  	s31 =	sand.u32 $0x3FFFFF00, s31;
	[tilespmem:s1+$0xB800] =	vst v25  }
0x114: {  	v25 =	vld [tilespmem:s31+$0x5000]  }
0x115: {  	v54 =	vld [tilespmem:s31+$0x5010];
	_ =	sdelay $0x1  }
0x116: {  	v55 =	vld [tilespmem:s31+$0x5020];
	_ =	sdelay $0x1  }
0x117: {  	v56 =	vld [tilespmem:s31+$0x5030]  }
0x118: {  	v25 =	vmul.f32 v25, v18;
	v26 =	vmul.f32 v54, v19  }
0x119: {  	v57 =	vld [tilespmem:s31+$0x5040]  }
0x11a: {  	v58 =	vmul.f32 v55, v22;
	v25 =	vadd.f32 v26, v25  }
0x11b: {  	v59 =	vld [tilespmem:s31+$0x5050]  }
0x11c: {  	v60 =	vmul.f32 v56, v20;
	v25 =	vadd.f32 v58, v25  }
0x11d: {  	v61 =	vld [tilespmem:s31+$0x5060]  }
0x11e: {  	v62 =	vmul.f32 v57, v17;
	v25 =	vadd.f32 v60, v25  }
0x11f: {  	v63 =	vld [tilespmem:s31+$0x5070]  }
0x120: {  	v31 =	vmul.f32 v59, v21;
	v25 =	vadd.f32 v62, v25;
	_ =	sdelay $0x1  }
0x121: {  	v32 =	vmul.f32 v61, v23;
	v25 =	vadd.f32 v31, v25;
	_ =	sdelay $0x1  }
0x122: {  	v33 =	vmul.f32 v63, v24;
	v25 =	vadd.f32 v32, v25;
	_ =	sdelay $0x1  }
0x123: {  	s3 =	sadd.s32 $0x330, s19;
	v25 =	vadd.f32 v33, v25  }
0x124: {  	s1 =	sshra.s32 s3, $0x2;
	s31 =	sadd.s32 $0x680, s24  }
0x125: {  	s31 =	sand.u32 $0x3FFFFF80, s31;
	[tilespmem:s1+$0xB800] =	vst v25  }
0x126: {  	v25 =	vld [tilespmem:s31+$0x5000]  }
0x127: {  	v34 =	vld [tilespmem:s31+$0x5010];
	_ =	sdelay $0x1  }
0x128: {  	v35 =	vld [tilespmem:s31+$0x5020];
	_ =	sdelay $0x1  }
0x129: {  	v36 =	vld [tilespmem:s31+$0x5030]  }
0x12a: {  	v25 =	vmul.f32 v25, v18;
	v26 =	vmul.f32 v34, v19  }
0x12b: {  	v37 =	vld [tilespmem:s31+$0x5040]  }
0x12c: {  	v38 =	vmul.f32 v35, v22;
	v25 =	vadd.f32 v26, v25  }
0x12d: {  	v39 =	vld [tilespmem:s31+$0x5050]  }
0x12e: {  	v40 =	vmul.f32 v36, v20;
	v25 =	vadd.f32 v38, v25  }
0x12f: {  	v41 =	vld [tilespmem:s31+$0x5060]  }
0x130: {  	v42 =	vmul.f32 v37, v17;
	v25 =	vadd.f32 v40, v25  }
0x131: {  	v43 =	vld [tilespmem:s31+$0x5070]  }
0x132: {  	v44 =	vmul.f32 v39, v21;
	v25 =	vadd.f32 v42, v25;
	_ =	sdelay $0x1  }
0x133: {  	v45 =	vmul.f32 v41, v23;
	v25 =	vadd.f32 v44, v25;
	_ =	sdelay $0x1  }
0x134: {  	v46 =	vmul.f32 v43, v24;
	v25 =	vadd.f32 v45, v25;
	_ =	sdelay $0x1  }
0x135: {  	s3 =	sadd.s32 $0x374, s19;
	v25 =	vadd.f32 v46, v25  }
0x136: {  	s1 =	sshra.s32 s3, $0x2;
	s31 =	sadd.s32 $0x700, s24  }
0x137: {  	s31 =	sand.u32 $0x3FFFFF00, s31;
	[tilespmem:s1+$0xB800] =	vst v25  }
0x138: {  	v25 =	vld [tilespmem:s31+$0x5000]  }
0x139: {  	v47 =	vld [tilespmem:s31+$0x5010];
	_ =	sdelay $0x1  }
0x13a: {  	v48 =	vld [tilespmem:s31+$0x5020];
	_ =	sdelay $0x1  }
0x13b: {  	v49 =	vld [tilespmem:s31+$0x5030]  }
0x13c: {  	v25 =	vmul.f32 v25, v18;
	v26 =	vmul.f32 v47, v19  }
0x13d: {  	v50 =	vld [tilespmem:s31+$0x5040]  }
0x13e: {  	v51 =	vmul.f32 v48, v22;
	v25 =	vadd.f32 v26, v25  }
0x13f: {  	v52 =	vld [tilespmem:s31+$0x5050]  }
0x140: {  	v53 =	vmul.f32 v49, v20;
	v25 =	vadd.f32 v51, v25  }
0x141: {  	v54 =	vld [tilespmem:s31+$0x5060]  }
0x142: {  	v55 =	vmul.f32 v50, v17;
	v25 =	vadd.f32 v53, v25  }
0x143: {  	v56 =	vld [tilespmem:s31+$0x5070]  }
0x144: {  	v57 =	vmul.f32 v52, v21;
	v25 =	vadd.f32 v55, v25;
	_ =	sdelay $0x1  }
0x145: {  	v58 =	vmul.f32 v54, v23;
	v25 =	vadd.f32 v57, v25;
	_ =	sdelay $0x1  }
0x146: {  	v59 =	vmul.f32 v56, v24;
	v25 =	vadd.f32 v58, v25;
	_ =	sdelay $0x1  }
0x147: {  	s3 =	sadd.s32 $0x3B8, s19;
	v25 =	vadd.f32 v59, v25  }
0x148: {  	s1 =	sshra.s32 s3, $0x2;
	s31 =	sadd.s32 $0x780, s24  }
0x149: {  	s31 =	sand.u32 $0x3FFFFF80, s31;
	[tilespmem:s1+$0xB800] =	vst v25  }
0x14a: {  	v25 =	vld [tilespmem:s31+$0x5000]  }
0x14b: {  	v60 =	vld [tilespmem:s31+$0x5010];
	_ =	sdelay $0x1  }
0x14c: {  	v61 =	vld [tilespmem:s31+$0x5020];
	_ =	sdelay $0x1  }
0x14d: {  	v62 =	vld [tilespmem:s31+$0x5030]  }
0x14e: {  	v25 =	vmul.f32 v25, v18;
	v26 =	vmul.f32 v60, v19  }
0x14f: {  	v63 =	vld [tilespmem:s31+$0x5040]  }
0x150: {  	v32 =	vmul.f32 v61, v22;
	v25 =	vadd.f32 v26, v25  }
0x151: {  	v33 =	vld [tilespmem:s31+$0x5050]  }
0x152: {  	v34 =	vmul.f32 v62, v20;
	v25 =	vadd.f32 v32, v25  }
0x153: {  	v35 =	vld [tilespmem:s31+$0x5060]  }
0x154: {  	v36 =	vmul.f32 v63, v17;
	v25 =	vadd.f32 v34, v25  }
0x155: {  	v37 =	vld [tilespmem:s31+$0x5070]  }
0x156: {  	v38 =	vmul.f32 v33, v21;
	v25 =	vadd.f32 v36, v25;
	_ =	sdelay $0x1  }
0x157: {  	v39 =	vmul.f32 v35, v23;
	v25 =	vadd.f32 v38, v25;
	_ =	sdelay $0x1  }
0x158: {  	v40 =	vmul.f32 v37, v24;
	v25 =	vadd.f32 v39, v25;
	_ =	sdelay $0x1  }
0x159: {  	s3 =	sadd.s32 $0x3FC, s19;
	v25 =	vadd.f32 v40, v25  }
0x15a: {  	s1 =	sshra.s32 s3, $0x2;
	s31 =	sadd.s32 $0x800, s24  }
0x15b: {  	s31 =	sand.u32 $0x3FFFFF00, s31;
	[tilespmem:s1+$0xB800] =	vst v25  }
0x15c: {  	v25 =	vld [tilespmem:s31+$0x5000]  }
0x15d: {  	v41 =	vld [tilespmem:s31+$0x5010];
	_ =	sdelay $0x1  }
0x15e: {  	v42 =	vld [tilespmem:s31+$0x5020];
	_ =	sdelay $0x1  }
0x15f: {  	v43 =	vld [tilespmem:s31+$0x5030]  }
0x160: {  	v25 =	vmul.f32 v25, v18;
	v26 =	vmul.f32 v41, v19  }
0x161: {  	v44 =	vld [tilespmem:s31+$0x5040]  }
0x162: {  	v45 =	vmul.f32 v42, v22;
	v25 =	vadd.f32 v26, v25  }
0x163: {  	v46 =	vld [tilespmem:s31+$0x5050]  }
0x164: {  	v47 =	vmul.f32 v43, v20;
	v25 =	vadd.f32 v45, v25  }
0x165: {  	v48 =	vld [tilespmem:s31+$0x5060]  }
0x166: {  	v49 =	vmul.f32 v44, v17;
	v25 =	vadd.f32 v47, v25  }
0x167: {  	v50 =	vld [tilespmem:s31+$0x5070]  }
0x168: {  	v51 =	vmul.f32 v46, v21;
	v25 =	vadd.f32 v49, v25;
	_ =	sdelay $0x1  }
0x169: {  	v52 =	vmul.f32 v48, v23;
	v25 =	vadd.f32 v51, v25;
	_ =	sdelay $0x1  }
0x16a: {  	v53 =	vmul.f32 v50, v24;
	v25 =	vadd.f32 v52, v25;
	_ =	sdelay $0x1  }
0x16b: {  	s3 =	sadd.s32 $0x440, s19;
	v25 =	vadd.f32 v53, v25  }
0x16c: {  	s1 =	sshra.s32 s3, $0x2;
	s31 =	sadd.s32 $0x880, s24  }
0x16d: {  	s31 =	sand.u32 $0x3FFFFF80, s31;
	[tilespmem:s1+$0xB800] =	vst v25  }
0x16e: {  	v25 =	vld [tilespmem:s31+$0x5000]  }
0x16f: {  	v54 =	vld [tilespmem:s31+$0x5010];
	_ =	sdelay $0x1  }
0x170: {  	v55 =	vld [tilespmem:s31+$0x5020];
	_ =	sdelay $0x1  }
0x171: {  	v56 =	vld [tilespmem:s31+$0x5030]  }
0x172: {  	v25 =	vmul.f32 v25, v18;
	v26 =	vmul.f32 v54, v19  }
0x173: {  	v57 =	vld [tilespmem:s31+$0x5040]  }
0x174: {  	v58 =	vmul.f32 v55, v22;
	v25 =	vadd.f32 v26, v25  }
0x175: {  	v59 =	vld [tilespmem:s31+$0x5050]  }
0x176: {  	v60 =	vmul.f32 v56, v20;
	v25 =	vadd.f32 v58, v25  }
0x177: {  	v61 =	vld [tilespmem:s31+$0x5060]  }
0x178: {  	v62 =	vmul.f32 v57, v17;
	v25 =	vadd.f32 v60, v25  }
0x179: {  	v63 =	vld [tilespmem:s31+$0x5070]  }
0x17a: {  	v31 =	vmul.f32 v59, v21;
	v25 =	vadd.f32 v62, v25;
	_ =	sdelay $0x1  }
0x17b: {  	v32 =	vmul.f32 v61, v23;
	v25 =	vadd.f32 v31, v25;
	_ =	sdelay $0x1  }
0x17c: {  	v33 =	vmul.f32 v63, v24;
	v25 =	vadd.f32 v32, v25;
	_ =	sdelay $0x1  }
0x17d: {  	s3 =	sadd.s32 $0x484, s19;
	v25 =	vadd.f32 v33, v25  }
0x17e: {  	s1 =	sshra.s32 s3, $0x2;
	s31 =	sadd.s32 $0x900, s24  }
0x17f: {  	s31 =	sand.u32 $0x3FFFFF00, s31;
	[tilespmem:s1+$0xB800] =	vst v25  }
0x180: {  	v25 =	vld [tilespmem:s31+$0x5000]  }
0x181: {  	v34 =	vld [tilespmem:s31+$0x5010];
	_ =	sdelay $0x1  }
0x182: {  	v35 =	vld [tilespmem:s31+$0x5020];
	_ =	sdelay $0x1  }
0x183: {  	v36 =	vld [tilespmem:s31+$0x5030]  }
0x184: {  	v25 =	vmul.f32 v25, v18;
	v26 =	vmul.f32 v34, v19  }
0x185: {  	v37 =	vld [tilespmem:s31+$0x5040]  }
0x186: {  	v38 =	vmul.f32 v35, v22;
	v25 =	vadd.f32 v26, v25  }
0x187: {  	v39 =	vld [tilespmem:s31+$0x5050]  }
0x188: {  	v40 =	vmul.f32 v36, v20;
	v25 =	vadd.f32 v38, v25  }
0x189: {  	v41 =	vld [tilespmem:s31+$0x5060]  }
0x18a: {  	v42 =	vmul.f32 v37, v17;
	v25 =	vadd.f32 v40, v25  }
0x18b: {  	v43 =	vld [tilespmem:s31+$0x5070]  }
0x18c: {  	v44 =	vmul.f32 v39, v21;
	v25 =	vadd.f32 v42, v25;
	_ =	sdelay $0x1  }
0x18d: {  	v45 =	vmul.f32 v41, v23;
	v25 =	vadd.f32 v44, v25;
	_ =	sdelay $0x1  }
0x18e: {  	v46 =	vmul.f32 v43, v24;
	v25 =	vadd.f32 v45, v25;
	_ =	sdelay $0x1  }
0x18f: {  	s3 =	sadd.s32 $0x4C8, s19;
	v25 =	vadd.f32 v46, v25  }
0x190: {  	s1 =	sshra.s32 s3, $0x2;
	s31 =	sadd.s32 $0x980, s24  }
0x191: {  	s31 =	sand.u32 $0x3FFFFF80, s31;
	[tilespmem:s1+$0xB800] =	vst v25  }
0x192: {  	v25 =	vld [tilespmem:s31+$0x5000]  }
0x193: {  	v47 =	vld [tilespmem:s31+$0x5010];
	_ =	sdelay $0x1  }
0x194: {  	v48 =	vld [tilespmem:s31+$0x5020];
	_ =	sdelay $0x1  }
0x195: {  	v49 =	vld [tilespmem:s31+$0x5030]  }
0x196: {  	v25 =	vmul.f32 v25, v18;
	v26 =	vmul.f32 v47, v19  }
0x197: {  	v50 =	vld [tilespmem:s31+$0x5040]  }
0x198: {  	v51 =	vmul.f32 v48, v22;
	v25 =	vadd.f32 v26, v25  }
0x199: {  	v52 =	vld [tilespmem:s31+$0x5050]  }
0x19a: {  	v53 =	vmul.f32 v49, v20;
	v25 =	vadd.f32 v51, v25  }
0x19b: {  	v54 =	vld [tilespmem:s31+$0x5060]  }
0x19c: {  	v55 =	vmul.f32 v50, v17;
	v25 =	vadd.f32 v53, v25  }
0x19d: {  	v56 =	vld [tilespmem:s31+$0x5070]  }
0x19e: {  	v57 =	vmul.f32 v52, v21;
	v25 =	vadd.f32 v55, v25;
	_ =	sdelay $0x1  }
0x19f: {  	v58 =	vmul.f32 v54, v23;
	v25 =	vadd.f32 v57, v25;
	_ =	sdelay $0x1  }
0x1a0: {  	v59 =	vmul.f32 v56, v24;
	v25 =	vadd.f32 v58, v25;
	_ =	sdelay $0x1  }
0x1a1: {  	s3 =	sadd.s32 $0x50C, s19;
	v25 =	vadd.f32 v59, v25  }
0x1a2: {  	s1 =	sshra.s32 s3, $0x2;
	s31 =	sadd.s32 $0xA00, s24  }
0x1a3: {  	s31 =	sand.u32 $0x3FFFFF00, s31;
	[tilespmem:s1+$0xB800] =	vst v25  }
0x1a4: {  	v25 =	vld [tilespmem:s31+$0x5000]  }
0x1a5: {  	v60 =	vld [tilespmem:s31+$0x5010];
	_ =	sdelay $0x1  }
0x1a6: {  	v61 =	vld [tilespmem:s31+$0x5020];
	_ =	sdelay $0x1  }
0x1a7: {  	v62 =	vld [tilespmem:s31+$0x5030]  }
0x1a8: {  	v25 =	vmul.f32 v25, v18;
	v26 =	vmul.f32 v60, v19  }
0x1a9: {  	v63 =	vld [tilespmem:s31+$0x5040]  }
0x1aa: {  	v31 =	vmul.f32 v61, v22;
	v25 =	vadd.f32 v26, v25  }
0x1ab: {  	v32 =	vld [tilespmem:s31+$0x5050]  }
0x1ac: {  	v33 =	vmul.f32 v62, v20;
	v25 =	vadd.f32 v31, v25  }
0x1ad: {  	v34 =	vld [tilespmem:s31+$0x5060]  }
0x1ae: {  	v35 =	vmul.f32 v63, v17;
	v25 =	vadd.f32 v33, v25  }
0x1af: {  	v36 =	vld [tilespmem:s31+$0x5070]  }
0x1b0: {  	v37 =	vmul.f32 v32, v21;
	v25 =	vadd.f32 v35, v25;
	_ =	sdelay $0x1  }
0x1b1: {  	v38 =	vmul.f32 v34, v23;
	v25 =	vadd.f32 v37, v25;
	_ =	sdelay $0x1  }
0x1b2: {  	v39 =	vmul.f32 v36, v24;
	v25 =	vadd.f32 v38, v25;
	_ =	sdelay $0x1  }
0x1b3: {  	s3 =	sadd.s32 $0x550, s19;
	v25 =	vadd.f32 v39, v25  }
0x1b4: {  	s1 =	sshra.s32 s3, $0x2;
	s31 =	sadd.s32 $0xA80, s24  }
0x1b5: {  	s31 =	sand.u32 $0x3FFFFF80, s31;
	[tilespmem:s1+$0xB800] =	vst v25  }
0x1b6: {  	v25 =	vld [tilespmem:s31+$0x5000]  }
0x1b7: {  	v40 =	vld [tilespmem:s31+$0x5010];
	_ =	sdelay $0x1  }
0x1b8: {  	v41 =	vld [tilespmem:s31+$0x5020];
	_ =	sdelay $0x1  }
0x1b9: {  	v42 =	vld [tilespmem:s31+$0x5030]  }
0x1ba: {  	v25 =	vmul.f32 v25, v18;
	v26 =	vmul.f32 v40, v19  }
0x1bb: {  	v43 =	vld [tilespmem:s31+$0x5040]  }
0x1bc: {  	v44 =	vmul.f32 v41, v22;
	v25 =	vadd.f32 v26, v25  }
0x1bd: {  	v45 =	vld [tilespmem:s31+$0x5050]  }
0x1be: {  	v46 =	vmul.f32 v42, v20;
	v25 =	vadd.f32 v44, v25  }
0x1bf: {  	v47 =	vld [tilespmem:s31+$0x5060]  }
0x1c0: {  	v48 =	vmul.f32 v43, v17;
	v25 =	vadd.f32 v46, v25  }
0x1c1: {  	v49 =	vld [tilespmem:s31+$0x5070]  }
0x1c2: {  	v50 =	vmul.f32 v45, v21;
	v25 =	vadd.f32 v48, v25;
	_ =	sdelay $0x1  }
0x1c3: {  	v51 =	vmul.f32 v47, v23;
	v25 =	vadd.f32 v50, v25;
	_ =	sdelay $0x1  }
0x1c4: {  	v52 =	vmul.f32 v49, v24;
	v25 =	vadd.f32 v51, v25;
	_ =	sdelay $0x1  }
0x1c5: {  	s3 =	sadd.s32 $0x594, s19;
	v25 =	vadd.f32 v52, v25  }
0x1c6: {  	s1 =	sshra.s32 s3, $0x2;
	s31 =	sadd.s32 $0xB00, s24  }
0x1c7: {  	s31 =	sand.u32 $0x3FFFFF00, s31;
	[tilespmem:s1+$0xB800] =	vst v25  }
0x1c8: {  	v25 =	vld [tilespmem:s31+$0x5000]  }
0x1c9: {  	v53 =	vld [tilespmem:s31+$0x5010];
	_ =	sdelay $0x1  }
0x1ca: {  	v54 =	vld [tilespmem:s31+$0x5020];
	_ =	sdelay $0x1  }
0x1cb: {  	v55 =	vld [tilespmem:s31+$0x5030]  }
0x1cc: {  	v25 =	vmul.f32 v25, v18;
	v26 =	vmul.f32 v53, v19  }
0x1cd: {  	v56 =	vld [tilespmem:s31+$0x5040]  }
0x1ce: {  	v57 =	vmul.f32 v54, v22;
	v25 =	vadd.f32 v26, v25  }
0x1cf: {  	v58 =	vld [tilespmem:s31+$0x5050]  }
0x1d0: {  	v59 =	vmul.f32 v55, v20;
	v25 =	vadd.f32 v57, v25  }
0x1d1: {  	v60 =	vld [tilespmem:s31+$0x5060]  }
0x1d2: {  	v61 =	vmul.f32 v56, v17;
	v25 =	vadd.f32 v59, v25  }
0x1d3: {  	v62 =	vld [tilespmem:s31+$0x5070]  }
0x1d4: {  	v63 =	vmul.f32 v58, v21;
	v25 =	vadd.f32 v61, v25;
	_ =	sdelay $0x1  }
0x1d5: {  	v30 =	vmul.f32 v60, v23;
	v25 =	vadd.f32 v63, v25;
	_ =	sdelay $0x1  }
0x1d6: {  	v31 =	vmul.f32 v62, v24;
	v25 =	vadd.f32 v30, v25;
	_ =	sdelay $0x1  }
0x1d7: {  	s3 =	sadd.s32 $0x5D8, s19;
	v25 =	vadd.f32 v31, v25  }
0x1d8: {  	s1 =	sshra.s32 s3, $0x2;
	s31 =	sadd.s32 $0xB80, s24  }
0x1d9: {  	s31 =	sand.u32 $0x3FFFFF80, s31;
	[tilespmem:s1+$0xB800] =	vst v25  }
0x1da: {  	v25 =	vld [tilespmem:s31+$0x5000]  }
0x1db: {  	v32 =	vld [tilespmem:s31+$0x5010];
	_ =	sdelay $0x1  }
0x1dc: {  	v33 =	vld [tilespmem:s31+$0x5020];
	_ =	sdelay $0x1  }
0x1dd: {  	v34 =	vld [tilespmem:s31+$0x5030]  }
0x1de: {  	v25 =	vmul.f32 v25, v18;
	v26 =	vmul.f32 v32, v19  }
0x1df: {  	v35 =	vld [tilespmem:s31+$0x5040]  }
0x1e0: {  	v36 =	vmul.f32 v33, v22;
	v25 =	vadd.f32 v26, v25  }
0x1e1: {  	v37 =	vld [tilespmem:s31+$0x5050]  }
0x1e2: {  	v38 =	vmul.f32 v34, v20;
	v25 =	vadd.f32 v36, v25  }
0x1e3: {  	v39 =	vld [tilespmem:s31+$0x5060]  }
0x1e4: {  	v40 =	vmul.f32 v35, v17;
	v25 =	vadd.f32 v38, v25  }
0x1e5: {  	v41 =	vld [tilespmem:s31+$0x5070]  }
0x1e6: {  	v42 =	vmul.f32 v37, v21;
	v25 =	vadd.f32 v40, v25;
	_ =	sdelay $0x1  }
0x1e7: {  	v43 =	vmul.f32 v39, v23;
	v25 =	vadd.f32 v42, v25;
	_ =	sdelay $0x1  }
0x1e8: {  	v44 =	vmul.f32 v41, v24;
	v25 =	vadd.f32 v43, v25;
	_ =	sdelay $0x1  }
0x1e9: {  	s3 =	sadd.s32 $0x61C, s19;
	v25 =	vadd.f32 v44, v25  }
0x1ea: {  	s1 =	sshra.s32 s3, $0x2;
	s31 =	sadd.s32 $0xC00, s24  }
0x1eb: {  	s31 =	sand.u32 $0x3FFFFF00, s31;
	[tilespmem:s1+$0xB800] =	vst v25  }
0x1ec: {  	v25 =	vld [tilespmem:s31+$0x5000]  }
0x1ed: {  	v45 =	vld [tilespmem:s31+$0x5010];
	_ =	sdelay $0x1  }
0x1ee: {  	v46 =	vld [tilespmem:s31+$0x5020];
	_ =	sdelay $0x1  }
0x1ef: {  	v47 =	vld [tilespmem:s31+$0x5030]  }
0x1f0: {  	v25 =	vmul.f32 v25, v18;
	v26 =	vmul.f32 v45, v19  }
0x1f1: {  	v48 =	vld [tilespmem:s31+$0x5040]  }
0x1f2: {  	v49 =	vmul.f32 v46, v22;
	v25 =	vadd.f32 v26, v25  }
0x1f3: {  	v50 =	vld [tilespmem:s31+$0x5050]  }
0x1f4: {  	v51 =	vmul.f32 v47, v20;
	v25 =	vadd.f32 v49, v25  }
0x1f5: {  	v52 =	vld [tilespmem:s31+$0x5060]  }
0x1f6: {  	v53 =	vmul.f32 v48, v17;
	v25 =	vadd.f32 v51, v25  }
0x1f7: {  	v54 =	vld [tilespmem:s31+$0x5070]  }
0x1f8: {  	v55 =	vmul.f32 v50, v21;
	v25 =	vadd.f32 v53, v25;
	_ =	sdelay $0x1  }
0x1f9: {  	v56 =	vmul.f32 v52, v23;
	v25 =	vadd.f32 v55, v25;
	_ =	sdelay $0x1  }
0x1fa: {  	v57 =	vmul.f32 v54, v24;
	v25 =	vadd.f32 v56, v25;
	_ =	sdelay $0x1  }
0x1fb: {  	s3 =	sadd.s32 $0x660, s19;
	v25 =	vadd.f32 v57, v25  }
0x1fc: {  	s1 =	sshra.s32 s3, $0x2;
	s31 =	sadd.s32 $0xC80, s24  }
0x1fd: {  	s24 =	sand.u32 $0x3FFFFF80, s31;
	[tilespmem:s1+$0xB800] =	vst v25  }
0x1fe: {  	v25 =	vld [tilespmem:s24+$0x5000]  }
0x1ff: {  	v58 =	vld [tilespmem:s24+$0x5010];
	_ =	sdelay $0x1  }
0x200: {  	v59 =	vld [tilespmem:s24+$0x5020];
	_ =	sdelay $0x1  }
0x201: {  	v60 =	vld [tilespmem:s24+$0x5030]  }
0x202: {  	v18 =	vmul.f32 v25, v18;
	v19 =	vmul.f32 v58, v19  }
0x203: {  	v61 =	vld [tilespmem:s24+$0x5040]  }
0x204: {  	v18 =	vadd.f32 v19, v18;
	v19 =	vmul.f32 v59, v22  }
0x205: {  	v62 =	vld [tilespmem:s24+$0x5050]  }
0x206: {  	v18 =	vadd.f32 v19, v18;
	v19 =	vmul.f32 v60, v20  }
0x207: {  	v63 =	vld [tilespmem:s24+$0x5060]  }
0x208: {  	v17 =	vmul.f32 v61, v17;
	v18 =	vadd.f32 v19, v18  }
0x209: {  	v19 =	vld [tilespmem:s24+$0x5070]  }
0x20a: {  	v17 =	vadd.f32 v17, v18;
	v18 =	vmul.f32 v62, v21;
	_ =	sdelay $0x1  }
0x20b: {  	v17 =	vadd.f32 v18, v17;
	v18 =	vmul.f32 v63, v23  }
0x20c: {  	p0 =	sne.s32 s16, $0x3  }
.Ltmp0:
0x20d: {  	v17 =	vadd.f32 v18, v17;
	v18 =	vmul.f32 v19, v24;
	(pc) =	sbr.rel @p0 .LBB2_3-.Ltmp0, $4  }
0x20e: {  	_ = 	snop  }
0x20f: {  	s31 =	sadd.s32 $0x6A4, s19;
	v17 =	vadd.f32 v18, v17  }
0x210: {  	s1 =	sshra.s32 s31, $0x2  }
0x211: {  	s16 =	sadd.s32 $0x1, s16;
	[tilespmem:s1+$0xB800] =	vst v17  }
0x212: {  	v16 =	vmov s13  }
0x213: {  	v16 =	vmul.u32 $0x11, v16;
	_ =	sdelay $0x1  }
0x214: {  	v16 =	vbroadcast v16, $0x0;
	_ =	sdelay $0x1  }
0x215: {  	v17 =	vadd.s32 v1, v16  }
0x216: {  	v18 =	vadd.s32 v0, v16;
	_ =	sdelay $0x1  }
0x217: {  	v19 =	vadd.s32 v2, v16;
	_ =	sdelay $0x1  }
0x218: {  	v20 =	vadd.s32 v3, v16;
	v17 =	vld.idx.msk [tilespmem:v17+s21+$0x0], $0xffff  }
0x219: {  	v18 =	vld.idx.msk [tilespmem:v18+s21+$0x0], $0xffff  }
0x21a: {  	v21 =	vadd.s32 v4, v16  }
0x21b: {  	v19 =	vld.idx.msk [tilespmem:v19+s21+$0x0], $0xffff  }
0x21c: {  	v22 =	vadd.s32 v5, v16  }
0x21d: {  	v20 =	vld.idx.msk [tilespmem:v20+s21+$0x0], $0xffff  }
0x21e: {  	v23 =	vadd.s32 v6, v16;
	v17 =	vadd.f32 v17, v18  }
0x21f: {  	v18 =	vld.idx.msk [tilespmem:v21+s21+$0x0], $0xffff  }
0x220: {  	v21 =	vadd.s32 v7, v16;
	v17 =	vadd.f32 v19, v17  }
0x221: {  	v19 =	vld.idx.msk [tilespmem:v22+s21+$0x0], $0xffff  }
0x222: {  	v22 =	vadd.s32 v8, v16;
	v17 =	vadd.f32 v20, v17  }
0x223: {  	v20 =	vld.idx.msk [tilespmem:v23+s21+$0x0], $0xffff  }
0x224: {  	v23 =	vadd.s32 v9, v16;
	v17 =	vadd.f32 v18, v17  }
0x225: {  	v18 =	vld.idx.msk [tilespmem:v21+s21+$0x0], $0xffff  }
0x226: {  	v21 =	vadd.s32 v10, v16;
	v17 =	vadd.f32 v19, v17  }
0x227: {  	v19 =	vld.idx.msk [tilespmem:v22+s21+$0x0], $0xffff  }
0x228: {  	v22 =	vadd.s32 v11, v16;
	v17 =	vadd.f32 v20, v17  }
0x229: {  	v20 =	vld.idx.msk [tilespmem:v23+s21+$0x0], $0xffff  }
0x22a: {  	v23 =	vadd.s32 v12, v16;
	v17 =	vadd.f32 v18, v17  }
0x22b: {  	v18 =	vld.idx.msk [tilespmem:v21+s21+$0x0], $0xffff  }
0x22c: {  	v21 =	vadd.s32 v13, v16;
	v17 =	vadd.f32 v19, v17  }
0x22d: {  	v19 =	vld.idx.msk [tilespmem:v22+s21+$0x0], $0xffff  }
0x22e: {  	v22 =	vadd.s32 v14, v16;
	v17 =	vadd.f32 v20, v17  }
0x22f: {  	v20 =	vld.idx.msk [tilespmem:v23+s21+$0x0], $0xffff  }
0x230: {  	v16 =	vadd.s32 v15, v16;
	v17 =	vadd.f32 v18, v17  }
0x231: {  	v18 =	vld.idx.msk [tilespmem:v21+s21+$0x0], $0xffff  }
0x232: {  	s1 =	simm.s32 $0x10;
	v17 =	vadd.f32 v19, v17  }
0x233: {  	v21 =	vmov s1;
	v19 =	vld.idx.msk [tilespmem:v22+s21+$0x0], $0xffff  }
0x234: {  	v21 =	vmul.u32 $0x11, v21;
	v17 =	vadd.f32 v20, v17  }
0x235: {  	v16 =	vld.idx.msk [tilespmem:v16+s21+$0x0], $0xffff  }
0x236: {  	v20 =	vbroadcast v21, $0x0;
	v17 =	vadd.f32 v18, v17;
	_ =	sdelay $0x1  }
0x237: {  	v18 =	vadd.s32 v1, v20;
	v17 =	vadd.f32 v19, v17  }
0x238: {  	v19 =	vadd.s32 v0, v20  }
0x239: {  	v16 =	vadd.f32 v16, v17  }
0x23a: {  	s13 =	simm.s32 $0xBF80;
	v17 =	vadd.s32 v2, v20  }
0x23b: {  	[tilespmem:s13+$0x0] =	vst v16  }
0x23c: {  	v16 =	vld.idx.msk [tilespmem:v18+s21+$0x0], $0xffff;
	v18 =	vadd.s32 v3, v20  }
0x23d: {  	v19 =	vld.idx.msk [tilespmem:v19+s21+$0x0], $0xffff  }
0x23e: {  	v21 =	vadd.s32 v4, v20  }
0x23f: {  	v17 =	vld.idx.msk [tilespmem:v17+s21+$0x0], $0xffff  }
0x240: {  	v22 =	vadd.s32 v5, v20  }
0x241: {  	v18 =	vld.idx.msk [tilespmem:v18+s21+$0x0], $0xffff  }
0x242: {  	v23 =	vadd.s32 v6, v20;
	v16 =	vadd.f32 v16, v19  }
0x243: {  	v19 =	vld.idx.msk [tilespmem:v21+s21+$0x0], $0xffff  }
0x244: {  	v21 =	vadd.s32 v7, v20;
	v16 =	vadd.f32 v17, v16  }
0x245: {  	v17 =	vld.idx.msk [tilespmem:v22+s21+$0x0], $0xffff  }
0x246: {  	v22 =	vadd.s32 v8, v20;
	v16 =	vadd.f32 v18, v16  }
0x247: {  	v18 =	vld.idx.msk [tilespmem:v23+s21+$0x0], $0xffff  }
0x248: {  	v23 =	vadd.s32 v9, v20;
	v16 =	vadd.f32 v19, v16  }
0x249: {  	v19 =	vld.idx.msk [tilespmem:v21+s21+$0x0], $0xffff  }
0x24a: {  	v21 =	vadd.s32 v10, v20;
	v16 =	vadd.f32 v17, v16  }
0x24b: {  	v17 =	vld.idx.msk [tilespmem:v22+s21+$0x0], $0xffff  }
0x24c: {  	v22 =	vadd.s32 v11, v20;
	v16 =	vadd.f32 v18, v16  }
0x24d: {  	v18 =	vld.idx.msk [tilespmem:v23+s21+$0x0], $0xffff  }
0x24e: {  	v23 =	vadd.s32 v12, v20;
	v16 =	vadd.f32 v19, v16  }
0x24f: {  	v19 =	vld.idx.msk [tilespmem:v21+s21+$0x0], $0xffff  }
0x250: {  	v16 =	vadd.f32 v17, v16;
	v17 =	vadd.s32 v13, v20  }
0x251: {  	v21 =	vld.idx.msk [tilespmem:v22+s21+$0x0], $0xffff  }
0x252: {  	v22 =	vadd.s32 v14, v20;
	v16 =	vadd.f32 v18, v16  }
0x253: {  	v18 =	vld.idx.msk [tilespmem:v23+s21+$0x0], $0xffff;
	v23 =	vadd.s32 v15, v20  }
0x254: {  	v19 =	vadd.f32 v19, v16  }
0x255: {  	v16 =	vld.idx.msk [tilespmem:v17+s21+$0x0], $0xffff  }
0x256: {  	s31 =	simm.s32 $0x20;
	v20 =	vadd.f32 v21, v19  }
0x257: {  	v17 =	vld.idx.msk [tilespmem:v22+s21+$0x0], $0xffff;
	v19 =	vmov s31  }
0x258: {  	s16 =	simm.s32 $0x30;
	v19 =	vmul.u32 $0x11, v19;
	v20 =	vadd.f32 v18, v20;
	v18 =	vld.idx.msk [tilespmem:v23+s21+$0x0], $0xffff  }
.LBB2_5:
0x259: {  	p0 =	sne.s32 s16, $0x60  }
0x25a: {  	v19 =	vbroadcast v19, $0x0;
	v16 =	vadd.f32 v16, v20;
	_ =	sdelay $0x1  }
0x25b: {  	v20 =	vadd.s32 v1, v19;
	v16 =	vadd.f32 v17, v16  }
0x25c: {  	v17 =	vadd.s32 v0, v19  }
0x25d: {  	v16 =	vadd.f32 v18, v16  }
0x25e: {  	s13 =	sadd.s32 $0x10, s13;
	v18 =	vadd.s32 v2, v19  }
0x25f: {  	[tilespmem:s13+$0x0] =	vst v16  }
0x260: {  	v16 =	vld.idx.msk [tilespmem:v20+s21+$0x0], $0xffff;
	v20 =	vadd.s32 v3, v19  }
0x261: {  	v17 =	vld.idx.msk [tilespmem:v17+s21+$0x0], $0xffff  }
0x262: {  	v21 =	vadd.s32 v4, v19  }
0x263: {  	v18 =	vld.idx.msk [tilespmem:v18+s21+$0x0], $0xffff  }
0x264: {  	v22 =	vadd.s32 v5, v19  }
0x265: {  	v20 =	vld.idx.msk [tilespmem:v20+s21+$0x0], $0xffff  }
0x266: {  	v23 =	vadd.s32 v6, v19  }
0x267: {  	v16 =	vadd.f32 v16, v17;
	v17 =	vld.idx.msk [tilespmem:v21+s21+$0x0], $0xffff  }
0x268: {  	v21 =	vadd.s32 v7, v19  }
0x269: {  	v16 =	vadd.f32 v18, v16;
	v18 =	vld.idx.msk [tilespmem:v22+s21+$0x0], $0xffff  }
0x26a: {  	v22 =	vadd.s32 v8, v19  }
0x26b: {  	v16 =	vadd.f32 v20, v16;
	v20 =	vld.idx.msk [tilespmem:v23+s21+$0x0], $0xffff  }
0x26c: {  	v23 =	vadd.s32 v9, v19  }
0x26d: {  	v16 =	vadd.f32 v17, v16;
	v17 =	vld.idx.msk [tilespmem:v21+s21+$0x0], $0xffff  }
0x26e: {  	v21 =	vadd.s32 v10, v19  }
0x26f: {  	v16 =	vadd.f32 v18, v16;
	v18 =	vld.idx.msk [tilespmem:v22+s21+$0x0], $0xffff  }
0x270: {  	v22 =	vadd.s32 v11, v19  }
0x271: {  	v16 =	vadd.f32 v20, v16;
	v20 =	vld.idx.msk [tilespmem:v23+s21+$0x0], $0xffff  }
0x272: {  	v23 =	vadd.s32 v12, v19  }
0x273: {  	v16 =	vadd.f32 v17, v16;
	v17 =	vld.idx.msk [tilespmem:v21+s21+$0x0], $0xffff  }
0x274: {  	v21 =	vadd.s32 v13, v19  }
0x275: {  	v16 =	vadd.f32 v18, v16;
	v18 =	vld.idx.msk [tilespmem:v22+s21+$0x0], $0xffff  }
0x276: {  	v22 =	vadd.s32 v14, v19  }
0x277: {  	v16 =	vadd.f32 v20, v16;
	v20 =	vld.idx.msk [tilespmem:v23+s21+$0x0], $0xffff  }
0x278: {  	v23 =	vadd.s32 v15, v19  }
.Ltmp1:
0x279: {  	v17 =	vadd.f32 v17, v16;
	v16 =	vld.idx.msk [tilespmem:v21+s21+$0x0], $0xffff;
	(pc) =	sbr.rel @p0 .LBB2_5-.Ltmp1, $4  }
0x27a: {  	_ = 	snop  }
0x27b: {  	v18 =	vadd.f32 v18, v17;
	v17 =	vld.idx.msk [tilespmem:v22+s21+$0x0], $0xffff  }
0x27c: {  	v19 =	vmov s16  }
0x27d: {  	s16 =	sadd.s32 $0x10, s16;
	v19 =	vmul.u32 $0x11, v19;
	v20 =	vadd.f32 v20, v18;
	v18 =	vld.idx.msk [tilespmem:v23+s21+$0x0], $0xffff  }
0x27e: {  	_ = 	snop  }
0x27f: {  	v19 =	vbroadcast v19, $0x0;
	v16 =	vadd.f32 v16, v20;
	_ =	sdelay $0x1  }
0x280: {  	v46 =	vadd.s32 v1, v19;
	v16 =	vadd.f32 v17, v16  }
0x281: {  	v17 =	vadd.s32 v0, v19  }
0x282: {  	v16 =	vadd.f32 v18, v16  }
0x283: {  	s1 =	sadd.s32 $0x10, s13;
	v47 =	vadd.s32 v2, v19  }
0x284: {  	[tilespmem:s1+$0x0] =	vst v16  }
0x285: {  	v48 =	vadd.s32 v3, v19;
	v16 =	vld.idx.msk [tilespmem:v46+s21+$0x0], $0xffff  }
0x286: {  	v17 =	vld.idx.msk [tilespmem:v17+s21+$0x0], $0xffff  }
0x287: {  	v21 =	vadd.s32 v4, v19  }
0x288: {  	v18 =	vld.idx.msk [tilespmem:v47+s21+$0x0], $0xffff  }
0x289: {  	v22 =	vadd.s32 v5, v19  }
0x28a: {  	v20 =	vld.idx.msk [tilespmem:v48+s21+$0x0], $0xffff  }
0x28b: {  	v23 =	vadd.s32 v6, v19;
	v16 =	vadd.f32 v16, v17  }
0x28c: {  	v17 =	vld.idx.msk [tilespmem:v21+s21+$0x0], $0xffff  }
0x28d: {  	v49 =	vadd.s32 v7, v19;
	v16 =	vadd.f32 v18, v16  }
0x28e: {  	v50 =	vld.idx.msk [tilespmem:v22+s21+$0x0], $0xffff  }
0x28f: {  	v51 =	vadd.s32 v8, v19;
	v16 =	vadd.f32 v20, v16  }
0x290: {  	v52 =	vld.idx.msk [tilespmem:v23+s21+$0x0], $0xffff  }
0x291: {  	v53 =	vadd.s32 v9, v19;
	v16 =	vadd.f32 v17, v16  }
0x292: {  	v17 =	vld.idx.msk [tilespmem:v49+s21+$0x0], $0xffff  }
0x293: {  	v54 =	vadd.s32 v10, v19;
	v16 =	vadd.f32 v50, v16  }
0x294: {  	v55 =	vld.idx.msk [tilespmem:v51+s21+$0x0], $0xffff  }
0x295: {  	v56 =	vadd.s32 v11, v19;
	v16 =	vadd.f32 v52, v16  }
0x296: {  	v57 =	vld.idx.msk [tilespmem:v53+s21+$0x0], $0xffff  }
0x297: {  	v58 =	vadd.s32 v12, v19;
	v16 =	vadd.f32 v17, v16  }
0x298: {  	v17 =	vld.idx.msk [tilespmem:v54+s21+$0x0], $0xffff  }
0x299: {  	v59 =	vadd.s32 v13, v19;
	v16 =	vadd.f32 v55, v16  }
0x29a: {  	v60 =	vld.idx.msk [tilespmem:v56+s21+$0x0], $0xffff  }
0x29b: {  	v61 =	vadd.s32 v14, v19;
	v16 =	vadd.f32 v57, v16  }
0x29c: {  	v62 =	vld.idx.msk [tilespmem:v58+s21+$0x0], $0xffff  }
0x29d: {  	v19 =	vadd.s32 v15, v19;
	v16 =	vadd.f32 v17, v16  }
0x29e: {  	v17 =	vld.idx.msk [tilespmem:v59+s21+$0x0], $0xffff  }
0x29f: {  	v16 =	vadd.f32 v60, v16  }
0x2a0: {  	v63 =	vld.idx.msk [tilespmem:v61+s21+$0x0], $0xffff  }
0x2a1: {  	v16 =	vadd.f32 v62, v16  }
0x2a2: {  	v19 =	vld.idx.msk [tilespmem:v19+s21+$0x0], $0xffff  }
0x2a3: {  	v16 =	vadd.f32 v17, v16;
	_ =	sdelay $0x1  }
0x2a4: {  	v16 =	vadd.f32 v63, v16;
	_ =	sdelay $0x1  }
0x2a5: {  	v16 =	vadd.f32 v19, v16  }
0x2a6: {  	s1 =	sadd.s32 $0x10, s1  }
0x2a7: {  	[tilespmem:s1+$0x0] =	vst v16  }
0x2a8: {  	_ =	swait.ge [sflag:s22], $0x68  }
0x2a9: {  	s16 =	smul.u32 $0xD0, s9;
	[sflag:s22] =	ssyncset.done $0x0  }
0x2aa: {  	[sflag:s22] =	ssyncadd.s32 $0xFFFFFF98  }
0x2ab: {  	s1 =	sadd.s32 s11, s16;
	_ =	swait.ge [sflag:s23], $0x68  }
0x2ac: {  	s19 =	simm.s32 $0xBF80;
	s1 =	sshrl.u32 s1, $0x3;
	[sflag:s23] =	ssyncset.done $0x0  }
0x2ad: {  	p0 =	sne.s32 s9, $0x0;
	s3 =	sadd.s32 s6, s1;
	[sflag:s23] =	ssyncadd.s32 $0xFFFFFF98  }
0x2ae: {  	[hbm4b:s3+s5] =	stream.linear.scatter [tilespmem:s19], [sflag:$0x7], $0x68, $0x38;
	[tilespmem:$0xC280] =	vst v63  }
.Ltmp2:
0x2af: {  	_ = 	snop;
	(pc) =	sbr.rel @!p0 .LBB2_7-.Ltmp2, $4  }
0x2b0: {  	s31 =	simm.s32 $0xC080;
	s24 =	sadd.s32 s7, s1  }
0x2b1: {  	[hbm4b:s24+s5] =	stream.linear.scatter [tilespmem:s31], [sflag:$0x7], $0x68, $0x38;
	[tilespmem:$0xC280] =	vst v63  }
0x2b2: {  	s1 =	sadd.s32 s8, s1;
	s19 =	smov.u32 s4;
	s24 =	smov.u32 s17  }
0x2b3: {  	[hbm4b:s1+s5] =	stream.linear.scatter [tilespmem:s18], [sflag:$0x7], $0x68, $0x38;
	[tilespmem:$0xC280] =	vst v63  }
0x2b4: {  	_ =	swait.ge [sflag:s2], $0x68  }
0x2b5: {  	[sflag:s2] =	ssyncset.done $0x0  }
0x2b6: {  	[sflag:s2] =	ssyncadd.s32 $0xFFFFFF98  }
0x2b7: {  	_ =	swait.ge [sflag:s2], $0x68  }
0x2b8: {  	[sflag:s2] =	ssyncset.done $0x0  }
0x2b9: {  	[sflag:s2] =	ssyncadd.s32 $0xFFFFFF98  }
0x2ba: {  	p0 =	seq.s32 s9, $0xF;
	_ =	swait.ge [sflag:s2], $0x68  }
.Ltmp3:
0x2bb: {  	[sflag:s2] =	ssyncset.done $0x0;
	(pc) =	sbr.rel @p0 .LBB2_10-.Ltmp3, $4  }
.Ltmp4:
0x2bc: {  	[sflag:s2] =	ssyncadd.s32 $0xFFFFFF98;
	(pc) =	sbr.rel @!p0 .LBB2_9-.Ltmp4, $4  }
0x2bd: {  	[tilespmem:s25], [sflag:$0x4] =	stream.indirect.gather [hbm4b:s19+s15], $0x1, s0, s15, $0xb8;
	[tilespmem:$0xC280] =	vst v63  }
0x2be: {  	_ = 	snop  }
0x2bf: {  	[tilespmem:s26], [sflag:$0x6] =	stream.indirect.gather [hbm4b:s24+s15], $0x1, s0, s15, $0xb8;
	[tilespmem:$0xC280] =	vst v63  }
0x2c0: {  	_ = 	snop  }
.LBB2_7:
0x2c1: {  	[tilespmem:s25], [sflag:$0x4] =	stream.indirect.gather [hbm4b:s19+s15], $0x1, s0, s15, $0xb8;
	[tilespmem:$0xC280] =	vst v63  }
0x2c2: {  	_ = 	snop  }
0x2c3: {  	[tilespmem:s26], [sflag:$0x6] =	stream.indirect.gather [hbm4b:s24+s15], $0x1, s0, s15, $0xb8;
	[tilespmem:$0xC280] =	vst v63  }
.LBB2_9:
0x2c4: {  	s0 =	sadd.s32 $0x4100, s12;
	s1 =	rddreg [dreg:$0x0];
	s3 =	simm.s32 $0x5000  }
0x2c5: {  	[tilespmem:s3], [sflag:$0x1] =	stream.indirect.gather [hbm4b:s1+s15], $0x80, s0, s15, $0xb8;
	[tilespmem:$0xC280] =	vst v63  }
.LBB2_10:
0x2c6: {  	_ =	swait.ge [sflag:s28], $0x3400;
	v16 =	vmov s14  }
0x2c7: {  	[sflag:s28] =	ssyncset.done $0x0  }
0x2c8: {  	s0 =	simm.s32 $0x0;
	s12 =	simm.s32 $0x0;
	[sflag:s28] =	ssyncadd.s32 $0xFFFFCC00  }
.LBB2_11:
0x2c9: {  	s1 =	sshll.u32 s12, $0x7  }
0x2ca: {  	s3 =	smul.u32 $0x3400, s12;
	s1 =	sand.u32 $0x3FFFFF80, s1  }
0x2cb: {  	v18 =	vld.idx.msk [tilespmem:v16+s1+$0x0 ss:$0x1], $0xffff  }
0x2cc: {  	v19 =	vld.idx.msk [tilespmem:v16+s1+$0x10 ss:$0x1], $0xffff;
	s3 =	sshra.s32 s3, $0x2  }
0x2cd: {  	v21 =	vld [tilespmem:s3+$0x8400]  }
0x2ce: {  	v23 =	vld [tilespmem:s3+$0x8410]  }
0x2cf: {  	v22 =	vld.idx.msk [tilespmem:v16+s1+$0x20 ss:$0x1], $0xffff  }
0x2d0: {  	v24 =	vld [tilespmem:s3+$0x8420]  }
0x2d1: {  	v20 =	vld.idx.msk [tilespmem:v16+s1+$0x30 ss:$0x1], $0xffff  }
0x2d2: {  	v25 =	vld [tilespmem:s3+$0x8430]  }
0x2d3: {  	v17 =	vld.idx.msk [tilespmem:v16+s1+$0x40 ss:$0x1], $0xffff;
	v26 =	vmul.f32 v21, v18;
	v23 =	vmul.f32 v23, v19  }
0x2d4: {  	v27 =	vld [tilespmem:s3+$0x8440]  }
0x2d5: {  	v28 =	vld [tilespmem:s3+$0x8450];
	v24 =	vmul.f32 v24, v22;
	v26 =	vadd.f32 v23, v26  }
0x2d6: {  	v21 =	vld.idx.msk [tilespmem:v16+s1+$0x50 ss:$0x1], $0xffff  }
0x2d7: {  	v29 =	vld [tilespmem:s3+$0x8460];
	v25 =	vmul.f32 v25, v20;
	v26 =	vadd.f32 v24, v26  }
0x2d8: {  	v23 =	vld.idx.msk [tilespmem:v16+s1+$0x60 ss:$0x1], $0xffff  }
0x2d9: {  	v37 =	vld [tilespmem:s3+$0x8470];
	v36 =	vmul.f32 v27, v17;
	v25 =	vadd.f32 v25, v26  }
0x2da: {  	v24 =	vld.idx.msk [tilespmem:v16+s1+$0x70 ss:$0x1], $0xffff  }
0x2db: {  	v38 =	vmul.f32 v28, v21;
	v25 =	vadd.f32 v36, v25;
	_ =	sdelay $0x1  }
0x2dc: {  	v39 =	vmul.f32 v29, v23;
	v25 =	vadd.f32 v38, v25;
	_ =	sdelay $0x1  }
0x2dd: {  	s14 =	smul.u32 $0x1A, s12;
	v40 =	vmul.f32 v37, v24;
	v25 =	vadd.f32 v39, v25  }
0x2de: {  	s13 =	smul.u32 $0x6E8, s12  }
0x2df: {  	s17 =	sor.u32 $0x1, s14;
	v25 =	vadd.f32 v40, v25  }
0x2e0: {  	s4 =	sshra.s32 s13, $0x2;
	s16 =	sshll.u32 s17, $0x7  }
0x2e1: {  	s16 =	sand.u32 $0x3FFFFF80, s16;
	[tilespmem:s4+$0xB800] =	vst v25  }
0x2e2: {  	v25 =	vld [tilespmem:s16+$0x8400]  }
0x2e3: {  	v41 =	vld [tilespmem:s16+$0x8410];
	_ =	sdelay $0x1  }
0x2e4: {  	v42 =	vld [tilespmem:s16+$0x8420];
	_ =	sdelay $0x1  }
0x2e5: {  	v43 =	vld [tilespmem:s16+$0x8430]  }
0x2e6: {  	v25 =	vmul.f32 v25, v18;
	v26 =	vmul.f32 v41, v19  }
0x2e7: {  	v44 =	vld [tilespmem:s16+$0x8440]  }
0x2e8: {  	v45 =	vmul.f32 v42, v22;
	v25 =	vadd.f32 v26, v25  }
0x2e9: {  	v46 =	vld [tilespmem:s16+$0x8450]  }
0x2ea: {  	v47 =	vmul.f32 v43, v20;
	v25 =	vadd.f32 v45, v25  }
0x2eb: {  	v48 =	vld [tilespmem:s16+$0x8460]  }
0x2ec: {  	v49 =	vmul.f32 v44, v17;
	v25 =	vadd.f32 v47, v25  }
0x2ed: {  	v50 =	vld [tilespmem:s16+$0x8470]  }
0x2ee: {  	v51 =	vmul.f32 v46, v21;
	v25 =	vadd.f32 v49, v25;
	_ =	sdelay $0x1  }
0x2ef: {  	v52 =	vmul.f32 v48, v23;
	v25 =	vadd.f32 v51, v25;
	_ =	sdelay $0x1  }
0x2f0: {  	v53 =	vmul.f32 v50, v24;
	v25 =	vadd.f32 v52, v25  }
0x2f1: {  	s1 =	smul.u32 $0x44, s17  }
0x2f2: {  	s3 =	sadd.s32 $0x2, s14;
	v25 =	vadd.f32 v53, v25  }
0x2f3: {  	s17 =	sshll.u32 s3, $0x7;
	s1 =	sshra.s32 s1, $0x2  }
0x2f4: {  	s4 =	sand.u32 $0x3FFFFF00, s17;
	[tilespmem:s1+$0xB800] =	vst v25  }
0x2f5: {  	v25 =	vld [tilespmem:s4+$0x8400]  }
0x2f6: {  	v54 =	vld [tilespmem:s4+$0x8410];
	_ =	sdelay $0x1  }
0x2f7: {  	v55 =	vld [tilespmem:s4+$0x8420];
	_ =	sdelay $0x1  }
0x2f8: {  	v56 =	vld [tilespmem:s4+$0x8430]  }
0x2f9: {  	v25 =	vmul.f32 v25, v18;
	v26 =	vmul.f32 v54, v19  }
0x2fa: {  	v57 =	vld [tilespmem:s4+$0x8440]  }
0x2fb: {  	v58 =	vmul.f32 v55, v22;
	v25 =	vadd.f32 v26, v25  }
0x2fc: {  	v59 =	vld [tilespmem:s4+$0x8450]  }
0x2fd: {  	v60 =	vmul.f32 v56, v20;
	v25 =	vadd.f32 v58, v25  }
0x2fe: {  	v61 =	vld [tilespmem:s4+$0x8460]  }
0x2ff: {  	v62 =	vmul.f32 v57, v17;
	v25 =	vadd.f32 v60, v25  }
0x300: {  	v63 =	vld [tilespmem:s4+$0x8470]  }
0x301: {  	v31 =	vmul.f32 v59, v21;
	v25 =	vadd.f32 v62, v25;
	_ =	sdelay $0x1  }
0x302: {  	v32 =	vmul.f32 v61, v23;
	v25 =	vadd.f32 v31, v25;
	_ =	sdelay $0x1  }
0x303: {  	v33 =	vmul.f32 v63, v24;
	v25 =	vadd.f32 v32, v25  }
0x304: {  	s16 =	smul.u32 $0x44, s3  }
0x305: {  	s14 =	sshll.u32 s14, $0x7;
	v25 =	vadd.f32 v33, v25  }
0x306: {  	s17 =	sadd.s32 $0x180, s14;
	s1 =	sshra.s32 s16, $0x2  }
0x307: {  	s4 =	sand.u32 $0x3FFFFF80, s17;
	[tilespmem:s1+$0xB800] =	vst v25  }
0x308: {  	v25 =	vld [tilespmem:s4+$0x8400]  }
0x309: {  	v34 =	vld [tilespmem:s4+$0x8410];
	_ =	sdelay $0x1  }
0x30a: {  	v35 =	vld [tilespmem:s4+$0x8420];
	_ =	sdelay $0x1  }
0x30b: {  	v36 =	vld [tilespmem:s4+$0x8430]  }
0x30c: {  	v25 =	vmul.f32 v25, v18;
	v26 =	vmul.f32 v34, v19  }
0x30d: {  	v37 =	vld [tilespmem:s4+$0x8440]  }
0x30e: {  	v38 =	vmul.f32 v35, v22;
	v25 =	vadd.f32 v26, v25  }
0x30f: {  	v39 =	vld [tilespmem:s4+$0x8450]  }
0x310: {  	v40 =	vmul.f32 v36, v20;
	v25 =	vadd.f32 v38, v25  }
0x311: {  	v41 =	vld [tilespmem:s4+$0x8460]  }
0x312: {  	v42 =	vmul.f32 v37, v17;
	v25 =	vadd.f32 v40, v25  }
0x313: {  	v43 =	vld [tilespmem:s4+$0x8470]  }
0x314: {  	v44 =	vmul.f32 v39, v21;
	v25 =	vadd.f32 v42, v25;
	_ =	sdelay $0x1  }
0x315: {  	v45 =	vmul.f32 v41, v23;
	v25 =	vadd.f32 v44, v25;
	_ =	sdelay $0x1  }
0x316: {  	v46 =	vmul.f32 v43, v24;
	v25 =	vadd.f32 v45, v25;
	_ =	sdelay $0x1  }
0x317: {  	s16 =	sadd.s32 $0xCC, s13;
	v25 =	vadd.f32 v46, v25  }
0x318: {  	s17 =	sadd.s32 $0x200, s14;
	s1 =	sshra.s32 s16, $0x2  }
0x319: {  	s4 =	sand.u32 $0x3FFFFF00, s17;
	[tilespmem:s1+$0xB800] =	vst v25  }
0x31a: {  	v25 =	vld [tilespmem:s4+$0x8400]  }
0x31b: {  	v47 =	vld [tilespmem:s4+$0x8410];
	_ =	sdelay $0x1  }
0x31c: {  	v48 =	vld [tilespmem:s4+$0x8420];
	_ =	sdelay $0x1  }
0x31d: {  	v49 =	vld [tilespmem:s4+$0x8430]  }
0x31e: {  	v25 =	vmul.f32 v25, v18;
	v26 =	vmul.f32 v47, v19  }
0x31f: {  	v50 =	vld [tilespmem:s4+$0x8440]  }
0x320: {  	v51 =	vmul.f32 v48, v22;
	v25 =	vadd.f32 v26, v25  }
0x321: {  	v52 =	vld [tilespmem:s4+$0x8450]  }
0x322: {  	v53 =	vmul.f32 v49, v20;
	v25 =	vadd.f32 v51, v25  }
0x323: {  	v54 =	vld [tilespmem:s4+$0x8460]  }
0x324: {  	v55 =	vmul.f32 v50, v17;
	v25 =	vadd.f32 v53, v25  }
0x325: {  	v56 =	vld [tilespmem:s4+$0x8470]  }
0x326: {  	v57 =	vmul.f32 v52, v21;
	v25 =	vadd.f32 v55, v25;
	_ =	sdelay $0x1  }
0x327: {  	v58 =	vmul.f32 v54, v23;
	v25 =	vadd.f32 v57, v25;
	_ =	sdelay $0x1  }
0x328: {  	v59 =	vmul.f32 v56, v24;
	v25 =	vadd.f32 v58, v25;
	_ =	sdelay $0x1  }
0x329: {  	s16 =	sadd.s32 $0x110, s13;
	v25 =	vadd.f32 v59, v25  }
0x32a: {  	s17 =	sadd.s32 $0x280, s14;
	s1 =	sshra.s32 s16, $0x2  }
0x32b: {  	s4 =	sand.u32 $0x3FFFFF80, s17;
	[tilespmem:s1+$0xB800] =	vst v25  }
0x32c: {  	v25 =	vld [tilespmem:s4+$0x8400]  }
0x32d: {  	v60 =	vld [tilespmem:s4+$0x8410];
	_ =	sdelay $0x1  }
0x32e: {  	v61 =	vld [tilespmem:s4+$0x8420];
	_ =	sdelay $0x1  }
0x32f: {  	v62 =	vld [tilespmem:s4+$0x8430]  }
0x330: {  	v25 =	vmul.f32 v25, v18;
	v26 =	vmul.f32 v60, v19  }
0x331: {  	v63 =	vld [tilespmem:s4+$0x8440]  }
0x332: {  	v32 =	vmul.f32 v61, v22;
	v25 =	vadd.f32 v26, v25  }
0x333: {  	v33 =	vld [tilespmem:s4+$0x8450]  }
0x334: {  	v34 =	vmul.f32 v62, v20;
	v25 =	vadd.f32 v32, v25  }
0x335: {  	v35 =	vld [tilespmem:s4+$0x8460]  }
0x336: {  	v36 =	vmul.f32 v63, v17;
	v25 =	vadd.f32 v34, v25  }
0x337: {  	v37 =	vld [tilespmem:s4+$0x8470]  }
0x338: {  	v38 =	vmul.f32 v33, v21;
	v25 =	vadd.f32 v36, v25;
	_ =	sdelay $0x1  }
0x339: {  	v39 =	vmul.f32 v35, v23;
	v25 =	vadd.f32 v38, v25;
	_ =	sdelay $0x1  }
0x33a: {  	v40 =	vmul.f32 v37, v24;
	v25 =	vadd.f32 v39, v25;
	_ =	sdelay $0x1  }
0x33b: {  	s16 =	sadd.s32 $0x154, s13;
	v25 =	vadd.f32 v40, v25  }
0x33c: {  	s17 =	sadd.s32 $0x300, s14;
	s1 =	sshra.s32 s16, $0x2  }
0x33d: {  	s4 =	sand.u32 $0x3FFFFF00, s17;
	[tilespmem:s1+$0xB800] =	vst v25  }
0x33e: {  	v25 =	vld [tilespmem:s4+$0x8400]  }
0x33f: {  	v41 =	vld [tilespmem:s4+$0x8410];
	_ =	sdelay $0x1  }
0x340: {  	v42 =	vld [tilespmem:s4+$0x8420];
	_ =	sdelay $0x1  }
0x341: {  	v43 =	vld [tilespmem:s4+$0x8430]  }
0x342: {  	v25 =	vmul.f32 v25, v18;
	v26 =	vmul.f32 v41, v19  }
0x343: {  	v44 =	vld [tilespmem:s4+$0x8440]  }
0x344: {  	v45 =	vmul.f32 v42, v22;
	v25 =	vadd.f32 v26, v25  }
0x345: {  	v46 =	vld [tilespmem:s4+$0x8450]  }
0x346: {  	v47 =	vmul.f32 v43, v20;
	v25 =	vadd.f32 v45, v25  }
0x347: {  	v48 =	vld [tilespmem:s4+$0x8460]  }
0x348: {  	v49 =	vmul.f32 v44, v17;
	v25 =	vadd.f32 v47, v25  }
0x349: {  	v50 =	vld [tilespmem:s4+$0x8470]  }
0x34a: {  	v51 =	vmul.f32 v46, v21;
	v25 =	vadd.f32 v49, v25;
	_ =	sdelay $0x1  }
0x34b: {  	v52 =	vmul.f32 v48, v23;
	v25 =	vadd.f32 v51, v25;
	_ =	sdelay $0x1  }
0x34c: {  	v53 =	vmul.f32 v50, v24;
	v25 =	vadd.f32 v52, v25;
	_ =	sdelay $0x1  }
0x34d: {  	s16 =	sadd.s32 $0x198, s13;
	v25 =	vadd.f32 v53, v25  }
0x34e: {  	s17 =	sadd.s32 $0x380, s14;
	s1 =	sshra.s32 s16, $0x2  }
0x34f: {  	s4 =	sand.u32 $0x3FFFFF80, s17;
	[tilespmem:s1+$0xB800] =	vst v25  }
0x350: {  	v25 =	vld [tilespmem:s4+$0x8400]  }
0x351: {  	v54 =	vld [tilespmem:s4+$0x8410];
	_ =	sdelay $0x1  }
0x352: {  	v55 =	vld [tilespmem:s4+$0x8420];
	_ =	sdelay $0x1  }
0x353: {  	v56 =	vld [tilespmem:s4+$0x8430]  }
0x354: {  	v25 =	vmul.f32 v25, v18;
	v26 =	vmul.f32 v54, v19  }
0x355: {  	v57 =	vld [tilespmem:s4+$0x8440]  }
0x356: {  	v58 =	vmul.f32 v55, v22;
	v25 =	vadd.f32 v26, v25  }
0x357: {  	v59 =	vld [tilespmem:s4+$0x8450]  }
0x358: {  	v60 =	vmul.f32 v56, v20;
	v25 =	vadd.f32 v58, v25  }
0x359: {  	v61 =	vld [tilespmem:s4+$0x8460]  }
0x35a: {  	v62 =	vmul.f32 v57, v17;
	v25 =	vadd.f32 v60, v25  }
0x35b: {  	v63 =	vld [tilespmem:s4+$0x8470]  }
0x35c: {  	v31 =	vmul.f32 v59, v21;
	v25 =	vadd.f32 v62, v25;
	_ =	sdelay $0x1  }
0x35d: {  	v32 =	vmul.f32 v61, v23;
	v25 =	vadd.f32 v31, v25;
	_ =	sdelay $0x1  }
0x35e: {  	v33 =	vmul.f32 v63, v24;
	v25 =	vadd.f32 v32, v25;
	_ =	sdelay $0x1  }
0x35f: {  	s16 =	sadd.s32 $0x1DC, s13;
	v25 =	vadd.f32 v33, v25  }
0x360: {  	s17 =	sadd.s32 $0x400, s14;
	s1 =	sshra.s32 s16, $0x2  }
0x361: {  	s4 =	sand.u32 $0x3FFFFF00, s17;
	[tilespmem:s1+$0xB800] =	vst v25  }
0x362: {  	v25 =	vld [tilespmem:s4+$0x8400]  }
0x363: {  	v34 =	vld [tilespmem:s4+$0x8410];
	_ =	sdelay $0x1  }
0x364: {  	v35 =	vld [tilespmem:s4+$0x8420];
	_ =	sdelay $0x1  }
0x365: {  	v36 =	vld [tilespmem:s4+$0x8430]  }
0x366: {  	v25 =	vmul.f32 v25, v18;
	v26 =	vmul.f32 v34, v19  }
0x367: {  	v37 =	vld [tilespmem:s4+$0x8440]  }
0x368: {  	v38 =	vmul.f32 v35, v22;
	v25 =	vadd.f32 v26, v25  }
0x369: {  	v39 =	vld [tilespmem:s4+$0x8450]  }
0x36a: {  	v40 =	vmul.f32 v36, v20;
	v25 =	vadd.f32 v38, v25  }
0x36b: {  	v41 =	vld [tilespmem:s4+$0x8460]  }
0x36c: {  	v42 =	vmul.f32 v37, v17;
	v25 =	vadd.f32 v40, v25  }
0x36d: {  	v43 =	vld [tilespmem:s4+$0x8470]  }
0x36e: {  	v44 =	vmul.f32 v39, v21;
	v25 =	vadd.f32 v42, v25;
	_ =	sdelay $0x1  }
0x36f: {  	v45 =	vmul.f32 v41, v23;
	v25 =	vadd.f32 v44, v25;
	_ =	sdelay $0x1  }
0x370: {  	v46 =	vmul.f32 v43, v24;
	v25 =	vadd.f32 v45, v25;
	_ =	sdelay $0x1  }
0x371: {  	s16 =	sadd.s32 $0x220, s13;
	v25 =	vadd.f32 v46, v25  }
0x372: {  	s17 =	sadd.s32 $0x480, s14;
	s1 =	sshra.s32 s16, $0x2  }
0x373: {  	s4 =	sand.u32 $0x3FFFFF80, s17;
	[tilespmem:s1+$0xB800] =	vst v25  }
0x374: {  	v25 =	vld [tilespmem:s4+$0x8400]  }
0x375: {  	v47 =	vld [tilespmem:s4+$0x8410];
	_ =	sdelay $0x1  }
0x376: {  	v48 =	vld [tilespmem:s4+$0x8420];
	_ =	sdelay $0x1  }
0x377: {  	v49 =	vld [tilespmem:s4+$0x8430]  }
0x378: {  	v25 =	vmul.f32 v25, v18;
	v26 =	vmul.f32 v47, v19  }
0x379: {  	v50 =	vld [tilespmem:s4+$0x8440]  }
0x37a: {  	v51 =	vmul.f32 v48, v22;
	v25 =	vadd.f32 v26, v25  }
0x37b: {  	v52 =	vld [tilespmem:s4+$0x8450]  }
0x37c: {  	v53 =	vmul.f32 v49, v20;
	v25 =	vadd.f32 v51, v25  }
0x37d: {  	v54 =	vld [tilespmem:s4+$0x8460]  }
0x37e: {  	v55 =	vmul.f32 v50, v17;
	v25 =	vadd.f32 v53, v25  }
0x37f: {  	v56 =	vld [tilespmem:s4+$0x8470]  }
0x380: {  	v57 =	vmul.f32 v52, v21;
	v25 =	vadd.f32 v55, v25;
	_ =	sdelay $0x1  }
0x381: {  	v58 =	vmul.f32 v54, v23;
	v25 =	vadd.f32 v57, v25;
	_ =	sdelay $0x1  }
0x382: {  	v59 =	vmul.f32 v56, v24;
	v25 =	vadd.f32 v58, v25;
	_ =	sdelay $0x1  }
0x383: {  	s16 =	sadd.s32 $0x264, s13;
	v25 =	vadd.f32 v59, v25  }
0x384: {  	s17 =	sadd.s32 $0x500, s14;
	s1 =	sshra.s32 s16, $0x2  }
0x385: {  	s4 =	sand.u32 $0x3FFFFF00, s17;
	[tilespmem:s1+$0xB800] =	vst v25  }
0x386: {  	v25 =	vld [tilespmem:s4+$0x8400]  }
0x387: {  	v60 =	vld [tilespmem:s4+$0x8410];
	_ =	sdelay $0x1  }
0x388: {  	v61 =	vld [tilespmem:s4+$0x8420];
	_ =	sdelay $0x1  }
0x389: {  	v62 =	vld [tilespmem:s4+$0x8430]  }
0x38a: {  	v25 =	vmul.f32 v25, v18;
	v26 =	vmul.f32 v60, v19  }
0x38b: {  	v63 =	vld [tilespmem:s4+$0x8440]  }
0x38c: {  	v32 =	vmul.f32 v61, v22;
	v25 =	vadd.f32 v26, v25  }
0x38d: {  	v33 =	vld [tilespmem:s4+$0x8450]  }
0x38e: {  	v34 =	vmul.f32 v62, v20;
	v25 =	vadd.f32 v32, v25  }
0x38f: {  	v35 =	vld [tilespmem:s4+$0x8460]  }
0x390: {  	v36 =	vmul.f32 v63, v17;
	v25 =	vadd.f32 v34, v25  }
0x391: {  	v37 =	vld [tilespmem:s4+$0x8470]  }
0x392: {  	v38 =	vmul.f32 v33, v21;
	v25 =	vadd.f32 v36, v25;
	_ =	sdelay $0x1  }
0x393: {  	v39 =	vmul.f32 v35, v23;
	v25 =	vadd.f32 v38, v25;
	_ =	sdelay $0x1  }
0x394: {  	v40 =	vmul.f32 v37, v24;
	v25 =	vadd.f32 v39, v25;
	_ =	sdelay $0x1  }
0x395: {  	s16 =	sadd.s32 $0x2A8, s13;
	v25 =	vadd.f32 v40, v25  }
0x396: {  	s17 =	sadd.s32 $0x580, s14;
	s1 =	sshra.s32 s16, $0x2  }
0x397: {  	s4 =	sand.u32 $0x3FFFFF80, s17;
	[tilespmem:s1+$0xB800] =	vst v25  }
0x398: {  	v25 =	vld [tilespmem:s4+$0x8400]  }
0x399: {  	v41 =	vld [tilespmem:s4+$0x8410];
	_ =	sdelay $0x1  }
0x39a: {  	v42 =	vld [tilespmem:s4+$0x8420];
	_ =	sdelay $0x1  }
0x39b: {  	v43 =	vld [tilespmem:s4+$0x8430]  }
0x39c: {  	v25 =	vmul.f32 v25, v18;
	v26 =	vmul.f32 v41, v19  }
0x39d: {  	v44 =	vld [tilespmem:s4+$0x8440]  }
0x39e: {  	v45 =	vmul.f32 v42, v22;
	v25 =	vadd.f32 v26, v25  }
0x39f: {  	v46 =	vld [tilespmem:s4+$0x8450]  }
0x3a0: {  	v47 =	vmul.f32 v43, v20;
	v25 =	vadd.f32 v45, v25  }
0x3a1: {  	v48 =	vld [tilespmem:s4+$0x8460]  }
0x3a2: {  	v49 =	vmul.f32 v44, v17;
	v25 =	vadd.f32 v47, v25  }
0x3a3: {  	v50 =	vld [tilespmem:s4+$0x8470]  }
0x3a4: {  	v51 =	vmul.f32 v46, v21;
	v25 =	vadd.f32 v49, v25;
	_ =	sdelay $0x1  }
0x3a5: {  	v52 =	vmul.f32 v48, v23;
	v25 =	vadd.f32 v51, v25;
	_ =	sdelay $0x1  }
0x3a6: {  	v53 =	vmul.f32 v50, v24;
	v25 =	vadd.f32 v52, v25;
	_ =	sdelay $0x1  }
0x3a7: {  	s16 =	sadd.s32 $0x2EC, s13;
	v25 =	vadd.f32 v53, v25  }
0x3a8: {  	s17 =	sadd.s32 $0x600, s14;
	s1 =	sshra.s32 s16, $0x2  }
0x3a9: {  	s4 =	sand.u32 $0x3FFFFF00, s17;
	[tilespmem:s1+$0xB800] =	vst v25  }
0x3aa: {  	v25 =	vld [tilespmem:s4+$0x8400]  }
0x3ab: {  	v54 =	vld [tilespmem:s4+$0x8410];
	_ =	sdelay $0x1  }
0x3ac: {  	v55 =	vld [tilespmem:s4+$0x8420];
	_ =	sdelay $0x1  }
0x3ad: {  	v56 =	vld [tilespmem:s4+$0x8430]  }
0x3ae: {  	v25 =	vmul.f32 v25, v18;
	v26 =	vmul.f32 v54, v19  }
0x3af: {  	v57 =	vld [tilespmem:s4+$0x8440]  }
0x3b0: {  	v58 =	vmul.f32 v55, v22;
	v25 =	vadd.f32 v26, v25  }
0x3b1: {  	v59 =	vld [tilespmem:s4+$0x8450]  }
0x3b2: {  	v60 =	vmul.f32 v56, v20;
	v25 =	vadd.f32 v58, v25  }
0x3b3: {  	v61 =	vld [tilespmem:s4+$0x8460]  }
0x3b4: {  	v62 =	vmul.f32 v57, v17;
	v25 =	vadd.f32 v60, v25  }
0x3b5: {  	v63 =	vld [tilespmem:s4+$0x8470]  }
0x3b6: {  	v31 =	vmul.f32 v59, v21;
	v25 =	vadd.f32 v62, v25;
	_ =	sdelay $0x1  }
0x3b7: {  	v32 =	vmul.f32 v61, v23;
	v25 =	vadd.f32 v31, v25;
	_ =	sdelay $0x1  }
0x3b8: {  	v33 =	vmul.f32 v63, v24;
	v25 =	vadd.f32 v32, v25;
	_ =	sdelay $0x1  }
0x3b9: {  	s16 =	sadd.s32 $0x330, s13;
	v25 =	vadd.f32 v33, v25  }
0x3ba: {  	s17 =	sadd.s32 $0x680, s14;
	s1 =	sshra.s32 s16, $0x2  }
0x3bb: {  	s4 =	sand.u32 $0x3FFFFF80, s17;
	[tilespmem:s1+$0xB800] =	vst v25  }
0x3bc: {  	v25 =	vld [tilespmem:s4+$0x8400]  }
0x3bd: {  	v34 =	vld [tilespmem:s4+$0x8410];
	_ =	sdelay $0x1  }
0x3be: {  	v35 =	vld [tilespmem:s4+$0x8420];
	_ =	sdelay $0x1  }
0x3bf: {  	v36 =	vld [tilespmem:s4+$0x8430]  }
0x3c0: {  	v25 =	vmul.f32 v25, v18;
	v26 =	vmul.f32 v34, v19  }
0x3c1: {  	v37 =	vld [tilespmem:s4+$0x8440]  }
0x3c2: {  	v38 =	vmul.f32 v35, v22;
	v25 =	vadd.f32 v26, v25  }
0x3c3: {  	v39 =	vld [tilespmem:s4+$0x8450]  }
0x3c4: {  	v40 =	vmul.f32 v36, v20;
	v25 =	vadd.f32 v38, v25  }
0x3c5: {  	v41 =	vld [tilespmem:s4+$0x8460]  }
0x3c6: {  	v42 =	vmul.f32 v37, v17;
	v25 =	vadd.f32 v40, v25  }
0x3c7: {  	v43 =	vld [tilespmem:s4+$0x8470]  }
0x3c8: {  	v44 =	vmul.f32 v39, v21;
	v25 =	vadd.f32 v42, v25;
	_ =	sdelay $0x1  }
0x3c9: {  	v45 =	vmul.f32 v41, v23;
	v25 =	vadd.f32 v44, v25;
	_ =	sdelay $0x1  }
0x3ca: {  	v46 =	vmul.f32 v43, v24;
	v25 =	vadd.f32 v45, v25;
	_ =	sdelay $0x1  }
0x3cb: {  	s16 =	sadd.s32 $0x374, s13;
	v25 =	vadd.f32 v46, v25  }
0x3cc: {  	s17 =	sadd.s32 $0x700, s14;
	s1 =	sshra.s32 s16, $0x2  }
0x3cd: {  	s4 =	sand.u32 $0x3FFFFF00, s17;
	[tilespmem:s1+$0xB800] =	vst v25  }
0x3ce: {  	v25 =	vld [tilespmem:s4+$0x8400]  }
0x3cf: {  	v47 =	vld [tilespmem:s4+$0x8410];
	_ =	sdelay $0x1  }
0x3d0: {  	v48 =	vld [tilespmem:s4+$0x8420];
	_ =	sdelay $0x1  }
0x3d1: {  	v49 =	vld [tilespmem:s4+$0x8430]  }
0x3d2: {  	v25 =	vmul.f32 v25, v18;
	v26 =	vmul.f32 v47, v19  }
0x3d3: {  	v50 =	vld [tilespmem:s4+$0x8440]  }
0x3d4: {  	v51 =	vmul.f32 v48, v22;
	v25 =	vadd.f32 v26, v25  }
0x3d5: {  	v52 =	vld [tilespmem:s4+$0x8450]  }
0x3d6: {  	v53 =	vmul.f32 v49, v20;
	v25 =	vadd.f32 v51, v25  }
0x3d7: {  	v54 =	vld [tilespmem:s4+$0x8460]  }
0x3d8: {  	v55 =	vmul.f32 v50, v17;
	v25 =	vadd.f32 v53, v25  }
0x3d9: {  	v56 =	vld [tilespmem:s4+$0x8470]  }
0x3da: {  	v57 =	vmul.f32 v52, v21;
	v25 =	vadd.f32 v55, v25;
	_ =	sdelay $0x1  }
0x3db: {  	v58 =	vmul.f32 v54, v23;
	v25 =	vadd.f32 v57, v25;
	_ =	sdelay $0x1  }
0x3dc: {  	v59 =	vmul.f32 v56, v24;
	v25 =	vadd.f32 v58, v25;
	_ =	sdelay $0x1  }
0x3dd: {  	s16 =	sadd.s32 $0x3B8, s13;
	v25 =	vadd.f32 v59, v25  }
0x3de: {  	s17 =	sadd.s32 $0x780, s14;
	s1 =	sshra.s32 s16, $0x2  }
0x3df: {  	s4 =	sand.u32 $0x3FFFFF80, s17;
	[tilespmem:s1+$0xB800] =	vst v25  }
0x3e0: {  	v25 =	vld [tilespmem:s4+$0x8400]  }
0x3e1: {  	v60 =	vld [tilespmem:s4+$0x8410];
	_ =	sdelay $0x1  }
0x3e2: {  	v61 =	vld [tilespmem:s4+$0x8420];
	_ =	sdelay $0x1  }
0x3e3: {  	v62 =	vld [tilespmem:s4+$0x8430]  }
0x3e4: {  	v25 =	vmul.f32 v25, v18;
	v26 =	vmul.f32 v60, v19  }
0x3e5: {  	v63 =	vld [tilespmem:s4+$0x8440]  }
0x3e6: {  	v32 =	vmul.f32 v61, v22;
	v25 =	vadd.f32 v26, v25  }
0x3e7: {  	v33 =	vld [tilespmem:s4+$0x8450]  }
0x3e8: {  	v34 =	vmul.f32 v62, v20;
	v25 =	vadd.f32 v32, v25  }
0x3e9: {  	v35 =	vld [tilespmem:s4+$0x8460]  }
0x3ea: {  	v36 =	vmul.f32 v63, v17;
	v25 =	vadd.f32 v34, v25  }
0x3eb: {  	v37 =	vld [tilespmem:s4+$0x8470]  }
0x3ec: {  	v38 =	vmul.f32 v33, v21;
	v25 =	vadd.f32 v36, v25;
	_ =	sdelay $0x1  }
0x3ed: {  	v39 =	vmul.f32 v35, v23;
	v25 =	vadd.f32 v38, v25;
	_ =	sdelay $0x1  }
0x3ee: {  	v40 =	vmul.f32 v37, v24;
	v25 =	vadd.f32 v39, v25;
	_ =	sdelay $0x1  }
0x3ef: {  	s16 =	sadd.s32 $0x3FC, s13;
	v25 =	vadd.f32 v40, v25  }
0x3f0: {  	s17 =	sadd.s32 $0x800, s14;
	s1 =	sshra.s32 s16, $0x2  }
0x3f1: {  	s4 =	sand.u32 $0x3FFFFF00, s17;
	[tilespmem:s1+$0xB800] =	vst v25  }
0x3f2: {  	v25 =	vld [tilespmem:s4+$0x8400]  }
0x3f3: {  	v41 =	vld [tilespmem:s4+$0x8410];
	_ =	sdelay $0x1  }
0x3f4: {  	v42 =	vld [tilespmem:s4+$0x8420];
	_ =	sdelay $0x1  }
0x3f5: {  	v43 =	vld [tilespmem:s4+$0x8430]  }
0x3f6: {  	v25 =	vmul.f32 v25, v18;
	v26 =	vmul.f32 v41, v19  }
0x3f7: {  	v44 =	vld [tilespmem:s4+$0x8440]  }
0x3f8: {  	v45 =	vmul.f32 v42, v22;
	v25 =	vadd.f32 v26, v25  }
0x3f9: {  	v46 =	vld [tilespmem:s4+$0x8450]  }
0x3fa: {  	v47 =	vmul.f32 v43, v20;
	v25 =	vadd.f32 v45, v25  }
0x3fb: {  	v48 =	vld [tilespmem:s4+$0x8460]  }
0x3fc: {  	v49 =	vmul.f32 v44, v17;
	v25 =	vadd.f32 v47, v25  }
0x3fd: {  	v50 =	vld [tilespmem:s4+$0x8470]  }
0x3fe: {  	v51 =	vmul.f32 v46, v21;
	v25 =	vadd.f32 v49, v25;
	_ =	sdelay $0x1  }
0x3ff: {  	v52 =	vmul.f32 v48, v23;
	v25 =	vadd.f32 v51, v25;
	_ =	sdelay $0x1  }
0x400: {  	v53 =	vmul.f32 v50, v24;
	v25 =	vadd.f32 v52, v25;
	_ =	sdelay $0x1  }
0x401: {  	s16 =	sadd.s32 $0x440, s13;
	v25 =	vadd.f32 v53, v25  }
0x402: {  	s17 =	sadd.s32 $0x880, s14;
	s1 =	sshra.s32 s16, $0x2  }
0x403: {  	s4 =	sand.u32 $0x3FFFFF80, s17;
	[tilespmem:s1+$0xB800] =	vst v25  }
0x404: {  	v25 =	vld [tilespmem:s4+$0x8400]  }
0x405: {  	v54 =	vld [tilespmem:s4+$0x8410];
	_ =	sdelay $0x1  }
0x406: {  	v55 =	vld [tilespmem:s4+$0x8420];
	_ =	sdelay $0x1  }
0x407: {  	v56 =	vld [tilespmem:s4+$0x8430]  }
0x408: {  	v25 =	vmul.f32 v25, v18;
	v26 =	vmul.f32 v54, v19  }
0x409: {  	v57 =	vld [tilespmem:s4+$0x8440]  }
0x40a: {  	v58 =	vmul.f32 v55, v22;
	v25 =	vadd.f32 v26, v25  }
0x40b: {  	v59 =	vld [tilespmem:s4+$0x8450]  }
0x40c: {  	v60 =	vmul.f32 v56, v20;
	v25 =	vadd.f32 v58, v25  }
0x40d: {  	v61 =	vld [tilespmem:s4+$0x8460]  }
0x40e: {  	v62 =	vmul.f32 v57, v17;
	v25 =	vadd.f32 v60, v25  }
0x40f: {  	v63 =	vld [tilespmem:s4+$0x8470]  }
0x410: {  	v31 =	vmul.f32 v59, v21;
	v25 =	vadd.f32 v62, v25;
	_ =	sdelay $0x1  }
0x411: {  	v32 =	vmul.f32 v61, v23;
	v25 =	vadd.f32 v31, v25;
	_ =	sdelay $0x1  }
0x412: {  	v33 =	vmul.f32 v63, v24;
	v25 =	vadd.f32 v32, v25;
	_ =	sdelay $0x1  }
0x413: {  	s16 =	sadd.s32 $0x484, s13;
	v25 =	vadd.f32 v33, v25  }
0x414: {  	s17 =	sadd.s32 $0x900, s14;
	s1 =	sshra.s32 s16, $0x2  }
0x415: {  	s4 =	sand.u32 $0x3FFFFF00, s17;
	[tilespmem:s1+$0xB800] =	vst v25  }
0x416: {  	v25 =	vld [tilespmem:s4+$0x8400]  }
0x417: {  	v34 =	vld [tilespmem:s4+$0x8410];
	_ =	sdelay $0x1  }
0x418: {  	v35 =	vld [tilespmem:s4+$0x8420];
	_ =	sdelay $0x1  }
0x419: {  	v36 =	vld [tilespmem:s4+$0x8430]  }
0x41a: {  	v25 =	vmul.f32 v25, v18;
	v26 =	vmul.f32 v34, v19  }
0x41b: {  	v37 =	vld [tilespmem:s4+$0x8440]  }
0x41c: {  	v38 =	vmul.f32 v35, v22;
	v25 =	vadd.f32 v26, v25  }
0x41d: {  	v39 =	vld [tilespmem:s4+$0x8450]  }
0x41e: {  	v40 =	vmul.f32 v36, v20;
	v25 =	vadd.f32 v38, v25  }
0x41f: {  	v41 =	vld [tilespmem:s4+$0x8460]  }
0x420: {  	v42 =	vmul.f32 v37, v17;
	v25 =	vadd.f32 v40, v25  }
0x421: {  	v43 =	vld [tilespmem:s4+$0x8470]  }
0x422: {  	v44 =	vmul.f32 v39, v21;
	v25 =	vadd.f32 v42, v25;
	_ =	sdelay $0x1  }
0x423: {  	v45 =	vmul.f32 v41, v23;
	v25 =	vadd.f32 v44, v25;
	_ =	sdelay $0x1  }
0x424: {  	v46 =	vmul.f32 v43, v24;
	v25 =	vadd.f32 v45, v25;
	_ =	sdelay $0x1  }
0x425: {  	s16 =	sadd.s32 $0x4C8, s13;
	v25 =	vadd.f32 v46, v25  }
0x426: {  	s17 =	sadd.s32 $0x980, s14;
	s1 =	sshra.s32 s16, $0x2  }
0x427: {  	s4 =	sand.u32 $0x3FFFFF80, s17;
	[tilespmem:s1+$0xB800] =	vst v25  }
0x428: {  	v25 =	vld [tilespmem:s4+$0x8400]  }
0x429: {  	v47 =	vld [tilespmem:s4+$0x8410];
	_ =	sdelay $0x1  }
0x42a: {  	v48 =	vld [tilespmem:s4+$0x8420];
	_ =	sdelay $0x1  }
0x42b: {  	v49 =	vld [tilespmem:s4+$0x8430]  }
0x42c: {  	v25 =	vmul.f32 v25, v18;
	v26 =	vmul.f32 v47, v19  }
0x42d: {  	v50 =	vld [tilespmem:s4+$0x8440]  }
0x42e: {  	v51 =	vmul.f32 v48, v22;
	v25 =	vadd.f32 v26, v25  }
0x42f: {  	v52 =	vld [tilespmem:s4+$0x8450]  }
0x430: {  	v53 =	vmul.f32 v49, v20;
	v25 =	vadd.f32 v51, v25  }
0x431: {  	v54 =	vld [tilespmem:s4+$0x8460]  }
0x432: {  	v55 =	vmul.f32 v50, v17;
	v25 =	vadd.f32 v53, v25  }
0x433: {  	v56 =	vld [tilespmem:s4+$0x8470]  }
0x434: {  	v57 =	vmul.f32 v52, v21;
	v25 =	vadd.f32 v55, v25;
	_ =	sdelay $0x1  }
0x435: {  	v58 =	vmul.f32 v54, v23;
	v25 =	vadd.f32 v57, v25;
	_ =	sdelay $0x1  }
0x436: {  	v59 =	vmul.f32 v56, v24;
	v25 =	vadd.f32 v58, v25;
	_ =	sdelay $0x1  }
0x437: {  	s16 =	sadd.s32 $0x50C, s13;
	v25 =	vadd.f32 v59, v25  }
0x438: {  	s17 =	sadd.s32 $0xA00, s14;
	s1 =	sshra.s32 s16, $0x2  }
0x439: {  	s4 =	sand.u32 $0x3FFFFF00, s17;
	[tilespmem:s1+$0xB800] =	vst v25  }
0x43a: {  	v25 =	vld [tilespmem:s4+$0x8400]  }
0x43b: {  	v60 =	vld [tilespmem:s4+$0x8410];
	_ =	sdelay $0x1  }
0x43c: {  	v61 =	vld [tilespmem:s4+$0x8420];
	_ =	sdelay $0x1  }
0x43d: {  	v62 =	vld [tilespmem:s4+$0x8430]  }
0x43e: {  	v25 =	vmul.f32 v25, v18;
	v26 =	vmul.f32 v60, v19  }
0x43f: {  	v63 =	vld [tilespmem:s4+$0x8440]  }
0x440: {  	v31 =	vmul.f32 v61, v22;
	v25 =	vadd.f32 v26, v25  }
0x441: {  	v32 =	vld [tilespmem:s4+$0x8450]  }
0x442: {  	v33 =	vmul.f32 v62, v20;
	v25 =	vadd.f32 v31, v25  }
0x443: {  	v34 =	vld [tilespmem:s4+$0x8460]  }
0x444: {  	v35 =	vmul.f32 v63, v17;
	v25 =	vadd.f32 v33, v25  }
0x445: {  	v36 =	vld [tilespmem:s4+$0x8470]  }
0x446: {  	v37 =	vmul.f32 v32, v21;
	v25 =	vadd.f32 v35, v25;
	_ =	sdelay $0x1  }
0x447: {  	v38 =	vmul.f32 v34, v23;
	v25 =	vadd.f32 v37, v25;
	_ =	sdelay $0x1  }
0x448: {  	v39 =	vmul.f32 v36, v24;
	v25 =	vadd.f32 v38, v25;
	_ =	sdelay $0x1  }
0x449: {  	s16 =	sadd.s32 $0x550, s13;
	v25 =	vadd.f32 v39, v25  }
0x44a: {  	s17 =	sadd.s32 $0xA80, s14;
	s1 =	sshra.s32 s16, $0x2  }
0x44b: {  	s4 =	sand.u32 $0x3FFFFF80, s17;
	[tilespmem:s1+$0xB800] =	vst v25  }
0x44c: {  	v25 =	vld [tilespmem:s4+$0x8400]  }
0x44d: {  	v40 =	vld [tilespmem:s4+$0x8410];
	_ =	sdelay $0x1  }
0x44e: {  	v41 =	vld [tilespmem:s4+$0x8420];
	_ =	sdelay $0x1  }
0x44f: {  	v42 =	vld [tilespmem:s4+$0x8430]  }
0x450: {  	v25 =	vmul.f32 v25, v18;
	v26 =	vmul.f32 v40, v19  }
0x451: {  	v43 =	vld [tilespmem:s4+$0x8440]  }
0x452: {  	v44 =	vmul.f32 v41, v22;
	v25 =	vadd.f32 v26, v25  }
0x453: {  	v45 =	vld [tilespmem:s4+$0x8450]  }
0x454: {  	v46 =	vmul.f32 v42, v20;
	v25 =	vadd.f32 v44, v25  }
0x455: {  	v47 =	vld [tilespmem:s4+$0x8460]  }
0x456: {  	v48 =	vmul.f32 v43, v17;
	v25 =	vadd.f32 v46, v25  }
0x457: {  	v49 =	vld [tilespmem:s4+$0x8470]  }
0x458: {  	v50 =	vmul.f32 v45, v21;
	v25 =	vadd.f32 v48, v25;
	_ =	sdelay $0x1  }
0x459: {  	v51 =	vmul.f32 v47, v23;
	v25 =	vadd.f32 v50, v25;
	_ =	sdelay $0x1  }
0x45a: {  	v52 =	vmul.f32 v49, v24;
	v25 =	vadd.f32 v51, v25;
	_ =	sdelay $0x1  }
0x45b: {  	s16 =	sadd.s32 $0x594, s13;
	v25 =	vadd.f32 v52, v25  }
0x45c: {  	s17 =	sadd.s32 $0xB00, s14;
	s1 =	sshra.s32 s16, $0x2  }
0x45d: {  	s4 =	sand.u32 $0x3FFFFF00, s17;
	[tilespmem:s1+$0xB800] =	vst v25  }
0x45e: {  	v25 =	vld [tilespmem:s4+$0x8400]  }
0x45f: {  	v53 =	vld [tilespmem:s4+$0x8410];
	_ =	sdelay $0x1  }
0x460: {  	v54 =	vld [tilespmem:s4+$0x8420];
	_ =	sdelay $0x1  }
0x461: {  	v55 =	vld [tilespmem:s4+$0x8430]  }
0x462: {  	v25 =	vmul.f32 v25, v18;
	v26 =	vmul.f32 v53, v19  }
0x463: {  	v56 =	vld [tilespmem:s4+$0x8440]  }
0x464: {  	v57 =	vmul.f32 v54, v22;
	v25 =	vadd.f32 v26, v25  }
0x465: {  	v58 =	vld [tilespmem:s4+$0x8450]  }
0x466: {  	v59 =	vmul.f32 v55, v20;
	v25 =	vadd.f32 v57, v25  }
0x467: {  	v60 =	vld [tilespmem:s4+$0x8460]  }
0x468: {  	v61 =	vmul.f32 v56, v17;
	v25 =	vadd.f32 v59, v25  }
0x469: {  	v62 =	vld [tilespmem:s4+$0x8470]  }
0x46a: {  	v63 =	vmul.f32 v58, v21;
	v25 =	vadd.f32 v61, v25;
	_ =	sdelay $0x1  }
0x46b: {  	v30 =	vmul.f32 v60, v23;
	v25 =	vadd.f32 v63, v25;
	_ =	sdelay $0x1  }
0x46c: {  	v31 =	vmul.f32 v62, v24;
	v25 =	vadd.f32 v30, v25;
	_ =	sdelay $0x1  }
0x46d: {  	s16 =	sadd.s32 $0x5D8, s13;
	v25 =	vadd.f32 v31, v25  }
0x46e: {  	s17 =	sadd.s32 $0xB80, s14;
	s1 =	sshra.s32 s16, $0x2  }
0x46f: {  	s4 =	sand.u32 $0x3FFFFF80, s17;
	[tilespmem:s1+$0xB800] =	vst v25  }
0x470: {  	v25 =	vld [tilespmem:s4+$0x8400]  }
0x471: {  	v32 =	vld [tilespmem:s4+$0x8410];
	_ =	sdelay $0x1  }
0x472: {  	v33 =	vld [tilespmem:s4+$0x8420];
	_ =	sdelay $0x1  }
0x473: {  	v34 =	vld [tilespmem:s4+$0x8430]  }
0x474: {  	v25 =	vmul.f32 v25, v18;
	v26 =	vmul.f32 v32, v19  }
0x475: {  	v35 =	vld [tilespmem:s4+$0x8440]  }
0x476: {  	v36 =	vmul.f32 v33, v22;
	v25 =	vadd.f32 v26, v25  }
0x477: {  	v37 =	vld [tilespmem:s4+$0x8450]  }
0x478: {  	v38 =	vmul.f32 v34, v20;
	v25 =	vadd.f32 v36, v25  }
0x479: {  	v39 =	vld [tilespmem:s4+$0x8460]  }
0x47a: {  	v40 =	vmul.f32 v35, v17;
	v25 =	vadd.f32 v38, v25  }
0x47b: {  	v41 =	vld [tilespmem:s4+$0x8470]  }
0x47c: {  	v42 =	vmul.f32 v37, v21;
	v25 =	vadd.f32 v40, v25;
	_ =	sdelay $0x1  }
0x47d: {  	v43 =	vmul.f32 v39, v23;
	v25 =	vadd.f32 v42, v25;
	_ =	sdelay $0x1  }
0x47e: {  	v44 =	vmul.f32 v41, v24;
	v25 =	vadd.f32 v43, v25;
	_ =	sdelay $0x1  }
0x47f: {  	s16 =	sadd.s32 $0x61C, s13;
	v25 =	vadd.f32 v44, v25  }
0x480: {  	s17 =	sadd.s32 $0xC00, s14;
	s1 =	sshra.s32 s16, $0x2  }
0x481: {  	s3 =	sand.u32 $0x3FFFFF00, s17;
	[tilespmem:s1+$0xB800] =	vst v25  }
0x482: {  	v25 =	vld [tilespmem:s3+$0x8400]  }
0x483: {  	v45 =	vld [tilespmem:s3+$0x8410];
	_ =	sdelay $0x1  }
0x484: {  	v46 =	vld [tilespmem:s3+$0x8420];
	_ =	sdelay $0x1  }
0x485: {  	v47 =	vld [tilespmem:s3+$0x8430]  }
0x486: {  	v25 =	vmul.f32 v25, v18;
	v26 =	vmul.f32 v45, v19  }
0x487: {  	v48 =	vld [tilespmem:s3+$0x8440]  }
0x488: {  	v49 =	vmul.f32 v46, v22;
	v25 =	vadd.f32 v26, v25  }
0x489: {  	v50 =	vld [tilespmem:s3+$0x8450]  }
0x48a: {  	v51 =	vmul.f32 v47, v20;
	v25 =	vadd.f32 v49, v25  }
0x48b: {  	v52 =	vld [tilespmem:s3+$0x8460]  }
0x48c: {  	v53 =	vmul.f32 v48, v17;
	v25 =	vadd.f32 v51, v25  }
0x48d: {  	v54 =	vld [tilespmem:s3+$0x8470]  }
0x48e: {  	v55 =	vmul.f32 v50, v21;
	v25 =	vadd.f32 v53, v25;
	_ =	sdelay $0x1  }
0x48f: {  	v56 =	vmul.f32 v52, v23;
	v25 =	vadd.f32 v55, v25;
	_ =	sdelay $0x1  }
0x490: {  	v57 =	vmul.f32 v54, v24;
	v25 =	vadd.f32 v56, v25;
	_ =	sdelay $0x1  }
0x491: {  	s4 =	sadd.s32 $0x660, s13;
	v25 =	vadd.f32 v57, v25  }
0x492: {  	s14 =	sadd.s32 $0xC80, s14;
	s1 =	sshra.s32 s4, $0x2  }
0x493: {  	s16 =	sand.u32 $0x3FFFFF80, s14;
	[tilespmem:s1+$0xB800] =	vst v25  }
0x494: {  	v25 =	vld [tilespmem:s16+$0x8400]  }
0x495: {  	v58 =	vld [tilespmem:s16+$0x8410];
	_ =	sdelay $0x1  }
0x496: {  	v59 =	vld [tilespmem:s16+$0x8420];
	_ =	sdelay $0x1  }
0x497: {  	v60 =	vld [tilespmem:s16+$0x8430]  }
0x498: {  	v18 =	vmul.f32 v25, v18;
	v19 =	vmul.f32 v58, v19  }
0x499: {  	v61 =	vld [tilespmem:s16+$0x8440]  }
0x49a: {  	v18 =	vadd.f32 v19, v18;
	v19 =	vmul.f32 v59, v22  }
0x49b: {  	v62 =	vld [tilespmem:s16+$0x8450]  }
0x49c: {  	v18 =	vadd.f32 v19, v18;
	v19 =	vmul.f32 v60, v20  }
0x49d: {  	v63 =	vld [tilespmem:s16+$0x8460]  }
0x49e: {  	v17 =	vmul.f32 v61, v17;
	v18 =	vadd.f32 v19, v18  }
0x49f: {  	v19 =	vld [tilespmem:s16+$0x8470]  }
0x4a0: {  	v17 =	vadd.f32 v17, v18;
	v18 =	vmul.f32 v62, v21;
	_ =	sdelay $0x1  }
0x4a1: {  	v17 =	vadd.f32 v18, v17;
	v18 =	vmul.f32 v63, v23  }
0x4a2: {  	p0 =	sne.s32 s12, $0x3  }
.Ltmp5:
0x4a3: {  	v17 =	vadd.f32 v18, v17;
	v18 =	vmul.f32 v19, v24;
	(pc) =	sbr.rel @p0 .LBB2_11-.Ltmp5, $4  }
0x4a4: {  	_ = 	snop  }
0x4a5: {  	s17 =	sadd.s32 $0x6A4, s13;
	v17 =	vadd.f32 v18, v17  }
0x4a6: {  	s1 =	sshra.s32 s17, $0x2  }
0x4a7: {  	s12 =	sadd.s32 $0x1, s12;
	[tilespmem:s1+$0xB800] =	vst v17  }
0x4a8: {  	v16 =	vmov s0  }
0x4a9: {  	v16 =	vmul.u32 $0x11, v16;
	_ =	sdelay $0x1  }
0x4aa: {  	v16 =	vbroadcast v16, $0x0;
	_ =	sdelay $0x1  }
0x4ab: {  	v17 =	vadd.s32 v1, v16  }
0x4ac: {  	v18 =	vadd.s32 v0, v16;
	_ =	sdelay $0x1  }
0x4ad: {  	v19 =	vadd.s32 v2, v16;
	_ =	sdelay $0x1  }
0x4ae: {  	v20 =	vadd.s32 v3, v16;
	v17 =	vld.idx.msk [tilespmem:v17+s21+$0x0], $0xffff  }
0x4af: {  	v18 =	vld.idx.msk [tilespmem:v18+s21+$0x0], $0xffff  }
0x4b0: {  	v21 =	vadd.s32 v4, v16  }
0x4b1: {  	v19 =	vld.idx.msk [tilespmem:v19+s21+$0x0], $0xffff  }
0x4b2: {  	v22 =	vadd.s32 v5, v16  }
0x4b3: {  	v20 =	vld.idx.msk [tilespmem:v20+s21+$0x0], $0xffff  }
0x4b4: {  	v23 =	vadd.s32 v6, v16;
	v17 =	vadd.f32 v17, v18  }
0x4b5: {  	v18 =	vld.idx.msk [tilespmem:v21+s21+$0x0], $0xffff  }
0x4b6: {  	v21 =	vadd.s32 v7, v16;
	v17 =	vadd.f32 v19, v17  }
0x4b7: {  	v19 =	vld.idx.msk [tilespmem:v22+s21+$0x0], $0xffff  }
0x4b8: {  	v22 =	vadd.s32 v8, v16;
	v17 =	vadd.f32 v20, v17  }
0x4b9: {  	v20 =	vld.idx.msk [tilespmem:v23+s21+$0x0], $0xffff  }
0x4ba: {  	v23 =	vadd.s32 v9, v16;
	v17 =	vadd.f32 v18, v17  }
0x4bb: {  	v18 =	vld.idx.msk [tilespmem:v21+s21+$0x0], $0xffff  }
0x4bc: {  	v21 =	vadd.s32 v10, v16;
	v17 =	vadd.f32 v19, v17  }
0x4bd: {  	v19 =	vld.idx.msk [tilespmem:v22+s21+$0x0], $0xffff  }
0x4be: {  	v22 =	vadd.s32 v11, v16;
	v17 =	vadd.f32 v20, v17  }
0x4bf: {  	v20 =	vld.idx.msk [tilespmem:v23+s21+$0x0], $0xffff  }
0x4c0: {  	v23 =	vadd.s32 v12, v16;
	v17 =	vadd.f32 v18, v17  }
0x4c1: {  	v18 =	vld.idx.msk [tilespmem:v21+s21+$0x0], $0xffff  }
0x4c2: {  	v21 =	vadd.s32 v13, v16;
	v17 =	vadd.f32 v19, v17  }
0x4c3: {  	v19 =	vld.idx.msk [tilespmem:v22+s21+$0x0], $0xffff  }
0x4c4: {  	v22 =	vadd.s32 v14, v16;
	v17 =	vadd.f32 v20, v17  }
0x4c5: {  	v20 =	vld.idx.msk [tilespmem:v23+s21+$0x0], $0xffff  }
0x4c6: {  	v16 =	vadd.s32 v15, v16;
	v17 =	vadd.f32 v18, v17  }
0x4c7: {  	v18 =	vld.idx.msk [tilespmem:v21+s21+$0x0], $0xffff  }
0x4c8: {  	s17 =	simm.s32 $0x10;
	v17 =	vadd.f32 v19, v17  }
0x4c9: {  	v21 =	vmov s17;
	v19 =	vld.idx.msk [tilespmem:v22+s21+$0x0], $0xffff  }
0x4ca: {  	v21 =	vmul.u32 $0x11, v21;
	v17 =	vadd.f32 v20, v17  }
0x4cb: {  	v16 =	vld.idx.msk [tilespmem:v16+s21+$0x0], $0xffff  }
0x4cc: {  	v20 =	vbroadcast v21, $0x0;
	v17 =	vadd.f32 v18, v17;
	_ =	sdelay $0x1  }
0x4cd: {  	v18 =	vadd.s32 v1, v20;
	v17 =	vadd.f32 v19, v17  }
0x4ce: {  	v19 =	vadd.s32 v0, v20  }
0x4cf: {  	v16 =	vadd.f32 v16, v17  }
0x4d0: {  	s0 =	simm.s32 $0xC000;
	v17 =	vadd.s32 v2, v20  }
0x4d1: {  	[tilespmem:s0+$0x0] =	vst v16  }
0x4d2: {  	v16 =	vld.idx.msk [tilespmem:v18+s21+$0x0], $0xffff;
	v18 =	vadd.s32 v3, v20  }
0x4d3: {  	v19 =	vld.idx.msk [tilespmem:v19+s21+$0x0], $0xffff  }
0x4d4: {  	v21 =	vadd.s32 v4, v20  }
0x4d5: {  	v17 =	vld.idx.msk [tilespmem:v17+s21+$0x0], $0xffff  }
0x4d6: {  	v22 =	vadd.s32 v5, v20  }
0x4d7: {  	v18 =	vld.idx.msk [tilespmem:v18+s21+$0x0], $0xffff  }
0x4d8: {  	v23 =	vadd.s32 v6, v20;
	v16 =	vadd.f32 v16, v19  }
0x4d9: {  	v19 =	vld.idx.msk [tilespmem:v21+s21+$0x0], $0xffff  }
0x4da: {  	v21 =	vadd.s32 v7, v20;
	v16 =	vadd.f32 v17, v16  }
0x4db: {  	v17 =	vld.idx.msk [tilespmem:v22+s21+$0x0], $0xffff  }
0x4dc: {  	v22 =	vadd.s32 v8, v20;
	v16 =	vadd.f32 v18, v16  }
0x4dd: {  	v18 =	vld.idx.msk [tilespmem:v23+s21+$0x0], $0xffff  }
0x4de: {  	v23 =	vadd.s32 v9, v20;
	v16 =	vadd.f32 v19, v16  }
0x4df: {  	v19 =	vld.idx.msk [tilespmem:v21+s21+$0x0], $0xffff  }
0x4e0: {  	v21 =	vadd.s32 v10, v20;
	v16 =	vadd.f32 v17, v16  }
0x4e1: {  	v17 =	vld.idx.msk [tilespmem:v22+s21+$0x0], $0xffff  }
0x4e2: {  	v22 =	vadd.s32 v11, v20;
	v16 =	vadd.f32 v18, v16  }
0x4e3: {  	v18 =	vld.idx.msk [tilespmem:v23+s21+$0x0], $0xffff  }
0x4e4: {  	v23 =	vadd.s32 v12, v20;
	v16 =	vadd.f32 v19, v16  }
0x4e5: {  	v19 =	vld.idx.msk [tilespmem:v21+s21+$0x0], $0xffff  }
0x4e6: {  	v16 =	vadd.f32 v17, v16;
	v17 =	vadd.s32 v13, v20  }
0x4e7: {  	v21 =	vld.idx.msk [tilespmem:v22+s21+$0x0], $0xffff  }
0x4e8: {  	v22 =	vadd.s32 v14, v20;
	v16 =	vadd.f32 v18, v16  }
0x4e9: {  	v18 =	vld.idx.msk [tilespmem:v23+s21+$0x0], $0xffff;
	v23 =	vadd.s32 v15, v20  }
0x4ea: {  	v19 =	vadd.f32 v19, v16  }
0x4eb: {  	v16 =	vld.idx.msk [tilespmem:v17+s21+$0x0], $0xffff  }
0x4ec: {  	s1 =	simm.s32 $0x20;
	v20 =	vadd.f32 v21, v19  }
0x4ed: {  	v17 =	vld.idx.msk [tilespmem:v22+s21+$0x0], $0xffff;
	v19 =	vmov s1  }
0x4ee: {  	s12 =	simm.s32 $0x30;
	v19 =	vmul.u32 $0x11, v19;
	v20 =	vadd.f32 v18, v20;
	v18 =	vld.idx.msk [tilespmem:v23+s21+$0x0], $0xffff  }
.LBB2_13:
0x4ef: {  	p0 =	sne.s32 s12, $0x60  }
0x4f0: {  	v19 =	vbroadcast v19, $0x0;
	v16 =	vadd.f32 v16, v20;
	_ =	sdelay $0x1  }
0x4f1: {  	v20 =	vadd.s32 v1, v19;
	v16 =	vadd.f32 v17, v16  }
0x4f2: {  	v17 =	vadd.s32 v0, v19  }
0x4f3: {  	v16 =	vadd.f32 v18, v16  }
0x4f4: {  	s0 =	sadd.s32 $0x10, s0;
	v18 =	vadd.s32 v2, v19  }
0x4f5: {  	[tilespmem:s0+$0x0] =	vst v16  }
0x4f6: {  	v16 =	vld.idx.msk [tilespmem:v20+s21+$0x0], $0xffff;
	v20 =	vadd.s32 v3, v19  }
0x4f7: {  	v17 =	vld.idx.msk [tilespmem:v17+s21+$0x0], $0xffff  }
0x4f8: {  	v21 =	vadd.s32 v4, v19  }
0x4f9: {  	v18 =	vld.idx.msk [tilespmem:v18+s21+$0x0], $0xffff  }
0x4fa: {  	v22 =	vadd.s32 v5, v19  }
0x4fb: {  	v20 =	vld.idx.msk [tilespmem:v20+s21+$0x0], $0xffff  }
0x4fc: {  	v23 =	vadd.s32 v6, v19  }
0x4fd: {  	v16 =	vadd.f32 v16, v17;
	v17 =	vld.idx.msk [tilespmem:v21+s21+$0x0], $0xffff  }
0x4fe: {  	v21 =	vadd.s32 v7, v19  }
0x4ff: {  	v16 =	vadd.f32 v18, v16;
	v18 =	vld.idx.msk [tilespmem:v22+s21+$0x0], $0xffff  }
0x500: {  	v22 =	vadd.s32 v8, v19  }
0x501: {  	v16 =	vadd.f32 v20, v16;
	v20 =	vld.idx.msk [tilespmem:v23+s21+$0x0], $0xffff  }
0x502: {  	v23 =	vadd.s32 v9, v19  }
0x503: {  	v16 =	vadd.f32 v17, v16;
	v17 =	vld.idx.msk [tilespmem:v21+s21+$0x0], $0xffff  }
0x504: {  	v21 =	vadd.s32 v10, v19  }
0x505: {  	v16 =	vadd.f32 v18, v16;
	v18 =	vld.idx.msk [tilespmem:v22+s21+$0x0], $0xffff  }
0x506: {  	v22 =	vadd.s32 v11, v19  }
0x507: {  	v16 =	vadd.f32 v20, v16;
	v20 =	vld.idx.msk [tilespmem:v23+s21+$0x0], $0xffff  }
0x508: {  	v23 =	vadd.s32 v12, v19  }
0x509: {  	v16 =	vadd.f32 v17, v16;
	v17 =	vld.idx.msk [tilespmem:v21+s21+$0x0], $0xffff  }
0x50a: {  	v21 =	vadd.s32 v13, v19  }
0x50b: {  	v16 =	vadd.f32 v18, v16;
	v18 =	vld.idx.msk [tilespmem:v22+s21+$0x0], $0xffff  }
0x50c: {  	v22 =	vadd.s32 v14, v19  }
0x50d: {  	v16 =	vadd.f32 v20, v16;
	v20 =	vld.idx.msk [tilespmem:v23+s21+$0x0], $0xffff  }
0x50e: {  	v23 =	vadd.s32 v15, v19  }
.Ltmp6:
0x50f: {  	v17 =	vadd.f32 v17, v16;
	v16 =	vld.idx.msk [tilespmem:v21+s21+$0x0], $0xffff;
	(pc) =	sbr.rel @p0 .LBB2_13-.Ltmp6, $4  }
0x510: {  	_ = 	snop  }
0x511: {  	v18 =	vadd.f32 v18, v17;
	v17 =	vld.idx.msk [tilespmem:v22+s21+$0x0], $0xffff  }
0x512: {  	v19 =	vmov s12  }
0x513: {  	s12 =	sadd.s32 $0x10, s12;
	v19 =	vmul.u32 $0x11, v19;
	v20 =	vadd.f32 v20, v18;
	v18 =	vld.idx.msk [tilespmem:v23+s21+$0x0], $0xffff  }
0x514: {  	_ = 	snop  }
0x515: {  	v19 =	vbroadcast v19, $0x0;
	v16 =	vadd.f32 v16, v20;
	_ =	sdelay $0x1  }
0x516: {  	v46 =	vadd.s32 v1, v19;
	v16 =	vadd.f32 v17, v16  }
0x517: {  	v17 =	vadd.s32 v0, v19  }
0x518: {  	v16 =	vadd.f32 v18, v16  }
0x519: {  	s0 =	sadd.s32 $0x10, s0;
	v47 =	vadd.s32 v2, v19  }
0x51a: {  	[tilespmem:s0+$0x0] =	vst v16  }
0x51b: {  	v48 =	vadd.s32 v3, v19;
	v16 =	vld.idx.msk [tilespmem:v46+s21+$0x0], $0xffff  }
0x51c: {  	v17 =	vld.idx.msk [tilespmem:v17+s21+$0x0], $0xffff  }
0x51d: {  	v21 =	vadd.s32 v4, v19  }
0x51e: {  	v18 =	vld.idx.msk [tilespmem:v47+s21+$0x0], $0xffff  }
0x51f: {  	v22 =	vadd.s32 v5, v19  }
0x520: {  	v20 =	vld.idx.msk [tilespmem:v48+s21+$0x0], $0xffff  }
0x521: {  	v23 =	vadd.s32 v6, v19;
	v16 =	vadd.f32 v16, v17  }
0x522: {  	v17 =	vld.idx.msk [tilespmem:v21+s21+$0x0], $0xffff  }
0x523: {  	v49 =	vadd.s32 v7, v19;
	v16 =	vadd.f32 v18, v16  }
0x524: {  	v50 =	vld.idx.msk [tilespmem:v22+s21+$0x0], $0xffff  }
0x525: {  	v51 =	vadd.s32 v8, v19;
	v16 =	vadd.f32 v20, v16  }
0x526: {  	v52 =	vld.idx.msk [tilespmem:v23+s21+$0x0], $0xffff  }
0x527: {  	v53 =	vadd.s32 v9, v19;
	v16 =	vadd.f32 v17, v16  }
0x528: {  	v17 =	vld.idx.msk [tilespmem:v49+s21+$0x0], $0xffff  }
0x529: {  	v54 =	vadd.s32 v10, v19;
	v16 =	vadd.f32 v50, v16  }
0x52a: {  	v55 =	vld.idx.msk [tilespmem:v51+s21+$0x0], $0xffff  }
0x52b: {  	v56 =	vadd.s32 v11, v19;
	v16 =	vadd.f32 v52, v16  }
0x52c: {  	v57 =	vld.idx.msk [tilespmem:v53+s21+$0x0], $0xffff  }
0x52d: {  	v58 =	vadd.s32 v12, v19;
	v16 =	vadd.f32 v17, v16  }
0x52e: {  	v17 =	vld.idx.msk [tilespmem:v54+s21+$0x0], $0xffff  }
0x52f: {  	v59 =	vadd.s32 v13, v19;
	v16 =	vadd.f32 v55, v16  }
0x530: {  	v60 =	vld.idx.msk [tilespmem:v56+s21+$0x0], $0xffff  }
0x531: {  	v61 =	vadd.s32 v14, v19;
	v16 =	vadd.f32 v57, v16  }
0x532: {  	v62 =	vld.idx.msk [tilespmem:v58+s21+$0x0], $0xffff  }
0x533: {  	v19 =	vadd.s32 v15, v19;
	v16 =	vadd.f32 v17, v16  }
0x534: {  	v17 =	vld.idx.msk [tilespmem:v59+s21+$0x0], $0xffff  }
0x535: {  	v16 =	vadd.f32 v60, v16  }
0x536: {  	v63 =	vld.idx.msk [tilespmem:v61+s21+$0x0], $0xffff  }
0x537: {  	v16 =	vadd.f32 v62, v16  }
0x538: {  	v19 =	vld.idx.msk [tilespmem:v19+s21+$0x0], $0xffff  }
0x539: {  	v16 =	vadd.f32 v17, v16;
	_ =	sdelay $0x1  }
0x53a: {  	v16 =	vadd.f32 v63, v16;
	_ =	sdelay $0x1  }
0x53b: {  	v16 =	vadd.f32 v19, v16  }
0x53c: {  	s0 =	sadd.s32 $0x10, s0  }
0x53d: {  	[tilespmem:s0+$0x0] =	vst v16  }
0x53e: {  	_ =	swait.ge [sflag:s29], $0x68  }
0x53f: {  	s16 =	smul.u32 $0x68, s10;
	[sflag:s29] =	ssyncset.done $0x0  }
0x540: {  	[sflag:s29] =	ssyncadd.s32 $0xFFFFFF98  }
0x541: {  	s3 =	simm.s32 $0xC000;
	s0 =	sadd.s32 s11, s16;
	_ =	swait.ge [sflag:s30], $0x68  }
0x542: {  	s9 =	sadd.s32 $0x1, s9;
	s0 =	sshrl.u32 s0, $0x3;
	[sflag:s30] =	ssyncset.done $0x0  }
0x543: {  	p0 =	sne.s32 s9, $0x10;
	s1 =	sadd.s32 s6, s0;
	[sflag:s30] =	ssyncadd.s32 $0xFFFFFF98  }
0x544: {  	[hbm4b:s1+s5] =	stream.linear.scatter [tilespmem:s3], [sflag:$0x8], $0x68, $0x38;
	[tilespmem:$0xC280] =	vst v63  }
.Ltmp7:
0x545: {  	_ = 	snop;
	(pc) =	sbr.rel @p0 .LBB2_2-.Ltmp7, $4  }
0x546: {  	s17 =	sadd.s32 s7, s0  }
0x547: {  	[hbm4b:s17+s5] =	stream.linear.scatter [tilespmem:s25], [sflag:$0x8], $0x68, $0x38;
	[tilespmem:$0xC280] =	vst v63  }
0x548: {  	s0 =	sadd.s32 s8, s0  }
0x549: {  	[hbm4b:s0+s5] =	stream.linear.scatter [tilespmem:s26], [sflag:$0x8], $0x68, $0x38;
	[tilespmem:$0xC280] =	vst v63  }
0x54a: {  	s0 =	simm.s32 $0x7  }
0x54b: {  	_ =	swait.ge [sflag:s0], $0x68  }
0x54c: {  	[sflag:s0] =	ssyncset.done $0x0  }
0x54d: {  	[sflag:s0] =	ssyncadd.s32 $0xFFFFFF98  }
0x54e: {  	_ =	swait.ge [sflag:s0], $0x68  }
0x54f: {  	[sflag:s0] =	ssyncset.done $0x0  }
0x550: {  	[sflag:s0] =	ssyncadd.s32 $0xFFFFFF98  }
0x551: {  	_ =	swait.ge [sflag:s0], $0x68  }
0x552: {  	[sflag:s0] =	ssyncset.done $0x0  }
0x553: {  	[sflag:s0] =	ssyncadd.s32 $0xFFFFFF98  }
0x554: {  	_ =	swait.ge [sflag:s2], $0x68  }
0x555: {  	[sflag:s2] =	ssyncset.done $0x0  }
0x556: {  	[sflag:s2] =	ssyncadd.s32 $0xFFFFFF98  }
0x557: {  	_ =	swait.ge [sflag:s2], $0x68  }
0x558: {  	[sflag:s2] =	ssyncset.done $0x0  }
0x559: {  	[sflag:s2] =	ssyncadd.s32 $0xFFFFFF98  }
0x55a: {  	_ =	swait.ge [sflag:s2], $0x68  }
0x55b: {  	s1 =	rddreg [dreg:$0x9]  }
0x55c: {  	s17 =	rddreg [dreg:$0x8];
	s1 =	sadd.s32 $0x1, s1  }
0x55d: {  	p0 =	sne.s32 s1, s17  }
.Ltmp8:
0x55e: {  	_ = 	snop;
	(pc) =	sbr.rel @p0 .LBB2_1-.Ltmp8, $3  }
0x55f: {  	_ =	sdelay $0x1  }
0x560: {  	[sflag:s2] =	ssyncset.done $0x0  }
0x561: {  	[sflag:s2] =	ssyncadd.s32 $0xFFFFFF98  }
0x562: {  	_ =	sfence.sel $0x180000  }
0x563: {  	[bflag:$0x0] =	sbarrier.arrive $0xFFFF  }
0x564: {  	_ =	strace $0x90000047  }
0x565: {  	s0 =	stileid.u32;
	[bflag:$0x2] =	sbarrier.arrive $0xFFFF  }
0x566: {  	p0 =	sne.s32 s0, $0x0;
	s0 =	rddreg [dreg:$0x5]  }
0x567: {  	s0 =	sadd.s32 @!p0 $0x100000, s0  }
0x568: {  	[sflag:s0] =	ssyncadd.tile.s32 @!p0 $0x1;
	_ =	shalt  }
.Lfunc_end2:
_tile_overlayer_lowered:
.L_overlay_start_2:
0x569: {  	(tag) =	ssettag $0x2  }
0x56a: {  	s0 =	rddreg [dreg:$0x0];
	s2 =	stileid.u32  }
0x56b: {  	s1 =	rddreg [dreg:$0x1];
	p0 =	sne.s32 s2, $0x0  }
0x56c: {  	s3 =	rddreg [dreg:$0x2];
	[bflag:$0x3] =	sbarrier.arrive $0xFFFF;
	s2 =	simm.s32 @!p0 $0x1C09  }
0x56d: {  	[timem:s3], [sflag:s2] =	dma.local @!p0 [hbm:s0], s1  }
0x56e: {  	s0 =	simm.s32 @!p0 $0x9  }
0x56f: {  	_ =	swait.ge @!p0 [sflag:s0], s1  }
0x570: {  	s1 =	ssub.s32 @!p0 $0x0, s1;
	[sflag:s0] =	ssyncset.done @!p0 $0x0  }
0x571: {  	[sflag:s0] =	ssyncadd.s32 @!p0 s1  }
0x572: {  	[bflag:$0x3] =	sbarrier.arrive $0xFFFF  }
0x573: {  	_ =	shalt  }

</sc_bundles>
